<compile_context>
chip_gen: v7x
topology: tpu7x:2x2x1
jax: 0.10.2.dev20260603
libtpu: 0.0.44.dev20260713+nightly
codegen_flags: <defaults>
</compile_context>

<pallas_src>
import functools

import jax
import jax.numpy as jnp
from jax import lax
from jax.experimental import pallas as pl
from jax.experimental.pallas import tpu as pltpu
from jax.experimental.pallas import tpu_sc as plsc

N = 10000
E = 160000
IN = 128
ED = 16
H = 8
NG = 100

_NC = 2
_NS = 16
_NW = _NC * _NS
_CH = 128
_NCHK = E // _CH
_GI = 39
_SI = 78
_NP = 10240
_NPH = _NP // 2
_TR = _NPH + 128
_RPC = _TR // _NS


def _sc_mesh():
    return plsc.VectorSubcoreMesh(core_axis_name="c", subcore_axis_name="s")


def _sc_gather(dtype):

    @functools.partial(
        pl.kernel,
        mesh=_sc_mesh(),
        out_type=jax.ShapeDtypeStruct((E, 128), dtype),
        scratch_types=[
            pltpu.VMEM((_CH,), jnp.int32),
            pltpu.VMEM((_CH,), jnp.int32),
            pltpu.VMEM((_CH, 128), dtype),
            pltpu.VMEM((_CH, 128), dtype),
            pltpu.SemaphoreType.DMA,
            pltpu.SemaphoreType.DMA,
        ],
    )
    def g(idx_hbm, table_hbm, out_hbm, idxA, idxB, rowA, rowB, semA, semB):
        w = lax.axis_index("s") * _NC + lax.axis_index("c")

        def fetch(c, idxv, rowv, sem):
            pltpu.sync_copy(idx_hbm.at[pl.ds(pl.multiple_of(c * _CH, 8), _CH)],
                            idxv)
            pltpu.async_copy(table_hbm.at[idxv], rowv, sem)

        def drain(idxv, rowv, sem):
            pltpu.make_async_copy(table_hbm.at[idxv], rowv, sem).wait()

        def store(c, rowv):
            pltpu.sync_copy(
                rowv, out_hbm.at[pl.ds(pl.multiple_of(c * _CH, 8), _CH)])

        fetch(w, idxA, rowA, semA)

        def pair(j, carry):
            cA = w + 32 * (2 * j)
            fetch(cA + 32, idxB, rowB, semB)
            drain(idxA, rowA, semA)
            store(cA, rowA)

            @pl.when(2 * j + 2 < _GI)
            def _():
                fetch(cA + 64, idxA, rowA, semA)

            drain(idxB, rowB, semB)
            store(cA + 32, rowB)
            return carry

        lax.fori_loop(0, _GI // 2, pair, 0)
        cL = w + 32 * (_GI - 1)
        drain(idxA, rowA, semA)
        store(cL, rowA)

        @pl.when(w < 2)
        def _():
            cT = _NW * _GI + w
            fetch(cT, idxA, rowA, semA)
            drain(idxA, rowA, semA)
            store(cT, rowA)

    return g


def _sc_scatter_add():

    @functools.partial(
        pl.kernel,
        mesh=_sc_mesh(),
        out_type=jax.ShapeDtypeStruct((2 * _TR, 128), jnp.float32),
        scratch_types=[
            pltpu.VMEM((_CH,), jnp.int32),
            pltpu.VMEM((_CH,), jnp.int32),
            pltpu.VMEM((_CH, 128), jnp.float32),
            pltpu.VMEM((_CH, 128), jnp.float32),
            pltpu.VMEM((_RPC, 128), jnp.float32),
            pltpu.VMEM_SHARED((_TR, 128), jnp.float32),
            pltpu.SemaphoreType.DMA,
            pltpu.SemaphoreType.DMA,
        ],
    )
    def s(idx_hbm, msg_hbm, out_hbm, idxA, idxB, msgA, msgB, tmp_v, acc,
          semA, semB):
        cid = lax.axis_index("c")
        sid = lax.axis_index("s")
        lo = cid * _NPH

        def zbody(i, carry):
            for j in range(8):
                tmp_v[i, pl.ds(j * 16, 16)] = jnp.zeros((16,), jnp.float32)
            return carry

        lax.fori_loop(0, _RPC, zbody, 0)
        pltpu.sync_copy(tmp_v, acc.at[pl.ds(sid * _RPC, _RPC)])
        plsc.subcore_barrier()

        def fetch(c, idxv, msgv, sem):
            pltpu.sync_copy(idx_hbm.at[pl.ds(pl.multiple_of(c * _CH, 8), _CH)],
                            idxv)
            pltpu.async_copy(
                msg_hbm.at[pl.ds(pl.multiple_of(c * _CH, 8), _CH)], msgv, sem)
            for k in range(8):
                v = idxv[pl.ds(k * 16, 16)] - lo
                ok = (v >= 0) & (v < _NPH)
                idxv[pl.ds(k * 16, 16)] = jnp.where(ok, v, _NPH)

        def accum(c, idxv, msgv, sem):
            pltpu.make_async_copy(
                msg_hbm.at[pl.ds(pl.multiple_of(c * _CH, 8), _CH)], msgv,
                sem).wait()
            pltpu.sync_copy(msgv, acc.at[idxv], add=True)

        fetch(sid, idxA, msgA, semA)

        def pair(j, carry):
            cA = sid + 16 * (2 * j)
            fetch(cA + 16, idxB, msgB, semB)
            accum(cA, idxA, msgA, semA)

            @pl.when(2 * j + 2 < _SI)
            def _():
                fetch(cA + 32, idxA, msgA, semA)

            accum(cA + 16, idxB, msgB, semB)
            return carry

        lax.fori_loop(0, _SI // 2, pair, 0)

        @pl.when(sid < 2)
        def _():
            cT = _NS * _SI + sid
            fetch(cT, idxA, msgA, semA)
            accum(cT, idxA, msgA, semA)

        plsc.subcore_barrier()
        pltpu.sync_copy(acc.at[pl.ds(sid * _RPC, _RPC)], tmp_v)
        pltpu.sync_copy(
            tmp_v,
            out_hbm.at[pl.ds(pl.multiple_of(cid * _TR + sid * _RPC, 8), _RPC)])

    return s


_B1 = 4000
_B3 = 4000


def _bdot(a, b):
    return jnp.dot(a.astype(jnp.bfloat16), b,
                   preferred_element_type=jnp.float32)


def _k1_body(ea_ref, xs_ref, Wa_ref, ba_ref, Wp_ref, bp_ref, sel_ref, c8_ref,
             out_ref):
    eh = jnp.maximum(ea_ref[...] @ Wa_ref[...] + ba_ref[...], 0.0)
    W = _bdot(eh, Wp_ref[...]) + bp_ref[...]
    xst = jnp.concatenate([xs_ref[...]] * H, axis=1)
    out_ref[...] = _bdot(W * xst, sel_ref[...]) + c8_ref[...]


def _k3_body(ea_ref, hs_ref, Wa_ref, ba_ref, Wp_ref, bp_ref, sel_ref, out_ref):
    eh = jnp.maximum(ea_ref[...] @ Wa_ref[...] + ba_ref[...], 0.0)
    W = _bdot(eh, Wp_ref[...]) + bp_ref[...]
    out_ref[...] = _bdot(W * hs_ref[...], sel_ref[...])


def _seg(s_ref):
    return jnp.concatenate(
        [s_ref[:_NPH], s_ref[_TR:_TR + (N - _NPH)]], axis=0)


def _k2_body(s1p_ref, x_ref, Wr_ref, b_ref, g_ref, bt_ref, rep_ref,
             h1t_ref, cnt_ref):
    s = _seg(s1p_ref)
    cnt = jnp.maximum(s[:, 8:9], 1.0)
    pre = s[:, :H] / cnt + x_ref[...] @ Wr_ref[...] + b_ref[...]
    m = jnp.mean(pre, axis=0, keepdims=True)
    v = jnp.mean((pre - m) ** 2, axis=0, keepdims=True)
    h = jnp.maximum((pre - m) / jnp.sqrt(v + 1e-5) * g_ref[...] + bt_ref[...],
                    0.0)
    h1t_ref[...] = h @ rep_ref[...]
    cnt_ref[...] = jnp.broadcast_to(cnt, (N, 8))


_NGP = 104


def _k4_body(s2p_ref, h1t_ref, cnt_ref, batch_ref, Wr_ref, b_ref, g_ref,
             bt_ref, Wf1_ref, bf1_ref, Wf2_ref, bf2_ref, Wf3_ref, bf3_ref,
             out_ref):
    s = _seg(s2p_ref)
    cnt = jnp.maximum(cnt_ref[:, :1], 1.0)
    h1 = h1t_ref[:, :H]
    pre = s[:, :H] / cnt + h1 @ Wr_ref[...] + b_ref[...]
    m = jnp.mean(pre, axis=0, keepdims=True)
    v = jnp.mean((pre - m) ** 2, axis=0, keepdims=True)
    h2 = jnp.maximum((pre - m) / jnp.sqrt(v + 1e-5) * g_ref[...] + bt_ref[...],
                     0.0)

    row = lax.broadcasted_iota(jnp.int32, (_NGP, N), 0)
    ohT = (row == batch_ref[...]).astype(jnp.float32)
    gs = jnp.dot(ohT, h2)
    cg = jnp.maximum(jnp.sum(ohT, axis=1, keepdims=True), 1.0)
    z = jnp.concatenate([gs / cg, gs], axis=1)
    z = jnp.maximum(z @ Wf1_ref[...] + bf1_ref[...], 0.0)
    z = jnp.maximum(z @ Wf2_ref[...] + bf2_ref[...], 0.0)
    out_ref[...] = (z @ Wf3_ref[...] + bf3_ref[...])[:NG]


def _full(shape):
    return pl.BlockSpec(shape, lambda: tuple(0 for _ in shape))


def kernel(x, edge_index, edge_attr, batch,
           We1a, be1a, We1b, be1b, Wr1, b1, g1, bt1,
           We2a, be2a, We2b, be2b, Wr2, b2, g2, bt2,
           Wf1, bf1, Wf2, bf2, Wf3, bf3):
    src = edge_index[0]
    dst = edge_index[1]

    W1p = We1b.reshape(128, IN, H).transpose(0, 2, 1).reshape(128, H * IN)
    b1p = be1b.reshape(IN, H).transpose(1, 0).reshape(1, H * IN)
    W2p = jnp.zeros((256, 128), jnp.float32)
    W2p = W2p.at[:, :H * H].set(
        We2b.reshape(256, H, H).transpose(0, 2, 1).reshape(256, H * H))
    b2p = jnp.zeros((1, 128), jnp.float32)
    b2p = b2p.at[:, :H * H].set(be2b.reshape(H, H).transpose(1, 0).reshape(1, H * H))
    j1 = jnp.arange(H * IN)[:, None]
    sel1 = ((j1 // IN == jnp.arange(128)[None, :])
            & (j1 // IN < H)).astype(jnp.float32)
    c8 = (jnp.arange(128)[None, :] == 8).astype(jnp.float32)
    j2 = jnp.arange(128)[:, None]
    sel2 = ((j2 // H == jnp.arange(128)[None, :])
            & (j2 < H * H)).astype(jnp.float32)
    ji = jnp.arange(128)[None, :]
    rep = ((jnp.arange(H)[:, None] == ji % H)
           & (ji < H * H)).astype(jnp.float32)

    gather = _sc_gather(jnp.float32)
    scat = _sc_scatter_add()

    xs = gather(src, x)

    msg1 = pl.pallas_call(
        _k1_body,
        grid=(E // _B1,),
        in_specs=[
            pl.BlockSpec((_B1, ED), lambda i: (i, 0)),
            pl.BlockSpec((_B1, IN), lambda i: (i, 0)),
            pl.BlockSpec((ED, 128), lambda i: (0, 0)),
            pl.BlockSpec((1, 128), lambda i: (0, 0)),
            pl.BlockSpec((128, H * IN), lambda i: (0, 0)),
            pl.BlockSpec((1, H * IN), lambda i: (0, 0)),
            pl.BlockSpec((H * IN, 128), lambda i: (0, 0)),
            pl.BlockSpec((1, 128), lambda i: (0, 0)),
        ],
        out_specs=pl.BlockSpec((_B1, 128), lambda i: (i, 0)),
        out_shape=jax.ShapeDtypeStruct((E, 128), jnp.float32),
    )(edge_attr, xs, We1a, be1a.reshape(1, 128),
      W1p.astype(jnp.bfloat16), b1p, sel1.astype(jnp.bfloat16), c8)

    s1p = scat(dst, msg1)

    h1t, cnt8 = pl.pallas_call(
        _k2_body,
        in_specs=[_full((2 * _TR, 128)), _full((N, IN)), _full((IN, H)),
                  _full((1, H)), _full((1, H)), _full((1, H)), _full((H, 128))],
        out_specs=[_full((N, 128)), _full((N, 8))],
        out_shape=[jax.ShapeDtypeStruct((N, 128), jnp.float32),
                   jax.ShapeDtypeStruct((N, 8), jnp.float32)],
    )(s1p, x, Wr1, b1.reshape(1, H), g1.reshape(1, H), bt1.reshape(1, H), rep)

    hs = gather(src, h1t)

    msg2 = pl.pallas_call(
        _k3_body,
        grid=(E // _B3,),
        in_specs=[
            pl.BlockSpec((_B3, ED), lambda i: (i, 0)),
            pl.BlockSpec((_B3, 128), lambda i: (i, 0)),
            pl.BlockSpec((ED, 256), lambda i: (0, 0)),
            pl.BlockSpec((1, 256), lambda i: (0, 0)),
            pl.BlockSpec((256, 128), lambda i: (0, 0)),
            pl.BlockSpec((1, 128), lambda i: (0, 0)),
            pl.BlockSpec((128, 128), lambda i: (0, 0)),
        ],
        out_specs=pl.BlockSpec((_B3, 128), lambda i: (i, 0)),
        out_shape=jax.ShapeDtypeStruct((E, 128), jnp.float32),
    )(edge_attr, hs, We2a, be2a.reshape(1, 256),
      W2p.astype(jnp.bfloat16), b2p, sel2.astype(jnp.bfloat16))

    s2p = scat(dst, msg2)

    out = pl.pallas_call(
        _k4_body,
        in_specs=[_full((2 * _TR, 128)), _full((N, 128)), _full((N, 8)),
                  _full((1, N)), _full((H, H)), _full((1, H)), _full((1, H)),
                  _full((1, H)), _full((2 * H, H)), _full((1, H)),
                  _full((H, H // 2)), _full((1, H // 2)),
                  _full((H // 2, 1)), _full((1, 1))],
        out_specs=_full((NG, 1)),
        out_shape=jax.ShapeDtypeStruct((NG, 1), jnp.float32),
    )(s2p, h1t, cnt8, batch.reshape(1, N), Wr2, b2.reshape(1, H),
      g2.reshape(1, H), bt2.reshape(1, H), Wf1, bf1.reshape(1, H),
      Wf2, bf2.reshape(1, H // 2), Wf3, bf3.reshape(1, 1))

    return out

# --- scband reference (transcript-rebuilt; emitter-appended) ---
"""Pipeline reference for scband-optimized-mpnn-39273180955640 (READ-ONLY COPY).

The authoritative reference and input builder live on the scoring server;
editing this copy changes nothing except your own understanding.
"""

import jax, jax.numpy as jnp
import numpy as np

N = 10000
E = 160000
IN = 128
ED = 16
H = 8
NG = 100


def setup_inputs(seed: int = 0) -> dict:
    key = jax.random.key(seed)
    ks = jax.random.split(key, 32)
    inp = {}
    inp['x'] = jax.random.normal(ks[0], (N, IN), dtype=jnp.float32)
    inp['edge_index'] = jax.random.randint(ks[1], (2, E), 0, N, dtype=jnp.int32)
    inp['edge_attr'] = jax.random.normal(ks[2], (E, ED), dtype=jnp.float32)
    inp['batch'] = jnp.sort(jax.random.randint(ks[3], (N,), 0, NG, dtype=jnp.int32))
    # conv1 edge-MLP: Linear(ED,128) -> ReLU -> Linear(128, IN*H); root weight; bias
    inp['We1a'] = jax.random.normal(ks[4], (ED, 128), dtype=jnp.float32) * 0.05
    inp['be1a'] = jnp.zeros((128,), jnp.float32)
    inp['We1b'] = jax.random.normal(ks[5], (128, IN * H), dtype=jnp.float32) * 0.05
    inp['be1b'] = jnp.zeros((IN * H,), jnp.float32)
    inp['Wr1'] = jax.random.normal(ks[6], (IN, H), dtype=jnp.float32) * 0.05
    inp['b1'] = jnp.zeros((H,), jnp.float32)
    inp['g1'] = jnp.ones((H,), jnp.float32)
    inp['bt1'] = jnp.zeros((H,), jnp.float32)
    # conv2 edge-MLP: Linear(ED,256) -> ReLU -> Linear(256, H*H); root weight; bias
    inp['We2a'] = jax.random.normal(ks[7], (ED, 256), dtype=jnp.float32) * 0.05
    inp['be2a'] = jnp.zeros((256,), jnp.float32)
    inp['We2b'] = jax.random.normal(ks[8], (256, H * H), dtype=jnp.float32) * 0.05
    inp['be2b'] = jnp.zeros((H * H,), jnp.float32)
    inp['Wr2'] = jax.random.normal(ks[9], (H, H), dtype=jnp.float32) * 0.05
    inp['b2'] = jnp.zeros((H,), jnp.float32)
    inp['g2'] = jnp.ones((H,), jnp.float32)
    inp['bt2'] = jnp.zeros((H,), jnp.float32)
    # readout MLP
    inp['Wf1'] = jax.random.normal(ks[10], (2 * H, H), dtype=jnp.float32) * 0.05
    inp['bf1'] = jnp.zeros((H,), jnp.float32)
    inp['Wf2'] = jax.random.normal(ks[11], (H, H // 2), dtype=jnp.float32) * 0.05
    inp['bf2'] = jnp.zeros((H // 2,), jnp.float32)
    inp['Wf3'] = jax.random.normal(ks[12], (H // 2, 1), dtype=jnp.float32) * 0.05
    inp['bf3'] = jnp.zeros((1,), jnp.float32)
    return inp


def _nnconv(h_in, edge_attr, src, dst, Wa, ba, Wb, bb, Wr, b, cin, cout):
    eh = jax.nn.relu(edge_attr @ Wa + ba)
    We = (eh @ Wb + bb).reshape(E, cin, cout)
    msg = jnp.einsum('ei,eio->eo', h_in[src], We)
    s = jax.ops.segment_sum(msg, dst, num_segments=N)
    cnt = jax.ops.segment_sum(jnp.ones((E,), jnp.float32), dst, num_segments=N)
    agg = s / jnp.clip(cnt, 1.0, None)[:, None]
    return agg + h_in @ Wr + b


def _bn(h, g, bt):
    m = h.mean(axis=0)
    v = h.var(axis=0)
    return (h - m) / jnp.sqrt(v + 1e-5) * g + bt


def reference(x, edge_index, edge_attr, batch,
              We1a, be1a, We1b, be1b, Wr1, b1, g1, bt1,
              We2a, be2a, We2b, be2b, Wr2, b2, g2, bt2,
              Wf1, bf1, Wf2, bf2, Wf3, bf3):
    src = edge_index[0]
    dst = edge_index[1]
    h = jax.nn.relu(_bn(_nnconv(x, edge_attr, src, dst, We1a, be1a, We1b, be1b, Wr1, b1, IN, H), g1, bt1))
    h = jax.nn.relu(_bn(_nnconv(h, edge_attr, src, dst, We2a, be2a, We2b, be2b, Wr2, b2, H, H), g2, bt2))
    gs = jax.ops.segment_sum(h, batch, num_segments=NG)
    gc = jax.ops.segment_sum(jnp.ones((N,), jnp.float32), batch, num_segments=NG)
    gm = gs / jnp.clip(gc, 1.0, None)[:, None]
    z = jnp.concatenate([gm, gs], axis=1)
    z = jax.nn.relu(z @ Wf1 + bf1)  # dropout = identity (eval)
    z = jax.nn.relu(z @ Wf2 + bf2)
    return z @ Wf3 + bf3

if __name__ == "__main__":
    import jax
    _d = setup_inputs()
    print(jax.jit(kernel)(*tuple(_d.values())))

</pallas_src>

<mosaic_0001>
#map = affine_map<(d0, d1) -> (0)>
#map1 = affine_map<(d0, d1) -> (0, 0)>
module attributes {stable_mosaic.version = 14 : i64} {
  func.func @s(%arg0: i32, %arg1: i32, %arg2: memref<160000xi32, #tpu.memory_space<hbm>>, %arg3: memref<160000x128xf32, #tpu.memory_space<hbm>>, %arg4: memref<10496x128xf32, #tpu.memory_space<hbm>>, %arg5: memref<128xi32, #tpu.memory_space<vmem>>, %arg6: memref<128xi32, #tpu.memory_space<vmem>>, %arg7: memref<128x128xf32, #tpu.memory_space<vmem>>, %arg8: memref<128x128xf32, #tpu.memory_space<vmem>>, %arg9: memref<328x128xf32, #tpu.memory_space<vmem>>, %arg10: memref<5248x128xf32, #tpu.memory_space<vmem_shared>>, %arg11: memref<!tpu.dma_semaphore, #tpu.memory_space<semaphore_mem>>, %arg12: memref<!tpu.dma_semaphore, #tpu.memory_space<semaphore_mem>>) attributes {dimension_semantics = [#tpu.dimension_semantics<core_parallel>, #tpu.dimension_semantics<subcore_parallel>], iteration_bounds = array<i64: 2, 16>, scalar_prefetch = 0 : i64, scratch_operands = 8 : i64, tpu.core_type = #tpu.core_type<sc_vector_subcore>, window_params = [{transform_indices = #map}, {transform_indices = #map1}, {transform_indices = #map1}]} {
    %mul3A = arith.constant 5120 : i32
    %mul3A_0 = arith.muli %arg0, %mul3A : i32
    %scan3A = arith.constant 0 : i32
    %scan3A_1 = arith.constant 0 : i32
    %scan3A_2 = arith.constant 328 : i32
    %scan3A_3 = arith.addi %scan3A_1, %scan3A_2 : i32
    %scan3A_4 = arith.constant 1 : i32
    scf.for %scan3A_176 = %scan3A_1 to %scan3A_3 step %scan3A_4  : i32 {
      %broadcast_in_dim3A_177 = arith.constant 0.000000e+00 : f32
      %broadcast_in_dim3A_178 = vector.broadcast %broadcast_in_dim3A_177 : f32 to vector<16xf32>
      %swap3A_179 = arith.index_cast %scan3A_176 : i32 to index
      %swap3A_180 = arith.constant 0 : index
      %swap3A_181 = tpu.vector_load %arg9[%swap3A_179, %swap3A_180] {strides = array<i32>} : memref<328x128xf32, #tpu.memory_space<vmem>>, vector<1x16xf32>,
      %swap3A_182 = vector.shape_cast %swap3A_181 : vector<1x16xf32> to vector<16xf32>
      %swap3A_183 = vector.shape_cast %broadcast_in_dim3A_178 : vector<16xf32> to vector<1x16xf32>
      tpu.vector_store %arg9[%swap3A_179, %swap3A_180], %swap3A_183 {strides = array<i32>} : memref<328x128xf32, #tpu.memory_space<vmem>>, vector<1x16xf32>,
      %broadcast_in_dim3A_184 = arith.constant 0.000000e+00 : f32
      %broadcast_in_dim3A_185 = vector.broadcast %broadcast_in_dim3A_184 : f32 to vector<16xf32>
      %swap3A_186 = arith.index_cast %scan3A_176 : i32 to index
      %swap3A_187 = arith.constant 16 : index
      %swap3A_188 = tpu.vector_load %arg9[%swap3A_186, %swap3A_187] {strides = array<i32>} : memref<328x128xf32, #tpu.memory_space<vmem>>, vector<1x16xf32>,
      %swap3A_189 = vector.shape_cast %swap3A_188 : vector<1x16xf32> to vector<16xf32>
      %swap3A_190 = vector.shape_cast %broadcast_in_dim3A_185 : vector<16xf32> to vector<1x16xf32>
      tpu.vector_store %arg9[%swap3A_186, %swap3A_187], %swap3A_190 {strides = array<i32>} : memref<328x128xf32, #tpu.memory_space<vmem>>, vector<1x16xf32>,
      %broadcast_in_dim3A_191 = arith.constant 0.000000e+00 : f32
      %broadcast_in_dim3A_192 = vector.broadcast %broadcast_in_dim3A_191 : f32 to vector<16xf32>
      %swap3A_193 = arith.index_cast %scan3A_176 : i32 to index
      %swap3A_194 = arith.constant 32 : index
      %swap3A_195 = tpu.vector_load %arg9[%swap3A_193, %swap3A_194] {strides = array<i32>} : memref<328x128xf32, #tpu.memory_space<vmem>>, vector<1x16xf32>,
      %swap3A_196 = vector.shape_cast %swap3A_195 : vector<1x16xf32> to vector<16xf32>
      %swap3A_197 = vector.shape_cast %broadcast_in_dim3A_192 : vector<16xf32> to vector<1x16xf32>
      tpu.vector_store %arg9[%swap3A_193, %swap3A_194], %swap3A_197 {strides = array<i32>} : memref<328x128xf32, #tpu.memory_space<vmem>>, vector<1x16xf32>,
      %broadcast_in_dim3A_198 = arith.constant 0.000000e+00 : f32
      %broadcast_in_dim3A_199 = vector.broadcast %broadcast_in_dim3A_198 : f32 to vector<16xf32>
      %swap3A_200 = arith.index_cast %scan3A_176 : i32 to index
      %swap3A_201 = arith.constant 48 : index
      %swap3A_202 = tpu.vector_load %arg9[%swap3A_200, %swap3A_201] {strides = array<i32>} : memref<328x128xf32, #tpu.memory_space<vmem>>, vector<1x16xf32>,
      %swap3A_203 = vector.shape_cast %swap3A_202 : vector<1x16xf32> to vector<16xf32>
      %swap3A_204 = vector.shape_cast %broadcast_in_dim3A_199 : vector<16xf32> to vector<1x16xf32>
      tpu.vector_store %arg9[%swap3A_200, %swap3A_201], %swap3A_204 {strides = array<i32>} : memref<328x128xf32, #tpu.memory_space<vmem>>, vector<1x16xf32>,
      %broadcast_in_dim3A_205 = arith.constant 0.000000e+00 : f32
      %broadcast_in_dim3A_206 = vector.broadcast %broadcast_in_dim3A_205 : f32 to vector<16xf32>
      %swap3A_207 = arith.index_cast %scan3A_176 : i32 to index
      %swap3A_208 = arith.constant 64 : index
      %swap3A_209 = tpu.vector_load %arg9[%swap3A_207, %swap3A_208] {strides = array<i32>} : memref<328x128xf32, #tpu.memory_space<vmem>>, vector<1x16xf32>,
      %swap3A_210 = vector.shape_cast %swap3A_209 : vector<1x16xf32> to vector<16xf32>
      %swap3A_211 = vector.shape_cast %broadcast_in_dim3A_206 : vector<16xf32> to vector<1x16xf32>
      tpu.vector_store %arg9[%swap3A_207, %swap3A_208], %swap3A_211 {strides = array<i32>} : memref<328x128xf32, #tpu.memory_space<vmem>>, vector<1x16xf32>,
      %broadcast_in_dim3A_212 = arith.constant 0.000000e+00 : f32
      %broadcast_in_dim3A_213 = vector.broadcast %broadcast_in_dim3A_212 : f32 to vector<16xf32>
      %swap3A_214 = arith.index_cast %scan3A_176 : i32 to index
      %swap3A_215 = arith.constant 80 : index
      %swap3A_216 = tpu.vector_load %arg9[%swap3A_214, %swap3A_215] {strides = array<i32>} : memref<328x128xf32, #tpu.memory_space<vmem>>, vector<1x16xf32>,
      %swap3A_217 = vector.shape_cast %swap3A_216 : vector<1x16xf32> to vector<16xf32>
      %swap3A_218 = vector.shape_cast %broadcast_in_dim3A_213 : vector<16xf32> to vector<1x16xf32>
      tpu.vector_store %arg9[%swap3A_214, %swap3A_215], %swap3A_218 {strides = array<i32>} : memref<328x128xf32, #tpu.memory_space<vmem>>, vector<1x16xf32>,
      %broadcast_in_dim3A_219 = arith.constant 0.000000e+00 : f32
      %broadcast_in_dim3A_220 = vector.broadcast %broadcast_in_dim3A_219 : f32 to vector<16xf32>
      %swap3A_221 = arith.index_cast %scan3A_176 : i32 to index
      %swap3A_222 = arith.constant 96 : index
      %swap3A_223 = tpu.vector_load %arg9[%swap3A_221, %swap3A_222] {strides = array<i32>} : memref<328x128xf32, #tpu.memory_space<vmem>>, vector<1x16xf32>,
      %swap3A_224 = vector.shape_cast %swap3A_223 : vector<1x16xf32> to vector<16xf32>
      %swap3A_225 = vector.shape_cast %broadcast_in_dim3A_220 : vector<16xf32> to vector<1x16xf32>
      tpu.vector_store %arg9[%swap3A_221, %swap3A_222], %swap3A_225 {strides = array<i32>} : memref<328x128xf32, #tpu.memory_space<vmem>>, vector<1x16xf32>,
      %broadcast_in_dim3A_226 = arith.constant 0.000000e+00 : f32
      %broadcast_in_dim3A_227 = vector.broadcast %broadcast_in_dim3A_226 : f32 to vector<16xf32>
      %swap3A_228 = arith.index_cast %scan3A_176 : i32 to index
      %swap3A_229 = arith.constant 112 : index
      %swap3A_230 = tpu.vector_load %arg9[%swap3A_228, %swap3A_229] {strides = array<i32>} : memref<328x128xf32, #tpu.memory_space<vmem>>, vector<1x16xf32>,
      %swap3A_231 = vector.shape_cast %swap3A_230 : vector<1x16xf32> to vector<16xf32>
      %swap3A_232 = vector.shape_cast %broadcast_in_dim3A_227 : vector<16xf32> to vector<1x16xf32>
      tpu.vector_store %arg9[%swap3A_228, %swap3A_229], %swap3A_232 {strides = array<i32>} : memref<328x128xf32, #tpu.memory_space<vmem>>, vector<1x16xf32>,
    }
    %scan3A_5 = arith.constant 328 : i32
    %mul3A_6 = arith.constant 328 : i32
    %mul3A_7 = arith.muli %arg1, %mul3A_6 : i32
    "tpu.region"() ({
      %run_scoped3A = tpu.sem_alloc : memref<!tpu.dma_semaphore, #tpu.memory_space<semaphore_mem>>
      %dma_start3A_176 = arith.constant 0 : i32
      %dma_start3A_177 = tpu.memref_slice %arg10[%mul3A_7, %dma_start3A_176] : memref<5248x128xf32, #tpu.memory_space<vmem_shared>> -> memref<328x128xf32, #tpu.memory_space<vmem_shared>>
      %dma_start3A_178 = arith.constant 0 : i32
      %dma_start3A_179 = tpu.memref_slice %arg10[%mul3A_7, %dma_start3A_178] : memref<5248x128xf32, #tpu.memory_space<vmem_shared>> -> memref<328x128xf32, #tpu.memory_space<vmem_shared>>
      tpu.enqueue_dma source(%arg9 : memref<328x128xf32, #tpu.memory_space<vmem>>) target(%dma_start3A_179 : memref<328x128xf32, #tpu.memory_space<vmem_shared>>) target_semaphore(%run_scoped3A : memref<!tpu.dma_semaphore, #tpu.memory_space<semaphore_mem>>)
      %dma_wait3A = arith.constant 0 : i32
      %dma_wait3A_180 = tpu.memref_slice %arg10[%mul3A_7, %dma_wait3A] : memref<5248x128xf32, #tpu.memory_space<vmem_shared>> -> memref<328x128xf32, #tpu.memory_space<vmem_shared>>
      %dma_wait3A_181 = arith.constant 0 : i32
      %dma_wait3A_182 = tpu.memref_slice %arg10[%mul3A_7, %dma_wait3A_181] : memref<5248x128xf32, #tpu.memory_space<vmem_shared>> -> memref<328x128xf32, #tpu.memory_space<vmem_shared>>
      tpu.wait_dma2 semaphore(%run_scoped3A : memref<!tpu.dma_semaphore, #tpu.memory_space<semaphore_mem>>) src(%arg9 : memref<328x128xf32, #tpu.memory_space<vmem>>) dst(%dma_wait3A_182 : memref<328x128xf32, #tpu.memory_space<vmem_shared>>)
      tpu.yield
    }) : () -> ()
    %barrier3A = arith.constant 0 : index
    tpu.barrier barrier_id(%barrier3A)
    %mul3A_8 = arith.constant 128 : i32
    %mul3A_9 = arith.muli %arg1, %mul3A_8 : i32
    %multiple_of3A = tpu.assume_multiple %mul3A_9, 8 : i32
    "tpu.region"() ({
      %run_scoped3A = tpu.sem_alloc : memref<!tpu.dma_semaphore, #tpu.memory_space<semaphore_mem>>
      %dma_start3A_176 = tpu.memref_slice %arg2[%multiple_of3A] : memref<160000xi32, #tpu.memory_space<hbm>> -> memref<128xi32, #tpu.memory_space<hbm>>
      %dma_start3A_177 = tpu.memref_slice %arg2[%multiple_of3A] : memref<160000xi32, #tpu.memory_space<hbm>> -> memref<128xi32, #tpu.memory_space<hbm>>
      tpu.enqueue_dma source(%dma_start3A_177 : memref<128xi32, #tpu.memory_space<hbm>>) target(%arg5 : memref<128xi32, #tpu.memory_space<vmem>>) target_semaphore(%run_scoped3A : memref<!tpu.dma_semaphore, #tpu.memory_space<semaphore_mem>>)
      %dma_wait3A = tpu.memref_slice %arg2[%multiple_of3A] : memref<160000xi32, #tpu.memory_space<hbm>> -> memref<128xi32, #tpu.memory_space<hbm>>
      %dma_wait3A_178 = tpu.memref_slice %arg2[%multiple_of3A] : memref<160000xi32, #tpu.memory_space<hbm>> -> memref<128xi32, #tpu.memory_space<hbm>>
      tpu.wait_dma2 semaphore(%run_scoped3A : memref<!tpu.dma_semaphore, #tpu.memory_space<semaphore_mem>>) src(%dma_wait3A_178 : memref<128xi32, #tpu.memory_space<hbm>>) dst(%arg5 : memref<128xi32, #tpu.memory_space<vmem>>)
      tpu.yield
    }) : () -> ()
    %mul3A_10 = arith.constant 128 : i32
    %mul3A_11 = arith.muli %arg1, %mul3A_10 : i32
    %multiple_of3A_12 = tpu.assume_multiple %mul3A_11, 8 : i32
    %dma_start3A = arith.constant 0 : i32
    %dma_start3A_13 = tpu.memref_slice %arg3[%multiple_of3A_12, %dma_start3A] : memref<160000x128xf32, #tpu.memory_space<hbm>> -> memref<128x128xf32, #tpu.memory_space<hbm>>
    %dma_start3A_14 = arith.constant 0 : i32
    %dma_start3A_15 = tpu.memref_slice %arg3[%multiple_of3A_12, %dma_start3A_14] : memref<160000x128xf32, #tpu.memory_space<hbm>> -> memref<128x128xf32, #tpu.memory_space<hbm>>
    tpu.enqueue_dma source(%dma_start3A_15 : memref<128x128xf32, #tpu.memory_space<hbm>>) target(%arg7 : memref<128x128xf32, #tpu.memory_space<vmem>>) target_semaphore(%arg11 : memref<!tpu.dma_semaphore, #tpu.memory_space<semaphore_mem>>)
    %get3A = arith.constant 0 : index
    %get3A_16 = tpu.vector_load %arg5[%get3A] {strides = array<i32>} : memref<128xi32, #tpu.memory_space<vmem>>, vector<16xi32>,
    %get3A_17 = vector.shape_cast %get3A_16 : vector<16xi32> to vector<16xi32>
    %sub3A = vector.broadcast %mul3A_0 : i32 to vector<16xi32>
    %sub3A_18 = arith.subi %get3A_17, %sub3A : vector<16xi32>
    %ge3A = arith.constant 0 : i32
    %ge3A_19 = vector.broadcast %ge3A : i32 to vector<16xi32>
    %ge3A_20 = arith.cmpi sge, %sub3A_18, %ge3A_19 : vector<16xi32>
    %lt3A = arith.constant 5120 : i32
    %lt3A_21 = vector.broadcast %lt3A : i32 to vector<16xi32>
    %lt3A_22 = arith.cmpi slt, %sub3A_18, %lt3A_21 : vector<16xi32>
    %and3A = arith.andi %ge3A_20, %lt3A_22 : vector<16xi1>
    %jit3A = arith.constant 5120 : i32
    %broadcast_in_dim3A = vector.broadcast %jit3A : i32 to vector<16xi32>
    %select_n3A = arith.select %and3A, %sub3A_18, %broadcast_in_dim3A : vector<16xi1>, vector<16xi32>
    %swap3A = arith.constant 0 : index
    %swap3A_23 = tpu.vector_load %arg5[%swap3A] {strides = array<i32>} : memref<128xi32, #tpu.memory_space<vmem>>, vector<16xi32>,
    %swap3A_24 = vector.shape_cast %swap3A_23 : vector<16xi32> to vector<16xi32>
    %swap3A_25 = vector.shape_cast %select_n3A : vector<16xi32> to vector<16xi32>
    tpu.vector_store %arg5[%swap3A], %swap3A_25 {strides = array<i32>} : memref<128xi32, #tpu.memory_space<vmem>>, vector<16xi32>,
    %get3A_26 = arith.constant 16 : index
    %get3A_27 = tpu.vector_load %arg5[%get3A_26] {strides = array<i32>} : memref<128xi32, #tpu.memory_space<vmem>>, vector<16xi32>,
    %get3A_28 = vector.shape_cast %get3A_27 : vector<16xi32> to vector<16xi32>
    %sub3A_29 = vector.broadcast %mul3A_0 : i32 to vector<16xi32>
    %sub3A_30 = arith.subi %get3A_28, %sub3A_29 : vector<16xi32>
    %ge3A_31 = arith.constant 0 : i32
    %ge3A_32 = vector.broadcast %ge3A_31 : i32 to vector<16xi32>
    %ge3A_33 = arith.cmpi sge, %sub3A_30, %ge3A_32 : vector<16xi32>
    %lt3A_34 = arith.constant 5120 : i32
    %lt3A_35 = vector.broadcast %lt3A_34 : i32 to vector<16xi32>
    %lt3A_36 = arith.cmpi slt, %sub3A_30, %lt3A_35 : vector<16xi32>
    %and3A_37 = arith.andi %ge3A_33, %lt3A_36 : vector<16xi1>
    %jit3A_38 = arith.constant 5120 : i32
    %broadcast_in_dim3A_39 = vector.broadcast %jit3A_38 : i32 to vector<16xi32>
    %select_n3A_40 = arith.select %and3A_37, %sub3A_30, %broadcast_in_dim3A_39 : vector<16xi1>, vector<16xi32>
    %swap3A_41 = arith.constant 16 : index
    %swap3A_42 = tpu.vector_load %arg5[%swap3A_41] {strides = array<i32>} : memref<128xi32, #tpu.memory_space<vmem>>, vector<16xi32>,
    %swap3A_43 = vector.shape_cast %swap3A_42 : vector<16xi32> to vector<16xi32>
    %swap3A_44 = vector.shape_cast %select_n3A_40 : vector<16xi32> to vector<16xi32>
    tpu.vector_store %arg5[%swap3A_41], %swap3A_44 {strides = array<i32>} : memref<128xi32, #tpu.memory_space<vmem>>, vector<16xi32>,
    %get3A_45 = arith.constant 32 : index
    %get3A_46 = tpu.vector_load %arg5[%get3A_45] {strides = array<i32>} : memref<128xi32, #tpu.memory_space<vmem>>, vector<16xi32>,
    %get3A_47 = vector.shape_cast %get3A_46 : vector<16xi32> to vector<16xi32>
    %sub3A_48 = vector.broadcast %mul3A_0 : i32 to vector<16xi32>
    %sub3A_49 = arith.subi %get3A_47, %sub3A_48 : vector<16xi32>
    %ge3A_50 = arith.constant 0 : i32
    %ge3A_51 = vector.broadcast %ge3A_50 : i32 to vector<16xi32>
    %ge3A_52 = arith.cmpi sge, %sub3A_49, %ge3A_51 : vector<16xi32>
    %lt3A_53 = arith.constant 5120 : i32
    %lt3A_54 = vector.broadcast %lt3A_53 : i32 to vector<16xi32>
    %lt3A_55 = arith.cmpi slt, %sub3A_49, %lt3A_54 : vector<16xi32>
    %and3A_56 = arith.andi %ge3A_52, %lt3A_55 : vector<16xi1>
    %jit3A_57 = arith.constant 5120 : i32
    %broadcast_in_dim3A_58 = vector.broadcast %jit3A_57 : i32 to vector<16xi32>
    %select_n3A_59 = arith.select %and3A_56, %sub3A_49, %broadcast_in_dim3A_58 : vector<16xi1>, vector<16xi32>
    %swap3A_60 = arith.constant 32 : index
    %swap3A_61 = tpu.vector_load %arg5[%swap3A_60] {strides = array<i32>} : memref<128xi32, #tpu.memory_space<vmem>>, vector<16xi32>,
    %swap3A_62 = vector.shape_cast %swap3A_61 : vector<16xi32> to vector<16xi32>
    %swap3A_63 = vector.shape_cast %select_n3A_59 : vector<16xi32> to vector<16xi32>
    tpu.vector_store %arg5[%swap3A_60], %swap3A_63 {strides = array<i32>} : memref<128xi32, #tpu.memory_space<vmem>>, vector<16xi32>,
    %get3A_64 = arith.constant 48 : index
    %get3A_65 = tpu.vector_load %arg5[%get3A_64] {strides = array<i32>} : memref<128xi32, #tpu.memory_space<vmem>>, vector<16xi32>,
    %get3A_66 = vector.shape_cast %get3A_65 : vector<16xi32> to vector<16xi32>
    %sub3A_67 = vector.broadcast %mul3A_0 : i32 to vector<16xi32>
    %sub3A_68 = arith.subi %get3A_66, %sub3A_67 : vector<16xi32>
    %ge3A_69 = arith.constant 0 : i32
    %ge3A_70 = vector.broadcast %ge3A_69 : i32 to vector<16xi32>
    %ge3A_71 = arith.cmpi sge, %sub3A_68, %ge3A_70 : vector<16xi32>
    %lt3A_72 = arith.constant 5120 : i32
    %lt3A_73 = vector.broadcast %lt3A_72 : i32 to vector<16xi32>
    %lt3A_74 = arith.cmpi slt, %sub3A_68, %lt3A_73 : vector<16xi32>
    %and3A_75 = arith.andi %ge3A_71, %lt3A_74 : vector<16xi1>
    %jit3A_76 = arith.constant 5120 : i32
    %broadcast_in_dim3A_77 = vector.broadcast %jit3A_76 : i32 to vector<16xi32>
    %select_n3A_78 = arith.select %and3A_75, %sub3A_68, %broadcast_in_dim3A_77 : vector<16xi1>, vector<16xi32>
    %swap3A_79 = arith.constant 48 : index
    %swap3A_80 = tpu.vector_load %arg5[%swap3A_79] {strides = array<i32>} : memref<128xi32, #tpu.memory_space<vmem>>, vector<16xi32>,
    %swap3A_81 = vector.shape_cast %swap3A_80 : vector<16xi32> to vector<16xi32>
    %swap3A_82 = vector.shape_cast %select_n3A_78 : vector<16xi32> to vector<16xi32>
    tpu.vector_store %arg5[%swap3A_79], %swap3A_82 {strides = array<i32>} : memref<128xi32, #tpu.memory_space<vmem>>, vector<16xi32>,
    %get3A_83 = arith.constant 64 : index
    %get3A_84 = tpu.vector_load %arg5[%get3A_83] {strides = array<i32>} : memref<128xi32, #tpu.memory_space<vmem>>, vector<16xi32>,
    %get3A_85 = vector.shape_cast %get3A_84 : vector<16xi32> to vector<16xi32>
    %sub3A_86 = vector.broadcast %mul3A_0 : i32 to vector<16xi32>
    %sub3A_87 = arith.subi %get3A_85, %sub3A_86 : vector<16xi32>
    %ge3A_88 = arith.constant 0 : i32
    %ge3A_89 = vector.broadcast %ge3A_88 : i32 to vector<16xi32>
    %ge3A_90 = arith.cmpi sge, %sub3A_87, %ge3A_89 : vector<16xi32>
    %lt3A_91 = arith.constant 5120 : i32
    %lt3A_92 = vector.broadcast %lt3A_91 : i32 to vector<16xi32>
    %lt3A_93 = arith.cmpi slt, %sub3A_87, %lt3A_92 : vector<16xi32>
    %and3A_94 = arith.andi %ge3A_90, %lt3A_93 : vector<16xi1>
    %jit3A_95 = arith.constant 5120 : i32
    %broadcast_in_dim3A_96 = vector.broadcast %jit3A_95 : i32 to vector<16xi32>
    %select_n3A_97 = arith.select %and3A_94, %sub3A_87, %broadcast_in_dim3A_96 : vector<16xi1>, vector<16xi32>
    %swap3A_98 = arith.constant 64 : index
    %swap3A_99 = tpu.vector_load %arg5[%swap3A_98] {strides = array<i32>} : memref<128xi32, #tpu.memory_space<vmem>>, vector<16xi32>,
    %swap3A_100 = vector.shape_cast %swap3A_99 : vector<16xi32> to vector<16xi32>
    %swap3A_101 = vector.shape_cast %select_n3A_97 : vector<16xi32> to vector<16xi32>
    tpu.vector_store %arg5[%swap3A_98], %swap3A_101 {strides = array<i32>} : memref<128xi32, #tpu.memory_space<vmem>>, vector<16xi32>,
    %get3A_102 = arith.constant 80 : index
    %get3A_103 = tpu.vector_load %arg5[%get3A_102] {strides = array<i32>} : memref<128xi32, #tpu.memory_space<vmem>>, vector<16xi32>,
    %get3A_104 = vector.shape_cast %get3A_103 : vector<16xi32> to vector<16xi32>
    %sub3A_105 = vector.broadcast %mul3A_0 : i32 to vector<16xi32>
    %sub3A_106 = arith.subi %get3A_104, %sub3A_105 : vector<16xi32>
    %ge3A_107 = arith.constant 0 : i32
    %ge3A_108 = vector.broadcast %ge3A_107 : i32 to vector<16xi32>
    %ge3A_109 = arith.cmpi sge, %sub3A_106, %ge3A_108 : vector<16xi32>
    %lt3A_110 = arith.constant 5120 : i32
    %lt3A_111 = vector.broadcast %lt3A_110 : i32 to vector<16xi32>
    %lt3A_112 = arith.cmpi slt, %sub3A_106, %lt3A_111 : vector<16xi32>
    %and3A_113 = arith.andi %ge3A_109, %lt3A_112 : vector<16xi1>
    %jit3A_114 = arith.constant 5120 : i32
    %broadcast_in_dim3A_115 = vector.broadcast %jit3A_114 : i32 to vector<16xi32>
    %select_n3A_116 = arith.select %and3A_113, %sub3A_106, %broadcast_in_dim3A_115 : vector<16xi1>, vector<16xi32>
    %swap3A_117 = arith.constant 80 : index
    %swap3A_118 = tpu.vector_load %arg5[%swap3A_117] {strides = array<i32>} : memref<128xi32, #tpu.memory_space<vmem>>, vector<16xi32>,
    %swap3A_119 = vector.shape_cast %swap3A_118 : vector<16xi32> to vector<16xi32>
    %swap3A_120 = vector.shape_cast %select_n3A_116 : vector<16xi32> to vector<16xi32>
    tpu.vector_store %arg5[%swap3A_117], %swap3A_120 {strides = array<i32>} : memref<128xi32, #tpu.memory_space<vmem>>, vector<16xi32>,
    %get3A_121 = arith.constant 96 : index
    %get3A_122 = tpu.vector_load %arg5[%get3A_121] {strides = array<i32>} : memref<128xi32, #tpu.memory_space<vmem>>, vector<16xi32>,
    %get3A_123 = vector.shape_cast %get3A_122 : vector<16xi32> to vector<16xi32>
    %sub3A_124 = vector.broadcast %mul3A_0 : i32 to vector<16xi32>
    %sub3A_125 = arith.subi %get3A_123, %sub3A_124 : vector<16xi32>
    %ge3A_126 = arith.constant 0 : i32
    %ge3A_127 = vector.broadcast %ge3A_126 : i32 to vector<16xi32>
    %ge3A_128 = arith.cmpi sge, %sub3A_125, %ge3A_127 : vector<16xi32>
    %lt3A_129 = arith.constant 5120 : i32
    %lt3A_130 = vector.broadcast %lt3A_129 : i32 to vector<16xi32>
    %lt3A_131 = arith.cmpi slt, %sub3A_125, %lt3A_130 : vector<16xi32>
    %and3A_132 = arith.andi %ge3A_128, %lt3A_131 : vector<16xi1>
    %jit3A_133 = arith.constant 5120 : i32
    %broadcast_in_dim3A_134 = vector.broadcast %jit3A_133 : i32 to vector<16xi32>
    %select_n3A_135 = arith.select %and3A_132, %sub3A_125, %broadcast_in_dim3A_134 : vector<16xi1>, vector<16xi32>
    %swap3A_136 = arith.constant 96 : index
    %swap3A_137 = tpu.vector_load %arg5[%swap3A_136] {strides = array<i32>} : memref<128xi32, #tpu.memory_space<vmem>>, vector<16xi32>,
    %swap3A_138 = vector.shape_cast %swap3A_137 : vector<16xi32> to vector<16xi32>
    %swap3A_139 = vector.shape_cast %select_n3A_135 : vector<16xi32> to vector<16xi32>
    tpu.vector_store %arg5[%swap3A_136], %swap3A_139 {strides = array<i32>} : memref<128xi32, #tpu.memory_space<vmem>>, vector<16xi32>,
    %get3A_140 = arith.constant 112 : index
    %get3A_141 = tpu.vector_load %arg5[%get3A_140] {strides = array<i32>} : memref<128xi32, #tpu.memory_space<vmem>>, vector<16xi32>,
    %get3A_142 = vector.shape_cast %get3A_141 : vector<16xi32> to vector<16xi32>
    %sub3A_143 = vector.broadcast %mul3A_0 : i32 to vector<16xi32>
    %sub3A_144 = arith.subi %get3A_142, %sub3A_143 : vector<16xi32>
    %ge3A_145 = arith.constant 0 : i32
    %ge3A_146 = vector.broadcast %ge3A_145 : i32 to vector<16xi32>
    %ge3A_147 = arith.cmpi sge, %sub3A_144, %ge3A_146 : vector<16xi32>
    %lt3A_148 = arith.constant 5120 : i32
    %lt3A_149 = vector.broadcast %lt3A_148 : i32 to vector<16xi32>
    %lt3A_150 = arith.cmpi slt, %sub3A_144, %lt3A_149 : vector<16xi32>
    %and3A_151 = arith.andi %ge3A_147, %lt3A_150 : vector<16xi1>
    %jit3A_152 = arith.constant 5120 : i32
    %broadcast_in_dim3A_153 = vector.broadcast %jit3A_152 : i32 to vector<16xi32>
    %select_n3A_154 = arith.select %and3A_151, %sub3A_144, %broadcast_in_dim3A_153 : vector<16xi1>, vector<16xi32>
    %swap3A_155 = arith.constant 112 : index
    %swap3A_156 = tpu.vector_load %arg5[%swap3A_155] {strides = array<i32>} : memref<128xi32, #tpu.memory_space<vmem>>, vector<16xi32>,
    %swap3A_157 = vector.shape_cast %swap3A_156 : vector<16xi32> to vector<16xi32>
    %swap3A_158 = vector.shape_cast %select_n3A_154 : vector<16xi32> to vector<16xi32>
    tpu.vector_store %arg5[%swap3A_155], %swap3A_158 {strides = array<i32>} : memref<128xi32, #tpu.memory_space<vmem>>, vector<16xi32>,
    %scan3A_159 = arith.constant 0 : i32
    %scan3A_160 = arith.constant 0 : i32
    %scan3A_161 = arith.constant 39 : i32
    %scan3A_162 = arith.addi %scan3A_160, %scan3A_161 : i32
    %scan3A_163 = arith.constant 1 : i32
    scf.for %scan3A_176 = %scan3A_160 to %scan3A_162 step %scan3A_163  : i32 {
      %mul3A_177 = arith.constant 2 : i32
      %mul3A_178 = arith.muli %mul3A_177, %scan3A_176 : i32
      %mul3A_179 = arith.constant 16 : i32
      %mul3A_180 = arith.muli %mul3A_179, %mul3A_178 : i32
      %add3A_181 = arith.addi %arg1, %mul3A_180 : i32
      %add3A_182 = arith.constant 16 : i32
      %add3A_183 = arith.addi %add3A_181, %add3A_182 : i32
      %mul3A_184 = arith.constant 128 : i32
      %mul3A_185 = arith.muli %add3A_183, %mul3A_184 : i32
      %multiple_of3A_186 = tpu.assume_multiple %mul3A_185, 8 : i32
      "tpu.region"() ({
        %run_scoped3A = tpu.sem_alloc : memref<!tpu.dma_semaphore, #tpu.memory_space<semaphore_mem>>
        %dma_start3A_370 = tpu.memref_slice %arg2[%multiple_of3A_186] : memref<160000xi32, #tpu.memory_space<hbm>> -> memref<128xi32, #tpu.memory_space<hbm>>
        %dma_start3A_371 = tpu.memref_slice %arg2[%multiple_of3A_186] : memref<160000xi32, #tpu.memory_space<hbm>> -> memref<128xi32, #tpu.memory_space<hbm>>
        tpu.enqueue_dma source(%dma_start3A_371 : memref<128xi32, #tpu.memory_space<hbm>>) target(%arg6 : memref<128xi32, #tpu.memory_space<vmem>>) target_semaphore(%run_scoped3A : memref<!tpu.dma_semaphore, #tpu.memory_space<semaphore_mem>>)
        %dma_wait3A_372 = tpu.memref_slice %arg2[%multiple_of3A_186] : memref<160000xi32, #tpu.memory_space<hbm>> -> memref<128xi32, #tpu.memory_space<hbm>>
        %dma_wait3A_373 = tpu.memref_slice %arg2[%multiple_of3A_186] : memref<160000xi32, #tpu.memory_space<hbm>> -> memref<128xi32, #tpu.memory_space<hbm>>
        tpu.wait_dma2 semaphore(%run_scoped3A : memref<!tpu.dma_semaphore, #tpu.memory_space<semaphore_mem>>) src(%dma_wait3A_373 : memref<128xi32, #tpu.memory_space<hbm>>) dst(%arg6 : memref<128xi32, #tpu.memory_space<vmem>>)
        tpu.yield
      }) : () -> ()
      %mul3A_187 = arith.constant 128 : i32
      %mul3A_188 = arith.muli %add3A_183, %mul3A_187 : i32
      %multiple_of3A_189 = tpu.assume_multiple %mul3A_188, 8 : i32
      %dma_start3A_190 = arith.constant 0 : i32
      %dma_start3A_191 = tpu.memref_slice %arg3[%multiple_of3A_189, %dma_start3A_190] : memref<160000x128xf32, #tpu.memory_space<hbm>> -> memref<128x128xf32, #tpu.memory_space<hbm>>
      %dma_start3A_192 = arith.constant 0 : i32
      %dma_start3A_193 = tpu.memref_slice %arg3[%multiple_of3A_189, %dma_start3A_192] : memref<160000x128xf32, #tpu.memory_space<hbm>> -> memref<128x128xf32, #tpu.memory_space<hbm>>
      tpu.enqueue_dma source(%dma_start3A_193 : memref<128x128xf32, #tpu.memory_space<hbm>>) target(%arg8 : memref<128x128xf32, #tpu.memory_space<vmem>>) target_semaphore(%arg12 : memref<!tpu.dma_semaphore, #tpu.memory_space<semaphore_mem>>)
      %get3A_194 = arith.constant 0 : index
      %get3A_195 = tpu.vector_load %arg6[%get3A_194] {strides = array<i32>} : memref<128xi32, #tpu.memory_space<vmem>>, vector<16xi32>,
      %get3A_196 = vector.shape_cast %get3A_195 : vector<16xi32> to vector<16xi32>
      %sub3A_197 = vector.broadcast %mul3A_0 : i32 to vector<16xi32>
      %sub3A_198 = arith.subi %get3A_196, %sub3A_197 : vector<16xi32>
      %ge3A_199 = arith.constant 0 : i32
      %ge3A_200 = vector.broadcast %ge3A_199 : i32 to vector<16xi32>
      %ge3A_201 = arith.cmpi sge, %sub3A_198, %ge3A_200 : vector<16xi32>
      %lt3A_202 = arith.constant 5120 : i32
      %lt3A_203 = vector.broadcast %lt3A_202 : i32 to vector<16xi32>
      %lt3A_204 = arith.cmpi slt, %sub3A_198, %lt3A_203 : vector<16xi32>
      %and3A_205 = arith.andi %ge3A_201, %lt3A_204 : vector<16xi1>
      %jit3A_206 = arith.constant 5120 : i32
      %broadcast_in_dim3A_207 = vector.broadcast %jit3A_206 : i32 to vector<16xi32>
      %select_n3A_208 = arith.select %and3A_205, %sub3A_198, %broadcast_in_dim3A_207 : vector<16xi1>, vector<16xi32>
      %swap3A_209 = arith.constant 0 : index
      %swap3A_210 = tpu.vector_load %arg6[%swap3A_209] {strides = array<i32>} : memref<128xi32, #tpu.memory_space<vmem>>, vector<16xi32>,
      %swap3A_211 = vector.shape_cast %swap3A_210 : vector<16xi32> to vector<16xi32>
      %swap3A_212 = vector.shape_cast %select_n3A_208 : vector<16xi32> to vector<16xi32>
      tpu.vector_store %arg6[%swap3A_209], %swap3A_212 {strides = array<i32>} : memref<128xi32, #tpu.memory_space<vmem>>, vector<16xi32>,
      %get3A_213 = arith.constant 16 : index
      %get3A_214 = tpu.vector_load %arg6[%get3A_213] {strides = array<i32>} : memref<128xi32, #tpu.memory_space<vmem>>, vector<16xi32>,
      %get3A_215 = vector.shape_cast %get3A_214 : vector<16xi32> to vector<16xi32>
      %sub3A_216 = vector.broadcast %mul3A_0 : i32 to vector<16xi32>
      %sub3A_217 = arith.subi %get3A_215, %sub3A_216 : vector<16xi32>
      %ge3A_218 = arith.constant 0 : i32
      %ge3A_219 = vector.broadcast %ge3A_218 : i32 to vector<16xi32>
      %ge3A_220 = arith.cmpi sge, %sub3A_217, %ge3A_219 : vector<16xi32>
      %lt3A_221 = arith.constant 5120 : i32
      %lt3A_222 = vector.broadcast %lt3A_221 : i32 to vector<16xi32>
      %lt3A_223 = arith.cmpi slt, %sub3A_217, %lt3A_222 : vector<16xi32>
      %and3A_224 = arith.andi %ge3A_220, %lt3A_223 : vector<16xi1>
      %jit3A_225 = arith.constant 5120 : i32
      %broadcast_in_dim3A_226 = vector.broadcast %jit3A_225 : i32 to vector<16xi32>
      %select_n3A_227 = arith.select %and3A_224, %sub3A_217, %broadcast_in_dim3A_226 : vector<16xi1>, vector<16xi32>
      %swap3A_228 = arith.constant 16 : index
      %swap3A_229 = tpu.vector_load %arg6[%swap3A_228] {strides = array<i32>} : memref<128xi32, #tpu.memory_space<vmem>>, vector<16xi32>,
      %swap3A_230 = vector.shape_cast %swap3A_229 : vector<16xi32> to vector<16xi32>
      %swap3A_231 = vector.shape_cast %select_n3A_227 : vector<16xi32> to vector<16xi32>
      tpu.vector_store %arg6[%swap3A_228], %swap3A_231 {strides = array<i32>} : memref<128xi32, #tpu.memory_space<vmem>>, vector<16xi32>,
      %get3A_232 = arith.constant 32 : index
      %get3A_233 = tpu.vector_load %arg6[%get3A_232] {strides = array<i32>} : memref<128xi32, #tpu.memory_space<vmem>>, vector<16xi32>,
      %get3A_234 = vector.shape_cast %get3A_233 : vector<16xi32> to vector<16xi32>
      %sub3A_235 = vector.broadcast %mul3A_0 : i32 to vector<16xi32>
      %sub3A_236 = arith.subi %get3A_234, %sub3A_235 : vector<16xi32>
      %ge3A_237 = arith.constant 0 : i32
      %ge3A_238 = vector.broadcast %ge3A_237 : i32 to vector<16xi32>
      %ge3A_239 = arith.cmpi sge, %sub3A_236, %ge3A_238 : vector<16xi32>
      %lt3A_240 = arith.constant 5120 : i32
      %lt3A_241 = vector.broadcast %lt3A_240 : i32 to vector<16xi32>
      %lt3A_242 = arith.cmpi slt, %sub3A_236, %lt3A_241 : vector<16xi32>
      %and3A_243 = arith.andi %ge3A_239, %lt3A_242 : vector<16xi1>
      %jit3A_244 = arith.constant 5120 : i32
      %broadcast_in_dim3A_245 = vector.broadcast %jit3A_244 : i32 to vector<16xi32>
      %select_n3A_246 = arith.select %and3A_243, %sub3A_236, %broadcast_in_dim3A_245 : vector<16xi1>, vector<16xi32>
      %swap3A_247 = arith.constant 32 : index
      %swap3A_248 = tpu.vector_load %arg6[%swap3A_247] {strides = array<i32>} : memref<128xi32, #tpu.memory_space<vmem>>, vector<16xi32>,
      %swap3A_249 = vector.shape_cast %swap3A_248 : vector<16xi32> to vector<16xi32>
      %swap3A_250 = vector.shape_cast %select_n3A_246 : vector<16xi32> to vector<16xi32>
      tpu.vector_store %arg6[%swap3A_247], %swap3A_250 {strides = array<i32>} : memref<128xi32, #tpu.memory_space<vmem>>, vector<16xi32>,
      %get3A_251 = arith.constant 48 : index
      %get3A_252 = tpu.vector_load %arg6[%get3A_251] {strides = array<i32>} : memref<128xi32, #tpu.memory_space<vmem>>, vector<16xi32>,
      %get3A_253 = vector.shape_cast %get3A_252 : vector<16xi32> to vector<16xi32>
      %sub3A_254 = vector.broadcast %mul3A_0 : i32 to vector<16xi32>
      %sub3A_255 = arith.subi %get3A_253, %sub3A_254 : vector<16xi32>
      %ge3A_256 = arith.constant 0 : i32
      %ge3A_257 = vector.broadcast %ge3A_256 : i32 to vector<16xi32>
      %ge3A_258 = arith.cmpi sge, %sub3A_255, %ge3A_257 : vector<16xi32>
      %lt3A_259 = arith.constant 5120 : i32
      %lt3A_260 = vector.broadcast %lt3A_259 : i32 to vector<16xi32>
      %lt3A_261 = arith.cmpi slt, %sub3A_255, %lt3A_260 : vector<16xi32>
      %and3A_262 = arith.andi %ge3A_258, %lt3A_261 : vector<16xi1>
      %jit3A_263 = arith.constant 5120 : i32
      %broadcast_in_dim3A_264 = vector.broadcast %jit3A_263 : i32 to vector<16xi32>
      %select_n3A_265 = arith.select %and3A_262, %sub3A_255, %broadcast_in_dim3A_264 : vector<16xi1>, vector<16xi32>
      %swap3A_266 = arith.constant 48 : index
      %swap3A_267 = tpu.vector_load %arg6[%swap3A_266] {strides = array<i32>} : memref<128xi32, #tpu.memory_space<vmem>>, vector<16xi32>,
      %swap3A_268 = vector.shape_cast %swap3A_267 : vector<16xi32> to vector<16xi32>
      %swap3A_269 = vector.shape_cast %select_n3A_265 : vector<16xi32> to vector<16xi32>
      tpu.vector_store %arg6[%swap3A_266], %swap3A_269 {strides = array<i32>} : memref<128xi32, #tpu.memory_space<vmem>>, vector<16xi32>,
      %get3A_270 = arith.constant 64 : index
      %get3A_271 = tpu.vector_load %arg6[%get3A_270] {strides = array<i32>} : memref<128xi32, #tpu.memory_space<vmem>>, vector<16xi32>,
      %get3A_272 = vector.shape_cast %get3A_271 : vector<16xi32> to vector<16xi32>
      %sub3A_273 = vector.broadcast %mul3A_0 : i32 to vector<16xi32>
      %sub3A_274 = arith.subi %get3A_272, %sub3A_273 : vector<16xi32>
      %ge3A_275 = arith.constant 0 : i32
      %ge3A_276 = vector.broadcast %ge3A_275 : i32 to vector<16xi32>
      %ge3A_277 = arith.cmpi sge, %sub3A_274, %ge3A_276 : vector<16xi32>
      %lt3A_278 = arith.constant 5120 : i32
      %lt3A_279 = vector.broadcast %lt3A_278 : i32 to vector<16xi32>
      %lt3A_280 = arith.cmpi slt, %sub3A_274, %lt3A_279 : vector<16xi32>
      %and3A_281 = arith.andi %ge3A_277, %lt3A_280 : vector<16xi1>
      %jit3A_282 = arith.constant 5120 : i32
      %broadcast_in_dim3A_283 = vector.broadcast %jit3A_282 : i32 to vector<16xi32>
      %select_n3A_284 = arith.select %and3A_281, %sub3A_274, %broadcast_in_dim3A_283 : vector<16xi1>, vector<16xi32>
      %swap3A_285 = arith.constant 64 : index
      %swap3A_286 = tpu.vector_load %arg6[%swap3A_285] {strides = array<i32>} : memref<128xi32, #tpu.memory_space<vmem>>, vector<16xi32>,
      %swap3A_287 = vector.shape_cast %swap3A_286 : vector<16xi32> to vector<16xi32>
      %swap3A_288 = vector.shape_cast %select_n3A_284 : vector<16xi32> to vector<16xi32>
      tpu.vector_store %arg6[%swap3A_285], %swap3A_288 {strides = array<i32>} : memref<128xi32, #tpu.memory_space<vmem>>, vector<16xi32>,
      %get3A_289 = arith.constant 80 : index
      %get3A_290 = tpu.vector_load %arg6[%get3A_289] {strides = array<i32>} : memref<128xi32, #tpu.memory_space<vmem>>, vector<16xi32>,
      %get3A_291 = vector.shape_cast %get3A_290 : vector<16xi32> to vector<16xi32>
      %sub3A_292 = vector.broadcast %mul3A_0 : i32 to vector<16xi32>
      %sub3A_293 = arith.subi %get3A_291, %sub3A_292 : vector<16xi32>
      %ge3A_294 = arith.constant 0 : i32
      %ge3A_295 = vector.broadcast %ge3A_294 : i32 to vector<16xi32>
      %ge3A_296 = arith.cmpi sge, %sub3A_293, %ge3A_295 : vector<16xi32>
      %lt3A_297 = arith.constant 5120 : i32
      %lt3A_298 = vector.broadcast %lt3A_297 : i32 to vector<16xi32>
      %lt3A_299 = arith.cmpi slt, %sub3A_293, %lt3A_298 : vector<16xi32>
      %and3A_300 = arith.andi %ge3A_296, %lt3A_299 : vector<16xi1>
      %jit3A_301 = arith.constant 5120 : i32
      %broadcast_in_dim3A_302 = vector.broadcast %jit3A_301 : i32 to vector<16xi32>
      %select_n3A_303 = arith.select %and3A_300, %sub3A_293, %broadcast_in_dim3A_302 : vector<16xi1>, vector<16xi32>
      %swap3A_304 = arith.constant 80 : index
      %swap3A_305 = tpu.vector_load %arg6[%swap3A_304] {strides = array<i32>} : memref<128xi32, #tpu.memory_space<vmem>>, vector<16xi32>,
      %swap3A_306 = vector.shape_cast %swap3A_305 : vector<16xi32> to vector<16xi32>
      %swap3A_307 = vector.shape_cast %select_n3A_303 : vector<16xi32> to vector<16xi32>
      tpu.vector_store %arg6[%swap3A_304], %swap3A_307 {strides = array<i32>} : memref<128xi32, #tpu.memory_space<vmem>>, vector<16xi32>,
      %get3A_308 = arith.constant 96 : index
      %get3A_309 = tpu.vector_load %arg6[%get3A_308] {strides = array<i32>} : memref<128xi32, #tpu.memory_space<vmem>>, vector<16xi32>,
      %get3A_310 = vector.shape_cast %get3A_309 : vector<16xi32> to vector<16xi32>
      %sub3A_311 = vector.broadcast %mul3A_0 : i32 to vector<16xi32>
      %sub3A_312 = arith.subi %get3A_310, %sub3A_311 : vector<16xi32>
      %ge3A_313 = arith.constant 0 : i32
      %ge3A_314 = vector.broadcast %ge3A_313 : i32 to vector<16xi32>
      %ge3A_315 = arith.cmpi sge, %sub3A_312, %ge3A_314 : vector<16xi32>
      %lt3A_316 = arith.constant 5120 : i32
      %lt3A_317 = vector.broadcast %lt3A_316 : i32 to vector<16xi32>
      %lt3A_318 = arith.cmpi slt, %sub3A_312, %lt3A_317 : vector<16xi32>
      %and3A_319 = arith.andi %ge3A_315, %lt3A_318 : vector<16xi1>
      %jit3A_320 = arith.constant 5120 : i32
      %broadcast_in_dim3A_321 = vector.broadcast %jit3A_320 : i32 to vector<16xi32>
      %select_n3A_322 = arith.select %and3A_319, %sub3A_312, %broadcast_in_dim3A_321 : vector<16xi1>, vector<16xi32>
      %swap3A_323 = arith.constant 96 : index
      %swap3A_324 = tpu.vector_load %arg6[%swap3A_323] {strides = array<i32>} : memref<128xi32, #tpu.memory_space<vmem>>, vector<16xi32>,
      %swap3A_325 = vector.shape_cast %swap3A_324 : vector<16xi32> to vector<16xi32>
      %swap3A_326 = vector.shape_cast %select_n3A_322 : vector<16xi32> to vector<16xi32>
      tpu.vector_store %arg6[%swap3A_323], %swap3A_326 {strides = array<i32>} : memref<128xi32, #tpu.memory_space<vmem>>, vector<16xi32>,
      %get3A_327 = arith.constant 112 : index
      %get3A_328 = tpu.vector_load %arg6[%get3A_327] {strides = array<i32>} : memref<128xi32, #tpu.memory_space<vmem>>, vector<16xi32>,
      %get3A_329 = vector.shape_cast %get3A_328 : vector<16xi32> to vector<16xi32>
      %sub3A_330 = vector.broadcast %mul3A_0 : i32 to vector<16xi32>
      %sub3A_331 = arith.subi %get3A_329, %sub3A_330 : vector<16xi32>
      %ge3A_332 = arith.constant 0 : i32
      %ge3A_333 = vector.broadcast %ge3A_332 : i32 to vector<16xi32>
      %ge3A_334 = arith.cmpi sge, %sub3A_331, %ge3A_333 : vector<16xi32>
      %lt3A_335 = arith.constant 5120 : i32
      %lt3A_336 = vector.broadcast %lt3A_335 : i32 to vector<16xi32>
      %lt3A_337 = arith.cmpi slt, %sub3A_331, %lt3A_336 : vector<16xi32>
      %and3A_338 = arith.andi %ge3A_334, %lt3A_337 : vector<16xi1>
      %jit3A_339 = arith.constant 5120 : i32
      %broadcast_in_dim3A_340 = vector.broadcast %jit3A_339 : i32 to vector<16xi32>
      %select_n3A_341 = arith.select %and3A_338, %sub3A_331, %broadcast_in_dim3A_340 : vector<16xi1>, vector<16xi32>
      %swap3A_342 = arith.constant 112 : index
      %swap3A_343 = tpu.vector_load %arg6[%swap3A_342] {strides = array<i32>} : memref<128xi32, #tpu.memory_space<vmem>>, vector<16xi32>,
      %swap3A_344 = vector.shape_cast %swap3A_343 : vector<16xi32> to vector<16xi32>
      %swap3A_345 = vector.shape_cast %select_n3A_341 : vector<16xi32> to vector<16xi32>
      tpu.vector_store %arg6[%swap3A_342], %swap3A_345 {strides = array<i32>} : memref<128xi32, #tpu.memory_space<vmem>>, vector<16xi32>,
      %mul3A_346 = arith.constant 128 : i32
      %mul3A_347 = arith.muli %add3A_181, %mul3A_346 : i32
      %multiple_of3A_348 = tpu.assume_multiple %mul3A_347, 8 : i32
      %dma_wait3A = arith.constant 0 : i32
      %dma_wait3A_349 = tpu.memref_slice %arg3[%multiple_of3A_348, %dma_wait3A] : memref<160000x128xf32, #tpu.memory_space<hbm>> -> memref<128x128xf32, #tpu.memory_space<hbm>>
      %dma_wait3A_350 = arith.constant 0 : i32
      %dma_wait3A_351 = tpu.memref_slice %arg3[%multiple_of3A_348, %dma_wait3A_350] : memref<160000x128xf32, #tpu.memory_space<hbm>> -> memref<128x128xf32, #tpu.memory_space<hbm>>
      tpu.wait_dma2 semaphore(%arg11 : memref<!tpu.dma_semaphore, #tpu.memory_space<semaphore_mem>>) src(%dma_wait3A_351 : memref<128x128xf32, #tpu.memory_space<hbm>>) dst(%arg7 : memref<128x128xf32, #tpu.memory_space<vmem>>)
      "tpu.region"() ({
        %run_scoped3A = tpu.sem_alloc : memref<!tpu.dma_semaphore, #tpu.memory_space<semaphore_mem>>
        %dma_start3A_370 = arith.constant 0 : i32
        %dma_start3A_371 = arith.constant 0 : i32
        %dma_start3A_372 = tpu.memref_slice %arg10[%dma_start3A_370, %dma_start3A_371] : memref<5248x128xf32, #tpu.memory_space<vmem_shared>> -> memref<5248x128xf32, #tpu.memory_space<vmem_shared>>
        tpu.enqueue_indirect_dma source(%arg7 : memref<128x128xf32, #tpu.memory_space<vmem>>) target(%dma_start3A_372 : memref<5248x128xf32, #tpu.memory_space<vmem_shared>>) offsets(%arg5 : memref<128xi32, #tpu.memory_space<vmem>>) semaphore(%run_scoped3A : memref<!tpu.dma_semaphore, #tpu.memory_space<semaphore_mem>>) {add = true}
        %dma_wait3A_373 = arith.constant 0 : i32
        %dma_wait3A_374 = arith.constant 0 : i32
        %dma_wait3A_375 = tpu.memref_slice %arg10[%dma_wait3A_373, %dma_wait3A_374] : memref<5248x128xf32, #tpu.memory_space<vmem_shared>> -> memref<5248x128xf32, #tpu.memory_space<vmem_shared>>
        tpu.wait_indirect_dma semaphore(%run_scoped3A : memref<!tpu.dma_semaphore, #tpu.memory_space<semaphore_mem>>) src(%arg7 : memref<128x128xf32, #tpu.memory_space<vmem>>) dst(%dma_wait3A_375 : memref<5248x128xf32, #tpu.memory_space<vmem_shared>>)
        tpu.yield
      }) : () -> ()
      %mul3A_352 = arith.constant 2 : i32
      %mul3A_353 = arith.muli %mul3A_352, %scan3A_176 : i32
      %add3A_354 = arith.constant 2 : i32
      %add3A_355 = arith.addi %mul3A_353, %add3A_354 : i32
      %lt3A_356 = arith.constant 78 : i32
      %lt3A_357 = arith.cmpi slt, %add3A_355, %lt3A_356 : i32
      %convert_element_type3A_358 = arith.extui %lt3A_357 : i1 to i32
      %cond3A_359 = arith.constant 0 : i32
      %cond3A_360 = arith.cmpi ne, %convert_element_type3A_358, %cond3A_359 : i32
      scf.if %cond3A_360 {
        %add3A_370 = arith.constant 32 : i32
        %add3A_371 = arith.addi %add3A_181, %add3A_370 : i32
        %mul3A_372 = arith.constant 128 : i32
        %mul3A_373 = arith.muli %add3A_371, %mul3A_372 : i32
        %multiple_of3A_374 = tpu.assume_multiple %mul3A_373, 8 : i32
        "tpu.region"() ({
          %run_scoped3A = tpu.sem_alloc : memref<!tpu.dma_semaphore, #tpu.memory_space<semaphore_mem>>
          %dma_start3A_534 = tpu.memref_slice %arg2[%multiple_of3A_374] : memref<160000xi32, #tpu.memory_space<hbm>> -> memref<128xi32, #tpu.memory_space<hbm>>
          %dma_start3A_535 = tpu.memref_slice %arg2[%multiple_of3A_374] : memref<160000xi32, #tpu.memory_space<hbm>> -> memref<128xi32, #tpu.memory_space<hbm>>
          tpu.enqueue_dma source(%dma_start3A_535 : memref<128xi32, #tpu.memory_space<hbm>>) target(%arg5 : memref<128xi32, #tpu.memory_space<vmem>>) target_semaphore(%run_scoped3A : memref<!tpu.dma_semaphore, #tpu.memory_space<semaphore_mem>>)
          %dma_wait3A_536 = tpu.memref_slice %arg2[%multiple_of3A_374] : memref<160000xi32, #tpu.memory_space<hbm>> -> memref<128xi32, #tpu.memory_space<hbm>>
          %dma_wait3A_537 = tpu.memref_slice %arg2[%multiple_of3A_374] : memref<160000xi32, #tpu.memory_space<hbm>> -> memref<128xi32, #tpu.memory_space<hbm>>
          tpu.wait_dma2 semaphore(%run_scoped3A : memref<!tpu.dma_semaphore, #tpu.memory_space<semaphore_mem>>) src(%dma_wait3A_537 : memref<128xi32, #tpu.memory_space<hbm>>) dst(%arg5 : memref<128xi32, #tpu.memory_space<vmem>>)
          tpu.yield
        }) : () -> ()
        %mul3A_375 = arith.constant 128 : i32
        %mul3A_376 = arith.muli %add3A_371, %mul3A_375 : i32
        %multiple_of3A_377 = tpu.assume_multiple %mul3A_376, 8 : i32
        %dma_start3A_378 = arith.constant 0 : i32
        %dma_start3A_379 = tpu.memref_slice %arg3[%multiple_of3A_377, %dma_start3A_378] : memref<160000x128xf32, #tpu.memory_space<hbm>> -> memref<128x128xf32, #tpu.memory_space<hbm>>
        %dma_start3A_380 = arith.constant 0 : i32
        %dma_start3A_381 = tpu.memref_slice %arg3[%multiple_of3A_377, %dma_start3A_380] : memref<160000x128xf32, #tpu.memory_space<hbm>> -> memref<128x128xf32, #tpu.memory_space<hbm>>
        tpu.enqueue_dma source(%dma_start3A_381 : memref<128x128xf32, #tpu.memory_space<hbm>>) target(%arg7 : memref<128x128xf32, #tpu.memory_space<vmem>>) target_semaphore(%arg11 : memref<!tpu.dma_semaphore, #tpu.memory_space<semaphore_mem>>)
        %get3A_382 = arith.constant 0 : index
        %get3A_383 = tpu.vector_load %arg5[%get3A_382] {strides = array<i32>} : memref<128xi32, #tpu.memory_space<vmem>>, vector<16xi32>,
        %get3A_384 = vector.shape_cast %get3A_383 : vector<16xi32> to vector<16xi32>
        %sub3A_385 = vector.broadcast %mul3A_0 : i32 to vector<16xi32>
        %sub3A_386 = arith.subi %get3A_384, %sub3A_385 : vector<16xi32>
        %ge3A_387 = arith.constant 0 : i32
        %ge3A_388 = vector.broadcast %ge3A_387 : i32 to vector<16xi32>
        %ge3A_389 = arith.cmpi sge, %sub3A_386, %ge3A_388 : vector<16xi32>
        %lt3A_390 = arith.constant 5120 : i32
        %lt3A_391 = vector.broadcast %lt3A_390 : i32 to vector<16xi32>
        %lt3A_392 = arith.cmpi slt, %sub3A_386, %lt3A_391 : vector<16xi32>
        %and3A_393 = arith.andi %ge3A_389, %lt3A_392 : vector<16xi1>
        %jit3A_394 = arith.constant 5120 : i32
        %broadcast_in_dim3A_395 = vector.broadcast %jit3A_394 : i32 to vector<16xi32>
        %select_n3A_396 = arith.select %and3A_393, %sub3A_386, %broadcast_in_dim3A_395 : vector<16xi1>, vector<16xi32>
        %swap3A_397 = arith.constant 0 : index
        %swap3A_398 = tpu.vector_load %arg5[%swap3A_397] {strides = array<i32>} : memref<128xi32, #tpu.memory_space<vmem>>, vector<16xi32>,
        %swap3A_399 = vector.shape_cast %swap3A_398 : vector<16xi32> to vector<16xi32>
        %swap3A_400 = vector.shape_cast %select_n3A_396 : vector<16xi32> to vector<16xi32>
        tpu.vector_store %arg5[%swap3A_397], %swap3A_400 {strides = array<i32>} : memref<128xi32, #tpu.memory_space<vmem>>, vector<16xi32>,
        %get3A_401 = arith.constant 16 : index
        %get3A_402 = tpu.vector_load %arg5[%get3A_401] {strides = array<i32>} : memref<128xi32, #tpu.memory_space<vmem>>, vector<16xi32>,
        %get3A_403 = vector.shape_cast %get3A_402 : vector<16xi32> to vector<16xi32>
        %sub3A_404 = vector.broadcast %mul3A_0 : i32 to vector<16xi32>
        %sub3A_405 = arith.subi %get3A_403, %sub3A_404 : vector<16xi32>
        %ge3A_406 = arith.constant 0 : i32
        %ge3A_407 = vector.broadcast %ge3A_406 : i32 to vector<16xi32>
        %ge3A_408 = arith.cmpi sge, %sub3A_405, %ge3A_407 : vector<16xi32>
        %lt3A_409 = arith.constant 5120 : i32
        %lt3A_410 = vector.broadcast %lt3A_409 : i32 to vector<16xi32>
        %lt3A_411 = arith.cmpi slt, %sub3A_405, %lt3A_410 : vector<16xi32>
        %and3A_412 = arith.andi %ge3A_408, %lt3A_411 : vector<16xi1>
        %jit3A_413 = arith.constant 5120 : i32
        %broadcast_in_dim3A_414 = vector.broadcast %jit3A_413 : i32 to vector<16xi32>
        %select_n3A_415 = arith.select %and3A_412, %sub3A_405, %broadcast_in_dim3A_414 : vector<16xi1>, vector<16xi32>
        %swap3A_416 = arith.constant 16 : index
        %swap3A_417 = tpu.vector_load %arg5[%swap3A_416] {strides = array<i32>} : memref<128xi32, #tpu.memory_space<vmem>>, vector<16xi32>,
        %swap3A_418 = vector.shape_cast %swap3A_417 : vector<16xi32> to vector<16xi32>
        %swap3A_419 = vector.shape_cast %select_n3A_415 : vector<16xi32> to vector<16xi32>
        tpu.vector_store %arg5[%swap3A_416], %swap3A_419 {strides = array<i32>} : memref<128xi32, #tpu.memory_space<vmem>>, vector<16xi32>,
        %get3A_420 = arith.constant 32 : index
        %get3A_421 = tpu.vector_load %arg5[%get3A_420] {strides = array<i32>} : memref<128xi32, #tpu.memory_space<vmem>>, vector<16xi32>,
        %get3A_422 = vector.shape_cast %get3A_421 : vector<16xi32> to vector<16xi32>
        %sub3A_423 = vector.broadcast %mul3A_0 : i32 to vector<16xi32>
        %sub3A_424 = arith.subi %get3A_422, %sub3A_423 : vector<16xi32>
        %ge3A_425 = arith.constant 0 : i32
        %ge3A_426 = vector.broadcast %ge3A_425 : i32 to vector<16xi32>
        %ge3A_427 = arith.cmpi sge, %sub3A_424, %ge3A_426 : vector<16xi32>
        %lt3A_428 = arith.constant 5120 : i32
        %lt3A_429 = vector.broadcast %lt3A_428 : i32 to vector<16xi32>
        %lt3A_430 = arith.cmpi slt, %sub3A_424, %lt3A_429 : vector<16xi32>
        %and3A_431 = arith.andi %ge3A_427, %lt3A_430 : vector<16xi1>
        %jit3A_432 = arith.constant 5120 : i32
        %broadcast_in_dim3A_433 = vector.broadcast %jit3A_432 : i32 to vector<16xi32>
        %select_n3A_434 = arith.select %and3A_431, %sub3A_424, %broadcast_in_dim3A_433 : vector<16xi1>, vector<16xi32>
        %swap3A_435 = arith.constant 32 : index
        %swap3A_436 = tpu.vector_load %arg5[%swap3A_435] {strides = array<i32>} : memref<128xi32, #tpu.memory_space<vmem>>, vector<16xi32>,
        %swap3A_437 = vector.shape_cast %swap3A_436 : vector<16xi32> to vector<16xi32>
        %swap3A_438 = vector.shape_cast %select_n3A_434 : vector<16xi32> to vector<16xi32>
        tpu.vector_store %arg5[%swap3A_435], %swap3A_438 {strides = array<i32>} : memref<128xi32, #tpu.memory_space<vmem>>, vector<16xi32>,
        %get3A_439 = arith.constant 48 : index
        %get3A_440 = tpu.vector_load %arg5[%get3A_439] {strides = array<i32>} : memref<128xi32, #tpu.memory_space<vmem>>, vector<16xi32>,
        %get3A_441 = vector.shape_cast %get3A_440 : vector<16xi32> to vector<16xi32>
        %sub3A_442 = vector.broadcast %mul3A_0 : i32 to vector<16xi32>
        %sub3A_443 = arith.subi %get3A_441, %sub3A_442 : vector<16xi32>
        %ge3A_444 = arith.constant 0 : i32
        %ge3A_445 = vector.broadcast %ge3A_444 : i32 to vector<16xi32>
        %ge3A_446 = arith.cmpi sge, %sub3A_443, %ge3A_445 : vector<16xi32>
        %lt3A_447 = arith.constant 5120 : i32
        %lt3A_448 = vector.broadcast %lt3A_447 : i32 to vector<16xi32>
        %lt3A_449 = arith.cmpi slt, %sub3A_443, %lt3A_448 : vector<16xi32>
        %and3A_450 = arith.andi %ge3A_446, %lt3A_449 : vector<16xi1>
        %jit3A_451 = arith.constant 5120 : i32
        %broadcast_in_dim3A_452 = vector.broadcast %jit3A_451 : i32 to vector<16xi32>
        %select_n3A_453 = arith.select %and3A_450, %sub3A_443, %broadcast_in_dim3A_452 : vector<16xi1>, vector<16xi32>
        %swap3A_454 = arith.constant 48 : index
        %swap3A_455 = tpu.vector_load %arg5[%swap3A_454] {strides = array<i32>} : memref<128xi32, #tpu.memory_space<vmem>>, vector<16xi32>,
        %swap3A_456 = vector.shape_cast %swap3A_455 : vector<16xi32> to vector<16xi32>
        %swap3A_457 = vector.shape_cast %select_n3A_453 : vector<16xi32> to vector<16xi32>
        tpu.vector_store %arg5[%swap3A_454], %swap3A_457 {strides = array<i32>} : memref<128xi32, #tpu.memory_space<vmem>>, vector<16xi32>,
        %get3A_458 = arith.constant 64 : index
        %get3A_459 = tpu.vector_load %arg5[%get3A_458] {strides = array<i32>} : memref<128xi32, #tpu.memory_space<vmem>>, vector<16xi32>,
        %get3A_460 = vector.shape_cast %get3A_459 : vector<16xi32> to vector<16xi32>
        %sub3A_461 = vector.broadcast %mul3A_0 : i32 to vector<16xi32>
        %sub3A_462 = arith.subi %get3A_460, %sub3A_461 : vector<16xi32>
        %ge3A_463 = arith.constant 0 : i32
        %ge3A_464 = vector.broadcast %ge3A_463 : i32 to vector<16xi32>
        %ge3A_465 = arith.cmpi sge, %sub3A_462, %ge3A_464 : vector<16xi32>
        %lt3A_466 = arith.constant 5120 : i32
        %lt3A_467 = vector.broadcast %lt3A_466 : i32 to vector<16xi32>
        %lt3A_468 = arith.cmpi slt, %sub3A_462, %lt3A_467 : vector<16xi32>
        %and3A_469 = arith.andi %ge3A_465, %lt3A_468 : vector<16xi1>
        %jit3A_470 = arith.constant 5120 : i32
        %broadcast_in_dim3A_471 = vector.broadcast %jit3A_470 : i32 to vector<16xi32>
        %select_n3A_472 = arith.select %and3A_469, %sub3A_462, %broadcast_in_dim3A_471 : vector<16xi1>, vector<16xi32>
        %swap3A_473 = arith.constant 64 : index
        %swap3A_474 = tpu.vector_load %arg5[%swap3A_473] {strides = array<i32>} : memref<128xi32, #tpu.memory_space<vmem>>, vector<16xi32>,
        %swap3A_475 = vector.shape_cast %swap3A_474 : vector<16xi32> to vector<16xi32>
        %swap3A_476 = vector.shape_cast %select_n3A_472 : vector<16xi32> to vector<16xi32>
        tpu.vector_store %arg5[%swap3A_473], %swap3A_476 {strides = array<i32>} : memref<128xi32, #tpu.memory_space<vmem>>, vector<16xi32>,
        %get3A_477 = arith.constant 80 : index
        %get3A_478 = tpu.vector_load %arg5[%get3A_477] {strides = array<i32>} : memref<128xi32, #tpu.memory_space<vmem>>, vector<16xi32>,
        %get3A_479 = vector.shape_cast %get3A_478 : vector<16xi32> to vector<16xi32>
        %sub3A_480 = vector.broadcast %mul3A_0 : i32 to vector<16xi32>
        %sub3A_481 = arith.subi %get3A_479, %sub3A_480 : vector<16xi32>
        %ge3A_482 = arith.constant 0 : i32
        %ge3A_483 = vector.broadcast %ge3A_482 : i32 to vector<16xi32>
        %ge3A_484 = arith.cmpi sge, %sub3A_481, %ge3A_483 : vector<16xi32>
        %lt3A_485 = arith.constant 5120 : i32
        %lt3A_486 = vector.broadcast %lt3A_485 : i32 to vector<16xi32>
        %lt3A_487 = arith.cmpi slt, %sub3A_481, %lt3A_486 : vector<16xi32>
        %and3A_488 = arith.andi %ge3A_484, %lt3A_487 : vector<16xi1>
        %jit3A_489 = arith.constant 5120 : i32
        %broadcast_in_dim3A_490 = vector.broadcast %jit3A_489 : i32 to vector<16xi32>
        %select_n3A_491 = arith.select %and3A_488, %sub3A_481, %broadcast_in_dim3A_490 : vector<16xi1>, vector<16xi32>
        %swap3A_492 = arith.constant 80 : index
        %swap3A_493 = tpu.vector_load %arg5[%swap3A_492] {strides = array<i32>} : memref<128xi32, #tpu.memory_space<vmem>>, vector<16xi32>,
        %swap3A_494 = vector.shape_cast %swap3A_493 : vector<16xi32> to vector<16xi32>
        %swap3A_495 = vector.shape_cast %select_n3A_491 : vector<16xi32> to vector<16xi32>
        tpu.vector_store %arg5[%swap3A_492], %swap3A_495 {strides = array<i32>} : memref<128xi32, #tpu.memory_space<vmem>>, vector<16xi32>,
        %get3A_496 = arith.constant 96 : index
        %get3A_497 = tpu.vector_load %arg5[%get3A_496] {strides = array<i32>} : memref<128xi32, #tpu.memory_space<vmem>>, vector<16xi32>,
        %get3A_498 = vector.shape_cast %get3A_497 : vector<16xi32> to vector<16xi32>
        %sub3A_499 = vector.broadcast %mul3A_0 : i32 to vector<16xi32>
        %sub3A_500 = arith.subi %get3A_498, %sub3A_499 : vector<16xi32>
        %ge3A_501 = arith.constant 0 : i32
        %ge3A_502 = vector.broadcast %ge3A_501 : i32 to vector<16xi32>
        %ge3A_503 = arith.cmpi sge, %sub3A_500, %ge3A_502 : vector<16xi32>
        %lt3A_504 = arith.constant 5120 : i32
        %lt3A_505 = vector.broadcast %lt3A_504 : i32 to vector<16xi32>
        %lt3A_506 = arith.cmpi slt, %sub3A_500, %lt3A_505 : vector<16xi32>
        %and3A_507 = arith.andi %ge3A_503, %lt3A_506 : vector<16xi1>
        %jit3A_508 = arith.constant 5120 : i32
        %broadcast_in_dim3A_509 = vector.broadcast %jit3A_508 : i32 to vector<16xi32>
        %select_n3A_510 = arith.select %and3A_507, %sub3A_500, %broadcast_in_dim3A_509 : vector<16xi1>, vector<16xi32>
        %swap3A_511 = arith.constant 96 : index
        %swap3A_512 = tpu.vector_load %arg5[%swap3A_511] {strides = array<i32>} : memref<128xi32, #tpu.memory_space<vmem>>, vector<16xi32>,
        %swap3A_513 = vector.shape_cast %swap3A_512 : vector<16xi32> to vector<16xi32>
        %swap3A_514 = vector.shape_cast %select_n3A_510 : vector<16xi32> to vector<16xi32>
        tpu.vector_store %arg5[%swap3A_511], %swap3A_514 {strides = array<i32>} : memref<128xi32, #tpu.memory_space<vmem>>, vector<16xi32>,
        %get3A_515 = arith.constant 112 : index
        %get3A_516 = tpu.vector_load %arg5[%get3A_515] {strides = array<i32>} : memref<128xi32, #tpu.memory_space<vmem>>, vector<16xi32>,
        %get3A_517 = vector.shape_cast %get3A_516 : vector<16xi32> to vector<16xi32>
        %sub3A_518 = vector.broadcast %mul3A_0 : i32 to vector<16xi32>
        %sub3A_519 = arith.subi %get3A_517, %sub3A_518 : vector<16xi32>
        %ge3A_520 = arith.constant 0 : i32
        %ge3A_521 = vector.broadcast %ge3A_520 : i32 to vector<16xi32>
        %ge3A_522 = arith.cmpi sge, %sub3A_519, %ge3A_521 : vector<16xi32>
        %lt3A_523 = arith.constant 5120 : i32
        %lt3A_524 = vector.broadcast %lt3A_523 : i32 to vector<16xi32>
        %lt3A_525 = arith.cmpi slt, %sub3A_519, %lt3A_524 : vector<16xi32>
        %and3A_526 = arith.andi %ge3A_522, %lt3A_525 : vector<16xi1>
        %jit3A_527 = arith.constant 5120 : i32
        %broadcast_in_dim3A_528 = vector.broadcast %jit3A_527 : i32 to vector<16xi32>
        %select_n3A_529 = arith.select %and3A_526, %sub3A_519, %broadcast_in_dim3A_528 : vector<16xi1>, vector<16xi32>
        %swap3A_530 = arith.constant 112 : index
        %swap3A_531 = tpu.vector_load %arg5[%swap3A_530] {strides = array<i32>} : memref<128xi32, #tpu.memory_space<vmem>>, vector<16xi32>,
        %swap3A_532 = vector.shape_cast %swap3A_531 : vector<16xi32> to vector<16xi32>
        %swap3A_533 = vector.shape_cast %select_n3A_529 : vector<16xi32> to vector<16xi32>
        tpu.vector_store %arg5[%swap3A_530], %swap3A_533 {strides = array<i32>} : memref<128xi32, #tpu.memory_space<vmem>>, vector<16xi32>,
      } else {
      }
      %add3A_361 = arith.constant 16 : i32
      %add3A_362 = arith.addi %add3A_181, %add3A_361 : i32
      %mul3A_363 = arith.constant 128 : i32
      %mul3A_364 = arith.muli %add3A_362, %mul3A_363 : i32
      %multiple_of3A_365 = tpu.assume_multiple %mul3A_364, 8 : i32
      %dma_wait3A_366 = arith.constant 0 : i32
      %dma_wait3A_367 = tpu.memref_slice %arg3[%multiple_of3A_365, %dma_wait3A_366] : memref<160000x128xf32, #tpu.memory_space<hbm>> -> memref<128x128xf32, #tpu.memory_space<hbm>>
      %dma_wait3A_368 = arith.constant 0 : i32
      %dma_wait3A_369 = tpu.memref_slice %arg3[%multiple_of3A_365, %dma_wait3A_368] : memref<160000x128xf32, #tpu.memory_space<hbm>> -> memref<128x128xf32, #tpu.memory_space<hbm>>
      tpu.wait_dma2 semaphore(%arg12 : memref<!tpu.dma_semaphore, #tpu.memory_space<semaphore_mem>>) src(%dma_wait3A_369 : memref<128x128xf32, #tpu.memory_space<hbm>>) dst(%arg8 : memref<128x128xf32, #tpu.memory_space<vmem>>)
      "tpu.region"() ({
        %run_scoped3A = tpu.sem_alloc : memref<!tpu.dma_semaphore, #tpu.memory_space<semaphore_mem>>
        %dma_start3A_370 = arith.constant 0 : i32
        %dma_start3A_371 = arith.constant 0 : i32
        %dma_start3A_372 = tpu.memref_slice %arg10[%dma_start3A_370, %dma_start3A_371] : memref<5248x128xf32, #tpu.memory_space<vmem_shared>> -> memref<5248x128xf32, #tpu.memory_space<vmem_shared>>
        tpu.enqueue_indirect_dma source(%arg8 : memref<128x128xf32, #tpu.memory_space<vmem>>) target(%dma_start3A_372 : memref<5248x128xf32, #tpu.memory_space<vmem_shared>>) offsets(%arg6 : memref<128xi32, #tpu.memory_space<vmem>>) semaphore(%run_scoped3A : memref<!tpu.dma_semaphore, #tpu.memory_space<semaphore_mem>>) {add = true}
        %dma_wait3A_373 = arith.constant 0 : i32
        %dma_wait3A_374 = arith.constant 0 : i32
        %dma_wait3A_375 = tpu.memref_slice %arg10[%dma_wait3A_373, %dma_wait3A_374] : memref<5248x128xf32, #tpu.memory_space<vmem_shared>> -> memref<5248x128xf32, #tpu.memory_space<vmem_shared>>
        tpu.wait_indirect_dma semaphore(%run_scoped3A : memref<!tpu.dma_semaphore, #tpu.memory_space<semaphore_mem>>) src(%arg8 : memref<128x128xf32, #tpu.memory_space<vmem>>) dst(%dma_wait3A_375 : memref<5248x128xf32, #tpu.memory_space<vmem_shared>>)
        tpu.yield
      }) : () -> ()
    }
    %scan3A_164 = arith.constant 39 : i32
    %lt3A_165 = arith.constant 2 : i32
    %lt3A_166 = arith.cmpi slt, %arg1, %lt3A_165 : i32
    %convert_element_type3A = arith.extui %lt3A_166 : i1 to i32
    %cond3A = arith.constant 0 : i32
    %cond3A_167 = arith.cmpi ne, %convert_element_type3A, %cond3A : i32
    scf.if %cond3A_167 {
      %add3A_176 = arith.constant 1248 : i32
      %add3A_177 = arith.addi %add3A_176, %arg1 : i32
      %mul3A_178 = arith.constant 128 : i32
      %mul3A_179 = arith.muli %add3A_177, %mul3A_178 : i32
      %multiple_of3A_180 = tpu.assume_multiple %mul3A_179, 8 : i32
      "tpu.region"() ({
        %run_scoped3A = tpu.sem_alloc : memref<!tpu.dma_semaphore, #tpu.memory_space<semaphore_mem>>
        %dma_start3A_346 = tpu.memref_slice %arg2[%multiple_of3A_180] : memref<160000xi32, #tpu.memory_space<hbm>> -> memref<128xi32, #tpu.memory_space<hbm>>
        %dma_start3A_347 = tpu.memref_slice %arg2[%multiple_of3A_180] : memref<160000xi32, #tpu.memory_space<hbm>> -> memref<128xi32, #tpu.memory_space<hbm>>
        tpu.enqueue_dma source(%dma_start3A_347 : memref<128xi32, #tpu.memory_space<hbm>>) target(%arg5 : memref<128xi32, #tpu.memory_space<vmem>>) target_semaphore(%run_scoped3A : memref<!tpu.dma_semaphore, #tpu.memory_space<semaphore_mem>>)
        %dma_wait3A_348 = tpu.memref_slice %arg2[%multiple_of3A_180] : memref<160000xi32, #tpu.memory_space<hbm>> -> memref<128xi32, #tpu.memory_space<hbm>>
        %dma_wait3A_349 = tpu.memref_slice %arg2[%multiple_of3A_180] : memref<160000xi32, #tpu.memory_space<hbm>> -> memref<128xi32, #tpu.memory_space<hbm>>
        tpu.wait_dma2 semaphore(%run_scoped3A : memref<!tpu.dma_semaphore, #tpu.memory_space<semaphore_mem>>) src(%dma_wait3A_349 : memref<128xi32, #tpu.memory_space<hbm>>) dst(%arg5 : memref<128xi32, #tpu.memory_space<vmem>>)
        tpu.yield
      }) : () -> ()
      %mul3A_181 = arith.constant 128 : i32
      %mul3A_182 = arith.muli %add3A_177, %mul3A_181 : i32
      %multiple_of3A_183 = tpu.assume_multiple %mul3A_182, 8 : i32
      %dma_start3A_184 = arith.constant 0 : i32
      %dma_start3A_185 = tpu.memref_slice %arg3[%multiple_of3A_183, %dma_start3A_184] : memref<160000x128xf32, #tpu.memory_space<hbm>> -> memref<128x128xf32, #tpu.memory_space<hbm>>
      %dma_start3A_186 = arith.constant 0 : i32
      %dma_start3A_187 = tpu.memref_slice %arg3[%multiple_of3A_183, %dma_start3A_186] : memref<160000x128xf32, #tpu.memory_space<hbm>> -> memref<128x128xf32, #tpu.memory_space<hbm>>
      tpu.enqueue_dma source(%dma_start3A_187 : memref<128x128xf32, #tpu.memory_space<hbm>>) target(%arg7 : memref<128x128xf32, #tpu.memory_space<vmem>>) target_semaphore(%arg11 : memref<!tpu.dma_semaphore, #tpu.memory_space<semaphore_mem>>)
      %get3A_188 = arith.constant 0 : index
      %get3A_189 = tpu.vector_load %arg5[%get3A_188] {strides = array<i32>} : memref<128xi32, #tpu.memory_space<vmem>>, vector<16xi32>,
      %get3A_190 = vector.shape_cast %get3A_189 : vector<16xi32> to vector<16xi32>
      %sub3A_191 = vector.broadcast %mul3A_0 : i32 to vector<16xi32>
      %sub3A_192 = arith.subi %get3A_190, %sub3A_191 : vector<16xi32>
      %ge3A_193 = arith.constant 0 : i32
      %ge3A_194 = vector.broadcast %ge3A_193 : i32 to vector<16xi32>
      %ge3A_195 = arith.cmpi sge, %sub3A_192, %ge3A_194 : vector<16xi32>
      %lt3A_196 = arith.constant 5120 : i32
      %lt3A_197 = vector.broadcast %lt3A_196 : i32 to vector<16xi32>
      %lt3A_198 = arith.cmpi slt, %sub3A_192, %lt3A_197 : vector<16xi32>
      %and3A_199 = arith.andi %ge3A_195, %lt3A_198 : vector<16xi1>
      %jit3A_200 = arith.constant 5120 : i32
      %broadcast_in_dim3A_201 = vector.broadcast %jit3A_200 : i32 to vector<16xi32>
      %select_n3A_202 = arith.select %and3A_199, %sub3A_192, %broadcast_in_dim3A_201 : vector<16xi1>, vector<16xi32>
      %swap3A_203 = arith.constant 0 : index
      %swap3A_204 = tpu.vector_load %arg5[%swap3A_203] {strides = array<i32>} : memref<128xi32, #tpu.memory_space<vmem>>, vector<16xi32>,
      %swap3A_205 = vector.shape_cast %swap3A_204 : vector<16xi32> to vector<16xi32>
      %swap3A_206 = vector.shape_cast %select_n3A_202 : vector<16xi32> to vector<16xi32>
      tpu.vector_store %arg5[%swap3A_203], %swap3A_206 {strides = array<i32>} : memref<128xi32, #tpu.memory_space<vmem>>, vector<16xi32>,
      %get3A_207 = arith.constant 16 : index
      %get3A_208 = tpu.vector_load %arg5[%get3A_207] {strides = array<i32>} : memref<128xi32, #tpu.memory_space<vmem>>, vector<16xi32>,
      %get3A_209 = vector.shape_cast %get3A_208 : vector<16xi32> to vector<16xi32>
      %sub3A_210 = vector.broadcast %mul3A_0 : i32 to vector<16xi32>
      %sub3A_211 = arith.subi %get3A_209, %sub3A_210 : vector<16xi32>
      %ge3A_212 = arith.constant 0 : i32
      %ge3A_213 = vector.broadcast %ge3A_212 : i32 to vector<16xi32>
      %ge3A_214 = arith.cmpi sge, %sub3A_211, %ge3A_213 : vector<16xi32>
      %lt3A_215 = arith.constant 5120 : i32
      %lt3A_216 = vector.broadcast %lt3A_215 : i32 to vector<16xi32>
      %lt3A_217 = arith.cmpi slt, %sub3A_211, %lt3A_216 : vector<16xi32>
      %and3A_218 = arith.andi %ge3A_214, %lt3A_217 : vector<16xi1>
      %jit3A_219 = arith.constant 5120 : i32
      %broadcast_in_dim3A_220 = vector.broadcast %jit3A_219 : i32 to vector<16xi32>
      %select_n3A_221 = arith.select %and3A_218, %sub3A_211, %broadcast_in_dim3A_220 : vector<16xi1>, vector<16xi32>
      %swap3A_222 = arith.constant 16 : index
      %swap3A_223 = tpu.vector_load %arg5[%swap3A_222] {strides = array<i32>} : memref<128xi32, #tpu.memory_space<vmem>>, vector<16xi32>,
      %swap3A_224 = vector.shape_cast %swap3A_223 : vector<16xi32> to vector<16xi32>
      %swap3A_225 = vector.shape_cast %select_n3A_221 : vector<16xi32> to vector<16xi32>
      tpu.vector_store %arg5[%swap3A_222], %swap3A_225 {strides = array<i32>} : memref<128xi32, #tpu.memory_space<vmem>>, vector<16xi32>,
      %get3A_226 = arith.constant 32 : index
      %get3A_227 = tpu.vector_load %arg5[%get3A_226] {strides = array<i32>} : memref<128xi32, #tpu.memory_space<vmem>>, vector<16xi32>,
      %get3A_228 = vector.shape_cast %get3A_227 : vector<16xi32> to vector<16xi32>
      %sub3A_229 = vector.broadcast %mul3A_0 : i32 to vector<16xi32>
      %sub3A_230 = arith.subi %get3A_228, %sub3A_229 : vector<16xi32>
      %ge3A_231 = arith.constant 0 : i32
      %ge3A_232 = vector.broadcast %ge3A_231 : i32 to vector<16xi32>
      %ge3A_233 = arith.cmpi sge, %sub3A_230, %ge3A_232 : vector<16xi32>
      %lt3A_234 = arith.constant 5120 : i32
      %lt3A_235 = vector.broadcast %lt3A_234 : i32 to vector<16xi32>
      %lt3A_236 = arith.cmpi slt, %sub3A_230, %lt3A_235 : vector<16xi32>
      %and3A_237 = arith.andi %ge3A_233, %lt3A_236 : vector<16xi1>
      %jit3A_238 = arith.constant 5120 : i32
      %broadcast_in_dim3A_239 = vector.broadcast %jit3A_238 : i32 to vector<16xi32>
      %select_n3A_240 = arith.select %and3A_237, %sub3A_230, %broadcast_in_dim3A_239 : vector<16xi1>, vector<16xi32>
      %swap3A_241 = arith.constant 32 : index
      %swap3A_242 = tpu.vector_load %arg5[%swap3A_241] {strides = array<i32>} : memref<128xi32, #tpu.memory_space<vmem>>, vector<16xi32>,
      %swap3A_243 = vector.shape_cast %swap3A_242 : vector<16xi32> to vector<16xi32>
      %swap3A_244 = vector.shape_cast %select_n3A_240 : vector<16xi32> to vector<16xi32>
      tpu.vector_store %arg5[%swap3A_241], %swap3A_244 {strides = array<i32>} : memref<128xi32, #tpu.memory_space<vmem>>, vector<16xi32>,
      %get3A_245 = arith.constant 48 : index
      %get3A_246 = tpu.vector_load %arg5[%get3A_245] {strides = array<i32>} : memref<128xi32, #tpu.memory_space<vmem>>, vector<16xi32>,
      %get3A_247 = vector.shape_cast %get3A_246 : vector<16xi32> to vector<16xi32>
      %sub3A_248 = vector.broadcast %mul3A_0 : i32 to vector<16xi32>
      %sub3A_249 = arith.subi %get3A_247, %sub3A_248 : vector<16xi32>
      %ge3A_250 = arith.constant 0 : i32
      %ge3A_251 = vector.broadcast %ge3A_250 : i32 to vector<16xi32>
      %ge3A_252 = arith.cmpi sge, %sub3A_249, %ge3A_251 : vector<16xi32>
      %lt3A_253 = arith.constant 5120 : i32
      %lt3A_254 = vector.broadcast %lt3A_253 : i32 to vector<16xi32>
      %lt3A_255 = arith.cmpi slt, %sub3A_249, %lt3A_254 : vector<16xi32>
      %and3A_256 = arith.andi %ge3A_252, %lt3A_255 : vector<16xi1>
      %jit3A_257 = arith.constant 5120 : i32
      %broadcast_in_dim3A_258 = vector.broadcast %jit3A_257 : i32 to vector<16xi32>
      %select_n3A_259 = arith.select %and3A_256, %sub3A_249, %broadcast_in_dim3A_258 : vector<16xi1>, vector<16xi32>
      %swap3A_260 = arith.constant 48 : index
      %swap3A_261 = tpu.vector_load %arg5[%swap3A_260] {strides = array<i32>} : memref<128xi32, #tpu.memory_space<vmem>>, vector<16xi32>,
      %swap3A_262 = vector.shape_cast %swap3A_261 : vector<16xi32> to vector<16xi32>
      %swap3A_263 = vector.shape_cast %select_n3A_259 : vector<16xi32> to vector<16xi32>
      tpu.vector_store %arg5[%swap3A_260], %swap3A_263 {strides = array<i32>} : memref<128xi32, #tpu.memory_space<vmem>>, vector<16xi32>,
      %get3A_264 = arith.constant 64 : index
      %get3A_265 = tpu.vector_load %arg5[%get3A_264] {strides = array<i32>} : memref<128xi32, #tpu.memory_space<vmem>>, vector<16xi32>,
      %get3A_266 = vector.shape_cast %get3A_265 : vector<16xi32> to vector<16xi32>
      %sub3A_267 = vector.broadcast %mul3A_0 : i32 to vector<16xi32>
      %sub3A_268 = arith.subi %get3A_266, %sub3A_267 : vector<16xi32>
      %ge3A_269 = arith.constant 0 : i32
      %ge3A_270 = vector.broadcast %ge3A_269 : i32 to vector<16xi32>
      %ge3A_271 = arith.cmpi sge, %sub3A_268, %ge3A_270 : vector<16xi32>
      %lt3A_272 = arith.constant 5120 : i32
      %lt3A_273 = vector.broadcast %lt3A_272 : i32 to vector<16xi32>
      %lt3A_274 = arith.cmpi slt, %sub3A_268, %lt3A_273 : vector<16xi32>
      %and3A_275 = arith.andi %ge3A_271, %lt3A_274 : vector<16xi1>
      %jit3A_276 = arith.constant 5120 : i32
      %broadcast_in_dim3A_277 = vector.broadcast %jit3A_276 : i32 to vector<16xi32>
      %select_n3A_278 = arith.select %and3A_275, %sub3A_268, %broadcast_in_dim3A_277 : vector<16xi1>, vector<16xi32>
      %swap3A_279 = arith.constant 64 : index
      %swap3A_280 = tpu.vector_load %arg5[%swap3A_279] {strides = array<i32>} : memref<128xi32, #tpu.memory_space<vmem>>, vector<16xi32>,
      %swap3A_281 = vector.shape_cast %swap3A_280 : vector<16xi32> to vector<16xi32>
      %swap3A_282 = vector.shape_cast %select_n3A_278 : vector<16xi32> to vector<16xi32>
      tpu.vector_store %arg5[%swap3A_279], %swap3A_282 {strides = array<i32>} : memref<128xi32, #tpu.memory_space<vmem>>, vector<16xi32>,
      %get3A_283 = arith.constant 80 : index
      %get3A_284 = tpu.vector_load %arg5[%get3A_283] {strides = array<i32>} : memref<128xi32, #tpu.memory_space<vmem>>, vector<16xi32>,
      %get3A_285 = vector.shape_cast %get3A_284 : vector<16xi32> to vector<16xi32>
      %sub3A_286 = vector.broadcast %mul3A_0 : i32 to vector<16xi32>
      %sub3A_287 = arith.subi %get3A_285, %sub3A_286 : vector<16xi32>
      %ge3A_288 = arith.constant 0 : i32
      %ge3A_289 = vector.broadcast %ge3A_288 : i32 to vector<16xi32>
      %ge3A_290 = arith.cmpi sge, %sub3A_287, %ge3A_289 : vector<16xi32>
      %lt3A_291 = arith.constant 5120 : i32
      %lt3A_292 = vector.broadcast %lt3A_291 : i32 to vector<16xi32>
      %lt3A_293 = arith.cmpi slt, %sub3A_287, %lt3A_292 : vector<16xi32>
      %and3A_294 = arith.andi %ge3A_290, %lt3A_293 : vector<16xi1>
      %jit3A_295 = arith.constant 5120 : i32
      %broadcast_in_dim3A_296 = vector.broadcast %jit3A_295 : i32 to vector<16xi32>
      %select_n3A_297 = arith.select %and3A_294, %sub3A_287, %broadcast_in_dim3A_296 : vector<16xi1>, vector<16xi32>
      %swap3A_298 = arith.constant 80 : index
      %swap3A_299 = tpu.vector_load %arg5[%swap3A_298] {strides = array<i32>} : memref<128xi32, #tpu.memory_space<vmem>>, vector<16xi32>,
      %swap3A_300 = vector.shape_cast %swap3A_299 : vector<16xi32> to vector<16xi32>
      %swap3A_301 = vector.shape_cast %select_n3A_297 : vector<16xi32> to vector<16xi32>
      tpu.vector_store %arg5[%swap3A_298], %swap3A_301 {strides = array<i32>} : memref<128xi32, #tpu.memory_space<vmem>>, vector<16xi32>,
      %get3A_302 = arith.constant 96 : index
      %get3A_303 = tpu.vector_load %arg5[%get3A_302] {strides = array<i32>} : memref<128xi32, #tpu.memory_space<vmem>>, vector<16xi32>,
      %get3A_304 = vector.shape_cast %get3A_303 : vector<16xi32> to vector<16xi32>
      %sub3A_305 = vector.broadcast %mul3A_0 : i32 to vector<16xi32>
      %sub3A_306 = arith.subi %get3A_304, %sub3A_305 : vector<16xi32>
      %ge3A_307 = arith.constant 0 : i32
      %ge3A_308 = vector.broadcast %ge3A_307 : i32 to vector<16xi32>
      %ge3A_309 = arith.cmpi sge, %sub3A_306, %ge3A_308 : vector<16xi32>
      %lt3A_310 = arith.constant 5120 : i32
      %lt3A_311 = vector.broadcast %lt3A_310 : i32 to vector<16xi32>
      %lt3A_312 = arith.cmpi slt, %sub3A_306, %lt3A_311 : vector<16xi32>
      %and3A_313 = arith.andi %ge3A_309, %lt3A_312 : vector<16xi1>
      %jit3A_314 = arith.constant 5120 : i32
      %broadcast_in_dim3A_315 = vector.broadcast %jit3A_314 : i32 to vector<16xi32>
      %select_n3A_316 = arith.select %and3A_313, %sub3A_306, %broadcast_in_dim3A_315 : vector<16xi1>, vector<16xi32>
      %swap3A_317 = arith.constant 96 : index
      %swap3A_318 = tpu.vector_load %arg5[%swap3A_317] {strides = array<i32>} : memref<128xi32, #tpu.memory_space<vmem>>, vector<16xi32>,
      %swap3A_319 = vector.shape_cast %swap3A_318 : vector<16xi32> to vector<16xi32>
      %swap3A_320 = vector.shape_cast %select_n3A_316 : vector<16xi32> to vector<16xi32>
      tpu.vector_store %arg5[%swap3A_317], %swap3A_320 {strides = array<i32>} : memref<128xi32, #tpu.memory_space<vmem>>, vector<16xi32>,
      %get3A_321 = arith.constant 112 : index
      %get3A_322 = tpu.vector_load %arg5[%get3A_321] {strides = array<i32>} : memref<128xi32, #tpu.memory_space<vmem>>, vector<16xi32>,
      %get3A_323 = vector.shape_cast %get3A_322 : vector<16xi32> to vector<16xi32>
      %sub3A_324 = vector.broadcast %mul3A_0 : i32 to vector<16xi32>
      %sub3A_325 = arith.subi %get3A_323, %sub3A_324 : vector<16xi32>
      %ge3A_326 = arith.constant 0 : i32
      %ge3A_327 = vector.broadcast %ge3A_326 : i32 to vector<16xi32>
      %ge3A_328 = arith.cmpi sge, %sub3A_325, %ge3A_327 : vector<16xi32>
      %lt3A_329 = arith.constant 5120 : i32
      %lt3A_330 = vector.broadcast %lt3A_329 : i32 to vector<16xi32>
      %lt3A_331 = arith.cmpi slt, %sub3A_325, %lt3A_330 : vector<16xi32>
      %and3A_332 = arith.andi %ge3A_328, %lt3A_331 : vector<16xi1>
      %jit3A_333 = arith.constant 5120 : i32
      %broadcast_in_dim3A_334 = vector.broadcast %jit3A_333 : i32 to vector<16xi32>
      %select_n3A_335 = arith.select %and3A_332, %sub3A_325, %broadcast_in_dim3A_334 : vector<16xi1>, vector<16xi32>
      %swap3A_336 = arith.constant 112 : index
      %swap3A_337 = tpu.vector_load %arg5[%swap3A_336] {strides = array<i32>} : memref<128xi32, #tpu.memory_space<vmem>>, vector<16xi32>,
      %swap3A_338 = vector.shape_cast %swap3A_337 : vector<16xi32> to vector<16xi32>
      %swap3A_339 = vector.shape_cast %select_n3A_335 : vector<16xi32> to vector<16xi32>
      tpu.vector_store %arg5[%swap3A_336], %swap3A_339 {strides = array<i32>} : memref<128xi32, #tpu.memory_space<vmem>>, vector<16xi32>,
      %mul3A_340 = arith.constant 128 : i32
      %mul3A_341 = arith.muli %add3A_177, %mul3A_340 : i32
      %multiple_of3A_342 = tpu.assume_multiple %mul3A_341, 8 : i32
      %dma_wait3A = arith.constant 0 : i32
      %dma_wait3A_343 = tpu.memref_slice %arg3[%multiple_of3A_342, %dma_wait3A] : memref<160000x128xf32, #tpu.memory_space<hbm>> -> memref<128x128xf32, #tpu.memory_space<hbm>>
      %dma_wait3A_344 = arith.constant 0 : i32
      %dma_wait3A_345 = tpu.memref_slice %arg3[%multiple_of3A_342, %dma_wait3A_344] : memref<160000x128xf32, #tpu.memory_space<hbm>> -> memref<128x128xf32, #tpu.memory_space<hbm>>
      tpu.wait_dma2 semaphore(%arg11 : memref<!tpu.dma_semaphore, #tpu.memory_space<semaphore_mem>>) src(%dma_wait3A_345 : memref<128x128xf32, #tpu.memory_space<hbm>>) dst(%arg7 : memref<128x128xf32, #tpu.memory_space<vmem>>)
      "tpu.region"() ({
        %run_scoped3A = tpu.sem_alloc : memref<!tpu.dma_semaphore, #tpu.memory_space<semaphore_mem>>
        %dma_start3A_346 = arith.constant 0 : i32
        %dma_start3A_347 = arith.constant 0 : i32
        %dma_start3A_348 = tpu.memref_slice %arg10[%dma_start3A_346, %dma_start3A_347] : memref<5248x128xf32, #tpu.memory_space<vmem_shared>> -> memref<5248x128xf32, #tpu.memory_space<vmem_shared>>
        tpu.enqueue_indirect_dma source(%arg7 : memref<128x128xf32, #tpu.memory_space<vmem>>) target(%dma_start3A_348 : memref<5248x128xf32, #tpu.memory_space<vmem_shared>>) offsets(%arg5 : memref<128xi32, #tpu.memory_space<vmem>>) semaphore(%run_scoped3A : memref<!tpu.dma_semaphore, #tpu.memory_space<semaphore_mem>>) {add = true}
        %dma_wait3A_349 = arith.constant 0 : i32
        %dma_wait3A_350 = arith.constant 0 : i32
        %dma_wait3A_351 = tpu.memref_slice %arg10[%dma_wait3A_349, %dma_wait3A_350] : memref<5248x128xf32, #tpu.memory_space<vmem_shared>> -> memref<5248x128xf32, #tpu.memory_space<vmem_shared>>
        tpu.wait_indirect_dma semaphore(%run_scoped3A : memref<!tpu.dma_semaphore, #tpu.memory_space<semaphore_mem>>) src(%arg7 : memref<128x128xf32, #tpu.memory_space<vmem>>) dst(%dma_wait3A_351 : memref<5248x128xf32, #tpu.memory_space<vmem_shared>>)
        tpu.yield
      }) : () -> ()
    } else {
    }
    %barrier3A_168 = arith.constant 0 : index
    tpu.barrier barrier_id(%barrier3A_168)
    %mul3A_169 = arith.constant 328 : i32
    %mul3A_170 = arith.muli %arg1, %mul3A_169 : i32
    "tpu.region"() ({
      %run_scoped3A = tpu.sem_alloc : memref<!tpu.dma_semaphore, #tpu.memory_space<semaphore_mem>>
      %dma_start3A_176 = arith.constant 0 : i32
      %dma_start3A_177 = tpu.memref_slice %arg10[%mul3A_170, %dma_start3A_176] : memref<5248x128xf32, #tpu.memory_space<vmem_shared>> -> memref<328x128xf32, #tpu.memory_space<vmem_shared>>
      %dma_start3A_178 = arith.constant 0 : i32
      %dma_start3A_179 = tpu.memref_slice %arg10[%mul3A_170, %dma_start3A_178] : memref<5248x128xf32, #tpu.memory_space<vmem_shared>> -> memref<328x128xf32, #tpu.memory_space<vmem_shared>>
      tpu.enqueue_dma source(%dma_start3A_179 : memref<328x128xf32, #tpu.memory_space<vmem_shared>>) target(%arg9 : memref<328x128xf32, #tpu.memory_space<vmem>>) target_semaphore(%run_scoped3A : memref<!tpu.dma_semaphore, #tpu.memory_space<semaphore_mem>>)
      %dma_wait3A = arith.constant 0 : i32
      %dma_wait3A_180 = tpu.memref_slice %arg10[%mul3A_170, %dma_wait3A] : memref<5248x128xf32, #tpu.memory_space<vmem_shared>> -> memref<328x128xf32, #tpu.memory_space<vmem_shared>>
      %dma_wait3A_181 = arith.constant 0 : i32
      %dma_wait3A_182 = tpu.memref_slice %arg10[%mul3A_170, %dma_wait3A_181] : memref<5248x128xf32, #tpu.memory_space<vmem_shared>> -> memref<328x128xf32, #tpu.memory_space<vmem_shared>>
      tpu.wait_dma2 semaphore(%run_scoped3A : memref<!tpu.dma_semaphore, #tpu.memory_space<semaphore_mem>>) src(%dma_wait3A_182 : memref<328x128xf32, #tpu.memory_space<vmem_shared>>) dst(%arg9 : memref<328x128xf32, #tpu.memory_space<vmem>>)
      tpu.yield
    }) : () -> ()
    %mul3A_171 = arith.constant 5248 : i32
    %mul3A_172 = arith.muli %arg0, %mul3A_171 : i32
    %mul3A_173 = arith.constant 328 : i32
    %mul3A_174 = arith.muli %arg1, %mul3A_173 : i32
    %add3A = arith.addi %mul3A_172, %mul3A_174 : i32
    %multiple_of3A_175 = tpu.assume_multiple %add3A, 8 : i32
    "tpu.region"() ({
      %run_scoped3A = tpu.sem_alloc : memref<!tpu.dma_semaphore, #tpu.memory_space<semaphore_mem>>
      %dma_start3A_176 = arith.constant 0 : i32
      %dma_start3A_177 = tpu.memref_slice %arg4[%multiple_of3A_175, %dma_start3A_176] : memref<10496x128xf32, #tpu.memory_space<hbm>> -> memref<328x128xf32, #tpu.memory_space<hbm>>
      %dma_start3A_178 = arith.constant 0 : i32
      %dma_start3A_179 = tpu.memref_slice %arg4[%multiple_of3A_175, %dma_start3A_178] : memref<10496x128xf32, #tpu.memory_space<hbm>> -> memref<328x128xf32, #tpu.memory_space<hbm>>
      tpu.enqueue_dma source(%arg9 : memref<328x128xf32, #tpu.memory_space<vmem>>) target(%dma_start3A_179 : memref<328x128xf32, #tpu.memory_space<hbm>>) target_semaphore(%run_scoped3A : memref<!tpu.dma_semaphore, #tpu.memory_space<semaphore_mem>>)
      %dma_wait3A = arith.constant 0 : i32
      %dma_wait3A_180 = tpu.memref_slice %arg4[%multiple_of3A_175, %dma_wait3A] : memref<10496x128xf32, #tpu.memory_space<hbm>> -> memref<328x128xf32, #tpu.memory_space<hbm>>
      %dma_wait3A_181 = arith.constant 0 : i32
      %dma_wait3A_182 = tpu.memref_slice %arg4[%multiple_of3A_175, %dma_wait3A_181] : memref<10496x128xf32, #tpu.memory_space<hbm>> -> memref<328x128xf32, #tpu.memory_space<hbm>>
      tpu.wait_dma2 semaphore(%run_scoped3A : memref<!tpu.dma_semaphore, #tpu.memory_space<semaphore_mem>>) src(%arg9 : memref<328x128xf32, #tpu.memory_space<vmem>>) dst(%dma_wait3A_182 : memref<328x128xf32, #tpu.memory_space<hbm>>)
      tpu.yield
    }) : () -> ()
    return
  }
}

#map = affine_map<(d0, d1) -> (0)>
#map1 = affine_map<(d0, d1) -> (0, 0)>
module attributes {stable_mosaic.version = 14 : i64} {
  func.func @g(%arg0: i32, %arg1: i32, %arg2: memref<160000xi32, #tpu.memory_space<hbm>>, %arg3: memref<10000x128xf32, #tpu.memory_space<hbm>>, %arg4: memref<160000x128xf32, #tpu.memory_space<hbm>>, %arg5: memref<128xi32, #tpu.memory_space<vmem>>, %arg6: memref<128xi32, #tpu.memory_space<vmem>>, %arg7: memref<128x128xf32, #tpu.memory_space<vmem>>, %arg8: memref<128x128xf32, #tpu.memory_space<vmem>>, %arg9: memref<!tpu.dma_semaphore, #tpu.memory_space<semaphore_mem>>, %arg10: memref<!tpu.dma_semaphore, #tpu.memory_space<semaphore_mem>>) attributes {dimension_semantics = [#tpu.dimension_semantics<core_parallel>, #tpu.dimension_semantics<subcore_parallel>], iteration_bounds = array<i64: 2, 16>, scalar_prefetch = 0 : i64, scratch_operands = 6 : i64, tpu.core_type = #tpu.core_type<sc_vector_subcore>, window_params = [{transform_indices = #map}, {transform_indices = #map1}, {transform_indices = #map1}]} {
    %mul3A = arith.constant 2 : i32
    %mul3A_0 = arith.muli %arg1, %mul3A : i32
    %add3A = arith.addi %mul3A_0, %arg0 : i32
    %mul3A_1 = arith.constant 128 : i32
    %mul3A_2 = arith.muli %add3A, %mul3A_1 : i32
    %multiple_of3A = tpu.assume_multiple %mul3A_2, 8 : i32
    "tpu.region"() ({
      %run_scoped3A = tpu.sem_alloc : memref<!tpu.dma_semaphore, #tpu.memory_space<semaphore_mem>>
      %dma_start3A_19 = tpu.memref_slice %arg2[%multiple_of3A] : memref<160000xi32, #tpu.memory_space<hbm>> -> memref<128xi32, #tpu.memory_space<hbm>>
      %dma_start3A_20 = tpu.memref_slice %arg2[%multiple_of3A] : memref<160000xi32, #tpu.memory_space<hbm>> -> memref<128xi32, #tpu.memory_space<hbm>>
      tpu.enqueue_dma source(%dma_start3A_20 : memref<128xi32, #tpu.memory_space<hbm>>) target(%arg5 : memref<128xi32, #tpu.memory_space<vmem>>) target_semaphore(%run_scoped3A : memref<!tpu.dma_semaphore, #tpu.memory_space<semaphore_mem>>)
      %dma_wait3A_21 = tpu.memref_slice %arg2[%multiple_of3A] : memref<160000xi32, #tpu.memory_space<hbm>> -> memref<128xi32, #tpu.memory_space<hbm>>
      %dma_wait3A_22 = tpu.memref_slice %arg2[%multiple_of3A] : memref<160000xi32, #tpu.memory_space<hbm>> -> memref<128xi32, #tpu.memory_space<hbm>>
      tpu.wait_dma2 semaphore(%run_scoped3A : memref<!tpu.dma_semaphore, #tpu.memory_space<semaphore_mem>>) src(%dma_wait3A_22 : memref<128xi32, #tpu.memory_space<hbm>>) dst(%arg5 : memref<128xi32, #tpu.memory_space<vmem>>)
      tpu.yield
    }) : () -> ()
    %dma_start3A = arith.constant 0 : i32
    %dma_start3A_3 = arith.constant 0 : i32
    %dma_start3A_4 = tpu.memref_slice %arg3[%dma_start3A, %dma_start3A_3] : memref<10000x128xf32, #tpu.memory_space<hbm>> -> memref<10000x128xf32, #tpu.memory_space<hbm>>
    tpu.enqueue_indirect_dma source(%dma_start3A_4 : memref<10000x128xf32, #tpu.memory_space<hbm>>) target(%arg7 : memref<128x128xf32, #tpu.memory_space<vmem>>) offsets(%arg5 : memref<128xi32, #tpu.memory_space<vmem>>) semaphore(%arg9 : memref<!tpu.dma_semaphore, #tpu.memory_space<semaphore_mem>>)
    %scan3A = arith.constant 0 : i32
    %scan3A_5 = arith.constant 0 : i32
    %scan3A_6 = arith.constant 19 : i32
    %scan3A_7 = arith.addi %scan3A_5, %scan3A_6 : i32
    %scan3A_8 = arith.constant 1 : i32
    scf.for %scan3A_19 = %scan3A_5 to %scan3A_7 step %scan3A_8  : i32 {
      %mul3A_20 = arith.constant 2 : i32
      %mul3A_21 = arith.muli %mul3A_20, %scan3A_19 : i32
      %mul3A_22 = arith.constant 32 : i32
      %mul3A_23 = arith.muli %mul3A_22, %mul3A_21 : i32
      %add3A_24 = arith.addi %add3A, %mul3A_23 : i32
      %add3A_25 = arith.constant 32 : i32
      %add3A_26 = arith.addi %add3A_24, %add3A_25 : i32
      %mul3A_27 = arith.constant 128 : i32
      %mul3A_28 = arith.muli %add3A_26, %mul3A_27 : i32
      %multiple_of3A_29 = tpu.assume_multiple %mul3A_28, 8 : i32
      "tpu.region"() ({
        %run_scoped3A = tpu.sem_alloc : memref<!tpu.dma_semaphore, #tpu.memory_space<semaphore_mem>>
        %dma_start3A_56 = tpu.memref_slice %arg2[%multiple_of3A_29] : memref<160000xi32, #tpu.memory_space<hbm>> -> memref<128xi32, #tpu.memory_space<hbm>>
        %dma_start3A_57 = tpu.memref_slice %arg2[%multiple_of3A_29] : memref<160000xi32, #tpu.memory_space<hbm>> -> memref<128xi32, #tpu.memory_space<hbm>>
        tpu.enqueue_dma source(%dma_start3A_57 : memref<128xi32, #tpu.memory_space<hbm>>) target(%arg6 : memref<128xi32, #tpu.memory_space<vmem>>) target_semaphore(%run_scoped3A : memref<!tpu.dma_semaphore, #tpu.memory_space<semaphore_mem>>)
        %dma_wait3A_58 = tpu.memref_slice %arg2[%multiple_of3A_29] : memref<160000xi32, #tpu.memory_space<hbm>> -> memref<128xi32, #tpu.memory_space<hbm>>
        %dma_wait3A_59 = tpu.memref_slice %arg2[%multiple_of3A_29] : memref<160000xi32, #tpu.memory_space<hbm>> -> memref<128xi32, #tpu.memory_space<hbm>>
        tpu.wait_dma2 semaphore(%run_scoped3A : memref<!tpu.dma_semaphore, #tpu.memory_space<semaphore_mem>>) src(%dma_wait3A_59 : memref<128xi32, #tpu.memory_space<hbm>>) dst(%arg6 : memref<128xi32, #tpu.memory_space<vmem>>)
        tpu.yield
      }) : () -> ()
      %dma_start3A_30 = arith.constant 0 : i32
      %dma_start3A_31 = arith.constant 0 : i32
      %dma_start3A_32 = tpu.memref_slice %arg3[%dma_start3A_30, %dma_start3A_31] : memref<10000x128xf32, #tpu.memory_space<hbm>> -> memref<10000x128xf32, #tpu.memory_space<hbm>>
      tpu.enqueue_indirect_dma source(%dma_start3A_32 : memref<10000x128xf32, #tpu.memory_space<hbm>>) target(%arg8 : memref<128x128xf32, #tpu.memory_space<vmem>>) offsets(%arg6 : memref<128xi32, #tpu.memory_space<vmem>>) semaphore(%arg10 : memref<!tpu.dma_semaphore, #tpu.memory_space<semaphore_mem>>)
      %dma_wait3A_33 = arith.constant 0 : i32
      %dma_wait3A_34 = arith.constant 0 : i32
      %dma_wait3A_35 = tpu.memref_slice %arg3[%dma_wait3A_33, %dma_wait3A_34] : memref<10000x128xf32, #tpu.memory_space<hbm>> -> memref<10000x128xf32, #tpu.memory_space<hbm>>
      tpu.wait_indirect_dma semaphore(%arg9 : memref<!tpu.dma_semaphore, #tpu.memory_space<semaphore_mem>>) src(%dma_wait3A_35 : memref<10000x128xf32, #tpu.memory_space<hbm>>) dst(%arg7 : memref<128x128xf32, #tpu.memory_space<vmem>>)
      %mul3A_36 = arith.constant 128 : i32
      %mul3A_37 = arith.muli %add3A_24, %mul3A_36 : i32
      %multiple_of3A_38 = tpu.assume_multiple %mul3A_37, 8 : i32
      "tpu.region"() ({
        %run_scoped3A = tpu.sem_alloc : memref<!tpu.dma_semaphore, #tpu.memory_space<semaphore_mem>>
        %dma_start3A_56 = arith.constant 0 : i32
        %dma_start3A_57 = tpu.memref_slice %arg4[%multiple_of3A_38, %dma_start3A_56] : memref<160000x128xf32, #tpu.memory_space<hbm>> -> memref<128x128xf32, #tpu.memory_space<hbm>>
        %dma_start3A_58 = arith.constant 0 : i32
        %dma_start3A_59 = tpu.memref_slice %arg4[%multiple_of3A_38, %dma_start3A_58] : memref<160000x128xf32, #tpu.memory_space<hbm>> -> memref<128x128xf32, #tpu.memory_space<hbm>>
        tpu.enqueue_dma source(%arg7 : memref<128x128xf32, #tpu.memory_space<vmem>>) target(%dma_start3A_59 : memref<128x128xf32, #tpu.memory_space<hbm>>) target_semaphore(%run_scoped3A : memref<!tpu.dma_semaphore, #tpu.memory_space<semaphore_mem>>)
        %dma_wait3A_60 = arith.constant 0 : i32
        %dma_wait3A_61 = tpu.memref_slice %arg4[%multiple_of3A_38, %dma_wait3A_60] : memref<160000x128xf32, #tpu.memory_space<hbm>> -> memref<128x128xf32, #tpu.memory_space<hbm>>
        %dma_wait3A_62 = arith.constant 0 : i32
        %dma_wait3A_63 = tpu.memref_slice %arg4[%multiple_of3A_38, %dma_wait3A_62] : memref<160000x128xf32, #tpu.memory_space<hbm>> -> memref<128x128xf32, #tpu.memory_space<hbm>>
        tpu.wait_dma2 semaphore(%run_scoped3A : memref<!tpu.dma_semaphore, #tpu.memory_space<semaphore_mem>>) src(%arg7 : memref<128x128xf32, #tpu.memory_space<vmem>>) dst(%dma_wait3A_63 : memref<128x128xf32, #tpu.memory_space<hbm>>)
        tpu.yield
      }) : () -> ()
      %mul3A_39 = arith.constant 2 : i32
      %mul3A_40 = arith.muli %mul3A_39, %scan3A_19 : i32
      %add3A_41 = arith.constant 2 : i32
      %add3A_42 = arith.addi %mul3A_40, %add3A_41 : i32
      %lt3A_43 = arith.constant 39 : i32
      %lt3A_44 = arith.cmpi slt, %add3A_42, %lt3A_43 : i32
      %convert_element_type3A_45 = arith.extui %lt3A_44 : i1 to i32
      %cond3A_46 = arith.constant 0 : i32
      %cond3A_47 = arith.cmpi ne, %convert_element_type3A_45, %cond3A_46 : i32
      scf.if %cond3A_47 {
        %add3A_56 = arith.constant 64 : i32
        %add3A_57 = arith.addi %add3A_24, %add3A_56 : i32
        %mul3A_58 = arith.constant 128 : i32
        %mul3A_59 = arith.muli %add3A_57, %mul3A_58 : i32
        %multiple_of3A_60 = tpu.assume_multiple %mul3A_59, 8 : i32
        "tpu.region"() ({
          %run_scoped3A = tpu.sem_alloc : memref<!tpu.dma_semaphore, #tpu.memory_space<semaphore_mem>>
          %dma_start3A_64 = tpu.memref_slice %arg2[%multiple_of3A_60] : memref<160000xi32, #tpu.memory_space<hbm>> -> memref<128xi32, #tpu.memory_space<hbm>>
          %dma_start3A_65 = tpu.memref_slice %arg2[%multiple_of3A_60] : memref<160000xi32, #tpu.memory_space<hbm>> -> memref<128xi32, #tpu.memory_space<hbm>>
          tpu.enqueue_dma source(%dma_start3A_65 : memref<128xi32, #tpu.memory_space<hbm>>) target(%arg5 : memref<128xi32, #tpu.memory_space<vmem>>) target_semaphore(%run_scoped3A : memref<!tpu.dma_semaphore, #tpu.memory_space<semaphore_mem>>)
          %dma_wait3A_66 = tpu.memref_slice %arg2[%multiple_of3A_60] : memref<160000xi32, #tpu.memory_space<hbm>> -> memref<128xi32, #tpu.memory_space<hbm>>
          %dma_wait3A_67 = tpu.memref_slice %arg2[%multiple_of3A_60] : memref<160000xi32, #tpu.memory_space<hbm>> -> memref<128xi32, #tpu.memory_space<hbm>>
          tpu.wait_dma2 semaphore(%run_scoped3A : memref<!tpu.dma_semaphore, #tpu.memory_space<semaphore_mem>>) src(%dma_wait3A_67 : memref<128xi32, #tpu.memory_space<hbm>>) dst(%arg5 : memref<128xi32, #tpu.memory_space<vmem>>)
          tpu.yield
        }) : () -> ()
        %dma_start3A_61 = arith.constant 0 : i32
        %dma_start3A_62 = arith.constant 0 : i32
        %dma_start3A_63 = tpu.memref_slice %arg3[%dma_start3A_61, %dma_start3A_62] : memref<10000x128xf32, #tpu.memory_space<hbm>> -> memref<10000x128xf32, #tpu.memory_space<hbm>>
        tpu.enqueue_indirect_dma source(%dma_start3A_63 : memref<10000x128xf32, #tpu.memory_space<hbm>>) target(%arg7 : memref<128x128xf32, #tpu.memory_space<vmem>>) offsets(%arg5 : memref<128xi32, #tpu.memory_space<vmem>>) semaphore(%arg9 : memref<!tpu.dma_semaphore, #tpu.memory_space<semaphore_mem>>)
      } else {
      }
      %dma_wait3A_48 = arith.constant 0 : i32
      %dma_wait3A_49 = arith.constant 0 : i32
      %dma_wait3A_50 = tpu.memref_slice %arg3[%dma_wait3A_48, %dma_wait3A_49] : memref<10000x128xf32, #tpu.memory_space<hbm>> -> memref<10000x128xf32, #tpu.memory_space<hbm>>
      tpu.wait_indirect_dma semaphore(%arg10 : memref<!tpu.dma_semaphore, #tpu.memory_space<semaphore_mem>>) src(%dma_wait3A_50 : memref<10000x128xf32, #tpu.memory_space<hbm>>) dst(%arg8 : memref<128x128xf32, #tpu.memory_space<vmem>>)
      %add3A_51 = arith.constant 32 : i32
      %add3A_52 = arith.addi %add3A_24, %add3A_51 : i32
      %mul3A_53 = arith.constant 128 : i32
      %mul3A_54 = arith.muli %add3A_52, %mul3A_53 : i32
      %multiple_of3A_55 = tpu.assume_multiple %mul3A_54, 8 : i32
      "tpu.region"() ({
        %run_scoped3A = tpu.sem_alloc : memref<!tpu.dma_semaphore, #tpu.memory_space<semaphore_mem>>
        %dma_start3A_56 = arith.constant 0 : i32
        %dma_start3A_57 = tpu.memref_slice %arg4[%multiple_of3A_55, %dma_start3A_56] : memref<160000x128xf32, #tpu.memory_space<hbm>> -> memref<128x128xf32, #tpu.memory_space<hbm>>
        %dma_start3A_58 = arith.constant 0 : i32
        %dma_start3A_59 = tpu.memref_slice %arg4[%multiple_of3A_55, %dma_start3A_58] : memref<160000x128xf32, #tpu.memory_space<hbm>> -> memref<128x128xf32, #tpu.memory_space<hbm>>
        tpu.enqueue_dma source(%arg8 : memref<128x128xf32, #tpu.memory_space<vmem>>) target(%dma_start3A_59 : memref<128x128xf32, #tpu.memory_space<hbm>>) target_semaphore(%run_scoped3A : memref<!tpu.dma_semaphore, #tpu.memory_space<semaphore_mem>>)
        %dma_wait3A_60 = arith.constant 0 : i32
        %dma_wait3A_61 = tpu.memref_slice %arg4[%multiple_of3A_55, %dma_wait3A_60] : memref<160000x128xf32, #tpu.memory_space<hbm>> -> memref<128x128xf32, #tpu.memory_space<hbm>>
        %dma_wait3A_62 = arith.constant 0 : i32
        %dma_wait3A_63 = tpu.memref_slice %arg4[%multiple_of3A_55, %dma_wait3A_62] : memref<160000x128xf32, #tpu.memory_space<hbm>> -> memref<128x128xf32, #tpu.memory_space<hbm>>
        tpu.wait_dma2 semaphore(%run_scoped3A : memref<!tpu.dma_semaphore, #tpu.memory_space<semaphore_mem>>) src(%arg8 : memref<128x128xf32, #tpu.memory_space<vmem>>) dst(%dma_wait3A_63 : memref<128x128xf32, #tpu.memory_space<hbm>>)
        tpu.yield
      }) : () -> ()
    }
    %scan3A_9 = arith.constant 19 : i32
    %add3A_10 = arith.constant 1216 : i32
    %add3A_11 = arith.addi %add3A, %add3A_10 : i32
    %dma_wait3A = arith.constant 0 : i32
    %dma_wait3A_12 = arith.constant 0 : i32
    %dma_wait3A_13 = tpu.memref_slice %arg3[%dma_wait3A, %dma_wait3A_12] : memref<10000x128xf32, #tpu.memory_space<hbm>> -> memref<10000x128xf32, #tpu.memory_space<hbm>>
    tpu.wait_indirect_dma semaphore(%arg9 : memref<!tpu.dma_semaphore, #tpu.memory_space<semaphore_mem>>) src(%dma_wait3A_13 : memref<10000x128xf32, #tpu.memory_space<hbm>>) dst(%arg7 : memref<128x128xf32, #tpu.memory_space<vmem>>)
    %mul3A_14 = arith.constant 128 : i32
    %mul3A_15 = arith.muli %add3A_11, %mul3A_14 : i32
    %multiple_of3A_16 = tpu.assume_multiple %mul3A_15, 8 : i32
    "tpu.region"() ({
      %run_scoped3A = tpu.sem_alloc : memref<!tpu.dma_semaphore, #tpu.memory_space<semaphore_mem>>
      %dma_start3A_19 = arith.constant 0 : i32
      %dma_start3A_20 = tpu.memref_slice %arg4[%multiple_of3A_16, %dma_start3A_19] : memref<160000x128xf32, #tpu.memory_space<hbm>> -> memref<128x128xf32, #tpu.memory_space<hbm>>
      %dma_start3A_21 = arith.constant 0 : i32
      %dma_start3A_22 = tpu.memref_slice %arg4[%multiple_of3A_16, %dma_start3A_21] : memref<160000x128xf32, #tpu.memory_space<hbm>> -> memref<128x128xf32, #tpu.memory_space<hbm>>
      tpu.enqueue_dma source(%arg7 : memref<128x128xf32, #tpu.memory_space<vmem>>) target(%dma_start3A_22 : memref<128x128xf32, #tpu.memory_space<hbm>>) target_semaphore(%run_scoped3A : memref<!tpu.dma_semaphore, #tpu.memory_space<semaphore_mem>>)
      %dma_wait3A_23 = arith.constant 0 : i32
      %dma_wait3A_24 = tpu.memref_slice %arg4[%multiple_of3A_16, %dma_wait3A_23] : memref<160000x128xf32, #tpu.memory_space<hbm>> -> memref<128x128xf32, #tpu.memory_space<hbm>>
      %dma_wait3A_25 = arith.constant 0 : i32
      %dma_wait3A_26 = tpu.memref_slice %arg4[%multiple_of3A_16, %dma_wait3A_25] : memref<160000x128xf32, #tpu.memory_space<hbm>> -> memref<128x128xf32, #tpu.memory_space<hbm>>
      tpu.wait_dma2 semaphore(%run_scoped3A : memref<!tpu.dma_semaphore, #tpu.memory_space<semaphore_mem>>) src(%arg7 : memref<128x128xf32, #tpu.memory_space<vmem>>) dst(%dma_wait3A_26 : memref<128x128xf32, #tpu.memory_space<hbm>>)
      tpu.yield
    }) : () -> ()
    %lt3A = arith.constant 2 : i32
    %lt3A_17 = arith.cmpi slt, %add3A, %lt3A : i32
    %convert_element_type3A = arith.extui %lt3A_17 : i1 to i32
    %cond3A = arith.constant 0 : i32
    %cond3A_18 = arith.cmpi ne, %convert_element_type3A, %cond3A : i32
    scf.if %cond3A_18 {
      %add3A_19 = arith.constant 1248 : i32
      %add3A_20 = arith.addi %add3A_19, %add3A : i32
      %mul3A_21 = arith.constant 128 : i32
      %mul3A_22 = arith.muli %add3A_20, %mul3A_21 : i32
      %multiple_of3A_23 = tpu.assume_multiple %mul3A_22, 8 : i32
      "tpu.region"() ({
        %run_scoped3A = tpu.sem_alloc : memref<!tpu.dma_semaphore, #tpu.memory_space<semaphore_mem>>
        %dma_start3A_33 = tpu.memref_slice %arg2[%multiple_of3A_23] : memref<160000xi32, #tpu.memory_space<hbm>> -> memref<128xi32, #tpu.memory_space<hbm>>
        %dma_start3A_34 = tpu.memref_slice %arg2[%multiple_of3A_23] : memref<160000xi32, #tpu.memory_space<hbm>> -> memref<128xi32, #tpu.memory_space<hbm>>
        tpu.enqueue_dma source(%dma_start3A_34 : memref<128xi32, #tpu.memory_space<hbm>>) target(%arg5 : memref<128xi32, #tpu.memory_space<vmem>>) target_semaphore(%run_scoped3A : memref<!tpu.dma_semaphore, #tpu.memory_space<semaphore_mem>>)
        %dma_wait3A_35 = tpu.memref_slice %arg2[%multiple_of3A_23] : memref<160000xi32, #tpu.memory_space<hbm>> -> memref<128xi32, #tpu.memory_space<hbm>>
        %dma_wait3A_36 = tpu.memref_slice %arg2[%multiple_of3A_23] : memref<160000xi32, #tpu.memory_space<hbm>> -> memref<128xi32, #tpu.memory_space<hbm>>
        tpu.wait_dma2 semaphore(%run_scoped3A : memref<!tpu.dma_semaphore, #tpu.memory_space<semaphore_mem>>) src(%dma_wait3A_36 : memref<128xi32, #tpu.memory_space<hbm>>) dst(%arg5 : memref<128xi32, #tpu.memory_space<vmem>>)
        tpu.yield
      }) : () -> ()
      %dma_start3A_24 = arith.constant 0 : i32
      %dma_start3A_25 = arith.constant 0 : i32
      %dma_start3A_26 = tpu.memref_slice %arg3[%dma_start3A_24, %dma_start3A_25] : memref<10000x128xf32, #tpu.memory_space<hbm>> -> memref<10000x128xf32, #tpu.memory_space<hbm>>
      tpu.enqueue_indirect_dma source(%dma_start3A_26 : memref<10000x128xf32, #tpu.memory_space<hbm>>) target(%arg7 : memref<128x128xf32, #tpu.memory_space<vmem>>) offsets(%arg5 : memref<128xi32, #tpu.memory_space<vmem>>) semaphore(%arg9 : memref<!tpu.dma_semaphore, #tpu.memory_space<semaphore_mem>>)
      %dma_wait3A_27 = arith.constant 0 : i32
      %dma_wait3A_28 = arith.constant 0 : i32
      %dma_wait3A_29 = tpu.memref_slice %arg3[%dma_wait3A_27, %dma_wait3A_28] : memref<10000x128xf32, #tpu.memory_space<hbm>> -> memref<10000x128xf32, #tpu.memory_space<hbm>>
      tpu.wait_indirect_dma semaphore(%arg9 : memref<!tpu.dma_semaphore, #tpu.memory_space<semaphore_mem>>) src(%dma_wait3A_29 : memref<10000x128xf32, #tpu.memory_space<hbm>>) dst(%arg7 : memref<128x128xf32, #tpu.memory_space<vmem>>)
      %mul3A_30 = arith.constant 128 : i32
      %mul3A_31 = arith.muli %add3A_20, %mul3A_30 : i32
      %multiple_of3A_32 = tpu.assume_multiple %mul3A_31, 8 : i32
      "tpu.region"() ({
        %run_scoped3A = tpu.sem_alloc : memref<!tpu.dma_semaphore, #tpu.memory_space<semaphore_mem>>
        %dma_start3A_33 = arith.constant 0 : i32
        %dma_start3A_34 = tpu.memref_slice %arg4[%multiple_of3A_32, %dma_start3A_33] : memref<160000x128xf32, #tpu.memory_space<hbm>> -> memref<128x128xf32, #tpu.memory_space<hbm>>
        %dma_start3A_35 = arith.constant 0 : i32
        %dma_start3A_36 = tpu.memref_slice %arg4[%multiple_of3A_32, %dma_start3A_35] : memref<160000x128xf32, #tpu.memory_space<hbm>> -> memref<128x128xf32, #tpu.memory_space<hbm>>
        tpu.enqueue_dma source(%arg7 : memref<128x128xf32, #tpu.memory_space<vmem>>) target(%dma_start3A_36 : memref<128x128xf32, #tpu.memory_space<hbm>>) target_semaphore(%run_scoped3A : memref<!tpu.dma_semaphore, #tpu.memory_space<semaphore_mem>>)
        %dma_wait3A_37 = arith.constant 0 : i32
        %dma_wait3A_38 = tpu.memref_slice %arg4[%multiple_of3A_32, %dma_wait3A_37] : memref<160000x128xf32, #tpu.memory_space<hbm>> -> memref<128x128xf32, #tpu.memory_space<hbm>>
        %dma_wait3A_39 = arith.constant 0 : i32
        %dma_wait3A_40 = tpu.memref_slice %arg4[%multiple_of3A_32, %dma_wait3A_39] : memref<160000x128xf32, #tpu.memory_space<hbm>> -> memref<128x128xf32, #tpu.memory_space<hbm>>
        tpu.wait_dma2 semaphore(%run_scoped3A : memref<!tpu.dma_semaphore, #tpu.memory_space<semaphore_mem>>) src(%arg7 : memref<128x128xf32, #tpu.memory_space<vmem>>) dst(%dma_wait3A_40 : memref<128x128xf32, #tpu.memory_space<hbm>>)
        tpu.yield
      }) : () -> ()
    } else {
    }
    return
  }
}

#map = affine_map<(d0, d1) -> (0)>
#map1 = affine_map<(d0, d1) -> (0, 0)>
module attributes {stable_mosaic.version = 14 : i64} {
  func.func @s(%arg0: i32, %arg1: i32, %arg2: memref<160000xi32, #tpu.memory_space<hbm>>, %arg3: memref<160000x128xf32, #tpu.memory_space<hbm>>, %arg4: memref<10496x128xf32, #tpu.memory_space<hbm>>, %arg5: memref<128xi32, #tpu.memory_space<vmem>>, %arg6: memref<128xi32, #tpu.memory_space<vmem>>, %arg7: memref<128x128xf32, #tpu.memory_space<vmem>>, %arg8: memref<128x128xf32, #tpu.memory_space<vmem>>, %arg9: memref<328x128xf32, #tpu.memory_space<vmem>>, %arg10: memref<5248x128xf32, #tpu.memory_space<vmem_shared>>, %arg11: memref<!tpu.dma_semaphore, #tpu.memory_space<semaphore_mem>>, %arg12: memref<!tpu.dma_semaphore, #tpu.memory_space<semaphore_mem>>) attributes {dimension_semantics = [#tpu.dimension_semantics<core_parallel>, #tpu.dimension_semantics<subcore_parallel>], iteration_bounds = array<i64: 2, 16>, scalar_prefetch = 0 : i64, scratch_operands = 8 : i64, tpu.core_type = #tpu.core_type<sc_vector_subcore>, window_params = [{transform_indices = #map}, {transform_indices = #map1}, {transform_indices = #map1}]} {
    %mul3A = arith.constant 5120 : i32
    %mul3A_0 = arith.muli %arg0, %mul3A : i32
    %scan3A = arith.constant 0 : i32
    %scan3A_1 = arith.constant 0 : i32
    %scan3A_2 = arith.constant 328 : i32
    %scan3A_3 = arith.addi %scan3A_1, %scan3A_2 : i32
    %scan3A_4 = arith.constant 1 : i32
    scf.for %scan3A_176 = %scan3A_1 to %scan3A_3 step %scan3A_4  : i32 {
      %broadcast_in_dim3A_177 = arith.constant 0.000000e+00 : f32
      %broadcast_in_dim3A_178 = vector.broadcast %broadcast_in_dim3A_177 : f32 to vector<16xf32>
      %swap3A_179 = arith.index_cast %scan3A_176 : i32 to index
      %swap3A_180 = arith.constant 0 : index
      %swap3A_181 = tpu.vector_load %arg9[%swap3A_179, %swap3A_180] {strides = array<i32>} : memref<328x128xf32, #tpu.memory_space<vmem>>, vector<1x16xf32>,
      %swap3A_182 = vector.shape_cast %swap3A_181 : vector<1x16xf32> to vector<16xf32>
      %swap3A_183 = vector.shape_cast %broadcast_in_dim3A_178 : vector<16xf32> to vector<1x16xf32>
      tpu.vector_store %arg9[%swap3A_179, %swap3A_180], %swap3A_183 {strides = array<i32>} : memref<328x128xf32, #tpu.memory_space<vmem>>, vector<1x16xf32>,
      %broadcast_in_dim3A_184 = arith.constant 0.000000e+00 : f32
      %broadcast_in_dim3A_185 = vector.broadcast %broadcast_in_dim3A_184 : f32 to vector<16xf32>
      %swap3A_186 = arith.index_cast %scan3A_176 : i32 to index
      %swap3A_187 = arith.constant 16 : index
      %swap3A_188 = tpu.vector_load %arg9[%swap3A_186, %swap3A_187] {strides = array<i32>} : memref<328x128xf32, #tpu.memory_space<vmem>>, vector<1x16xf32>,
      %swap3A_189 = vector.shape_cast %swap3A_188 : vector<1x16xf32> to vector<16xf32>
      %swap3A_190 = vector.shape_cast %broadcast_in_dim3A_185 : vector<16xf32> to vector<1x16xf32>
      tpu.vector_store %arg9[%swap3A_186, %swap3A_187], %swap3A_190 {strides = array<i32>} : memref<328x128xf32, #tpu.memory_space<vmem>>, vector<1x16xf32>,
      %broadcast_in_dim3A_191 = arith.constant 0.000000e+00 : f32
      %broadcast_in_dim3A_192 = vector.broadcast %broadcast_in_dim3A_191 : f32 to vector<16xf32>
      %swap3A_193 = arith.index_cast %scan3A_176 : i32 to index
      %swap3A_194 = arith.constant 32 : index
      %swap3A_195 = tpu.vector_load %arg9[%swap3A_193, %swap3A_194] {strides = array<i32>} : memref<328x128xf32, #tpu.memory_space<vmem>>, vector<1x16xf32>,
      %swap3A_196 = vector.shape_cast %swap3A_195 : vector<1x16xf32> to vector<16xf32>
      %swap3A_197 = vector.shape_cast %broadcast_in_dim3A_192 : vector<16xf32> to vector<1x16xf32>
      tpu.vector_store %arg9[%swap3A_193, %swap3A_194], %swap3A_197 {strides = array<i32>} : memref<328x128xf32, #tpu.memory_space<vmem>>, vector<1x16xf32>,
      %broadcast_in_dim3A_198 = arith.constant 0.000000e+00 : f32
      %broadcast_in_dim3A_199 = vector.broadcast %broadcast_in_dim3A_198 : f32 to vector<16xf32>
      %swap3A_200 = arith.index_cast %scan3A_176 : i32 to index
      %swap3A_201 = arith.constant 48 : index
      %swap3A_202 = tpu.vector_load %arg9[%swap3A_200, %swap3A_201] {strides = array<i32>} : memref<328x128xf32, #tpu.memory_space<vmem>>, vector<1x16xf32>,
      %swap3A_203 = vector.shape_cast %swap3A_202 : vector<1x16xf32> to vector<16xf32>
      %swap3A_204 = vector.shape_cast %broadcast_in_dim3A_199 : vector<16xf32> to vector<1x16xf32>
      tpu.vector_store %arg9[%swap3A_200, %swap3A_201], %swap3A_204 {strides = array<i32>} : memref<328x128xf32, #tpu.memory_space<vmem>>, vector<1x16xf32>,
      %broadcast_in_dim3A_205 = arith.constant 0.000000e+00 : f32
      %broadcast_in_dim3A_206 = vector.broadcast %broadcast_in_dim3A_205 : f32 to vector<16xf32>
      %swap3A_207 = arith.index_cast %scan3A_176 : i32 to index
      %swap3A_208 = arith.constant 64 : index
      %swap3A_209 = tpu.vector_load %arg9[%swap3A_207, %swap3A_208] {strides = array<i32>} : memref<328x128xf32, #tpu.memory_space<vmem>>, vector<1x16xf32>,
      %swap3A_210 = vector.shape_cast %swap3A_209 : vector<1x16xf32> to vector<16xf32>
      %swap3A_211 = vector.shape_cast %broadcast_in_dim3A_206 : vector<16xf32> to vector<1x16xf32>
      tpu.vector_store %arg9[%swap3A_207, %swap3A_208], %swap3A_211 {strides = array<i32>} : memref<328x128xf32, #tpu.memory_space<vmem>>, vector<1x16xf32>,
      %broadcast_in_dim3A_212 = arith.constant 0.000000e+00 : f32
      %broadcast_in_dim3A_213 = vector.broadcast %broadcast_in_dim3A_212 : f32 to vector<16xf32>
      %swap3A_214 = arith.index_cast %scan3A_176 : i32 to index
      %swap3A_215 = arith.constant 80 : index
      %swap3A_216 = tpu.vector_load %arg9[%swap3A_214, %swap3A_215] {strides = array<i32>} : memref<328x128xf32, #tpu.memory_space<vmem>>, vector<1x16xf32>,
      %swap3A_217 = vector.shape_cast %swap3A_216 : vector<1x16xf32> to vector<16xf32>
      %swap3A_218 = vector.shape_cast %broadcast_in_dim3A_213 : vector<16xf32> to vector<1x16xf32>
      tpu.vector_store %arg9[%swap3A_214, %swap3A_215], %swap3A_218 {strides = array<i32>} : memref<328x128xf32, #tpu.memory_space<vmem>>, vector<1x16xf32>,
      %broadcast_in_dim3A_219 = arith.constant 0.000000e+00 : f32
      %broadcast_in_dim3A_220 = vector.broadcast %broadcast_in_dim3A_219 : f32 to vector<16xf32>
      %swap3A_221 = arith.index_cast %scan3A_176 : i32 to index
      %swap3A_222 = arith.constant 96 : index
      %swap3A_223 = tpu.vector_load %arg9[%swap3A_221, %swap3A_222] {strides = array<i32>} : memref<328x128xf32, #tpu.memory_space<vmem>>, vector<1x16xf32>,
      %swap3A_224 = vector.shape_cast %swap3A_223 : vector<1x16xf32> to vector<16xf32>
      %swap3A_225 = vector.shape_cast %broadcast_in_dim3A_220 : vector<16xf32> to vector<1x16xf32>
      tpu.vector_store %arg9[%swap3A_221, %swap3A_222], %swap3A_225 {strides = array<i32>} : memref<328x128xf32, #tpu.memory_space<vmem>>, vector<1x16xf32>,
      %broadcast_in_dim3A_226 = arith.constant 0.000000e+00 : f32
      %broadcast_in_dim3A_227 = vector.broadcast %broadcast_in_dim3A_226 : f32 to vector<16xf32>
      %swap3A_228 = arith.index_cast %scan3A_176 : i32 to index
      %swap3A_229 = arith.constant 112 : index
      %swap3A_230 = tpu.vector_load %arg9[%swap3A_228, %swap3A_229] {strides = array<i32>} : memref<328x128xf32, #tpu.memory_space<vmem>>, vector<1x16xf32>,
      %swap3A_231 = vector.shape_cast %swap3A_230 : vector<1x16xf32> to vector<16xf32>
      %swap3A_232 = vector.shape_cast %broadcast_in_dim3A_227 : vector<16xf32> to vector<1x16xf32>
      tpu.vector_store %arg9[%swap3A_228, %swap3A_229], %swap3A_232 {strides = array<i32>} : memref<328x128xf32, #tpu.memory_space<vmem>>, vector<1x16xf32>,
    }
    %scan3A_5 = arith.constant 328 : i32
    %mul3A_6 = arith.constant 328 : i32
    %mul3A_7 = arith.muli %arg1, %mul3A_6 : i32
    "tpu.region"() ({
      %run_scoped3A = tpu.sem_alloc : memref<!tpu.dma_semaphore, #tpu.memory_space<semaphore_mem>>
      %dma_start3A_176 = arith.constant 0 : i32
      %dma_start3A_177 = tpu.memref_slice %arg10[%mul3A_7, %dma_start3A_176] : memref<5248x128xf32, #tpu.memory_space<vmem_shared>> -> memref<328x128xf32, #tpu.memory_space<vmem_shared>>
      %dma_start3A_178 = arith.constant 0 : i32
      %dma_start3A_179 = tpu.memref_slice %arg10[%mul3A_7, %dma_start3A_178] : memref<5248x128xf32, #tpu.memory_space<vmem_shared>> -> memref<328x128xf32, #tpu.memory_space<vmem_shared>>
      tpu.enqueue_dma source(%arg9 : memref<328x128xf32, #tpu.memory_space<vmem>>) target(%dma_start3A_179 : memref<328x128xf32, #tpu.memory_space<vmem_shared>>) target_semaphore(%run_scoped3A : memref<!tpu.dma_semaphore, #tpu.memory_space<semaphore_mem>>)
      %dma_wait3A = arith.constant 0 : i32
      %dma_wait3A_180 = tpu.memref_slice %arg10[%mul3A_7, %dma_wait3A] : memref<5248x128xf32, #tpu.memory_space<vmem_shared>> -> memref<328x128xf32, #tpu.memory_space<vmem_shared>>
      %dma_wait3A_181 = arith.constant 0 : i32
      %dma_wait3A_182 = tpu.memref_slice %arg10[%mul3A_7, %dma_wait3A_181] : memref<5248x128xf32, #tpu.memory_space<vmem_shared>> -> memref<328x128xf32, #tpu.memory_space<vmem_shared>>
      tpu.wait_dma2 semaphore(%run_scoped3A : memref<!tpu.dma_semaphore, #tpu.memory_space<semaphore_mem>>) src(%arg9 : memref<328x128xf32, #tpu.memory_space<vmem>>) dst(%dma_wait3A_182 : memref<328x128xf32, #tpu.memory_space<vmem_shared>>)
      tpu.yield
    }) : () -> ()
    %barrier3A = arith.constant 0 : index
    tpu.barrier barrier_id(%barrier3A)
    %mul3A_8 = arith.constant 128 : i32
    %mul3A_9 = arith.muli %arg1, %mul3A_8 : i32
    %multiple_of3A = tpu.assume_multiple %mul3A_9, 8 : i32
    "tpu.region"() ({
      %run_scoped3A = tpu.sem_alloc : memref<!tpu.dma_semaphore, #tpu.memory_space<semaphore_mem>>
      %dma_start3A_176 = tpu.memref_slice %arg2[%multiple_of3A] : memref<160000xi32, #tpu.memory_space<hbm>> -> memref<128xi32, #tpu.memory_space<hbm>>
      %dma_start3A_177 = tpu.memref_slice %arg2[%multiple_of3A] : memref<160000xi32, #tpu.memory_space<hbm>> -> memref<128xi32, #tpu.memory_space<hbm>>
      tpu.enqueue_dma source(%dma_start3A_177 : memref<128xi32, #tpu.memory_space<hbm>>) target(%arg5 : memref<128xi32, #tpu.memory_space<vmem>>) target_semaphore(%run_scoped3A : memref<!tpu.dma_semaphore, #tpu.memory_space<semaphore_mem>>)
      %dma_wait3A = tpu.memref_slice %arg2[%multiple_of3A] : memref<160000xi32, #tpu.memory_space<hbm>> -> memref<128xi32, #tpu.memory_space<hbm>>
      %dma_wait3A_178 = tpu.memref_slice %arg2[%multiple_of3A] : memref<160000xi32, #tpu.memory_space<hbm>> -> memref<128xi32, #tpu.memory_space<hbm>>
      tpu.wait_dma2 semaphore(%run_scoped3A : memref<!tpu.dma_semaphore, #tpu.memory_space<semaphore_mem>>) src(%dma_wait3A_178 : memref<128xi32, #tpu.memory_space<hbm>>) dst(%arg5 : memref<128xi32, #tpu.memory_space<vmem>>)
      tpu.yield
    }) : () -> ()
    %mul3A_10 = arith.constant 128 : i32
    %mul3A_11 = arith.muli %arg1, %mul3A_10 : i32
    %multiple_of3A_12 = tpu.assume_multiple %mul3A_11, 8 : i32
    %dma_start3A = arith.constant 0 : i32
    %dma_start3A_13 = tpu.memref_slice %arg3[%multiple_of3A_12, %dma_start3A] : memref<160000x128xf32, #tpu.memory_space<hbm>> -> memref<128x128xf32, #tpu.memory_space<hbm>>
    %dma_start3A_14 = arith.constant 0 : i32
    %dma_start3A_15 = tpu.memref_slice %arg3[%multiple_of3A_12, %dma_start3A_14] : memref<160000x128xf32, #tpu.memory_space<hbm>> -> memref<128x128xf32, #tpu.memory_space<hbm>>
    tpu.enqueue_dma source(%dma_start3A_15 : memref<128x128xf32, #tpu.memory_space<hbm>>) target(%arg7 : memref<128x128xf32, #tpu.memory_space<vmem>>) target_semaphore(%arg11 : memref<!tpu.dma_semaphore, #tpu.memory_space<semaphore_mem>>)
    %get3A = arith.constant 0 : index
    %get3A_16 = tpu.vector_load %arg5[%get3A] {strides = array<i32>} : memref<128xi32, #tpu.memory_space<vmem>>, vector<16xi32>,
    %get3A_17 = vector.shape_cast %get3A_16 : vector<16xi32> to vector<16xi32>
    %sub3A = vector.broadcast %mul3A_0 : i32 to vector<16xi32>
    %sub3A_18 = arith.subi %get3A_17, %sub3A : vector<16xi32>
    %ge3A = arith.constant 0 : i32
    %ge3A_19 = vector.broadcast %ge3A : i32 to vector<16xi32>
    %ge3A_20 = arith.cmpi sge, %sub3A_18, %ge3A_19 : vector<16xi32>
    %lt3A = arith.constant 5120 : i32
    %lt3A_21 = vector.broadcast %lt3A : i32 to vector<16xi32>
    %lt3A_22 = arith.cmpi slt, %sub3A_18, %lt3A_21 : vector<16xi32>
    %and3A = arith.andi %ge3A_20, %lt3A_22 : vector<16xi1>
    %jit3A = arith.constant 5120 : i32
    %broadcast_in_dim3A = vector.broadcast %jit3A : i32 to vector<16xi32>
    %select_n3A = arith.select %and3A, %sub3A_18, %broadcast_in_dim3A : vector<16xi1>, vector<16xi32>
    %swap3A = arith.constant 0 : index
    %swap3A_23 = tpu.vector_load %arg5[%swap3A] {strides = array<i32>} : memref<128xi32, #tpu.memory_space<vmem>>, vector<16xi32>,
    %swap3A_24 = vector.shape_cast %swap3A_23 : vector<16xi32> to vector<16xi32>
    %swap3A_25 = vector.shape_cast %select_n3A : vector<16xi32> to vector<16xi32>
    tpu.vector_store %arg5[%swap3A], %swap3A_25 {strides = array<i32>} : memref<128xi32, #tpu.memory_space<vmem>>, vector<16xi32>,
    %get3A_26 = arith.constant 16 : index
    %get3A_27 = tpu.vector_load %arg5[%get3A_26] {strides = array<i32>} : memref<128xi32, #tpu.memory_space<vmem>>, vector<16xi32>,
    %get3A_28 = vector.shape_cast %get3A_27 : vector<16xi32> to vector<16xi32>
    %sub3A_29 = vector.broadcast %mul3A_0 : i32 to vector<16xi32>
    %sub3A_30 = arith.subi %get3A_28, %sub3A_29 : vector<16xi32>
    %ge3A_31 = arith.constant 0 : i32
    %ge3A_32 = vector.broadcast %ge3A_31 : i32 to vector<16xi32>
    %ge3A_33 = arith.cmpi sge, %sub3A_30, %ge3A_32 : vector<16xi32>
    %lt3A_34 = arith.constant 5120 : i32
    %lt3A_35 = vector.broadcast %lt3A_34 : i32 to vector<16xi32>
    %lt3A_36 = arith.cmpi slt, %sub3A_30, %lt3A_35 : vector<16xi32>
    %and3A_37 = arith.andi %ge3A_33, %lt3A_36 : vector<16xi1>
    %jit3A_38 = arith.constant 5120 : i32
    %broadcast_in_dim3A_39 = vector.broadcast %jit3A_38 : i32 to vector<16xi32>
    %select_n3A_40 = arith.select %and3A_37, %sub3A_30, %broadcast_in_dim3A_39 : vector<16xi1>, vector<16xi32>
    %swap3A_41 = arith.constant 16 : index
    %swap3A_42 = tpu.vector_load %arg5[%swap3A_41] {strides = array<i32>} : memref<128xi32, #tpu.memory_space<vmem>>, vector<16xi32>,
    %swap3A_43 = vector.shape_cast %swap3A_42 : vector<16xi32> to vector<16xi32>
    %swap3A_44 = vector.shape_cast %select_n3A_40 : vector<16xi32> to vector<16xi32>
    tpu.vector_store %arg5[%swap3A_41], %swap3A_44 {strides = array<i32>} : memref<128xi32, #tpu.memory_space<vmem>>, vector<16xi32>,
    %get3A_45 = arith.constant 32 : index
    %get3A_46 = tpu.vector_load %arg5[%get3A_45] {strides = array<i32>} : memref<128xi32, #tpu.memory_space<vmem>>, vector<16xi32>,
    %get3A_47 = vector.shape_cast %get3A_46 : vector<16xi32> to vector<16xi32>
    %sub3A_48 = vector.broadcast %mul3A_0 : i32 to vector<16xi32>
    %sub3A_49 = arith.subi %get3A_47, %sub3A_48 : vector<16xi32>
    %ge3A_50 = arith.constant 0 : i32
    %ge3A_51 = vector.broadcast %ge3A_50 : i32 to vector<16xi32>
    %ge3A_52 = arith.cmpi sge, %sub3A_49, %ge3A_51 : vector<16xi32>
    %lt3A_53 = arith.constant 5120 : i32
    %lt3A_54 = vector.broadcast %lt3A_53 : i32 to vector<16xi32>
    %lt3A_55 = arith.cmpi slt, %sub3A_49, %lt3A_54 : vector<16xi32>
    %and3A_56 = arith.andi %ge3A_52, %lt3A_55 : vector<16xi1>
    %jit3A_57 = arith.constant 5120 : i32
    %broadcast_in_dim3A_58 = vector.broadcast %jit3A_57 : i32 to vector<16xi32>
    %select_n3A_59 = arith.select %and3A_56, %sub3A_49, %broadcast_in_dim3A_58 : vector<16xi1>, vector<16xi32>
    %swap3A_60 = arith.constant 32 : index
    %swap3A_61 = tpu.vector_load %arg5[%swap3A_60] {strides = array<i32>} : memref<128xi32, #tpu.memory_space<vmem>>, vector<16xi32>,
    %swap3A_62 = vector.shape_cast %swap3A_61 : vector<16xi32> to vector<16xi32>
    %swap3A_63 = vector.shape_cast %select_n3A_59 : vector<16xi32> to vector<16xi32>
    tpu.vector_store %arg5[%swap3A_60], %swap3A_63 {strides = array<i32>} : memref<128xi32, #tpu.memory_space<vmem>>, vector<16xi32>,
    %get3A_64 = arith.constant 48 : index
    %get3A_65 = tpu.vector_load %arg5[%get3A_64] {strides = array<i32>} : memref<128xi32, #tpu.memory_space<vmem>>, vector<16xi32>,
    %get3A_66 = vector.shape_cast %get3A_65 : vector<16xi32> to vector<16xi32>
    %sub3A_67 = vector.broadcast %mul3A_0 : i32 to vector<16xi32>
    %sub3A_68 = arith.subi %get3A_66, %sub3A_67 : vector<16xi32>
    %ge3A_69 = arith.constant 0 : i32
    %ge3A_70 = vector.broadcast %ge3A_69 : i32 to vector<16xi32>
    %ge3A_71 = arith.cmpi sge, %sub3A_68, %ge3A_70 : vector<16xi32>
    %lt3A_72 = arith.constant 5120 : i32
    %lt3A_73 = vector.broadcast %lt3A_72 : i32 to vector<16xi32>
    %lt3A_74 = arith.cmpi slt, %sub3A_68, %lt3A_73 : vector<16xi32>
    %and3A_75 = arith.andi %ge3A_71, %lt3A_74 : vector<16xi1>
    %jit3A_76 = arith.constant 5120 : i32
    %broadcast_in_dim3A_77 = vector.broadcast %jit3A_76 : i32 to vector<16xi32>
    %select_n3A_78 = arith.select %and3A_75, %sub3A_68, %broadcast_in_dim3A_77 : vector<16xi1>, vector<16xi32>
    %swap3A_79 = arith.constant 48 : index
    %swap3A_80 = tpu.vector_load %arg5[%swap3A_79] {strides = array<i32>} : memref<128xi32, #tpu.memory_space<vmem>>, vector<16xi32>,
    %swap3A_81 = vector.shape_cast %swap3A_80 : vector<16xi32> to vector<16xi32>
    %swap3A_82 = vector.shape_cast %select_n3A_78 : vector<16xi32> to vector<16xi32>
    tpu.vector_store %arg5[%swap3A_79], %swap3A_82 {strides = array<i32>} : memref<128xi32, #tpu.memory_space<vmem>>, vector<16xi32>,
    %get3A_83 = arith.constant 64 : index
    %get3A_84 = tpu.vector_load %arg5[%get3A_83] {strides = array<i32>} : memref<128xi32, #tpu.memory_space<vmem>>, vector<16xi32>,
    %get3A_85 = vector.shape_cast %get3A_84 : vector<16xi32> to vector<16xi32>
    %sub3A_86 = vector.broadcast %mul3A_0 : i32 to vector<16xi32>
    %sub3A_87 = arith.subi %get3A_85, %sub3A_86 : vector<16xi32>
    %ge3A_88 = arith.constant 0 : i32
    %ge3A_89 = vector.broadcast %ge3A_88 : i32 to vector<16xi32>
    %ge3A_90 = arith.cmpi sge, %sub3A_87, %ge3A_89 : vector<16xi32>
    %lt3A_91 = arith.constant 5120 : i32
    %lt3A_92 = vector.broadcast %lt3A_91 : i32 to vector<16xi32>
    %lt3A_93 = arith.cmpi slt, %sub3A_87, %lt3A_92 : vector<16xi32>
    %and3A_94 = arith.andi %ge3A_90, %lt3A_93 : vector<16xi1>
    %jit3A_95 = arith.constant 5120 : i32
    %broadcast_in_dim3A_96 = vector.broadcast %jit3A_95 : i32 to vector<16xi32>
    %select_n3A_97 = arith.select %and3A_94, %sub3A_87, %broadcast_in_dim3A_96 : vector<16xi1>, vector<16xi32>
    %swap3A_98 = arith.constant 64 : index
    %swap3A_99 = tpu.vector_load %arg5[%swap3A_98] {strides = array<i32>} : memref<128xi32, #tpu.memory_space<vmem>>, vector<16xi32>,
    %swap3A_100 = vector.shape_cast %swap3A_99 : vector<16xi32> to vector<16xi32>
    %swap3A_101 = vector.shape_cast %select_n3A_97 : vector<16xi32> to vector<16xi32>
    tpu.vector_store %arg5[%swap3A_98], %swap3A_101 {strides = array<i32>} : memref<128xi32, #tpu.memory_space<vmem>>, vector<16xi32>,
    %get3A_102 = arith.constant 80 : index
    %get3A_103 = tpu.vector_load %arg5[%get3A_102] {strides = array<i32>} : memref<128xi32, #tpu.memory_space<vmem>>, vector<16xi32>,
    %get3A_104 = vector.shape_cast %get3A_103 : vector<16xi32> to vector<16xi32>
    %sub3A_105 = vector.broadcast %mul3A_0 : i32 to vector<16xi32>
    %sub3A_106 = arith.subi %get3A_104, %sub3A_105 : vector<16xi32>
    %ge3A_107 = arith.constant 0 : i32
    %ge3A_108 = vector.broadcast %ge3A_107 : i32 to vector<16xi32>
    %ge3A_109 = arith.cmpi sge, %sub3A_106, %ge3A_108 : vector<16xi32>
    %lt3A_110 = arith.constant 5120 : i32
    %lt3A_111 = vector.broadcast %lt3A_110 : i32 to vector<16xi32>
    %lt3A_112 = arith.cmpi slt, %sub3A_106, %lt3A_111 : vector<16xi32>
    %and3A_113 = arith.andi %ge3A_109, %lt3A_112 : vector<16xi1>
    %jit3A_114 = arith.constant 5120 : i32
    %broadcast_in_dim3A_115 = vector.broadcast %jit3A_114 : i32 to vector<16xi32>
    %select_n3A_116 = arith.select %and3A_113, %sub3A_106, %broadcast_in_dim3A_115 : vector<16xi1>, vector<16xi32>
    %swap3A_117 = arith.constant 80 : index
    %swap3A_118 = tpu.vector_load %arg5[%swap3A_117] {strides = array<i32>} : memref<128xi32, #tpu.memory_space<vmem>>, vector<16xi32>,
    %swap3A_119 = vector.shape_cast %swap3A_118 : vector<16xi32> to vector<16xi32>
    %swap3A_120 = vector.shape_cast %select_n3A_116 : vector<16xi32> to vector<16xi32>
    tpu.vector_store %arg5[%swap3A_117], %swap3A_120 {strides = array<i32>} : memref<128xi32, #tpu.memory_space<vmem>>, vector<16xi32>,
    %get3A_121 = arith.constant 96 : index
    %get3A_122 = tpu.vector_load %arg5[%get3A_121] {strides = array<i32>} : memref<128xi32, #tpu.memory_space<vmem>>, vector<16xi32>,
    %get3A_123 = vector.shape_cast %get3A_122 : vector<16xi32> to vector<16xi32>
    %sub3A_124 = vector.broadcast %mul3A_0 : i32 to vector<16xi32>
    %sub3A_125 = arith.subi %get3A_123, %sub3A_124 : vector<16xi32>
    %ge3A_126 = arith.constant 0 : i32
    %ge3A_127 = vector.broadcast %ge3A_126 : i32 to vector<16xi32>
    %ge3A_128 = arith.cmpi sge, %sub3A_125, %ge3A_127 : vector<16xi32>
    %lt3A_129 = arith.constant 5120 : i32
    %lt3A_130 = vector.broadcast %lt3A_129 : i32 to vector<16xi32>
    %lt3A_131 = arith.cmpi slt, %sub3A_125, %lt3A_130 : vector<16xi32>
    %and3A_132 = arith.andi %ge3A_128, %lt3A_131 : vector<16xi1>
    %jit3A_133 = arith.constant 5120 : i32
    %broadcast_in_dim3A_134 = vector.broadcast %jit3A_133 : i32 to vector<16xi32>
    %select_n3A_135 = arith.select %and3A_132, %sub3A_125, %broadcast_in_dim3A_134 : vector<16xi1>, vector<16xi32>
    %swap3A_136 = arith.constant 96 : index
    %swap3A_137 = tpu.vector_load %arg5[%swap3A_136] {strides = array<i32>} : memref<128xi32, #tpu.memory_space<vmem>>, vector<16xi32>,
    %swap3A_138 = vector.shape_cast %swap3A_137 : vector<16xi32> to vector<16xi32>
    %swap3A_139 = vector.shape_cast %select_n3A_135 : vector<16xi32> to vector<16xi32>
    tpu.vector_store %arg5[%swap3A_136], %swap3A_139 {strides = array<i32>} : memref<128xi32, #tpu.memory_space<vmem>>, vector<16xi32>,
    %get3A_140 = arith.constant 112 : index
    %get3A_141 = tpu.vector_load %arg5[%get3A_140] {strides = array<i32>} : memref<128xi32, #tpu.memory_space<vmem>>, vector<16xi32>,
    %get3A_142 = vector.shape_cast %get3A_141 : vector<16xi32> to vector<16xi32>
    %sub3A_143 = vector.broadcast %mul3A_0 : i32 to vector<16xi32>
    %sub3A_144 = arith.subi %get3A_142, %sub3A_143 : vector<16xi32>
    %ge3A_145 = arith.constant 0 : i32
    %ge3A_146 = vector.broadcast %ge3A_145 : i32 to vector<16xi32>
    %ge3A_147 = arith.cmpi sge, %sub3A_144, %ge3A_146 : vector<16xi32>
    %lt3A_148 = arith.constant 5120 : i32
    %lt3A_149 = vector.broadcast %lt3A_148 : i32 to vector<16xi32>
    %lt3A_150 = arith.cmpi slt, %sub3A_144, %lt3A_149 : vector<16xi32>
    %and3A_151 = arith.andi %ge3A_147, %lt3A_150 : vector<16xi1>
    %jit3A_152 = arith.constant 5120 : i32
    %broadcast_in_dim3A_153 = vector.broadcast %jit3A_152 : i32 to vector<16xi32>
    %select_n3A_154 = arith.select %and3A_151, %sub3A_144, %broadcast_in_dim3A_153 : vector<16xi1>, vector<16xi32>
    %swap3A_155 = arith.constant 112 : index
    %swap3A_156 = tpu.vector_load %arg5[%swap3A_155] {strides = array<i32>} : memref<128xi32, #tpu.memory_space<vmem>>, vector<16xi32>,
    %swap3A_157 = vector.shape_cast %swap3A_156 : vector<16xi32> to vector<16xi32>
    %swap3A_158 = vector.shape_cast %select_n3A_154 : vector<16xi32> to vector<16xi32>
    tpu.vector_store %arg5[%swap3A_155], %swap3A_158 {strides = array<i32>} : memref<128xi32, #tpu.memory_space<vmem>>, vector<16xi32>,
    %scan3A_159 = arith.constant 0 : i32
    %scan3A_160 = arith.constant 0 : i32
    %scan3A_161 = arith.constant 39 : i32
    %scan3A_162 = arith.addi %scan3A_160, %scan3A_161 : i32
    %scan3A_163 = arith.constant 1 : i32
    scf.for %scan3A_176 = %scan3A_160 to %scan3A_162 step %scan3A_163  : i32 {
      %mul3A_177 = arith.constant 2 : i32
      %mul3A_178 = arith.muli %mul3A_177, %scan3A_176 : i32
      %mul3A_179 = arith.constant 16 : i32
      %mul3A_180 = arith.muli %mul3A_179, %mul3A_178 : i32
      %add3A_181 = arith.addi %arg1, %mul3A_180 : i32
      %add3A_182 = arith.constant 16 : i32
      %add3A_183 = arith.addi %add3A_181, %add3A_182 : i32
      %mul3A_184 = arith.constant 128 : i32
      %mul3A_185 = arith.muli %add3A_183, %mul3A_184 : i32
      %multiple_of3A_186 = tpu.assume_multiple %mul3A_185, 8 : i32
      "tpu.region"() ({
        %run_scoped3A = tpu.sem_alloc : memref<!tpu.dma_semaphore, #tpu.memory_space<semaphore_mem>>
        %dma_start3A_370 = tpu.memref_slice %arg2[%multiple_of3A_186] : memref<160000xi32, #tpu.memory_space<hbm>> -> memref<128xi32, #tpu.memory_space<hbm>>
        %dma_start3A_371 = tpu.memref_slice %arg2[%multiple_of3A_186] : memref<160000xi32, #tpu.memory_space<hbm>> -> memref<128xi32, #tpu.memory_space<hbm>>
        tpu.enqueue_dma source(%dma_start3A_371 : memref<128xi32, #tpu.memory_space<hbm>>) target(%arg6 : memref<128xi32, #tpu.memory_space<vmem>>) target_semaphore(%run_scoped3A : memref<!tpu.dma_semaphore, #tpu.memory_space<semaphore_mem>>)
        %dma_wait3A_372 = tpu.memref_slice %arg2[%multiple_of3A_186] : memref<160000xi32, #tpu.memory_space<hbm>> -> memref<128xi32, #tpu.memory_space<hbm>>
        %dma_wait3A_373 = tpu.memref_slice %arg2[%multiple_of3A_186] : memref<160000xi32, #tpu.memory_space<hbm>> -> memref<128xi32, #tpu.memory_space<hbm>>
        tpu.wait_dma2 semaphore(%run_scoped3A : memref<!tpu.dma_semaphore, #tpu.memory_space<semaphore_mem>>) src(%dma_wait3A_373 : memref<128xi32, #tpu.memory_space<hbm>>) dst(%arg6 : memref<128xi32, #tpu.memory_space<vmem>>)
        tpu.yield
      }) : () -> ()
      %mul3A_187 = arith.constant 128 : i32
      %mul3A_188 = arith.muli %add3A_183, %mul3A_187 : i32
      %multiple_of3A_189 = tpu.assume_multiple %mul3A_188, 8 : i32
      %dma_start3A_190 = arith.constant 0 : i32
      %dma_start3A_191 = tpu.memref_slice %arg3[%multiple_of3A_189, %dma_start3A_190] : memref<160000x128xf32, #tpu.memory_space<hbm>> -> memref<128x128xf32, #tpu.memory_space<hbm>>
      %dma_start3A_192 = arith.constant 0 : i32
      %dma_start3A_193 = tpu.memref_slice %arg3[%multiple_of3A_189, %dma_start3A_192] : memref<160000x128xf32, #tpu.memory_space<hbm>> -> memref<128x128xf32, #tpu.memory_space<hbm>>
      tpu.enqueue_dma source(%dma_start3A_193 : memref<128x128xf32, #tpu.memory_space<hbm>>) target(%arg8 : memref<128x128xf32, #tpu.memory_space<vmem>>) target_semaphore(%arg12 : memref<!tpu.dma_semaphore, #tpu.memory_space<semaphore_mem>>)
      %get3A_194 = arith.constant 0 : index
      %get3A_195 = tpu.vector_load %arg6[%get3A_194] {strides = array<i32>} : memref<128xi32, #tpu.memory_space<vmem>>, vector<16xi32>,
      %get3A_196 = vector.shape_cast %get3A_195 : vector<16xi32> to vector<16xi32>
      %sub3A_197 = vector.broadcast %mul3A_0 : i32 to vector<16xi32>
      %sub3A_198 = arith.subi %get3A_196, %sub3A_197 : vector<16xi32>
      %ge3A_199 = arith.constant 0 : i32
      %ge3A_200 = vector.broadcast %ge3A_199 : i32 to vector<16xi32>
      %ge3A_201 = arith.cmpi sge, %sub3A_198, %ge3A_200 : vector<16xi32>
      %lt3A_202 = arith.constant 5120 : i32
      %lt3A_203 = vector.broadcast %lt3A_202 : i32 to vector<16xi32>
      %lt3A_204 = arith.cmpi slt, %sub3A_198, %lt3A_203 : vector<16xi32>
      %and3A_205 = arith.andi %ge3A_201, %lt3A_204 : vector<16xi1>
      %jit3A_206 = arith.constant 5120 : i32
      %broadcast_in_dim3A_207 = vector.broadcast %jit3A_206 : i32 to vector<16xi32>
      %select_n3A_208 = arith.select %and3A_205, %sub3A_198, %broadcast_in_dim3A_207 : vector<16xi1>, vector<16xi32>
      %swap3A_209 = arith.constant 0 : index
      %swap3A_210 = tpu.vector_load %arg6[%swap3A_209] {strides = array<i32>} : memref<128xi32, #tpu.memory_space<vmem>>, vector<16xi32>,
      %swap3A_211 = vector.shape_cast %swap3A_210 : vector<16xi32> to vector<16xi32>
      %swap3A_212 = vector.shape_cast %select_n3A_208 : vector<16xi32> to vector<16xi32>
      tpu.vector_store %arg6[%swap3A_209], %swap3A_212 {strides = array<i32>} : memref<128xi32, #tpu.memory_space<vmem>>, vector<16xi32>,
      %get3A_213 = arith.constant 16 : index
      %get3A_214 = tpu.vector_load %arg6[%get3A_213] {strides = array<i32>} : memref<128xi32, #tpu.memory_space<vmem>>, vector<16xi32>,
      %get3A_215 = vector.shape_cast %get3A_214 : vector<16xi32> to vector<16xi32>
      %sub3A_216 = vector.broadcast %mul3A_0 : i32 to vector<16xi32>
      %sub3A_217 = arith.subi %get3A_215, %sub3A_216 : vector<16xi32>
      %ge3A_218 = arith.constant 0 : i32
      %ge3A_219 = vector.broadcast %ge3A_218 : i32 to vector<16xi32>
      %ge3A_220 = arith.cmpi sge, %sub3A_217, %ge3A_219 : vector<16xi32>
      %lt3A_221 = arith.constant 5120 : i32
      %lt3A_222 = vector.broadcast %lt3A_221 : i32 to vector<16xi32>
      %lt3A_223 = arith.cmpi slt, %sub3A_217, %lt3A_222 : vector<16xi32>
      %and3A_224 = arith.andi %ge3A_220, %lt3A_223 : vector<16xi1>
      %jit3A_225 = arith.constant 5120 : i32
      %broadcast_in_dim3A_226 = vector.broadcast %jit3A_225 : i32 to vector<16xi32>
      %select_n3A_227 = arith.select %and3A_224, %sub3A_217, %broadcast_in_dim3A_226 : vector<16xi1>, vector<16xi32>
      %swap3A_228 = arith.constant 16 : index
      %swap3A_229 = tpu.vector_load %arg6[%swap3A_228] {strides = array<i32>} : memref<128xi32, #tpu.memory_space<vmem>>, vector<16xi32>,
      %swap3A_230 = vector.shape_cast %swap3A_229 : vector<16xi32> to vector<16xi32>
      %swap3A_231 = vector.shape_cast %select_n3A_227 : vector<16xi32> to vector<16xi32>
      tpu.vector_store %arg6[%swap3A_228], %swap3A_231 {strides = array<i32>} : memref<128xi32, #tpu.memory_space<vmem>>, vector<16xi32>,
      %get3A_232 = arith.constant 32 : index
      %get3A_233 = tpu.vector_load %arg6[%get3A_232] {strides = array<i32>} : memref<128xi32, #tpu.memory_space<vmem>>, vector<16xi32>,
      %get3A_234 = vector.shape_cast %get3A_233 : vector<16xi32> to vector<16xi32>
      %sub3A_235 = vector.broadcast %mul3A_0 : i32 to vector<16xi32>
      %sub3A_236 = arith.subi %get3A_234, %sub3A_235 : vector<16xi32>
      %ge3A_237 = arith.constant 0 : i32
      %ge3A_238 = vector.broadcast %ge3A_237 : i32 to vector<16xi32>
      %ge3A_239 = arith.cmpi sge, %sub3A_236, %ge3A_238 : vector<16xi32>
      %lt3A_240 = arith.constant 5120 : i32
      %lt3A_241 = vector.broadcast %lt3A_240 : i32 to vector<16xi32>
      %lt3A_242 = arith.cmpi slt, %sub3A_236, %lt3A_241 : vector<16xi32>
      %and3A_243 = arith.andi %ge3A_239, %lt3A_242 : vector<16xi1>
      %jit3A_244 = arith.constant 5120 : i32
      %broadcast_in_dim3A_245 = vector.broadcast %jit3A_244 : i32 to vector<16xi32>
      %select_n3A_246 = arith.select %and3A_243, %sub3A_236, %broadcast_in_dim3A_245 : vector<16xi1>, vector<16xi32>
      %swap3A_247 = arith.constant 32 : index
      %swap3A_248 = tpu.vector_load %arg6[%swap3A_247] {strides = array<i32>} : memref<128xi32, #tpu.memory_space<vmem>>, vector<16xi32>,
      %swap3A_249 = vector.shape_cast %swap3A_248 : vector<16xi32> to vector<16xi32>
      %swap3A_250 = vector.shape_cast %select_n3A_246 : vector<16xi32> to vector<16xi32>
      tpu.vector_store %arg6[%swap3A_247], %swap3A_250 {strides = array<i32>} : memref<128xi32, #tpu.memory_space<vmem>>, vector<16xi32>,
      %get3A_251 = arith.constant 48 : index
      %get3A_252 = tpu.vector_load %arg6[%get3A_251] {strides = array<i32>} : memref<128xi32, #tpu.memory_space<vmem>>, vector<16xi32>,
      %get3A_253 = vector.shape_cast %get3A_252 : vector<16xi32> to vector<16xi32>
      %sub3A_254 = vector.broadcast %mul3A_0 : i32 to vector<16xi32>
      %sub3A_255 = arith.subi %get3A_253, %sub3A_254 : vector<16xi32>
      %ge3A_256 = arith.constant 0 : i32
      %ge3A_257 = vector.broadcast %ge3A_256 : i32 to vector<16xi32>
      %ge3A_258 = arith.cmpi sge, %sub3A_255, %ge3A_257 : vector<16xi32>
      %lt3A_259 = arith.constant 5120 : i32
      %lt3A_260 = vector.broadcast %lt3A_259 : i32 to vector<16xi32>
      %lt3A_261 = arith.cmpi slt, %sub3A_255, %lt3A_260 : vector<16xi32>
      %and3A_262 = arith.andi %ge3A_258, %lt3A_261 : vector<16xi1>
      %jit3A_263 = arith.constant 5120 : i32
      %broadcast_in_dim3A_264 = vector.broadcast %jit3A_263 : i32 to vector<16xi32>
      %select_n3A_265 = arith.select %and3A_262, %sub3A_255, %broadcast_in_dim3A_264 : vector<16xi1>, vector<16xi32>
      %swap3A_266 = arith.constant 48 : index
      %swap3A_267 = tpu.vector_load %arg6[%swap3A_266] {strides = array<i32>} : memref<128xi32, #tpu.memory_space<vmem>>, vector<16xi32>,
      %swap3A_268 = vector.shape_cast %swap3A_267 : vector<16xi32> to vector<16xi32>
      %swap3A_269 = vector.shape_cast %select_n3A_265 : vector<16xi32> to vector<16xi32>
      tpu.vector_store %arg6[%swap3A_266], %swap3A_269 {strides = array<i32>} : memref<128xi32, #tpu.memory_space<vmem>>, vector<16xi32>,
      %get3A_270 = arith.constant 64 : index
      %get3A_271 = tpu.vector_load %arg6[%get3A_270] {strides = array<i32>} : memref<128xi32, #tpu.memory_space<vmem>>, vector<16xi32>,
      %get3A_272 = vector.shape_cast %get3A_271 : vector<16xi32> to vector<16xi32>
      %sub3A_273 = vector.broadcast %mul3A_0 : i32 to vector<16xi32>
      %sub3A_274 = arith.subi %get3A_272, %sub3A_273 : vector<16xi32>
      %ge3A_275 = arith.constant 0 : i32
      %ge3A_276 = vector.broadcast %ge3A_275 : i32 to vector<16xi32>
      %ge3A_277 = arith.cmpi sge, %sub3A_274, %ge3A_276 : vector<16xi32>
      %lt3A_278 = arith.constant 5120 : i32
      %lt3A_279 = vector.broadcast %lt3A_278 : i32 to vector<16xi32>
      %lt3A_280 = arith.cmpi slt, %sub3A_274, %lt3A_279 : vector<16xi32>
      %and3A_281 = arith.andi %ge3A_277, %lt3A_280 : vector<16xi1>
      %jit3A_282 = arith.constant 5120 : i32
      %broadcast_in_dim3A_283 = vector.broadcast %jit3A_282 : i32 to vector<16xi32>
      %select_n3A_284 = arith.select %and3A_281, %sub3A_274, %broadcast_in_dim3A_283 : vector<16xi1>, vector<16xi32>
      %swap3A_285 = arith.constant 64 : index
      %swap3A_286 = tpu.vector_load %arg6[%swap3A_285] {strides = array<i32>} : memref<128xi32, #tpu.memory_space<vmem>>, vector<16xi32>,
      %swap3A_287 = vector.shape_cast %swap3A_286 : vector<16xi32> to vector<16xi32>
      %swap3A_288 = vector.shape_cast %select_n3A_284 : vector<16xi32> to vector<16xi32>
      tpu.vector_store %arg6[%swap3A_285], %swap3A_288 {strides = array<i32>} : memref<128xi32, #tpu.memory_space<vmem>>, vector<16xi32>,
      %get3A_289 = arith.constant 80 : index
      %get3A_290 = tpu.vector_load %arg6[%get3A_289] {strides = array<i32>} : memref<128xi32, #tpu.memory_space<vmem>>, vector<16xi32>,
      %get3A_291 = vector.shape_cast %get3A_290 : vector<16xi32> to vector<16xi32>
      %sub3A_292 = vector.broadcast %mul3A_0 : i32 to vector<16xi32>
      %sub3A_293 = arith.subi %get3A_291, %sub3A_292 : vector<16xi32>
      %ge3A_294 = arith.constant 0 : i32
      %ge3A_295 = vector.broadcast %ge3A_294 : i32 to vector<16xi32>
      %ge3A_296 = arith.cmpi sge, %sub3A_293, %ge3A_295 : vector<16xi32>
      %lt3A_297 = arith.constant 5120 : i32
      %lt3A_298 = vector.broadcast %lt3A_297 : i32 to vector<16xi32>
      %lt3A_299 = arith.cmpi slt, %sub3A_293, %lt3A_298 : vector<16xi32>
      %and3A_300 = arith.andi %ge3A_296, %lt3A_299 : vector<16xi1>
      %jit3A_301 = arith.constant 5120 : i32
      %broadcast_in_dim3A_302 = vector.broadcast %jit3A_301 : i32 to vector<16xi32>
      %select_n3A_303 = arith.select %and3A_300, %sub3A_293, %broadcast_in_dim3A_302 : vector<16xi1>, vector<16xi32>
      %swap3A_304 = arith.constant 80 : index
      %swap3A_305 = tpu.vector_load %arg6[%swap3A_304] {strides = array<i32>} : memref<128xi32, #tpu.memory_space<vmem>>, vector<16xi32>,
      %swap3A_306 = vector.shape_cast %swap3A_305 : vector<16xi32> to vector<16xi32>
      %swap3A_307 = vector.shape_cast %select_n3A_303 : vector<16xi32> to vector<16xi32>
      tpu.vector_store %arg6[%swap3A_304], %swap3A_307 {strides = array<i32>} : memref<128xi32, #tpu.memory_space<vmem>>, vector<16xi32>,
      %get3A_308 = arith.constant 96 : index
      %get3A_309 = tpu.vector_load %arg6[%get3A_308] {strides = array<i32>} : memref<128xi32, #tpu.memory_space<vmem>>, vector<16xi32>,
      %get3A_310 = vector.shape_cast %get3A_309 : vector<16xi32> to vector<16xi32>
      %sub3A_311 = vector.broadcast %mul3A_0 : i32 to vector<16xi32>
      %sub3A_312 = arith.subi %get3A_310, %sub3A_311 : vector<16xi32>
      %ge3A_313 = arith.constant 0 : i32
      %ge3A_314 = vector.broadcast %ge3A_313 : i32 to vector<16xi32>
      %ge3A_315 = arith.cmpi sge, %sub3A_312, %ge3A_314 : vector<16xi32>
      %lt3A_316 = arith.constant 5120 : i32
      %lt3A_317 = vector.broadcast %lt3A_316 : i32 to vector<16xi32>
      %lt3A_318 = arith.cmpi slt, %sub3A_312, %lt3A_317 : vector<16xi32>
      %and3A_319 = arith.andi %ge3A_315, %lt3A_318 : vector<16xi1>
      %jit3A_320 = arith.constant 5120 : i32
      %broadcast_in_dim3A_321 = vector.broadcast %jit3A_320 : i32 to vector<16xi32>
      %select_n3A_322 = arith.select %and3A_319, %sub3A_312, %broadcast_in_dim3A_321 : vector<16xi1>, vector<16xi32>
      %swap3A_323 = arith.constant 96 : index
      %swap3A_324 = tpu.vector_load %arg6[%swap3A_323] {strides = array<i32>} : memref<128xi32, #tpu.memory_space<vmem>>, vector<16xi32>,
      %swap3A_325 = vector.shape_cast %swap3A_324 : vector<16xi32> to vector<16xi32>
      %swap3A_326 = vector.shape_cast %select_n3A_322 : vector<16xi32> to vector<16xi32>
      tpu.vector_store %arg6[%swap3A_323], %swap3A_326 {strides = array<i32>} : memref<128xi32, #tpu.memory_space<vmem>>, vector<16xi32>,
      %get3A_327 = arith.constant 112 : index
      %get3A_328 = tpu.vector_load %arg6[%get3A_327] {strides = array<i32>} : memref<128xi32, #tpu.memory_space<vmem>>, vector<16xi32>,
      %get3A_329 = vector.shape_cast %get3A_328 : vector<16xi32> to vector<16xi32>
      %sub3A_330 = vector.broadcast %mul3A_0 : i32 to vector<16xi32>
      %sub3A_331 = arith.subi %get3A_329, %sub3A_330 : vector<16xi32>
      %ge3A_332 = arith.constant 0 : i32
      %ge3A_333 = vector.broadcast %ge3A_332 : i32 to vector<16xi32>
      %ge3A_334 = arith.cmpi sge, %sub3A_331, %ge3A_333 : vector<16xi32>
      %lt3A_335 = arith.constant 5120 : i32
      %lt3A_336 = vector.broadcast %lt3A_335 : i32 to vector<16xi32>
      %lt3A_337 = arith.cmpi slt, %sub3A_331, %lt3A_336 : vector<16xi32>
      %and3A_338 = arith.andi %ge3A_334, %lt3A_337 : vector<16xi1>
      %jit3A_339 = arith.constant 5120 : i32
      %broadcast_in_dim3A_340 = vector.broadcast %jit3A_339 : i32 to vector<16xi32>
      %select_n3A_341 = arith.select %and3A_338, %sub3A_331, %broadcast_in_dim3A_340 : vector<16xi1>, vector<16xi32>
      %swap3A_342 = arith.constant 112 : index
      %swap3A_343 = tpu.vector_load %arg6[%swap3A_342] {strides = array<i32>} : memref<128xi32, #tpu.memory_space<vmem>>, vector<16xi32>,
      %swap3A_344 = vector.shape_cast %swap3A_343 : vector<16xi32> to vector<16xi32>
      %swap3A_345 = vector.shape_cast %select_n3A_341 : vector<16xi32> to vector<16xi32>
      tpu.vector_store %arg6[%swap3A_342], %swap3A_345 {strides = array<i32>} : memref<128xi32, #tpu.memory_space<vmem>>, vector<16xi32>,
      %mul3A_346 = arith.constant 128 : i32
      %mul3A_347 = arith.muli %add3A_181, %mul3A_346 : i32
      %multiple_of3A_348 = tpu.assume_multiple %mul3A_347, 8 : i32
      %dma_wait3A = arith.constant 0 : i32
      %dma_wait3A_349 = tpu.memref_slice %arg3[%multiple_of3A_348, %dma_wait3A] : memref<160000x128xf32, #tpu.memory_space<hbm>> -> memref<128x128xf32, #tpu.memory_space<hbm>>
      %dma_wait3A_350 = arith.constant 0 : i32
      %dma_wait3A_351 = tpu.memref_slice %arg3[%multiple_of3A_348, %dma_wait3A_350] : memref<160000x128xf32, #tpu.memory_space<hbm>> -> memref<128x128xf32, #tpu.memory_space<hbm>>
      tpu.wait_dma2 semaphore(%arg11 : memref<!tpu.dma_semaphore, #tpu.memory_space<semaphore_mem>>) src(%dma_wait3A_351 : memref<128x128xf32, #tpu.memory_space<hbm>>) dst(%arg7 : memref<128x128xf32, #tpu.memory_space<vmem>>)
      "tpu.region"() ({
        %run_scoped3A = tpu.sem_alloc : memref<!tpu.dma_semaphore, #tpu.memory_space<semaphore_mem>>
        %dma_start3A_370 = arith.constant 0 : i32
        %dma_start3A_371 = arith.constant 0 : i32
        %dma_start3A_372 = tpu.memref_slice %arg10[%dma_start3A_370, %dma_start3A_371] : memref<5248x128xf32, #tpu.memory_space<vmem_shared>> -> memref<5248x128xf32, #tpu.memory_space<vmem_shared>>
        tpu.enqueue_indirect_dma source(%arg7 : memref<128x128xf32, #tpu.memory_space<vmem>>) target(%dma_start3A_372 : memref<5248x128xf32, #tpu.memory_space<vmem_shared>>) offsets(%arg5 : memref<128xi32, #tpu.memory_space<vmem>>) semaphore(%run_scoped3A : memref<!tpu.dma_semaphore, #tpu.memory_space<semaphore_mem>>) {add = true}
        %dma_wait3A_373 = arith.constant 0 : i32
        %dma_wait3A_374 = arith.constant 0 : i32
        %dma_wait3A_375 = tpu.memref_slice %arg10[%dma_wait3A_373, %dma_wait3A_374] : memref<5248x128xf32, #tpu.memory_space<vmem_shared>> -> memref<5248x128xf32, #tpu.memory_space<vmem_shared>>
        tpu.wait_indirect_dma semaphore(%run_scoped3A : memref<!tpu.dma_semaphore, #tpu.memory_space<semaphore_mem>>) src(%arg7 : memref<128x128xf32, #tpu.memory_space<vmem>>) dst(%dma_wait3A_375 : memref<5248x128xf32, #tpu.memory_space<vmem_shared>>)
        tpu.yield
      }) : () -> ()
      %mul3A_352 = arith.constant 2 : i32
      %mul3A_353 = arith.muli %mul3A_352, %scan3A_176 : i32
      %add3A_354 = arith.constant 2 : i32
      %add3A_355 = arith.addi %mul3A_353, %add3A_354 : i32
      %lt3A_356 = arith.constant 78 : i32
      %lt3A_357 = arith.cmpi slt, %add3A_355, %lt3A_356 : i32
      %convert_element_type3A_358 = arith.extui %lt3A_357 : i1 to i32
      %cond3A_359 = arith.constant 0 : i32
      %cond3A_360 = arith.cmpi ne, %convert_element_type3A_358, %cond3A_359 : i32
      scf.if %cond3A_360 {
        %add3A_370 = arith.constant 32 : i32
        %add3A_371 = arith.addi %add3A_181, %add3A_370 : i32
        %mul3A_372 = arith.constant 128 : i32
        %mul3A_373 = arith.muli %add3A_371, %mul3A_372 : i32
        %multiple_of3A_374 = tpu.assume_multiple %mul3A_373, 8 : i32
        "tpu.region"() ({
          %run_scoped3A = tpu.sem_alloc : memref<!tpu.dma_semaphore, #tpu.memory_space<semaphore_mem>>
          %dma_start3A_534 = tpu.memref_slice %arg2[%multiple_of3A_374] : memref<160000xi32, #tpu.memory_space<hbm>> -> memref<128xi32, #tpu.memory_space<hbm>>
          %dma_start3A_535 = tpu.memref_slice %arg2[%multiple_of3A_374] : memref<160000xi32, #tpu.memory_space<hbm>> -> memref<128xi32, #tpu.memory_space<hbm>>
          tpu.enqueue_dma source(%dma_start3A_535 : memref<128xi32, #tpu.memory_space<hbm>>) target(%arg5 : memref<128xi32, #tpu.memory_space<vmem>>) target_semaphore(%run_scoped3A : memref<!tpu.dma_semaphore, #tpu.memory_space<semaphore_mem>>)
          %dma_wait3A_536 = tpu.memref_slice %arg2[%multiple_of3A_374] : memref<160000xi32, #tpu.memory_space<hbm>> -> memref<128xi32, #tpu.memory_space<hbm>>
          %dma_wait3A_537 = tpu.memref_slice %arg2[%multiple_of3A_374] : memref<160000xi32, #tpu.memory_space<hbm>> -> memref<128xi32, #tpu.memory_space<hbm>>
          tpu.wait_dma2 semaphore(%run_scoped3A : memref<!tpu.dma_semaphore, #tpu.memory_space<semaphore_mem>>) src(%dma_wait3A_537 : memref<128xi32, #tpu.memory_space<hbm>>) dst(%arg5 : memref<128xi32, #tpu.memory_space<vmem>>)
          tpu.yield
        }) : () -> ()
        %mul3A_375 = arith.constant 128 : i32
        %mul3A_376 = arith.muli %add3A_371, %mul3A_375 : i32
        %multiple_of3A_377 = tpu.assume_multiple %mul3A_376, 8 : i32
        %dma_start3A_378 = arith.constant 0 : i32
        %dma_start3A_379 = tpu.memref_slice %arg3[%multiple_of3A_377, %dma_start3A_378] : memref<160000x128xf32, #tpu.memory_space<hbm>> -> memref<128x128xf32, #tpu.memory_space<hbm>>
        %dma_start3A_380 = arith.constant 0 : i32
        %dma_start3A_381 = tpu.memref_slice %arg3[%multiple_of3A_377, %dma_start3A_380] : memref<160000x128xf32, #tpu.memory_space<hbm>> -> memref<128x128xf32, #tpu.memory_space<hbm>>
        tpu.enqueue_dma source(%dma_start3A_381 : memref<128x128xf32, #tpu.memory_space<hbm>>) target(%arg7 : memref<128x128xf32, #tpu.memory_space<vmem>>) target_semaphore(%arg11 : memref<!tpu.dma_semaphore, #tpu.memory_space<semaphore_mem>>)
        %get3A_382 = arith.constant 0 : index
        %get3A_383 = tpu.vector_load %arg5[%get3A_382] {strides = array<i32>} : memref<128xi32, #tpu.memory_space<vmem>>, vector<16xi32>,
        %get3A_384 = vector.shape_cast %get3A_383 : vector<16xi32> to vector<16xi32>
        %sub3A_385 = vector.broadcast %mul3A_0 : i32 to vector<16xi32>
        %sub3A_386 = arith.subi %get3A_384, %sub3A_385 : vector<16xi32>
        %ge3A_387 = arith.constant 0 : i32
        %ge3A_388 = vector.broadcast %ge3A_387 : i32 to vector<16xi32>
        %ge3A_389 = arith.cmpi sge, %sub3A_386, %ge3A_388 : vector<16xi32>
        %lt3A_390 = arith.constant 5120 : i32
        %lt3A_391 = vector.broadcast %lt3A_390 : i32 to vector<16xi32>
        %lt3A_392 = arith.cmpi slt, %sub3A_386, %lt3A_391 : vector<16xi32>
        %and3A_393 = arith.andi %ge3A_389, %lt3A_392 : vector<16xi1>
        %jit3A_394 = arith.constant 5120 : i32
        %broadcast_in_dim3A_395 = vector.broadcast %jit3A_394 : i32 to vector<16xi32>
        %select_n3A_396 = arith.select %and3A_393, %sub3A_386, %broadcast_in_dim3A_395 : vector<16xi1>, vector<16xi32>
        %swap3A_397 = arith.constant 0 : index
        %swap3A_398 = tpu.vector_load %arg5[%swap3A_397] {strides = array<i32>} : memref<128xi32, #tpu.memory_space<vmem>>, vector<16xi32>,
        %swap3A_399 = vector.shape_cast %swap3A_398 : vector<16xi32> to vector<16xi32>
        %swap3A_400 = vector.shape_cast %select_n3A_396 : vector<16xi32> to vector<16xi32>
        tpu.vector_store %arg5[%swap3A_397], %swap3A_400 {strides = array<i32>} : memref<128xi32, #tpu.memory_space<vmem>>, vector<16xi32>,
        %get3A_401 = arith.constant 16 : index
        %get3A_402 = tpu.vector_load %arg5[%get3A_401] {strides = array<i32>} : memref<128xi32, #tpu.memory_space<vmem>>, vector<16xi32>,
        %get3A_403 = vector.shape_cast %get3A_402 : vector<16xi32> to vector<16xi32>
        %sub3A_404 = vector.broadcast %mul3A_0 : i32 to vector<16xi32>
        %sub3A_405 = arith.subi %get3A_403, %sub3A_404 : vector<16xi32>
        %ge3A_406 = arith.constant 0 : i32
        %ge3A_407 = vector.broadcast %ge3A_406 : i32 to vector<16xi32>
        %ge3A_408 = arith.cmpi sge, %sub3A_405, %ge3A_407 : vector<16xi32>
        %lt3A_409 = arith.constant 5120 : i32
        %lt3A_410 = vector.broadcast %lt3A_409 : i32 to vector<16xi32>
        %lt3A_411 = arith.cmpi slt, %sub3A_405, %lt3A_410 : vector<16xi32>
        %and3A_412 = arith.andi %ge3A_408, %lt3A_411 : vector<16xi1>
        %jit3A_413 = arith.constant 5120 : i32
        %broadcast_in_dim3A_414 = vector.broadcast %jit3A_413 : i32 to vector<16xi32>
        %select_n3A_415 = arith.select %and3A_412, %sub3A_405, %broadcast_in_dim3A_414 : vector<16xi1>, vector<16xi32>
        %swap3A_416 = arith.constant 16 : index
        %swap3A_417 = tpu.vector_load %arg5[%swap3A_416] {strides = array<i32>} : memref<128xi32, #tpu.memory_space<vmem>>, vector<16xi32>,
        %swap3A_418 = vector.shape_cast %swap3A_417 : vector<16xi32> to vector<16xi32>
        %swap3A_419 = vector.shape_cast %select_n3A_415 : vector<16xi32> to vector<16xi32>
        tpu.vector_store %arg5[%swap3A_416], %swap3A_419 {strides = array<i32>} : memref<128xi32, #tpu.memory_space<vmem>>, vector<16xi32>,
        %get3A_420 = arith.constant 32 : index
        %get3A_421 = tpu.vector_load %arg5[%get3A_420] {strides = array<i32>} : memref<128xi32, #tpu.memory_space<vmem>>, vector<16xi32>,
        %get3A_422 = vector.shape_cast %get3A_421 : vector<16xi32> to vector<16xi32>
        %sub3A_423 = vector.broadcast %mul3A_0 : i32 to vector<16xi32>
        %sub3A_424 = arith.subi %get3A_422, %sub3A_423 : vector<16xi32>
        %ge3A_425 = arith.constant 0 : i32
        %ge3A_426 = vector.broadcast %ge3A_425 : i32 to vector<16xi32>
        %ge3A_427 = arith.cmpi sge, %sub3A_424, %ge3A_426 : vector<16xi32>
        %lt3A_428 = arith.constant 5120 : i32
        %lt3A_429 = vector.broadcast %lt3A_428 : i32 to vector<16xi32>
        %lt3A_430 = arith.cmpi slt, %sub3A_424, %lt3A_429 : vector<16xi32>
        %and3A_431 = arith.andi %ge3A_427, %lt3A_430 : vector<16xi1>
        %jit3A_432 = arith.constant 5120 : i32
        %broadcast_in_dim3A_433 = vector.broadcast %jit3A_432 : i32 to vector<16xi32>
        %select_n3A_434 = arith.select %and3A_431, %sub3A_424, %broadcast_in_dim3A_433 : vector<16xi1>, vector<16xi32>
        %swap3A_435 = arith.constant 32 : index
        %swap3A_436 = tpu.vector_load %arg5[%swap3A_435] {strides = array<i32>} : memref<128xi32, #tpu.memory_space<vmem>>, vector<16xi32>,
        %swap3A_437 = vector.shape_cast %swap3A_436 : vector<16xi32> to vector<16xi32>
        %swap3A_438 = vector.shape_cast %select_n3A_434 : vector<16xi32> to vector<16xi32>
        tpu.vector_store %arg5[%swap3A_435], %swap3A_438 {strides = array<i32>} : memref<128xi32, #tpu.memory_space<vmem>>, vector<16xi32>,
        %get3A_439 = arith.constant 48 : index
        %get3A_440 = tpu.vector_load %arg5[%get3A_439] {strides = array<i32>} : memref<128xi32, #tpu.memory_space<vmem>>, vector<16xi32>,
        %get3A_441 = vector.shape_cast %get3A_440 : vector<16xi32> to vector<16xi32>
        %sub3A_442 = vector.broadcast %mul3A_0 : i32 to vector<16xi32>
        %sub3A_443 = arith.subi %get3A_441, %sub3A_442 : vector<16xi32>
        %ge3A_444 = arith.constant 0 : i32
        %ge3A_445 = vector.broadcast %ge3A_444 : i32 to vector<16xi32>
        %ge3A_446 = arith.cmpi sge, %sub3A_443, %ge3A_445 : vector<16xi32>
        %lt3A_447 = arith.constant 5120 : i32
        %lt3A_448 = vector.broadcast %lt3A_447 : i32 to vector<16xi32>
        %lt3A_449 = arith.cmpi slt, %sub3A_443, %lt3A_448 : vector<16xi32>
        %and3A_450 = arith.andi %ge3A_446, %lt3A_449 : vector<16xi1>
        %jit3A_451 = arith.constant 5120 : i32
        %broadcast_in_dim3A_452 = vector.broadcast %jit3A_451 : i32 to vector<16xi32>
        %select_n3A_453 = arith.select %and3A_450, %sub3A_443, %broadcast_in_dim3A_452 : vector<16xi1>, vector<16xi32>
        %swap3A_454 = arith.constant 48 : index
        %swap3A_455 = tpu.vector_load %arg5[%swap3A_454] {strides = array<i32>} : memref<128xi32, #tpu.memory_space<vmem>>, vector<16xi32>,
        %swap3A_456 = vector.shape_cast %swap3A_455 : vector<16xi32> to vector<16xi32>
        %swap3A_457 = vector.shape_cast %select_n3A_453 : vector<16xi32> to vector<16xi32>
        tpu.vector_store %arg5[%swap3A_454], %swap3A_457 {strides = array<i32>} : memref<128xi32, #tpu.memory_space<vmem>>, vector<16xi32>,
        %get3A_458 = arith.constant 64 : index
        %get3A_459 = tpu.vector_load %arg5[%get3A_458] {strides = array<i32>} : memref<128xi32, #tpu.memory_space<vmem>>, vector<16xi32>,
        %get3A_460 = vector.shape_cast %get3A_459 : vector<16xi32> to vector<16xi32>
        %sub3A_461 = vector.broadcast %mul3A_0 : i32 to vector<16xi32>
        %sub3A_462 = arith.subi %get3A_460, %sub3A_461 : vector<16xi32>
        %ge3A_463 = arith.constant 0 : i32
        %ge3A_464 = vector.broadcast %ge3A_463 : i32 to vector<16xi32>
        %ge3A_465 = arith.cmpi sge, %sub3A_462, %ge3A_464 : vector<16xi32>
        %lt3A_466 = arith.constant 5120 : i32
        %lt3A_467 = vector.broadcast %lt3A_466 : i32 to vector<16xi32>
        %lt3A_468 = arith.cmpi slt, %sub3A_462, %lt3A_467 : vector<16xi32>
        %and3A_469 = arith.andi %ge3A_465, %lt3A_468 : vector<16xi1>
        %jit3A_470 = arith.constant 5120 : i32
        %broadcast_in_dim3A_471 = vector.broadcast %jit3A_470 : i32 to vector<16xi32>
        %select_n3A_472 = arith.select %and3A_469, %sub3A_462, %broadcast_in_dim3A_471 : vector<16xi1>, vector<16xi32>
        %swap3A_473 = arith.constant 64 : index
        %swap3A_474 = tpu.vector_load %arg5[%swap3A_473] {strides = array<i32>} : memref<128xi32, #tpu.memory_space<vmem>>, vector<16xi32>,
        %swap3A_475 = vector.shape_cast %swap3A_474 : vector<16xi32> to vector<16xi32>
        %swap3A_476 = vector.shape_cast %select_n3A_472 : vector<16xi32> to vector<16xi32>
        tpu.vector_store %arg5[%swap3A_473], %swap3A_476 {strides = array<i32>} : memref<128xi32, #tpu.memory_space<vmem>>, vector<16xi32>,
        %get3A_477 = arith.constant 80 : index
        %get3A_478 = tpu.vector_load %arg5[%get3A_477] {strides = array<i32>} : memref<128xi32, #tpu.memory_space<vmem>>, vector<16xi32>,
        %get3A_479 = vector.shape_cast %get3A_478 : vector<16xi32> to vector<16xi32>
        %sub3A_480 = vector.broadcast %mul3A_0 : i32 to vector<16xi32>
        %sub3A_481 = arith.subi %get3A_479, %sub3A_480 : vector<16xi32>
        %ge3A_482 = arith.constant 0 : i32
        %ge3A_483 = vector.broadcast %ge3A_482 : i32 to vector<16xi32>
        %ge3A_484 = arith.cmpi sge, %sub3A_481, %ge3A_483 : vector<16xi32>
        %lt3A_485 = arith.constant 5120 : i32
        %lt3A_486 = vector.broadcast %lt3A_485 : i32 to vector<16xi32>
        %lt3A_487 = arith.cmpi slt, %sub3A_481, %lt3A_486 : vector<16xi32>
        %and3A_488 = arith.andi %ge3A_484, %lt3A_487 : vector<16xi1>
        %jit3A_489 = arith.constant 5120 : i32
        %broadcast_in_dim3A_490 = vector.broadcast %jit3A_489 : i32 to vector<16xi32>
        %select_n3A_491 = arith.select %and3A_488, %sub3A_481, %broadcast_in_dim3A_490 : vector<16xi1>, vector<16xi32>
        %swap3A_492 = arith.constant 80 : index
        %swap3A_493 = tpu.vector_load %arg5[%swap3A_492] {strides = array<i32>} : memref<128xi32, #tpu.memory_space<vmem>>, vector<16xi32>,
        %swap3A_494 = vector.shape_cast %swap3A_493 : vector<16xi32> to vector<16xi32>
        %swap3A_495 = vector.shape_cast %select_n3A_491 : vector<16xi32> to vector<16xi32>
        tpu.vector_store %arg5[%swap3A_492], %swap3A_495 {strides = array<i32>} : memref<128xi32, #tpu.memory_space<vmem>>, vector<16xi32>,
        %get3A_496 = arith.constant 96 : index
        %get3A_497 = tpu.vector_load %arg5[%get3A_496] {strides = array<i32>} : memref<128xi32, #tpu.memory_space<vmem>>, vector<16xi32>,
        %get3A_498 = vector.shape_cast %get3A_497 : vector<16xi32> to vector<16xi32>
        %sub3A_499 = vector.broadcast %mul3A_0 : i32 to vector<16xi32>
        %sub3A_500 = arith.subi %get3A_498, %sub3A_499 : vector<16xi32>
        %ge3A_501 = arith.constant 0 : i32
        %ge3A_502 = vector.broadcast %ge3A_501 : i32 to vector<16xi32>
        %ge3A_503 = arith.cmpi sge, %sub3A_500, %ge3A_502 : vector<16xi32>
        %lt3A_504 = arith.constant 5120 : i32
        %lt3A_505 = vector.broadcast %lt3A_504 : i32 to vector<16xi32>
        %lt3A_506 = arith.cmpi slt, %sub3A_500, %lt3A_505 : vector<16xi32>
        %and3A_507 = arith.andi %ge3A_503, %lt3A_506 : vector<16xi1>
        %jit3A_508 = arith.constant 5120 : i32
        %broadcast_in_dim3A_509 = vector.broadcast %jit3A_508 : i32 to vector<16xi32>
        %select_n3A_510 = arith.select %and3A_507, %sub3A_500, %broadcast_in_dim3A_509 : vector<16xi1>, vector<16xi32>
        %swap3A_511 = arith.constant 96 : index
        %swap3A_512 = tpu.vector_load %arg5[%swap3A_511] {strides = array<i32>} : memref<128xi32, #tpu.memory_space<vmem>>, vector<16xi32>,
        %swap3A_513 = vector.shape_cast %swap3A_512 : vector<16xi32> to vector<16xi32>
        %swap3A_514 = vector.shape_cast %select_n3A_510 : vector<16xi32> to vector<16xi32>
        tpu.vector_store %arg5[%swap3A_511], %swap3A_514 {strides = array<i32>} : memref<128xi32, #tpu.memory_space<vmem>>, vector<16xi32>,
        %get3A_515 = arith.constant 112 : index
        %get3A_516 = tpu.vector_load %arg5[%get3A_515] {strides = array<i32>} : memref<128xi32, #tpu.memory_space<vmem>>, vector<16xi32>,
        %get3A_517 = vector.shape_cast %get3A_516 : vector<16xi32> to vector<16xi32>
        %sub3A_518 = vector.broadcast %mul3A_0 : i32 to vector<16xi32>
        %sub3A_519 = arith.subi %get3A_517, %sub3A_518 : vector<16xi32>
        %ge3A_520 = arith.constant 0 : i32
        %ge3A_521 = vector.broadcast %ge3A_520 : i32 to vector<16xi32>
        %ge3A_522 = arith.cmpi sge, %sub3A_519, %ge3A_521 : vector<16xi32>
        %lt3A_523 = arith.constant 5120 : i32
        %lt3A_524 = vector.broadcast %lt3A_523 : i32 to vector<16xi32>
        %lt3A_525 = arith.cmpi slt, %sub3A_519, %lt3A_524 : vector<16xi32>
        %and3A_526 = arith.andi %ge3A_522, %lt3A_525 : vector<16xi1>
        %jit3A_527 = arith.constant 5120 : i32
        %broadcast_in_dim3A_528 = vector.broadcast %jit3A_527 : i32 to vector<16xi32>
        %select_n3A_529 = arith.select %and3A_526, %sub3A_519, %broadcast_in_dim3A_528 : vector<16xi1>, vector<16xi32>
        %swap3A_530 = arith.constant 112 : index
        %swap3A_531 = tpu.vector_load %arg5[%swap3A_530] {strides = array<i32>} : memref<128xi32, #tpu.memory_space<vmem>>, vector<16xi32>,
        %swap3A_532 = vector.shape_cast %swap3A_531 : vector<16xi32> to vector<16xi32>
        %swap3A_533 = vector.shape_cast %select_n3A_529 : vector<16xi32> to vector<16xi32>
        tpu.vector_store %arg5[%swap3A_530], %swap3A_533 {strides = array<i32>} : memref<128xi32, #tpu.memory_space<vmem>>, vector<16xi32>,
      } else {
      }
      %add3A_361 = arith.constant 16 : i32
      %add3A_362 = arith.addi %add3A_181, %add3A_361 : i32
      %mul3A_363 = arith.constant 128 : i32
      %mul3A_364 = arith.muli %add3A_362, %mul3A_363 : i32
      %multiple_of3A_365 = tpu.assume_multiple %mul3A_364, 8 : i32
      %dma_wait3A_366 = arith.constant 0 : i32
      %dma_wait3A_367 = tpu.memref_slice %arg3[%multiple_of3A_365, %dma_wait3A_366] : memref<160000x128xf32, #tpu.memory_space<hbm>> -> memref<128x128xf32, #tpu.memory_space<hbm>>
      %dma_wait3A_368 = arith.constant 0 : i32
      %dma_wait3A_369 = tpu.memref_slice %arg3[%multiple_of3A_365, %dma_wait3A_368] : memref<160000x128xf32, #tpu.memory_space<hbm>> -> memref<128x128xf32, #tpu.memory_space<hbm>>
      tpu.wait_dma2 semaphore(%arg12 : memref<!tpu.dma_semaphore, #tpu.memory_space<semaphore_mem>>) src(%dma_wait3A_369 : memref<128x128xf32, #tpu.memory_space<hbm>>) dst(%arg8 : memref<128x128xf32, #tpu.memory_space<vmem>>)
      "tpu.region"() ({
        %run_scoped3A = tpu.sem_alloc : memref<!tpu.dma_semaphore, #tpu.memory_space<semaphore_mem>>
        %dma_start3A_370 = arith.constant 0 : i32
        %dma_start3A_371 = arith.constant 0 : i32
        %dma_start3A_372 = tpu.memref_slice %arg10[%dma_start3A_370, %dma_start3A_371] : memref<5248x128xf32, #tpu.memory_space<vmem_shared>> -> memref<5248x128xf32, #tpu.memory_space<vmem_shared>>
        tpu.enqueue_indirect_dma source(%arg8 : memref<128x128xf32, #tpu.memory_space<vmem>>) target(%dma_start3A_372 : memref<5248x128xf32, #tpu.memory_space<vmem_shared>>) offsets(%arg6 : memref<128xi32, #tpu.memory_space<vmem>>) semaphore(%run_scoped3A : memref<!tpu.dma_semaphore, #tpu.memory_space<semaphore_mem>>) {add = true}
        %dma_wait3A_373 = arith.constant 0 : i32
        %dma_wait3A_374 = arith.constant 0 : i32
        %dma_wait3A_375 = tpu.memref_slice %arg10[%dma_wait3A_373, %dma_wait3A_374] : memref<5248x128xf32, #tpu.memory_space<vmem_shared>> -> memref<5248x128xf32, #tpu.memory_space<vmem_shared>>
        tpu.wait_indirect_dma semaphore(%run_scoped3A : memref<!tpu.dma_semaphore, #tpu.memory_space<semaphore_mem>>) src(%arg8 : memref<128x128xf32, #tpu.memory_space<vmem>>) dst(%dma_wait3A_375 : memref<5248x128xf32, #tpu.memory_space<vmem_shared>>)
        tpu.yield
      }) : () -> ()
    }
    %scan3A_164 = arith.constant 39 : i32
    %lt3A_165 = arith.constant 2 : i32
    %lt3A_166 = arith.cmpi slt, %arg1, %lt3A_165 : i32
    %convert_element_type3A = arith.extui %lt3A_166 : i1 to i32
    %cond3A = arith.constant 0 : i32
    %cond3A_167 = arith.cmpi ne, %convert_element_type3A, %cond3A : i32
    scf.if %cond3A_167 {
      %add3A_176 = arith.constant 1248 : i32
      %add3A_177 = arith.addi %add3A_176, %arg1 : i32
      %mul3A_178 = arith.constant 128 : i32
      %mul3A_179 = arith.muli %add3A_177, %mul3A_178 : i32
      %multiple_of3A_180 = tpu.assume_multiple %mul3A_179, 8 : i32
      "tpu.region"() ({
        %run_scoped3A = tpu.sem_alloc : memref<!tpu.dma_semaphore, #tpu.memory_space<semaphore_mem>>
        %dma_start3A_346 = tpu.memref_slice %arg2[%multiple_of3A_180] : memref<160000xi32, #tpu.memory_space<hbm>> -> memref<128xi32, #tpu.memory_space<hbm>>
        %dma_start3A_347 = tpu.memref_slice %arg2[%multiple_of3A_180] : memref<160000xi32, #tpu.memory_space<hbm>> -> memref<128xi32, #tpu.memory_space<hbm>>
        tpu.enqueue_dma source(%dma_start3A_347 : memref<128xi32, #tpu.memory_space<hbm>>) target(%arg5 : memref<128xi32, #tpu.memory_space<vmem>>) target_semaphore(%run_scoped3A : memref<!tpu.dma_semaphore, #tpu.memory_space<semaphore_mem>>)
        %dma_wait3A_348 = tpu.memref_slice %arg2[%multiple_of3A_180] : memref<160000xi32, #tpu.memory_space<hbm>> -> memref<128xi32, #tpu.memory_space<hbm>>
        %dma_wait3A_349 = tpu.memref_slice %arg2[%multiple_of3A_180] : memref<160000xi32, #tpu.memory_space<hbm>> -> memref<128xi32, #tpu.memory_space<hbm>>
        tpu.wait_dma2 semaphore(%run_scoped3A : memref<!tpu.dma_semaphore, #tpu.memory_space<semaphore_mem>>) src(%dma_wait3A_349 : memref<128xi32, #tpu.memory_space<hbm>>) dst(%arg5 : memref<128xi32, #tpu.memory_space<vmem>>)
        tpu.yield
      }) : () -> ()
      %mul3A_181 = arith.constant 128 : i32
      %mul3A_182 = arith.muli %add3A_177, %mul3A_181 : i32
      %multiple_of3A_183 = tpu.assume_multiple %mul3A_182, 8 : i32
      %dma_start3A_184 = arith.constant 0 : i32
      %dma_start3A_185 = tpu.memref_slice %arg3[%multiple_of3A_183, %dma_start3A_184] : memref<160000x128xf32, #tpu.memory_space<hbm>> -> memref<128x128xf32, #tpu.memory_space<hbm>>
      %dma_start3A_186 = arith.constant 0 : i32
      %dma_start3A_187 = tpu.memref_slice %arg3[%multiple_of3A_183, %dma_start3A_186] : memref<160000x128xf32, #tpu.memory_space<hbm>> -> memref<128x128xf32, #tpu.memory_space<hbm>>
      tpu.enqueue_dma source(%dma_start3A_187 : memref<128x128xf32, #tpu.memory_space<hbm>>) target(%arg7 : memref<128x128xf32, #tpu.memory_space<vmem>>) target_semaphore(%arg11 : memref<!tpu.dma_semaphore, #tpu.memory_space<semaphore_mem>>)
      %get3A_188 = arith.constant 0 : index
      %get3A_189 = tpu.vector_load %arg5[%get3A_188] {strides = array<i32>} : memref<128xi32, #tpu.memory_space<vmem>>, vector<16xi32>,
      %get3A_190 = vector.shape_cast %get3A_189 : vector<16xi32> to vector<16xi32>
      %sub3A_191 = vector.broadcast %mul3A_0 : i32 to vector<16xi32>
      %sub3A_192 = arith.subi %get3A_190, %sub3A_191 : vector<16xi32>
      %ge3A_193 = arith.constant 0 : i32
      %ge3A_194 = vector.broadcast %ge3A_193 : i32 to vector<16xi32>
      %ge3A_195 = arith.cmpi sge, %sub3A_192, %ge3A_194 : vector<16xi32>
      %lt3A_196 = arith.constant 5120 : i32
      %lt3A_197 = vector.broadcast %lt3A_196 : i32 to vector<16xi32>
      %lt3A_198 = arith.cmpi slt, %sub3A_192, %lt3A_197 : vector<16xi32>
      %and3A_199 = arith.andi %ge3A_195, %lt3A_198 : vector<16xi1>
      %jit3A_200 = arith.constant 5120 : i32
      %broadcast_in_dim3A_201 = vector.broadcast %jit3A_200 : i32 to vector<16xi32>
      %select_n3A_202 = arith.select %and3A_199, %sub3A_192, %broadcast_in_dim3A_201 : vector<16xi1>, vector<16xi32>
      %swap3A_203 = arith.constant 0 : index
      %swap3A_204 = tpu.vector_load %arg5[%swap3A_203] {strides = array<i32>} : memref<128xi32, #tpu.memory_space<vmem>>, vector<16xi32>,
      %swap3A_205 = vector.shape_cast %swap3A_204 : vector<16xi32> to vector<16xi32>
      %swap3A_206 = vector.shape_cast %select_n3A_202 : vector<16xi32> to vector<16xi32>
      tpu.vector_store %arg5[%swap3A_203], %swap3A_206 {strides = array<i32>} : memref<128xi32, #tpu.memory_space<vmem>>, vector<16xi32>,
      %get3A_207 = arith.constant 16 : index
      %get3A_208 = tpu.vector_load %arg5[%get3A_207] {strides = array<i32>} : memref<128xi32, #tpu.memory_space<vmem>>, vector<16xi32>,
      %get3A_209 = vector.shape_cast %get3A_208 : vector<16xi32> to vector<16xi32>
      %sub3A_210 = vector.broadcast %mul3A_0 : i32 to vector<16xi32>
      %sub3A_211 = arith.subi %get3A_209, %sub3A_210 : vector<16xi32>
      %ge3A_212 = arith.constant 0 : i32
      %ge3A_213 = vector.broadcast %ge3A_212 : i32 to vector<16xi32>
      %ge3A_214 = arith.cmpi sge, %sub3A_211, %ge3A_213 : vector<16xi32>
      %lt3A_215 = arith.constant 5120 : i32
      %lt3A_216 = vector.broadcast %lt3A_215 : i32 to vector<16xi32>
      %lt3A_217 = arith.cmpi slt, %sub3A_211, %lt3A_216 : vector<16xi32>
      %and3A_218 = arith.andi %ge3A_214, %lt3A_217 : vector<16xi1>
      %jit3A_219 = arith.constant 5120 : i32
      %broadcast_in_dim3A_220 = vector.broadcast %jit3A_219 : i32 to vector<16xi32>
      %select_n3A_221 = arith.select %and3A_218, %sub3A_211, %broadcast_in_dim3A_220 : vector<16xi1>, vector<16xi32>
      %swap3A_222 = arith.constant 16 : index
      %swap3A_223 = tpu.vector_load %arg5[%swap3A_222] {strides = array<i32>} : memref<128xi32, #tpu.memory_space<vmem>>, vector<16xi32>,
      %swap3A_224 = vector.shape_cast %swap3A_223 : vector<16xi32> to vector<16xi32>
      %swap3A_225 = vector.shape_cast %select_n3A_221 : vector<16xi32> to vector<16xi32>
      tpu.vector_store %arg5[%swap3A_222], %swap3A_225 {strides = array<i32>} : memref<128xi32, #tpu.memory_space<vmem>>, vector<16xi32>,
      %get3A_226 = arith.constant 32 : index
      %get3A_227 = tpu.vector_load %arg5[%get3A_226] {strides = array<i32>} : memref<128xi32, #tpu.memory_space<vmem>>, vector<16xi32>,
      %get3A_228 = vector.shape_cast %get3A_227 : vector<16xi32> to vector<16xi32>
      %sub3A_229 = vector.broadcast %mul3A_0 : i32 to vector<16xi32>
      %sub3A_230 = arith.subi %get3A_228, %sub3A_229 : vector<16xi32>
      %ge3A_231 = arith.constant 0 : i32
      %ge3A_232 = vector.broadcast %ge3A_231 : i32 to vector<16xi32>
      %ge3A_233 = arith.cmpi sge, %sub3A_230, %ge3A_232 : vector<16xi32>
      %lt3A_234 = arith.constant 5120 : i32
      %lt3A_235 = vector.broadcast %lt3A_234 : i32 to vector<16xi32>
      %lt3A_236 = arith.cmpi slt, %sub3A_230, %lt3A_235 : vector<16xi32>
      %and3A_237 = arith.andi %ge3A_233, %lt3A_236 : vector<16xi1>
      %jit3A_238 = arith.constant 5120 : i32
      %broadcast_in_dim3A_239 = vector.broadcast %jit3A_238 : i32 to vector<16xi32>
      %select_n3A_240 = arith.select %and3A_237, %sub3A_230, %broadcast_in_dim3A_239 : vector<16xi1>, vector<16xi32>
      %swap3A_241 = arith.constant 32 : index
      %swap3A_242 = tpu.vector_load %arg5[%swap3A_241] {strides = array<i32>} : memref<128xi32, #tpu.memory_space<vmem>>, vector<16xi32>,
      %swap3A_243 = vector.shape_cast %swap3A_242 : vector<16xi32> to vector<16xi32>
      %swap3A_244 = vector.shape_cast %select_n3A_240 : vector<16xi32> to vector<16xi32>
      tpu.vector_store %arg5[%swap3A_241], %swap3A_244 {strides = array<i32>} : memref<128xi32, #tpu.memory_space<vmem>>, vector<16xi32>,
      %get3A_245 = arith.constant 48 : index
      %get3A_246 = tpu.vector_load %arg5[%get3A_245] {strides = array<i32>} : memref<128xi32, #tpu.memory_space<vmem>>, vector<16xi32>,
      %get3A_247 = vector.shape_cast %get3A_246 : vector<16xi32> to vector<16xi32>
      %sub3A_248 = vector.broadcast %mul3A_0 : i32 to vector<16xi32>
      %sub3A_249 = arith.subi %get3A_247, %sub3A_248 : vector<16xi32>
      %ge3A_250 = arith.constant 0 : i32
      %ge3A_251 = vector.broadcast %ge3A_250 : i32 to vector<16xi32>
      %ge3A_252 = arith.cmpi sge, %sub3A_249, %ge3A_251 : vector<16xi32>
      %lt3A_253 = arith.constant 5120 : i32
      %lt3A_254 = vector.broadcast %lt3A_253 : i32 to vector<16xi32>
      %lt3A_255 = arith.cmpi slt, %sub3A_249, %lt3A_254 : vector<16xi32>
      %and3A_256 = arith.andi %ge3A_252, %lt3A_255 : vector<16xi1>
      %jit3A_257 = arith.constant 5120 : i32
      %broadcast_in_dim3A_258 = vector.broadcast %jit3A_257 : i32 to vector<16xi32>
      %select_n3A_259 = arith.select %and3A_256, %sub3A_249, %broadcast_in_dim3A_258 : vector<16xi1>, vector<16xi32>
      %swap3A_260 = arith.constant 48 : index
      %swap3A_261 = tpu.vector_load %arg5[%swap3A_260] {strides = array<i32>} : memref<128xi32, #tpu.memory_space<vmem>>, vector<16xi32>,
      %swap3A_262 = vector.shape_cast %swap3A_261 : vector<16xi32> to vector<16xi32>
      %swap3A_263 = vector.shape_cast %select_n3A_259 : vector<16xi32> to vector<16xi32>
      tpu.vector_store %arg5[%swap3A_260], %swap3A_263 {strides = array<i32>} : memref<128xi32, #tpu.memory_space<vmem>>, vector<16xi32>,
      %get3A_264 = arith.constant 64 : index
      %get3A_265 = tpu.vector_load %arg5[%get3A_264] {strides = array<i32>} : memref<128xi32, #tpu.memory_space<vmem>>, vector<16xi32>,
      %get3A_266 = vector.shape_cast %get3A_265 : vector<16xi32> to vector<16xi32>
      %sub3A_267 = vector.broadcast %mul3A_0 : i32 to vector<16xi32>
      %sub3A_268 = arith.subi %get3A_266, %sub3A_267 : vector<16xi32>
      %ge3A_269 = arith.constant 0 : i32
      %ge3A_270 = vector.broadcast %ge3A_269 : i32 to vector<16xi32>
      %ge3A_271 = arith.cmpi sge, %sub3A_268, %ge3A_270 : vector<16xi32>
      %lt3A_272 = arith.constant 5120 : i32
      %lt3A_273 = vector.broadcast %lt3A_272 : i32 to vector<16xi32>
      %lt3A_274 = arith.cmpi slt, %sub3A_268, %lt3A_273 : vector<16xi32>
      %and3A_275 = arith.andi %ge3A_271, %lt3A_274 : vector<16xi1>
      %jit3A_276 = arith.constant 5120 : i32
      %broadcast_in_dim3A_277 = vector.broadcast %jit3A_276 : i32 to vector<16xi32>
      %select_n3A_278 = arith.select %and3A_275, %sub3A_268, %broadcast_in_dim3A_277 : vector<16xi1>, vector<16xi32>
      %swap3A_279 = arith.constant 64 : index
      %swap3A_280 = tpu.vector_load %arg5[%swap3A_279] {strides = array<i32>} : memref<128xi32, #tpu.memory_space<vmem>>, vector<16xi32>,
      %swap3A_281 = vector.shape_cast %swap3A_280 : vector<16xi32> to vector<16xi32>
      %swap3A_282 = vector.shape_cast %select_n3A_278 : vector<16xi32> to vector<16xi32>
      tpu.vector_store %arg5[%swap3A_279], %swap3A_282 {strides = array<i32>} : memref<128xi32, #tpu.memory_space<vmem>>, vector<16xi32>,
      %get3A_283 = arith.constant 80 : index
      %get3A_284 = tpu.vector_load %arg5[%get3A_283] {strides = array<i32>} : memref<128xi32, #tpu.memory_space<vmem>>, vector<16xi32>,
      %get3A_285 = vector.shape_cast %get3A_284 : vector<16xi32> to vector<16xi32>
      %sub3A_286 = vector.broadcast %mul3A_0 : i32 to vector<16xi32>
      %sub3A_287 = arith.subi %get3A_285, %sub3A_286 : vector<16xi32>
      %ge3A_288 = arith.constant 0 : i32
      %ge3A_289 = vector.broadcast %ge3A_288 : i32 to vector<16xi32>
      %ge3A_290 = arith.cmpi sge, %sub3A_287, %ge3A_289 : vector<16xi32>
      %lt3A_291 = arith.constant 5120 : i32
      %lt3A_292 = vector.broadcast %lt3A_291 : i32 to vector<16xi32>
      %lt3A_293 = arith.cmpi slt, %sub3A_287, %lt3A_292 : vector<16xi32>
      %and3A_294 = arith.andi %ge3A_290, %lt3A_293 : vector<16xi1>
      %jit3A_295 = arith.constant 5120 : i32
      %broadcast_in_dim3A_296 = vector.broadcast %jit3A_295 : i32 to vector<16xi32>
      %select_n3A_297 = arith.select %and3A_294, %sub3A_287, %broadcast_in_dim3A_296 : vector<16xi1>, vector<16xi32>
      %swap3A_298 = arith.constant 80 : index
      %swap3A_299 = tpu.vector_load %arg5[%swap3A_298] {strides = array<i32>} : memref<128xi32, #tpu.memory_space<vmem>>, vector<16xi32>,
      %swap3A_300 = vector.shape_cast %swap3A_299 : vector<16xi32> to vector<16xi32>
      %swap3A_301 = vector.shape_cast %select_n3A_297 : vector<16xi32> to vector<16xi32>
      tpu.vector_store %arg5[%swap3A_298], %swap3A_301 {strides = array<i32>} : memref<128xi32, #tpu.memory_space<vmem>>, vector<16xi32>,
      %get3A_302 = arith.constant 96 : index
      %get3A_303 = tpu.vector_load %arg5[%get3A_302] {strides = array<i32>} : memref<128xi32, #tpu.memory_space<vmem>>, vector<16xi32>,
      %get3A_304 = vector.shape_cast %get3A_303 : vector<16xi32> to vector<16xi32>
      %sub3A_305 = vector.broadcast %mul3A_0 : i32 to vector<16xi32>
      %sub3A_306 = arith.subi %get3A_304, %sub3A_305 : vector<16xi32>
      %ge3A_307 = arith.constant 0 : i32
      %ge3A_308 = vector.broadcast %ge3A_307 : i32 to vector<16xi32>
      %ge3A_309 = arith.cmpi sge, %sub3A_306, %ge3A_308 : vector<16xi32>
      %lt3A_310 = arith.constant 5120 : i32
      %lt3A_311 = vector.broadcast %lt3A_310 : i32 to vector<16xi32>
      %lt3A_312 = arith.cmpi slt, %sub3A_306, %lt3A_311 : vector<16xi32>
      %and3A_313 = arith.andi %ge3A_309, %lt3A_312 : vector<16xi1>
      %jit3A_314 = arith.constant 5120 : i32
      %broadcast_in_dim3A_315 = vector.broadcast %jit3A_314 : i32 to vector<16xi32>
      %select_n3A_316 = arith.select %and3A_313, %sub3A_306, %broadcast_in_dim3A_315 : vector<16xi1>, vector<16xi32>
      %swap3A_317 = arith.constant 96 : index
      %swap3A_318 = tpu.vector_load %arg5[%swap3A_317] {strides = array<i32>} : memref<128xi32, #tpu.memory_space<vmem>>, vector<16xi32>,
      %swap3A_319 = vector.shape_cast %swap3A_318 : vector<16xi32> to vector<16xi32>
      %swap3A_320 = vector.shape_cast %select_n3A_316 : vector<16xi32> to vector<16xi32>
      tpu.vector_store %arg5[%swap3A_317], %swap3A_320 {strides = array<i32>} : memref<128xi32, #tpu.memory_space<vmem>>, vector<16xi32>,
      %get3A_321 = arith.constant 112 : index
      %get3A_322 = tpu.vector_load %arg5[%get3A_321] {strides = array<i32>} : memref<128xi32, #tpu.memory_space<vmem>>, vector<16xi32>,
      %get3A_323 = vector.shape_cast %get3A_322 : vector<16xi32> to vector<16xi32>
      %sub3A_324 = vector.broadcast %mul3A_0 : i32 to vector<16xi32>
      %sub3A_325 = arith.subi %get3A_323, %sub3A_324 : vector<16xi32>
      %ge3A_326 = arith.constant 0 : i32
      %ge3A_327 = vector.broadcast %ge3A_326 : i32 to vector<16xi32>
      %ge3A_328 = arith.cmpi sge, %sub3A_325, %ge3A_327 : vector<16xi32>
      %lt3A_329 = arith.constant 5120 : i32
      %lt3A_330 = vector.broadcast %lt3A_329 : i32 to vector<16xi32>
      %lt3A_331 = arith.cmpi slt, %sub3A_325, %lt3A_330 : vector<16xi32>
      %and3A_332 = arith.andi %ge3A_328, %lt3A_331 : vector<16xi1>
      %jit3A_333 = arith.constant 5120 : i32
      %broadcast_in_dim3A_334 = vector.broadcast %jit3A_333 : i32 to vector<16xi32>
      %select_n3A_335 = arith.select %and3A_332, %sub3A_325, %broadcast_in_dim3A_334 : vector<16xi1>, vector<16xi32>
      %swap3A_336 = arith.constant 112 : index
      %swap3A_337 = tpu.vector_load %arg5[%swap3A_336] {strides = array<i32>} : memref<128xi32, #tpu.memory_space<vmem>>, vector<16xi32>,
      %swap3A_338 = vector.shape_cast %swap3A_337 : vector<16xi32> to vector<16xi32>
      %swap3A_339 = vector.shape_cast %select_n3A_335 : vector<16xi32> to vector<16xi32>
      tpu.vector_store %arg5[%swap3A_336], %swap3A_339 {strides = array<i32>} : memref<128xi32, #tpu.memory_space<vmem>>, vector<16xi32>,
      %mul3A_340 = arith.constant 128 : i32
      %mul3A_341 = arith.muli %add3A_177, %mul3A_340 : i32
      %multiple_of3A_342 = tpu.assume_multiple %mul3A_341, 8 : i32
      %dma_wait3A = arith.constant 0 : i32
      %dma_wait3A_343 = tpu.memref_slice %arg3[%multiple_of3A_342, %dma_wait3A] : memref<160000x128xf32, #tpu.memory_space<hbm>> -> memref<128x128xf32, #tpu.memory_space<hbm>>
      %dma_wait3A_344 = arith.constant 0 : i32
      %dma_wait3A_345 = tpu.memref_slice %arg3[%multiple_of3A_342, %dma_wait3A_344] : memref<160000x128xf32, #tpu.memory_space<hbm>> -> memref<128x128xf32, #tpu.memory_space<hbm>>
      tpu.wait_dma2 semaphore(%arg11 : memref<!tpu.dma_semaphore, #tpu.memory_space<semaphore_mem>>) src(%dma_wait3A_345 : memref<128x128xf32, #tpu.memory_space<hbm>>) dst(%arg7 : memref<128x128xf32, #tpu.memory_space<vmem>>)
      "tpu.region"() ({
        %run_scoped3A = tpu.sem_alloc : memref<!tpu.dma_semaphore, #tpu.memory_space<semaphore_mem>>
        %dma_start3A_346 = arith.constant 0 : i32
        %dma_start3A_347 = arith.constant 0 : i32
        %dma_start3A_348 = tpu.memref_slice %arg10[%dma_start3A_346, %dma_start3A_347] : memref<5248x128xf32, #tpu.memory_space<vmem_shared>> -> memref<5248x128xf32, #tpu.memory_space<vmem_shared>>
        tpu.enqueue_indirect_dma source(%arg7 : memref<128x128xf32, #tpu.memory_space<vmem>>) target(%dma_start3A_348 : memref<5248x128xf32, #tpu.memory_space<vmem_shared>>) offsets(%arg5 : memref<128xi32, #tpu.memory_space<vmem>>) semaphore(%run_scoped3A : memref<!tpu.dma_semaphore, #tpu.memory_space<semaphore_mem>>) {add = true}
        %dma_wait3A_349 = arith.constant 0 : i32
        %dma_wait3A_350 = arith.constant 0 : i32
        %dma_wait3A_351 = tpu.memref_slice %arg10[%dma_wait3A_349, %dma_wait3A_350] : memref<5248x128xf32, #tpu.memory_space<vmem_shared>> -> memref<5248x128xf32, #tpu.memory_space<vmem_shared>>
        tpu.wait_indirect_dma semaphore(%run_scoped3A : memref<!tpu.dma_semaphore, #tpu.memory_space<semaphore_mem>>) src(%arg7 : memref<128x128xf32, #tpu.memory_space<vmem>>) dst(%dma_wait3A_351 : memref<5248x128xf32, #tpu.memory_space<vmem_shared>>)
        tpu.yield
      }) : () -> ()
    } else {
    }
    %barrier3A_168 = arith.constant 0 : index
    tpu.barrier barrier_id(%barrier3A_168)
    %mul3A_169 = arith.constant 328 : i32
    %mul3A_170 = arith.muli %arg1, %mul3A_169 : i32
    "tpu.region"() ({
      %run_scoped3A = tpu.sem_alloc : memref<!tpu.dma_semaphore, #tpu.memory_space<semaphore_mem>>
      %dma_start3A_176 = arith.constant 0 : i32
      %dma_start3A_177 = tpu.memref_slice %arg10[%mul3A_170, %dma_start3A_176] : memref<5248x128xf32, #tpu.memory_space<vmem_shared>> -> memref<328x128xf32, #tpu.memory_space<vmem_shared>>
      %dma_start3A_178 = arith.constant 0 : i32
      %dma_start3A_179 = tpu.memref_slice %arg10[%mul3A_170, %dma_start3A_178] : memref<5248x128xf32, #tpu.memory_space<vmem_shared>> -> memref<328x128xf32, #tpu.memory_space<vmem_shared>>
      tpu.enqueue_dma source(%dma_start3A_179 : memref<328x128xf32, #tpu.memory_space<vmem_shared>>) target(%arg9 : memref<328x128xf32, #tpu.memory_space<vmem>>) target_semaphore(%run_scoped3A : memref<!tpu.dma_semaphore, #tpu.memory_space<semaphore_mem>>)
      %dma_wait3A = arith.constant 0 : i32
      %dma_wait3A_180 = tpu.memref_slice %arg10[%mul3A_170, %dma_wait3A] : memref<5248x128xf32, #tpu.memory_space<vmem_shared>> -> memref<328x128xf32, #tpu.memory_space<vmem_shared>>
      %dma_wait3A_181 = arith.constant 0 : i32
      %dma_wait3A_182 = tpu.memref_slice %arg10[%mul3A_170, %dma_wait3A_181] : memref<5248x128xf32, #tpu.memory_space<vmem_shared>> -> memref<328x128xf32, #tpu.memory_space<vmem_shared>>
      tpu.wait_dma2 semaphore(%run_scoped3A : memref<!tpu.dma_semaphore, #tpu.memory_space<semaphore_mem>>) src(%dma_wait3A_182 : memref<328x128xf32, #tpu.memory_space<vmem_shared>>) dst(%arg9 : memref<328x128xf32, #tpu.memory_space<vmem>>)
      tpu.yield
    }) : () -> ()
    %mul3A_171 = arith.constant 5248 : i32
    %mul3A_172 = arith.muli %arg0, %mul3A_171 : i32
    %mul3A_173 = arith.constant 328 : i32
    %mul3A_174 = arith.muli %arg1, %mul3A_173 : i32
    %add3A = arith.addi %mul3A_172, %mul3A_174 : i32
    %multiple_of3A_175 = tpu.assume_multiple %add3A, 8 : i32
    "tpu.region"() ({
      %run_scoped3A = tpu.sem_alloc : memref<!tpu.dma_semaphore, #tpu.memory_space<semaphore_mem>>
      %dma_start3A_176 = arith.constant 0 : i32
      %dma_start3A_177 = tpu.memref_slice %arg4[%multiple_of3A_175, %dma_start3A_176] : memref<10496x128xf32, #tpu.memory_space<hbm>> -> memref<328x128xf32, #tpu.memory_space<hbm>>
      %dma_start3A_178 = arith.constant 0 : i32
      %dma_start3A_179 = tpu.memref_slice %arg4[%multiple_of3A_175, %dma_start3A_178] : memref<10496x128xf32, #tpu.memory_space<hbm>> -> memref<328x128xf32, #tpu.memory_space<hbm>>
      tpu.enqueue_dma source(%arg9 : memref<328x128xf32, #tpu.memory_space<vmem>>) target(%dma_start3A_179 : memref<328x128xf32, #tpu.memory_space<hbm>>) target_semaphore(%run_scoped3A : memref<!tpu.dma_semaphore, #tpu.memory_space<semaphore_mem>>)
      %dma_wait3A = arith.constant 0 : i32
      %dma_wait3A_180 = tpu.memref_slice %arg4[%multiple_of3A_175, %dma_wait3A] : memref<10496x128xf32, #tpu.memory_space<hbm>> -> memref<328x128xf32, #tpu.memory_space<hbm>>
      %dma_wait3A_181 = arith.constant 0 : i32
      %dma_wait3A_182 = tpu.memref_slice %arg4[%multiple_of3A_175, %dma_wait3A_181] : memref<10496x128xf32, #tpu.memory_space<hbm>> -> memref<328x128xf32, #tpu.memory_space<hbm>>
      tpu.wait_dma2 semaphore(%run_scoped3A : memref<!tpu.dma_semaphore, #tpu.memory_space<semaphore_mem>>) src(%arg9 : memref<328x128xf32, #tpu.memory_space<vmem>>) dst(%dma_wait3A_182 : memref<328x128xf32, #tpu.memory_space<hbm>>)
      tpu.yield
    }) : () -> ()
    return
  }
}

#map = affine_map<(d0, d1) -> (0)>
#map1 = affine_map<(d0, d1) -> (0, 0)>
module attributes {stable_mosaic.version = 14 : i64} {
  func.func @g(%arg0: i32, %arg1: i32, %arg2: memref<160000xi32, #tpu.memory_space<hbm>>, %arg3: memref<10000x128xf32, #tpu.memory_space<hbm>>, %arg4: memref<160000x128xf32, #tpu.memory_space<hbm>>, %arg5: memref<128xi32, #tpu.memory_space<vmem>>, %arg6: memref<128xi32, #tpu.memory_space<vmem>>, %arg7: memref<128x128xf32, #tpu.memory_space<vmem>>, %arg8: memref<128x128xf32, #tpu.memory_space<vmem>>, %arg9: memref<!tpu.dma_semaphore, #tpu.memory_space<semaphore_mem>>, %arg10: memref<!tpu.dma_semaphore, #tpu.memory_space<semaphore_mem>>) attributes {dimension_semantics = [#tpu.dimension_semantics<core_parallel>, #tpu.dimension_semantics<subcore_parallel>], iteration_bounds = array<i64: 2, 16>, scalar_prefetch = 0 : i64, scratch_operands = 6 : i64, tpu.core_type = #tpu.core_type<sc_vector_subcore>, window_params = [{transform_indices = #map}, {transform_indices = #map1}, {transform_indices = #map1}]} {
    %mul3A = arith.constant 2 : i32
    %mul3A_0 = arith.muli %arg1, %mul3A : i32
    %add3A = arith.addi %mul3A_0, %arg0 : i32
    %mul3A_1 = arith.constant 128 : i32
    %mul3A_2 = arith.muli %add3A, %mul3A_1 : i32
    %multiple_of3A = tpu.assume_multiple %mul3A_2, 8 : i32
    "tpu.region"() ({
      %run_scoped3A = tpu.sem_alloc : memref<!tpu.dma_semaphore, #tpu.memory_space<semaphore_mem>>
      %dma_start3A_19 = tpu.memref_slice %arg2[%multiple_of3A] : memref<160000xi32, #tpu.memory_space<hbm>> -> memref<128xi32, #tpu.memory_space<hbm>>
      %dma_start3A_20 = tpu.memref_slice %arg2[%multiple_of3A] : memref<160000xi32, #tpu.memory_space<hbm>> -> memref<128xi32, #tpu.memory_space<hbm>>
      tpu.enqueue_dma source(%dma_start3A_20 : memref<128xi32, #tpu.memory_space<hbm>>) target(%arg5 : memref<128xi32, #tpu.memory_space<vmem>>) target_semaphore(%run_scoped3A : memref<!tpu.dma_semaphore, #tpu.memory_space<semaphore_mem>>)
      %dma_wait3A_21 = tpu.memref_slice %arg2[%multiple_of3A] : memref<160000xi32, #tpu.memory_space<hbm>> -> memref<128xi32, #tpu.memory_space<hbm>>
      %dma_wait3A_22 = tpu.memref_slice %arg2[%multiple_of3A] : memref<160000xi32, #tpu.memory_space<hbm>> -> memref<128xi32, #tpu.memory_space<hbm>>
      tpu.wait_dma2 semaphore(%run_scoped3A : memref<!tpu.dma_semaphore, #tpu.memory_space<semaphore_mem>>) src(%dma_wait3A_22 : memref<128xi32, #tpu.memory_space<hbm>>) dst(%arg5 : memref<128xi32, #tpu.memory_space<vmem>>)
      tpu.yield
    }) : () -> ()
    %dma_start3A = arith.constant 0 : i32
    %dma_start3A_3 = arith.constant 0 : i32
    %dma_start3A_4 = tpu.memref_slice %arg3[%dma_start3A, %dma_start3A_3] : memref<10000x128xf32, #tpu.memory_space<hbm>> -> memref<10000x128xf32, #tpu.memory_space<hbm>>
    tpu.enqueue_indirect_dma source(%dma_start3A_4 : memref<10000x128xf32, #tpu.memory_space<hbm>>) target(%arg7 : memref<128x128xf32, #tpu.memory_space<vmem>>) offsets(%arg5 : memref<128xi32, #tpu.memory_space<vmem>>) semaphore(%arg9 : memref<!tpu.dma_semaphore, #tpu.memory_space<semaphore_mem>>)
    %scan3A = arith.constant 0 : i32
    %scan3A_5 = arith.constant 0 : i32
    %scan3A_6 = arith.constant 19 : i32
    %scan3A_7 = arith.addi %scan3A_5, %scan3A_6 : i32
    %scan3A_8 = arith.constant 1 : i32
    scf.for %scan3A_19 = %scan3A_5 to %scan3A_7 step %scan3A_8  : i32 {
      %mul3A_20 = arith.constant 2 : i32
      %mul3A_21 = arith.muli %mul3A_20, %scan3A_19 : i32
      %mul3A_22 = arith.constant 32 : i32
      %mul3A_23 = arith.muli %mul3A_22, %mul3A_21 : i32
      %add3A_24 = arith.addi %add3A, %mul3A_23 : i32
      %add3A_25 = arith.constant 32 : i32
      %add3A_26 = arith.addi %add3A_24, %add3A_25 : i32
      %mul3A_27 = arith.constant 128 : i32
      %mul3A_28 = arith.muli %add3A_26, %mul3A_27 : i32
      %multiple_of3A_29 = tpu.assume_multiple %mul3A_28, 8 : i32
      "tpu.region"() ({
        %run_scoped3A = tpu.sem_alloc : memref<!tpu.dma_semaphore, #tpu.memory_space<semaphore_mem>>
        %dma_start3A_56 = tpu.memref_slice %arg2[%multiple_of3A_29] : memref<160000xi32, #tpu.memory_space<hbm>> -> memref<128xi32, #tpu.memory_space<hbm>>
        %dma_start3A_57 = tpu.memref_slice %arg2[%multiple_of3A_29] : memref<160000xi32, #tpu.memory_space<hbm>> -> memref<128xi32, #tpu.memory_space<hbm>>
        tpu.enqueue_dma source(%dma_start3A_57 : memref<128xi32, #tpu.memory_space<hbm>>) target(%arg6 : memref<128xi32, #tpu.memory_space<vmem>>) target_semaphore(%run_scoped3A : memref<!tpu.dma_semaphore, #tpu.memory_space<semaphore_mem>>)
        %dma_wait3A_58 = tpu.memref_slice %arg2[%multiple_of3A_29] : memref<160000xi32, #tpu.memory_space<hbm>> -> memref<128xi32, #tpu.memory_space<hbm>>
        %dma_wait3A_59 = tpu.memref_slice %arg2[%multiple_of3A_29] : memref<160000xi32, #tpu.memory_space<hbm>> -> memref<128xi32, #tpu.memory_space<hbm>>
        tpu.wait_dma2 semaphore(%run_scoped3A : memref<!tpu.dma_semaphore, #tpu.memory_space<semaphore_mem>>) src(%dma_wait3A_59 : memref<128xi32, #tpu.memory_space<hbm>>) dst(%arg6 : memref<128xi32, #tpu.memory_space<vmem>>)
        tpu.yield
      }) : () -> ()
      %dma_start3A_30 = arith.constant 0 : i32
      %dma_start3A_31 = arith.constant 0 : i32
      %dma_start3A_32 = tpu.memref_slice %arg3[%dma_start3A_30, %dma_start3A_31] : memref<10000x128xf32, #tpu.memory_space<hbm>> -> memref<10000x128xf32, #tpu.memory_space<hbm>>
      tpu.enqueue_indirect_dma source(%dma_start3A_32 : memref<10000x128xf32, #tpu.memory_space<hbm>>) target(%arg8 : memref<128x128xf32, #tpu.memory_space<vmem>>) offsets(%arg6 : memref<128xi32, #tpu.memory_space<vmem>>) semaphore(%arg10 : memref<!tpu.dma_semaphore, #tpu.memory_space<semaphore_mem>>)
      %dma_wait3A_33 = arith.constant 0 : i32
      %dma_wait3A_34 = arith.constant 0 : i32
      %dma_wait3A_35 = tpu.memref_slice %arg3[%dma_wait3A_33, %dma_wait3A_34] : memref<10000x128xf32, #tpu.memory_space<hbm>> -> memref<10000x128xf32, #tpu.memory_space<hbm>>
      tpu.wait_indirect_dma semaphore(%arg9 : memref<!tpu.dma_semaphore, #tpu.memory_space<semaphore_mem>>) src(%dma_wait3A_35 : memref<10000x128xf32, #tpu.memory_space<hbm>>) dst(%arg7 : memref<128x128xf32, #tpu.memory_space<vmem>>)
      %mul3A_36 = arith.constant 128 : i32
      %mul3A_37 = arith.muli %add3A_24, %mul3A_36 : i32
      %multiple_of3A_38 = tpu.assume_multiple %mul3A_37, 8 : i32
      "tpu.region"() ({
        %run_scoped3A = tpu.sem_alloc : memref<!tpu.dma_semaphore, #tpu.memory_space<semaphore_mem>>
        %dma_start3A_56 = arith.constant 0 : i32
        %dma_start3A_57 = tpu.memref_slice %arg4[%multiple_of3A_38, %dma_start3A_56] : memref<160000x128xf32, #tpu.memory_space<hbm>> -> memref<128x128xf32, #tpu.memory_space<hbm>>
        %dma_start3A_58 = arith.constant 0 : i32
        %dma_start3A_59 = tpu.memref_slice %arg4[%multiple_of3A_38, %dma_start3A_58] : memref<160000x128xf32, #tpu.memory_space<hbm>> -> memref<128x128xf32, #tpu.memory_space<hbm>>
        tpu.enqueue_dma source(%arg7 : memref<128x128xf32, #tpu.memory_space<vmem>>) target(%dma_start3A_59 : memref<128x128xf32, #tpu.memory_space<hbm>>) target_semaphore(%run_scoped3A : memref<!tpu.dma_semaphore, #tpu.memory_space<semaphore_mem>>)
        %dma_wait3A_60 = arith.constant 0 : i32
        %dma_wait3A_61 = tpu.memref_slice %arg4[%multiple_of3A_38, %dma_wait3A_60] : memref<160000x128xf32, #tpu.memory_space<hbm>> -> memref<128x128xf32, #tpu.memory_space<hbm>>
        %dma_wait3A_62 = arith.constant 0 : i32
        %dma_wait3A_63 = tpu.memref_slice %arg4[%multiple_of3A_38, %dma_wait3A_62] : memref<160000x128xf32, #tpu.memory_space<hbm>> -> memref<128x128xf32, #tpu.memory_space<hbm>>
        tpu.wait_dma2 semaphore(%run_scoped3A : memref<!tpu.dma_semaphore, #tpu.memory_space<semaphore_mem>>) src(%arg7 : memref<128x128xf32, #tpu.memory_space<vmem>>) dst(%dma_wait3A_63 : memref<128x128xf32, #tpu.memory_space<hbm>>)
        tpu.yield
      }) : () -> ()
      %mul3A_39 = arith.constant 2 : i32
      %mul3A_40 = arith.muli %mul3A_39, %scan3A_19 : i32
      %add3A_41 = arith.constant 2 : i32
      %add3A_42 = arith.addi %mul3A_40, %add3A_41 : i32
      %lt3A_43 = arith.constant 39 : i32
      %lt3A_44 = arith.cmpi slt, %add3A_42, %lt3A_43 : i32
      %convert_element_type3A_45 = arith.extui %lt3A_44 : i1 to i32
      %cond3A_46 = arith.constant 0 : i32
      %cond3A_47 = arith.cmpi ne, %convert_element_type3A_45, %cond3A_46 : i32
      scf.if %cond3A_47 {
        %add3A_56 = arith.constant 64 : i32
        %add3A_57 = arith.addi %add3A_24, %add3A_56 : i32
        %mul3A_58 = arith.constant 128 : i32
        %mul3A_59 = arith.muli %add3A_57, %mul3A_58 : i32
        %multiple_of3A_60 = tpu.assume_multiple %mul3A_59, 8 : i32
        "tpu.region"() ({
          %run_scoped3A = tpu.sem_alloc : memref<!tpu.dma_semaphore, #tpu.memory_space<semaphore_mem>>
          %dma_start3A_64 = tpu.memref_slice %arg2[%multiple_of3A_60] : memref<160000xi32, #tpu.memory_space<hbm>> -> memref<128xi32, #tpu.memory_space<hbm>>
          %dma_start3A_65 = tpu.memref_slice %arg2[%multiple_of3A_60] : memref<160000xi32, #tpu.memory_space<hbm>> -> memref<128xi32, #tpu.memory_space<hbm>>
          tpu.enqueue_dma source(%dma_start3A_65 : memref<128xi32, #tpu.memory_space<hbm>>) target(%arg5 : memref<128xi32, #tpu.memory_space<vmem>>) target_semaphore(%run_scoped3A : memref<!tpu.dma_semaphore, #tpu.memory_space<semaphore_mem>>)
          %dma_wait3A_66 = tpu.memref_slice %arg2[%multiple_of3A_60] : memref<160000xi32, #tpu.memory_space<hbm>> -> memref<128xi32, #tpu.memory_space<hbm>>
          %dma_wait3A_67 = tpu.memref_slice %arg2[%multiple_of3A_60] : memref<160000xi32, #tpu.memory_space<hbm>> -> memref<128xi32, #tpu.memory_space<hbm>>
          tpu.wait_dma2 semaphore(%run_scoped3A : memref<!tpu.dma_semaphore, #tpu.memory_space<semaphore_mem>>) src(%dma_wait3A_67 : memref<128xi32, #tpu.memory_space<hbm>>) dst(%arg5 : memref<128xi32, #tpu.memory_space<vmem>>)
          tpu.yield
        }) : () -> ()
        %dma_start3A_61 = arith.constant 0 : i32
        %dma_start3A_62 = arith.constant 0 : i32
        %dma_start3A_63 = tpu.memref_slice %arg3[%dma_start3A_61, %dma_start3A_62] : memref<10000x128xf32, #tpu.memory_space<hbm>> -> memref<10000x128xf32, #tpu.memory_space<hbm>>
        tpu.enqueue_indirect_dma source(%dma_start3A_63 : memref<10000x128xf32, #tpu.memory_space<hbm>>) target(%arg7 : memref<128x128xf32, #tpu.memory_space<vmem>>) offsets(%arg5 : memref<128xi32, #tpu.memory_space<vmem>>) semaphore(%arg9 : memref<!tpu.dma_semaphore, #tpu.memory_space<semaphore_mem>>)
      } else {
      }
      %dma_wait3A_48 = arith.constant 0 : i32
      %dma_wait3A_49 = arith.constant 0 : i32
      %dma_wait3A_50 = tpu.memref_slice %arg3[%dma_wait3A_48, %dma_wait3A_49] : memref<10000x128xf32, #tpu.memory_space<hbm>> -> memref<10000x128xf32, #tpu.memory_space<hbm>>
      tpu.wait_indirect_dma semaphore(%arg10 : memref<!tpu.dma_semaphore, #tpu.memory_space<semaphore_mem>>) src(%dma_wait3A_50 : memref<10000x128xf32, #tpu.memory_space<hbm>>) dst(%arg8 : memref<128x128xf32, #tpu.memory_space<vmem>>)
      %add3A_51 = arith.constant 32 : i32
      %add3A_52 = arith.addi %add3A_24, %add3A_51 : i32
      %mul3A_53 = arith.constant 128 : i32
      %mul3A_54 = arith.muli %add3A_52, %mul3A_53 : i32
      %multiple_of3A_55 = tpu.assume_multiple %mul3A_54, 8 : i32
      "tpu.region"() ({
        %run_scoped3A = tpu.sem_alloc : memref<!tpu.dma_semaphore, #tpu.memory_space<semaphore_mem>>
        %dma_start3A_56 = arith.constant 0 : i32
        %dma_start3A_57 = tpu.memref_slice %arg4[%multiple_of3A_55, %dma_start3A_56] : memref<160000x128xf32, #tpu.memory_space<hbm>> -> memref<128x128xf32, #tpu.memory_space<hbm>>
        %dma_start3A_58 = arith.constant 0 : i32
        %dma_start3A_59 = tpu.memref_slice %arg4[%multiple_of3A_55, %dma_start3A_58] : memref<160000x128xf32, #tpu.memory_space<hbm>> -> memref<128x128xf32, #tpu.memory_space<hbm>>
        tpu.enqueue_dma source(%arg8 : memref<128x128xf32, #tpu.memory_space<vmem>>) target(%dma_start3A_59 : memref<128x128xf32, #tpu.memory_space<hbm>>) target_semaphore(%run_scoped3A : memref<!tpu.dma_semaphore, #tpu.memory_space<semaphore_mem>>)
        %dma_wait3A_60 = arith.constant 0 : i32
        %dma_wait3A_61 = tpu.memref_slice %arg4[%multiple_of3A_55, %dma_wait3A_60] : memref<160000x128xf32, #tpu.memory_space<hbm>> -> memref<128x128xf32, #tpu.memory_space<hbm>>
        %dma_wait3A_62 = arith.constant 0 : i32
        %dma_wait3A_63 = tpu.memref_slice %arg4[%multiple_of3A_55, %dma_wait3A_62] : memref<160000x128xf32, #tpu.memory_space<hbm>> -> memref<128x128xf32, #tpu.memory_space<hbm>>
        tpu.wait_dma2 semaphore(%run_scoped3A : memref<!tpu.dma_semaphore, #tpu.memory_space<semaphore_mem>>) src(%arg8 : memref<128x128xf32, #tpu.memory_space<vmem>>) dst(%dma_wait3A_63 : memref<128x128xf32, #tpu.memory_space<hbm>>)
        tpu.yield
      }) : () -> ()
    }
    %scan3A_9 = arith.constant 19 : i32
    %add3A_10 = arith.constant 1216 : i32
    %add3A_11 = arith.addi %add3A, %add3A_10 : i32
    %dma_wait3A = arith.constant 0 : i32
    %dma_wait3A_12 = arith.constant 0 : i32
    %dma_wait3A_13 = tpu.memref_slice %arg3[%dma_wait3A, %dma_wait3A_12] : memref<10000x128xf32, #tpu.memory_space<hbm>> -> memref<10000x128xf32, #tpu.memory_space<hbm>>
    tpu.wait_indirect_dma semaphore(%arg9 : memref<!tpu.dma_semaphore, #tpu.memory_space<semaphore_mem>>) src(%dma_wait3A_13 : memref<10000x128xf32, #tpu.memory_space<hbm>>) dst(%arg7 : memref<128x128xf32, #tpu.memory_space<vmem>>)
    %mul3A_14 = arith.constant 128 : i32
    %mul3A_15 = arith.muli %add3A_11, %mul3A_14 : i32
    %multiple_of3A_16 = tpu.assume_multiple %mul3A_15, 8 : i32
    "tpu.region"() ({
      %run_scoped3A = tpu.sem_alloc : memref<!tpu.dma_semaphore, #tpu.memory_space<semaphore_mem>>
      %dma_start3A_19 = arith.constant 0 : i32
      %dma_start3A_20 = tpu.memref_slice %arg4[%multiple_of3A_16, %dma_start3A_19] : memref<160000x128xf32, #tpu.memory_space<hbm>> -> memref<128x128xf32, #tpu.memory_space<hbm>>
      %dma_start3A_21 = arith.constant 0 : i32
      %dma_start3A_22 = tpu.memref_slice %arg4[%multiple_of3A_16, %dma_start3A_21] : memref<160000x128xf32, #tpu.memory_space<hbm>> -> memref<128x128xf32, #tpu.memory_space<hbm>>
      tpu.enqueue_dma source(%arg7 : memref<128x128xf32, #tpu.memory_space<vmem>>) target(%dma_start3A_22 : memref<128x128xf32, #tpu.memory_space<hbm>>) target_semaphore(%run_scoped3A : memref<!tpu.dma_semaphore, #tpu.memory_space<semaphore_mem>>)
      %dma_wait3A_23 = arith.constant 0 : i32
      %dma_wait3A_24 = tpu.memref_slice %arg4[%multiple_of3A_16, %dma_wait3A_23] : memref<160000x128xf32, #tpu.memory_space<hbm>> -> memref<128x128xf32, #tpu.memory_space<hbm>>
      %dma_wait3A_25 = arith.constant 0 : i32
      %dma_wait3A_26 = tpu.memref_slice %arg4[%multiple_of3A_16, %dma_wait3A_25] : memref<160000x128xf32, #tpu.memory_space<hbm>> -> memref<128x128xf32, #tpu.memory_space<hbm>>
      tpu.wait_dma2 semaphore(%run_scoped3A : memref<!tpu.dma_semaphore, #tpu.memory_space<semaphore_mem>>) src(%arg7 : memref<128x128xf32, #tpu.memory_space<vmem>>) dst(%dma_wait3A_26 : memref<128x128xf32, #tpu.memory_space<hbm>>)
      tpu.yield
    }) : () -> ()
    %lt3A = arith.constant 2 : i32
    %lt3A_17 = arith.cmpi slt, %add3A, %lt3A : i32
    %convert_element_type3A = arith.extui %lt3A_17 : i1 to i32
    %cond3A = arith.constant 0 : i32
    %cond3A_18 = arith.cmpi ne, %convert_element_type3A, %cond3A : i32
    scf.if %cond3A_18 {
      %add3A_19 = arith.constant 1248 : i32
      %add3A_20 = arith.addi %add3A_19, %add3A : i32
      %mul3A_21 = arith.constant 128 : i32
      %mul3A_22 = arith.muli %add3A_20, %mul3A_21 : i32
      %multiple_of3A_23 = tpu.assume_multiple %mul3A_22, 8 : i32
      "tpu.region"() ({
        %run_scoped3A = tpu.sem_alloc : memref<!tpu.dma_semaphore, #tpu.memory_space<semaphore_mem>>
        %dma_start3A_33 = tpu.memref_slice %arg2[%multiple_of3A_23] : memref<160000xi32, #tpu.memory_space<hbm>> -> memref<128xi32, #tpu.memory_space<hbm>>
        %dma_start3A_34 = tpu.memref_slice %arg2[%multiple_of3A_23] : memref<160000xi32, #tpu.memory_space<hbm>> -> memref<128xi32, #tpu.memory_space<hbm>>
        tpu.enqueue_dma source(%dma_start3A_34 : memref<128xi32, #tpu.memory_space<hbm>>) target(%arg5 : memref<128xi32, #tpu.memory_space<vmem>>) target_semaphore(%run_scoped3A : memref<!tpu.dma_semaphore, #tpu.memory_space<semaphore_mem>>)
        %dma_wait3A_35 = tpu.memref_slice %arg2[%multiple_of3A_23] : memref<160000xi32, #tpu.memory_space<hbm>> -> memref<128xi32, #tpu.memory_space<hbm>>
        %dma_wait3A_36 = tpu.memref_slice %arg2[%multiple_of3A_23] : memref<160000xi32, #tpu.memory_space<hbm>> -> memref<128xi32, #tpu.memory_space<hbm>>
        tpu.wait_dma2 semaphore(%run_scoped3A : memref<!tpu.dma_semaphore, #tpu.memory_space<semaphore_mem>>) src(%dma_wait3A_36 : memref<128xi32, #tpu.memory_space<hbm>>) dst(%arg5 : memref<128xi32, #tpu.memory_space<vmem>>)
        tpu.yield
      }) : () -> ()
      %dma_start3A_24 = arith.constant 0 : i32
      %dma_start3A_25 = arith.constant 0 : i32
      %dma_start3A_26 = tpu.memref_slice %arg3[%dma_start3A_24, %dma_start3A_25] : memref<10000x128xf32, #tpu.memory_space<hbm>> -> memref<10000x128xf32, #tpu.memory_space<hbm>>
      tpu.enqueue_indirect_dma source(%dma_start3A_26 : memref<10000x128xf32, #tpu.memory_space<hbm>>) target(%arg7 : memref<128x128xf32, #tpu.memory_space<vmem>>) offsets(%arg5 : memref<128xi32, #tpu.memory_space<vmem>>) semaphore(%arg9 : memref<!tpu.dma_semaphore, #tpu.memory_space<semaphore_mem>>)
      %dma_wait3A_27 = arith.constant 0 : i32
      %dma_wait3A_28 = arith.constant 0 : i32
      %dma_wait3A_29 = tpu.memref_slice %arg3[%dma_wait3A_27, %dma_wait3A_28] : memref<10000x128xf32, #tpu.memory_space<hbm>> -> memref<10000x128xf32, #tpu.memory_space<hbm>>
      tpu.wait_indirect_dma semaphore(%arg9 : memref<!tpu.dma_semaphore, #tpu.memory_space<semaphore_mem>>) src(%dma_wait3A_29 : memref<10000x128xf32, #tpu.memory_space<hbm>>) dst(%arg7 : memref<128x128xf32, #tpu.memory_space<vmem>>)
      %mul3A_30 = arith.constant 128 : i32
      %mul3A_31 = arith.muli %add3A_20, %mul3A_30 : i32
      %multiple_of3A_32 = tpu.assume_multiple %mul3A_31, 8 : i32
      "tpu.region"() ({
        %run_scoped3A = tpu.sem_alloc : memref<!tpu.dma_semaphore, #tpu.memory_space<semaphore_mem>>
        %dma_start3A_33 = arith.constant 0 : i32
        %dma_start3A_34 = tpu.memref_slice %arg4[%multiple_of3A_32, %dma_start3A_33] : memref<160000x128xf32, #tpu.memory_space<hbm>> -> memref<128x128xf32, #tpu.memory_space<hbm>>
        %dma_start3A_35 = arith.constant 0 : i32
        %dma_start3A_36 = tpu.memref_slice %arg4[%multiple_of3A_32, %dma_start3A_35] : memref<160000x128xf32, #tpu.memory_space<hbm>> -> memref<128x128xf32, #tpu.memory_space<hbm>>
        tpu.enqueue_dma source(%arg7 : memref<128x128xf32, #tpu.memory_space<vmem>>) target(%dma_start3A_36 : memref<128x128xf32, #tpu.memory_space<hbm>>) target_semaphore(%run_scoped3A : memref<!tpu.dma_semaphore, #tpu.memory_space<semaphore_mem>>)
        %dma_wait3A_37 = arith.constant 0 : i32
        %dma_wait3A_38 = tpu.memref_slice %arg4[%multiple_of3A_32, %dma_wait3A_37] : memref<160000x128xf32, #tpu.memory_space<hbm>> -> memref<128x128xf32, #tpu.memory_space<hbm>>
        %dma_wait3A_39 = arith.constant 0 : i32
        %dma_wait3A_40 = tpu.memref_slice %arg4[%multiple_of3A_32, %dma_wait3A_39] : memref<160000x128xf32, #tpu.memory_space<hbm>> -> memref<128x128xf32, #tpu.memory_space<hbm>>
        tpu.wait_dma2 semaphore(%run_scoped3A : memref<!tpu.dma_semaphore, #tpu.memory_space<semaphore_mem>>) src(%arg7 : memref<128x128xf32, #tpu.memory_space<vmem>>) dst(%dma_wait3A_40 : memref<128x128xf32, #tpu.memory_space<hbm>>)
        tpu.yield
      }) : () -> ()
    } else {
    }
    return
  }
}

module attributes {stable_mosaic.version = 14 : i64} {
  func.func @_k1_body(%arg0: i32, %arg1: memref<4000x16xf32, #tpu.memory_space<vmem>>, %arg2: memref<4000x128xf32, #tpu.memory_space<vmem>>, %arg3: memref<16x128xf32, #tpu.memory_space<vmem>>, %arg4: memref<1x128xf32, #tpu.memory_space<vmem>>, %arg5: memref<128x1024xbf16, #tpu.memory_space<vmem>>, %arg6: memref<1x1024xf32, #tpu.memory_space<vmem>>, %arg7: memref<1024x128xbf16, #tpu.memory_space<vmem>>, %arg8: memref<1x128xf32, #tpu.memory_space<vmem>>, %arg9: memref<4000x128xf32, #tpu.memory_space<vmem>>) attributes {dimension_semantics = [#tpu.dimension_semantics<arbitrary>], iteration_bounds = array<i64: 40>, scalar_prefetch = 0 : i64, scratch_operands = 0 : i64, tpu.core_type = #tpu.core_type<tc>, window_params = [{transform_indices = @transform_0, window_bounds = array<i64: 4000, 16>}, {transform_indices = @transform_1, window_bounds = array<i64: 4000, 128>}, {pipeline_mode = #tpu.pipeline_mode<synchronous>, transform_indices = @transform_2, window_bounds = array<i64: 16, 128>}, {pipeline_mode = #tpu.pipeline_mode<synchronous>, transform_indices = @transform_3, window_bounds = array<i64: 1, 128>}, {pipeline_mode = #tpu.pipeline_mode<synchronous>, transform_indices = @transform_4, window_bounds = array<i64: 128, 1024>}, {pipeline_mode = #tpu.pipeline_mode<synchronous>, transform_indices = @transform_5, window_bounds = array<i64: 1, 1024>}, {pipeline_mode = #tpu.pipeline_mode<synchronous>, transform_indices = @transform_6, window_bounds = array<i64: 1024, 128>}, {pipeline_mode = #tpu.pipeline_mode<synchronous>, transform_indices = @transform_7, window_bounds = array<i64: 1, 128>}, {transform_indices = @transform_8, window_bounds = array<i64: 4000, 128>}]} {
    %get3A = arith.constant 0 : index
    %get3A_0 = arith.constant 0 : index
    %get3A_1 = vector.load %arg1[%get3A, %get3A_0] : memref<4000x16xf32, #tpu.memory_space<vmem>>, vector<4000x16xf32>
    %get3A_2 = arith.constant 0 : index
    %get3A_3 = arith.constant 0 : index
    %get3A_4 = vector.load %arg3[%get3A_2, %get3A_3] : memref<16x128xf32, #tpu.memory_space<vmem>>, vector<16x128xf32>
    %dot_general3A = arith.constant dense<0.000000e+00> : vector<4000x128xf32>
    %dot_general3A_5 = tpu.matmul %get3A_1, %get3A_4, %dot_general3A {dimension_numbers = #tpu.dot_dimension_numbers<[1], [0], [0], [1], [0, 0, 1, 1], [], []>, transpose_lhs_hint = false} : vector<4000x16xf32>, vector<16x128xf32>, vector<4000x128xf32> -> vector<4000x128xf32>
    %get3A_6 = arith.constant 0 : index
    %get3A_7 = arith.constant 0 : index
    %get3A_8 = vector.load %arg4[%get3A_6, %get3A_7] : memref<1x128xf32, #tpu.memory_space<vmem>>, vector<1x128xf32>
    %add3A = vector.broadcast %get3A_8 : vector<1x128xf32> to vector<4000x128xf32>
    %add3A_9 = arith.addf %dot_general3A_5, %add3A : vector<4000x128xf32>
    %max3A = arith.constant 0.000000e+00 : f32
    %max3A_10 = vector.broadcast %max3A : f32 to vector<4000x128xf32>
    %max3A_11 = arith.maximumf %add3A_9, %max3A_10 : vector<4000x128xf32>
    %get3A_12 = arith.constant 0 : index
    %get3A_13 = arith.constant 0 : index
    %get3A_14 = vector.load %arg5[%get3A_12, %get3A_13] : memref<128x1024xbf16, #tpu.memory_space<vmem>>, vector<128x1024xbf16>
    %convert_element_type3A = arith.truncf %max3A_11 : vector<4000x128xf32> to vector<4000x128xbf16>
    %dot_general3A_15 = arith.constant dense<0.000000e+00> : vector<4000x1024xf32>
    %dot_general3A_16 = tpu.matmul %convert_element_type3A, %get3A_14, %dot_general3A_15 {dimension_numbers = #tpu.dot_dimension_numbers<[1], [0], [0], [1], [0, 0, 1, 1], [], []>, transpose_lhs_hint = false} : vector<4000x128xbf16>, vector<128x1024xbf16>, vector<4000x1024xf32> -> vector<4000x1024xf32>
    %get3A_17 = arith.constant 0 : index
    %get3A_18 = arith.constant 0 : index
    %get3A_19 = vector.load %arg6[%get3A_17, %get3A_18] : memref<1x1024xf32, #tpu.memory_space<vmem>>, vector<1x1024xf32>
    %add3A_20 = vector.broadcast %get3A_19 : vector<1x1024xf32> to vector<4000x1024xf32>
    %add3A_21 = arith.addf %dot_general3A_16, %add3A_20 : vector<4000x1024xf32>
    %get3A_22 = arith.constant 0 : index
    %get3A_23 = arith.constant 0 : index
    %get3A_24 = vector.load %arg2[%get3A_22, %get3A_23] : memref<4000x128xf32, #tpu.memory_space<vmem>>, vector<4000x128xf32>
    %concatenate3A = tpu.concatenate %get3A_24, %get3A_24, %get3A_24, %get3A_24, %get3A_24, %get3A_24, %get3A_24, %get3A_24 in 1 : vector<4000x128xf32>, vector<4000x128xf32>, vector<4000x128xf32>, vector<4000x128xf32>, vector<4000x128xf32>, vector<4000x128xf32>, vector<4000x128xf32>, vector<4000x128xf32> -> vector<4000x1024xf32>
    %mul3A = arith.mulf %add3A_21, %concatenate3A : vector<4000x1024xf32>
    %get3A_25 = arith.constant 0 : index
    %get3A_26 = arith.constant 0 : index
    %get3A_27 = vector.load %arg7[%get3A_25, %get3A_26] : memref<1024x128xbf16, #tpu.memory_space<vmem>>, vector<1024x128xbf16>
    %convert_element_type3A_28 = arith.truncf %mul3A : vector<4000x1024xf32> to vector<4000x1024xbf16>
    %dot_general3A_29 = arith.constant dense<0.000000e+00> : vector<4000x128xf32>
    %dot_general3A_30 = tpu.matmul %convert_element_type3A_28, %get3A_27, %dot_general3A_29 {dimension_numbers = #tpu.dot_dimension_numbers<[1], [0], [0], [1], [0, 0, 1, 1], [], []>, transpose_lhs_hint = false} : vector<4000x1024xbf16>, vector<1024x128xbf16>, vector<4000x128xf32> -> vector<4000x128xf32>
    %get3A_31 = arith.constant 0 : index
    %get3A_32 = arith.constant 0 : index
    %get3A_33 = vector.load %arg8[%get3A_31, %get3A_32] : memref<1x128xf32, #tpu.memory_space<vmem>>, vector<1x128xf32>
    %add3A_34 = vector.broadcast %get3A_33 : vector<1x128xf32> to vector<4000x128xf32>
    %add3A_35 = arith.addf %dot_general3A_30, %add3A_34 : vector<4000x128xf32>
    %swap3A = arith.constant 0 : index
    %swap3A_36 = arith.constant 0 : index
    %swap3A_37 = vector.load %arg9[%swap3A, %swap3A_36] : memref<4000x128xf32, #tpu.memory_space<vmem>>, vector<4000x128xf32>
    tpu.vector_store %arg9[%swap3A, %swap3A_36], %add3A_35 {strides = array<i32>} : memref<4000x128xf32, #tpu.memory_space<vmem>>, vector<4000x128xf32>,
    return
  }
  func.func @transform_0(%arg0: i32) -> (i32, i32) {
    %c0_i32 = arith.constant 0 : i32
    %c0_i32_0 = arith.constant 0 : i32
    return %arg0, %c0_i32 : i32, i32
  }
  func.func @transform_1(%arg0: i32) -> (i32, i32) {
    %c0_i32 = arith.constant 0 : i32
    %c0_i32_0 = arith.constant 0 : i32
    return %arg0, %c0_i32 : i32, i32
  }
  func.func @transform_2(%arg0: i32) -> (i32, i32) {
    %c0_i32 = arith.constant 0 : i32
    %c0_i32_0 = arith.constant 0 : i32
    %c0_i32_1 = arith.constant 0 : i32
    return %c0_i32, %c0_i32_0 : i32, i32
  }
  func.func @transform_3(%arg0: i32) -> (i32, i32) {
    %c0_i32 = arith.constant 0 : i32
    %c0_i32_0 = arith.constant 0 : i32
    %c0_i32_1 = arith.constant 0 : i32
    return %c0_i32, %c0_i32_0 : i32, i32
  }
  func.func @transform_4(%arg0: i32) -> (i32, i32) {
    %c0_i32 = arith.constant 0 : i32
    %c0_i32_0 = arith.constant 0 : i32
    %c0_i32_1 = arith.constant 0 : i32
    return %c0_i32, %c0_i32_0 : i32, i32
  }
  func.func @transform_5(%arg0: i32) -> (i32, i32) {
    %c0_i32 = arith.constant 0 : i32
    %c0_i32_0 = arith.constant 0 : i32
    %c0_i32_1 = arith.constant 0 : i32
    return %c0_i32, %c0_i32_0 : i32, i32
  }
  func.func @transform_6(%arg0: i32) -> (i32, i32) {
    %c0_i32 = arith.constant 0 : i32
    %c0_i32_0 = arith.constant 0 : i32
    %c0_i32_1 = arith.constant 0 : i32
    return %c0_i32, %c0_i32_0 : i32, i32
  }
  func.func @transform_7(%arg0: i32) -> (i32, i32) {
    %c0_i32 = arith.constant 0 : i32
    %c0_i32_0 = arith.constant 0 : i32
    %c0_i32_1 = arith.constant 0 : i32
    return %c0_i32, %c0_i32_0 : i32, i32
  }
  func.func @transform_8(%arg0: i32) -> (i32, i32) {
    %c0_i32 = arith.constant 0 : i32
    %c0_i32_0 = arith.constant 0 : i32
    return %arg0, %c0_i32 : i32, i32
  }
}

module attributes {stable_mosaic.version = 14 : i64} {
  func.func @_k2_body(%arg0: memref<10496x128xf32, #tpu.memory_space<vmem>>, %arg1: memref<10000x128xf32, #tpu.memory_space<vmem>>, %arg2: memref<128x8xf32, #tpu.memory_space<vmem>>, %arg3: memref<1x8xf32, #tpu.memory_space<vmem>>, %arg4: memref<1x8xf32, #tpu.memory_space<vmem>>, %arg5: memref<1x8xf32, #tpu.memory_space<vmem>>, %arg6: memref<8x128xf32, #tpu.memory_space<vmem>>, %arg7: memref<10000x128xf32, #tpu.memory_space<vmem>>, %arg8: memref<10000x8xf32, #tpu.memory_space<vmem>>) attributes {dimension_semantics = [], scalar_prefetch = 0 : i64, scratch_operands = 0 : i64, tpu.core_type = #tpu.core_type<tc>} {
    %get3A = arith.constant 0 : index
    %get3A_0 = arith.constant 0 : index
    %get3A_1 = vector.load %arg0[%get3A, %get3A_0] : memref<10496x128xf32, #tpu.memory_space<vmem>>, vector<5120x128xf32>
    %get3A_2 = arith.constant 5248 : index
    %get3A_3 = arith.constant 0 : index
    %get3A_4 = vector.load %arg0[%get3A_2, %get3A_3] : memref<10496x128xf32, #tpu.memory_space<vmem>>, vector<4880x128xf32>
    %concatenate3A = tpu.concatenate %get3A_1, %get3A_4 in 0 : vector<5120x128xf32>, vector<4880x128xf32> -> vector<10000x128xf32>
    %slice3A = vector.extract_strided_slice %concatenate3A {offsets = [0, 8], sizes = [10000, 1], strides = [1, 1]} : vector<10000x128xf32> to vector<10000x1xf32>
    %max3A = arith.constant 1.000000e+00 : f32
    %max3A_5 = vector.broadcast %max3A : f32 to vector<10000x1xf32>
    %max3A_6 = arith.maximumf %slice3A, %max3A_5 : vector<10000x1xf32>
    %slice3A_7 = vector.extract_strided_slice %concatenate3A {offsets = [0, 0], sizes = [10000, 8], strides = [1, 1]} : vector<10000x128xf32> to vector<10000x8xf32>
    %div3A = vector.broadcast %max3A_6 : vector<10000x1xf32> to vector<10000x8xf32>
    %div3A_8 = arith.divf %slice3A_7, %div3A : vector<10000x8xf32>
    %get3A_9 = arith.constant 0 : index
    %get3A_10 = arith.constant 0 : index
    %get3A_11 = vector.load %arg1[%get3A_9, %get3A_10] : memref<10000x128xf32, #tpu.memory_space<vmem>>, vector<10000x128xf32>
    %get3A_12 = arith.constant 0 : index
    %get3A_13 = arith.constant 0 : index
    %get3A_14 = vector.load %arg2[%get3A_12, %get3A_13] : memref<128x8xf32, #tpu.memory_space<vmem>>, vector<128x8xf32>
    %dot_general3A = arith.constant dense<0.000000e+00> : vector<10000x8xf32>
    %dot_general3A_15 = tpu.matmul %get3A_11, %get3A_14, %dot_general3A {dimension_numbers = #tpu.dot_dimension_numbers<[1], [0], [0], [1], [0, 0, 1, 1], [], []>, transpose_lhs_hint = false} : vector<10000x128xf32>, vector<128x8xf32>, vector<10000x8xf32> -> vector<10000x8xf32>
    %add3A = arith.addf %div3A_8, %dot_general3A_15 : vector<10000x8xf32>
    %get3A_16 = arith.constant 0 : index
    %get3A_17 = arith.constant 0 : index
    %get3A_18 = vector.load %arg3[%get3A_16, %get3A_17] : memref<1x8xf32, #tpu.memory_space<vmem>>, vector<1x8xf32>
    %add3A_19 = vector.broadcast %get3A_18 : vector<1x8xf32> to vector<10000x8xf32>
    %add3A_20 = arith.addf %add3A, %add3A_19 : vector<10000x8xf32>
    %reduce_sum3A = arith.constant dense<0.000000e+00> : vector<8xf32>
    %reduce_sum3A_21 = vector.multi_reduction <add>, %add3A_20, %reduce_sum3A [0] : vector<10000x8xf32> to vector<8xf32>
    %broadcast_in_dim3A = vector.shape_cast %reduce_sum3A_21 : vector<8xf32> to vector<1x8xf32>
    %div3A_22 = arith.constant 1.000000e+04 : f32
    %div3A_23 = vector.broadcast %div3A_22 : f32 to vector<1x8xf32>
    %div3A_24 = arith.divf %broadcast_in_dim3A, %div3A_23 : vector<1x8xf32>
    %sub3A = vector.broadcast %div3A_24 : vector<1x8xf32> to vector<10000x8xf32>
    %sub3A_25 = arith.subf %add3A_20, %sub3A : vector<10000x8xf32>
    %integer_pow3A = arith.mulf %sub3A_25, %sub3A_25 : vector<10000x8xf32>
    %reduce_sum3A_26 = arith.constant dense<0.000000e+00> : vector<8xf32>
    %reduce_sum3A_27 = vector.multi_reduction <add>, %integer_pow3A, %reduce_sum3A_26 [0] : vector<10000x8xf32> to vector<8xf32>
    %broadcast_in_dim3A_28 = vector.shape_cast %reduce_sum3A_27 : vector<8xf32> to vector<1x8xf32>
    %div3A_29 = arith.constant 1.000000e+04 : f32
    %div3A_30 = vector.broadcast %div3A_29 : f32 to vector<1x8xf32>
    %div3A_31 = arith.divf %broadcast_in_dim3A_28, %div3A_30 : vector<1x8xf32>
    %sub3A_32 = vector.broadcast %div3A_24 : vector<1x8xf32> to vector<10000x8xf32>
    %sub3A_33 = arith.subf %add3A_20, %sub3A_32 : vector<10000x8xf32>
    %add3A_34 = arith.constant 9.99999974E-6 : f32
    %add3A_35 = vector.broadcast %add3A_34 : f32 to vector<1x8xf32>
    %add3A_36 = arith.addf %div3A_31, %add3A_35 : vector<1x8xf32>
    %sqrt3A = math.sqrt %add3A_36 : vector<1x8xf32>
    %div3A_37 = vector.broadcast %sqrt3A : vector<1x8xf32> to vector<10000x8xf32>
    %div3A_38 = arith.divf %sub3A_33, %div3A_37 : vector<10000x8xf32>
    %get3A_39 = arith.constant 0 : index
    %get3A_40 = arith.constant 0 : index
    %get3A_41 = vector.load %arg4[%get3A_39, %get3A_40] : memref<1x8xf32, #tpu.memory_space<vmem>>, vector<1x8xf32>
    %mul3A = vector.broadcast %get3A_41 : vector<1x8xf32> to vector<10000x8xf32>
    %mul3A_42 = arith.mulf %div3A_38, %mul3A : vector<10000x8xf32>
    %get3A_43 = arith.constant 0 : index
    %get3A_44 = arith.constant 0 : index
    %get3A_45 = vector.load %arg5[%get3A_43, %get3A_44] : memref<1x8xf32, #tpu.memory_space<vmem>>, vector<1x8xf32>
    %add3A_46 = vector.broadcast %get3A_45 : vector<1x8xf32> to vector<10000x8xf32>
    %add3A_47 = arith.addf %mul3A_42, %add3A_46 : vector<10000x8xf32>
    %max3A_48 = arith.constant 0.000000e+00 : f32
    %max3A_49 = vector.broadcast %max3A_48 : f32 to vector<10000x8xf32>
    %max3A_50 = arith.maximumf %add3A_47, %max3A_49 : vector<10000x8xf32>
    %get3A_51 = arith.constant 0 : index
    %get3A_52 = arith.constant 0 : index
    %get3A_53 = vector.load %arg6[%get3A_51, %get3A_52] : memref<8x128xf32, #tpu.memory_space<vmem>>, vector<8x128xf32>
    %dot_general3A_54 = arith.constant dense<0.000000e+00> : vector<10000x128xf32>
    %dot_general3A_55 = tpu.matmul %max3A_50, %get3A_53, %dot_general3A_54 {dimension_numbers = #tpu.dot_dimension_numbers<[1], [0], [0], [1], [0, 0, 1, 1], [], []>, transpose_lhs_hint = false} : vector<10000x8xf32>, vector<8x128xf32>, vector<10000x128xf32> -> vector<10000x128xf32>
    %swap3A = arith.constant 0 : index
    %swap3A_56 = arith.constant 0 : index
    %swap3A_57 = vector.load %arg7[%swap3A, %swap3A_56] : memref<10000x128xf32, #tpu.memory_space<vmem>>, vector<10000x128xf32>
    tpu.vector_store %arg7[%swap3A, %swap3A_56], %dot_general3A_55 {strides = array<i32>} : memref<10000x128xf32, #tpu.memory_space<vmem>>, vector<10000x128xf32>,
    %broadcast_in_dim3A_58 = vector.shape_cast %max3A_6 : vector<10000x1xf32> to vector<10000x1xf32>
    %broadcast_in_dim3A_59 = vector.broadcast %broadcast_in_dim3A_58 : vector<10000x1xf32> to vector<10000x8xf32>
    %swap3A_60 = arith.constant 0 : index
    %swap3A_61 = arith.constant 0 : index
    %swap3A_62 = vector.load %arg8[%swap3A_60, %swap3A_61] : memref<10000x8xf32, #tpu.memory_space<vmem>>, vector<10000x8xf32>
    tpu.vector_store %arg8[%swap3A_60, %swap3A_61], %broadcast_in_dim3A_59 {strides = array<i32>} : memref<10000x8xf32, #tpu.memory_space<vmem>>, vector<10000x8xf32>,
    return
  }
}

module attributes {stable_mosaic.version = 14 : i64} {
  func.func @_k3_body(%arg0: i32, %arg1: memref<4000x16xf32, #tpu.memory_space<vmem>>, %arg2: memref<4000x128xf32, #tpu.memory_space<vmem>>, %arg3: memref<16x256xf32, #tpu.memory_space<vmem>>, %arg4: memref<1x256xf32, #tpu.memory_space<vmem>>, %arg5: memref<256x128xbf16, #tpu.memory_space<vmem>>, %arg6: memref<1x128xf32, #tpu.memory_space<vmem>>, %arg7: memref<128x128xbf16, #tpu.memory_space<vmem>>, %arg8: memref<4000x128xf32, #tpu.memory_space<vmem>>) attributes {dimension_semantics = [#tpu.dimension_semantics<arbitrary>], iteration_bounds = array<i64: 40>, scalar_prefetch = 0 : i64, scratch_operands = 0 : i64, tpu.core_type = #tpu.core_type<tc>, window_params = [{transform_indices = @transform_0, window_bounds = array<i64: 4000, 16>}, {transform_indices = @transform_1, window_bounds = array<i64: 4000, 128>}, {pipeline_mode = #tpu.pipeline_mode<synchronous>, transform_indices = @transform_2, window_bounds = array<i64: 16, 256>}, {pipeline_mode = #tpu.pipeline_mode<synchronous>, transform_indices = @transform_3, window_bounds = array<i64: 1, 256>}, {pipeline_mode = #tpu.pipeline_mode<synchronous>, transform_indices = @transform_4, window_bounds = array<i64: 256, 128>}, {pipeline_mode = #tpu.pipeline_mode<synchronous>, transform_indices = @transform_5, window_bounds = array<i64: 1, 128>}, {pipeline_mode = #tpu.pipeline_mode<synchronous>, transform_indices = @transform_6, window_bounds = array<i64: 128, 128>}, {transform_indices = @transform_7, window_bounds = array<i64: 4000, 128>}]} {
    %get3A = arith.constant 0 : index
    %get3A_0 = arith.constant 0 : index
    %get3A_1 = vector.load %arg1[%get3A, %get3A_0] : memref<4000x16xf32, #tpu.memory_space<vmem>>, vector<4000x16xf32>
    %get3A_2 = arith.constant 0 : index
    %get3A_3 = arith.constant 0 : index
    %get3A_4 = vector.load %arg3[%get3A_2, %get3A_3] : memref<16x256xf32, #tpu.memory_space<vmem>>, vector<16x256xf32>
    %dot_general3A = arith.constant dense<0.000000e+00> : vector<4000x256xf32>
    %dot_general3A_5 = tpu.matmul %get3A_1, %get3A_4, %dot_general3A {dimension_numbers = #tpu.dot_dimension_numbers<[1], [0], [0], [1], [0, 0, 1, 1], [], []>, transpose_lhs_hint = false} : vector<4000x16xf32>, vector<16x256xf32>, vector<4000x256xf32> -> vector<4000x256xf32>
    %get3A_6 = arith.constant 0 : index
    %get3A_7 = arith.constant 0 : index
    %get3A_8 = vector.load %arg4[%get3A_6, %get3A_7] : memref<1x256xf32, #tpu.memory_space<vmem>>, vector<1x256xf32>
    %add3A = vector.broadcast %get3A_8 : vector<1x256xf32> to vector<4000x256xf32>
    %add3A_9 = arith.addf %dot_general3A_5, %add3A : vector<4000x256xf32>
    %max3A = arith.constant 0.000000e+00 : f32
    %max3A_10 = vector.broadcast %max3A : f32 to vector<4000x256xf32>
    %max3A_11 = arith.maximumf %add3A_9, %max3A_10 : vector<4000x256xf32>
    %get3A_12 = arith.constant 0 : index
    %get3A_13 = arith.constant 0 : index
    %get3A_14 = vector.load %arg5[%get3A_12, %get3A_13] : memref<256x128xbf16, #tpu.memory_space<vmem>>, vector<256x128xbf16>
    %convert_element_type3A = arith.truncf %max3A_11 : vector<4000x256xf32> to vector<4000x256xbf16>
    %dot_general3A_15 = arith.constant dense<0.000000e+00> : vector<4000x128xf32>
    %dot_general3A_16 = tpu.matmul %convert_element_type3A, %get3A_14, %dot_general3A_15 {dimension_numbers = #tpu.dot_dimension_numbers<[1], [0], [0], [1], [0, 0, 1, 1], [], []>, transpose_lhs_hint = false} : vector<4000x256xbf16>, vector<256x128xbf16>, vector<4000x128xf32> -> vector<4000x128xf32>
    %get3A_17 = arith.constant 0 : index
    %get3A_18 = arith.constant 0 : index
    %get3A_19 = vector.load %arg6[%get3A_17, %get3A_18] : memref<1x128xf32, #tpu.memory_space<vmem>>, vector<1x128xf32>
    %add3A_20 = vector.broadcast %get3A_19 : vector<1x128xf32> to vector<4000x128xf32>
    %add3A_21 = arith.addf %dot_general3A_16, %add3A_20 : vector<4000x128xf32>
    %get3A_22 = arith.constant 0 : index
    %get3A_23 = arith.constant 0 : index
    %get3A_24 = vector.load %arg2[%get3A_22, %get3A_23] : memref<4000x128xf32, #tpu.memory_space<vmem>>, vector<4000x128xf32>
    %mul3A = arith.mulf %add3A_21, %get3A_24 : vector<4000x128xf32>
    %get3A_25 = arith.constant 0 : index
    %get3A_26 = arith.constant 0 : index
    %get3A_27 = vector.load %arg7[%get3A_25, %get3A_26] : memref<128x128xbf16, #tpu.memory_space<vmem>>, vector<128x128xbf16>
    %convert_element_type3A_28 = arith.truncf %mul3A : vector<4000x128xf32> to vector<4000x128xbf16>
    %dot_general3A_29 = arith.constant dense<0.000000e+00> : vector<4000x128xf32>
    %dot_general3A_30 = tpu.matmul %convert_element_type3A_28, %get3A_27, %dot_general3A_29 {dimension_numbers = #tpu.dot_dimension_numbers<[1], [0], [0], [1], [0, 0, 1, 1], [], []>, transpose_lhs_hint = false} : vector<4000x128xbf16>, vector<128x128xbf16>, vector<4000x128xf32> -> vector<4000x128xf32>
    %swap3A = arith.constant 0 : index
    %swap3A_31 = arith.constant 0 : index
    %swap3A_32 = vector.load %arg8[%swap3A, %swap3A_31] : memref<4000x128xf32, #tpu.memory_space<vmem>>, vector<4000x128xf32>
    tpu.vector_store %arg8[%swap3A, %swap3A_31], %dot_general3A_30 {strides = array<i32>} : memref<4000x128xf32, #tpu.memory_space<vmem>>, vector<4000x128xf32>,
    return
  }
  func.func @transform_0(%arg0: i32) -> (i32, i32) {
    %c0_i32 = arith.constant 0 : i32
    %c0_i32_0 = arith.constant 0 : i32
    return %arg0, %c0_i32 : i32, i32
  }
  func.func @transform_1(%arg0: i32) -> (i32, i32) {
    %c0_i32 = arith.constant 0 : i32
    %c0_i32_0 = arith.constant 0 : i32
    return %arg0, %c0_i32 : i32, i32
  }
  func.func @transform_2(%arg0: i32) -> (i32, i32) {
    %c0_i32 = arith.constant 0 : i32
    %c0_i32_0 = arith.constant 0 : i32
    %c0_i32_1 = arith.constant 0 : i32
    return %c0_i32, %c0_i32_0 : i32, i32
  }
  func.func @transform_3(%arg0: i32) -> (i32, i32) {
    %c0_i32 = arith.constant 0 : i32
    %c0_i32_0 = arith.constant 0 : i32
    %c0_i32_1 = arith.constant 0 : i32
    return %c0_i32, %c0_i32_0 : i32, i32
  }
  func.func @transform_4(%arg0: i32) -> (i32, i32) {
    %c0_i32 = arith.constant 0 : i32
    %c0_i32_0 = arith.constant 0 : i32
    %c0_i32_1 = arith.constant 0 : i32
    return %c0_i32, %c0_i32_0 : i32, i32
  }
  func.func @transform_5(%arg0: i32) -> (i32, i32) {
    %c0_i32 = arith.constant 0 : i32
    %c0_i32_0 = arith.constant 0 : i32
    %c0_i32_1 = arith.constant 0 : i32
    return %c0_i32, %c0_i32_0 : i32, i32
  }
  func.func @transform_6(%arg0: i32) -> (i32, i32) {
    %c0_i32 = arith.constant 0 : i32
    %c0_i32_0 = arith.constant 0 : i32
    %c0_i32_1 = arith.constant 0 : i32
    return %c0_i32, %c0_i32_0 : i32, i32
  }
  func.func @transform_7(%arg0: i32) -> (i32, i32) {
    %c0_i32 = arith.constant 0 : i32
    %c0_i32_0 = arith.constant 0 : i32
    return %arg0, %c0_i32 : i32, i32
  }
}

module attributes {stable_mosaic.version = 14 : i64} {
  func.func @_k4_body(%arg0: memref<10496x128xf32, #tpu.memory_space<vmem>>, %arg1: memref<10000x128xf32, #tpu.memory_space<vmem>>, %arg2: memref<10000x8xf32, #tpu.memory_space<vmem>>, %arg3: memref<1x10000xi32, #tpu.memory_space<vmem>>, %arg4: memref<8x8xf32, #tpu.memory_space<vmem>>, %arg5: memref<1x8xf32, #tpu.memory_space<vmem>>, %arg6: memref<1x8xf32, #tpu.memory_space<vmem>>, %arg7: memref<1x8xf32, #tpu.memory_space<vmem>>, %arg8: memref<16x8xf32, #tpu.memory_space<vmem>>, %arg9: memref<1x8xf32, #tpu.memory_space<vmem>>, %arg10: memref<8x4xf32, #tpu.memory_space<vmem>>, %arg11: memref<1x4xf32, #tpu.memory_space<vmem>>, %arg12: memref<4x1xf32, #tpu.memory_space<vmem>>, %arg13: memref<1x1xf32, #tpu.memory_space<vmem>>, %arg14: memref<100x1xf32, #tpu.memory_space<vmem>>) attributes {dimension_semantics = [], scalar_prefetch = 0 : i64, scratch_operands = 0 : i64, tpu.core_type = #tpu.core_type<tc>} {
    %get3A = arith.constant 0 : index
    %get3A_0 = arith.constant 0 : index
    %get3A_1 = vector.load %arg0[%get3A, %get3A_0] : memref<10496x128xf32, #tpu.memory_space<vmem>>, vector<5120x128xf32>
    %get3A_2 = arith.constant 5248 : index
    %get3A_3 = arith.constant 0 : index
    %get3A_4 = vector.load %arg0[%get3A_2, %get3A_3] : memref<10496x128xf32, #tpu.memory_space<vmem>>, vector<4880x128xf32>
    %concatenate3A = tpu.concatenate %get3A_1, %get3A_4 in 0 : vector<5120x128xf32>, vector<4880x128xf32> -> vector<10000x128xf32>
    %get3A_5 = arith.constant 0 : index
    %get3A_6 = arith.constant 0 : index
    %get3A_7 = vector.load %arg2[%get3A_5, %get3A_6] : memref<10000x8xf32, #tpu.memory_space<vmem>>, vector<10000x1xf32>
    %max3A = arith.constant 1.000000e+00 : f32
    %max3A_8 = vector.broadcast %max3A : f32 to vector<10000x1xf32>
    %max3A_9 = arith.maximumf %get3A_7, %max3A_8 : vector<10000x1xf32>
    %get3A_10 = arith.constant 0 : index
    %get3A_11 = arith.constant 0 : index
    %get3A_12 = vector.load %arg1[%get3A_10, %get3A_11] : memref<10000x128xf32, #tpu.memory_space<vmem>>, vector<10000x8xf32>
    %slice3A = vector.extract_strided_slice %concatenate3A {offsets = [0, 0], sizes = [10000, 8], strides = [1, 1]} : vector<10000x128xf32> to vector<10000x8xf32>
    %div3A = vector.broadcast %max3A_9 : vector<10000x1xf32> to vector<10000x8xf32>
    %div3A_13 = arith.divf %slice3A, %div3A : vector<10000x8xf32>
    %get3A_14 = arith.constant 0 : index
    %get3A_15 = arith.constant 0 : index
    %get3A_16 = vector.load %arg4[%get3A_14, %get3A_15] : memref<8x8xf32, #tpu.memory_space<vmem>>, vector<8x8xf32>
    %dot_general3A = arith.constant dense<0.000000e+00> : vector<10000x8xf32>
    %dot_general3A_17 = tpu.matmul %get3A_12, %get3A_16, %dot_general3A {dimension_numbers = #tpu.dot_dimension_numbers<[1], [0], [0], [1], [0, 0, 1, 1], [], []>, transpose_lhs_hint = false} : vector<10000x8xf32>, vector<8x8xf32>, vector<10000x8xf32> -> vector<10000x8xf32>
    %add3A = arith.addf %div3A_13, %dot_general3A_17 : vector<10000x8xf32>
    %get3A_18 = arith.constant 0 : index
    %get3A_19 = arith.constant 0 : index
    %get3A_20 = vector.load %arg5[%get3A_18, %get3A_19] : memref<1x8xf32, #tpu.memory_space<vmem>>, vector<1x8xf32>
    %add3A_21 = vector.broadcast %get3A_20 : vector<1x8xf32> to vector<10000x8xf32>
    %add3A_22 = arith.addf %add3A, %add3A_21 : vector<10000x8xf32>
    %reduce_sum3A = arith.constant dense<0.000000e+00> : vector<8xf32>
    %reduce_sum3A_23 = vector.multi_reduction <add>, %add3A_22, %reduce_sum3A [0] : vector<10000x8xf32> to vector<8xf32>
    %broadcast_in_dim3A = vector.shape_cast %reduce_sum3A_23 : vector<8xf32> to vector<1x8xf32>
    %div3A_24 = arith.constant 1.000000e+04 : f32
    %div3A_25 = vector.broadcast %div3A_24 : f32 to vector<1x8xf32>
    %div3A_26 = arith.divf %broadcast_in_dim3A, %div3A_25 : vector<1x8xf32>
    %sub3A = vector.broadcast %div3A_26 : vector<1x8xf32> to vector<10000x8xf32>
    %sub3A_27 = arith.subf %add3A_22, %sub3A : vector<10000x8xf32>
    %integer_pow3A = arith.mulf %sub3A_27, %sub3A_27 : vector<10000x8xf32>
    %reduce_sum3A_28 = arith.constant dense<0.000000e+00> : vector<8xf32>
    %reduce_sum3A_29 = vector.multi_reduction <add>, %integer_pow3A, %reduce_sum3A_28 [0] : vector<10000x8xf32> to vector<8xf32>
    %broadcast_in_dim3A_30 = vector.shape_cast %reduce_sum3A_29 : vector<8xf32> to vector<1x8xf32>
    %div3A_31 = arith.constant 1.000000e+04 : f32
    %div3A_32 = vector.broadcast %div3A_31 : f32 to vector<1x8xf32>
    %div3A_33 = arith.divf %broadcast_in_dim3A_30, %div3A_32 : vector<1x8xf32>
    %sub3A_34 = vector.broadcast %div3A_26 : vector<1x8xf32> to vector<10000x8xf32>
    %sub3A_35 = arith.subf %add3A_22, %sub3A_34 : vector<10000x8xf32>
    %add3A_36 = arith.constant 9.99999974E-6 : f32
    %add3A_37 = vector.broadcast %add3A_36 : f32 to vector<1x8xf32>
    %add3A_38 = arith.addf %div3A_33, %add3A_37 : vector<1x8xf32>
    %sqrt3A = math.sqrt %add3A_38 : vector<1x8xf32>
    %div3A_39 = vector.broadcast %sqrt3A : vector<1x8xf32> to vector<10000x8xf32>
    %div3A_40 = arith.divf %sub3A_35, %div3A_39 : vector<10000x8xf32>
    %get3A_41 = arith.constant 0 : index
    %get3A_42 = arith.constant 0 : index
    %get3A_43 = vector.load %arg6[%get3A_41, %get3A_42] : memref<1x8xf32, #tpu.memory_space<vmem>>, vector<1x8xf32>
    %mul3A = vector.broadcast %get3A_43 : vector<1x8xf32> to vector<10000x8xf32>
    %mul3A_44 = arith.mulf %div3A_40, %mul3A : vector<10000x8xf32>
    %get3A_45 = arith.constant 0 : index
    %get3A_46 = arith.constant 0 : index
    %get3A_47 = vector.load %arg7[%get3A_45, %get3A_46] : memref<1x8xf32, #tpu.memory_space<vmem>>, vector<1x8xf32>
    %add3A_48 = vector.broadcast %get3A_47 : vector<1x8xf32> to vector<10000x8xf32>
    %add3A_49 = arith.addf %mul3A_44, %add3A_48 : vector<10000x8xf32>
    %max3A_50 = arith.constant 0.000000e+00 : f32
    %max3A_51 = vector.broadcast %max3A_50 : f32 to vector<10000x8xf32>
    %max3A_52 = arith.maximumf %add3A_49, %max3A_51 : vector<10000x8xf32>
    %iota3A = tpu.iota {dimensions = array<i32: 0>} : vector<104x10000xi32>
    %get3A_53 = arith.constant 0 : index
    %get3A_54 = arith.constant 0 : index
    %get3A_55 = vector.load %arg3[%get3A_53, %get3A_54] : memref<1x10000xi32, #tpu.memory_space<vmem>>, vector<1x10000xi32>
    %eq3A = vector.broadcast %get3A_55 : vector<1x10000xi32> to vector<104x10000xi32>
    %eq3A_56 = arith.cmpi eq, %iota3A, %eq3A : vector<104x10000xi32>
    %convert_element_type3A = arith.extui %eq3A_56 : vector<104x10000xi1> to vector<104x10000xi32>
    %convert_element_type3A_57 = arith.sitofp %convert_element_type3A : vector<104x10000xi32> to vector<104x10000xf32>
    %dot_general3A_58 = arith.constant dense<0.000000e+00> : vector<104x8xf32>
    %dot_general3A_59 = tpu.matmul %convert_element_type3A_57, %max3A_52, %dot_general3A_58 {dimension_numbers = #tpu.dot_dimension_numbers<[1], [0], [0], [1], [0, 0, 1, 1], [], []>, transpose_lhs_hint = false} : vector<104x10000xf32>, vector<10000x8xf32>, vector<104x8xf32> -> vector<104x8xf32>
    %reduce_sum3A_60 = arith.constant dense<0.000000e+00> : vector<104xf32>
    %reduce_sum3A_61 = vector.multi_reduction <add>, %convert_element_type3A_57, %reduce_sum3A_60 [1] : vector<104x10000xf32> to vector<104xf32>
    %broadcast_in_dim3A_62 = vector.shape_cast %reduce_sum3A_61 : vector<104xf32> to vector<104x1xf32>
    %max3A_63 = arith.constant 1.000000e+00 : f32
    %max3A_64 = vector.broadcast %max3A_63 : f32 to vector<104x1xf32>
    %max3A_65 = arith.maximumf %broadcast_in_dim3A_62, %max3A_64 : vector<104x1xf32>
    %div3A_66 = vector.broadcast %max3A_65 : vector<104x1xf32> to vector<104x8xf32>
    %div3A_67 = arith.divf %dot_general3A_59, %div3A_66 : vector<104x8xf32>
    %concatenate3A_68 = tpu.concatenate %div3A_67, %dot_general3A_59 in 1 : vector<104x8xf32>, vector<104x8xf32> -> vector<104x16xf32>
    %get3A_69 = arith.constant 0 : index
    %get3A_70 = arith.constant 0 : index
    %get3A_71 = vector.load %arg8[%get3A_69, %get3A_70] : memref<16x8xf32, #tpu.memory_space<vmem>>, vector<16x8xf32>
    %dot_general3A_72 = arith.constant dense<0.000000e+00> : vector<104x8xf32>
    %dot_general3A_73 = tpu.matmul %concatenate3A_68, %get3A_71, %dot_general3A_72 {dimension_numbers = #tpu.dot_dimension_numbers<[1], [0], [0], [1], [0, 0, 1, 1], [], []>, transpose_lhs_hint = false} : vector<104x16xf32>, vector<16x8xf32>, vector<104x8xf32> -> vector<104x8xf32>
    %get3A_74 = arith.constant 0 : index
    %get3A_75 = arith.constant 0 : index
    %get3A_76 = vector.load %arg9[%get3A_74, %get3A_75] : memref<1x8xf32, #tpu.memory_space<vmem>>, vector<1x8xf32>
    %add3A_77 = vector.broadcast %get3A_76 : vector<1x8xf32> to vector<104x8xf32>
    %add3A_78 = arith.addf %dot_general3A_73, %add3A_77 : vector<104x8xf32>
    %max3A_79 = arith.constant 0.000000e+00 : f32
    %max3A_80 = vector.broadcast %max3A_79 : f32 to vector<104x8xf32>
    %max3A_81 = arith.maximumf %add3A_78, %max3A_80 : vector<104x8xf32>
    %get3A_82 = arith.constant 0 : index
    %get3A_83 = arith.constant 0 : index
    %get3A_84 = vector.load %arg10[%get3A_82, %get3A_83] : memref<8x4xf32, #tpu.memory_space<vmem>>, vector<8x4xf32>
    %dot_general3A_85 = arith.constant dense<0.000000e+00> : vector<104x4xf32>
    %dot_general3A_86 = tpu.matmul %max3A_81, %get3A_84, %dot_general3A_85 {dimension_numbers = #tpu.dot_dimension_numbers<[1], [0], [0], [1], [0, 0, 1, 1], [], []>, transpose_lhs_hint = false} : vector<104x8xf32>, vector<8x4xf32>, vector<104x4xf32> -> vector<104x4xf32>
    %get3A_87 = arith.constant 0 : index
    %get3A_88 = arith.constant 0 : index
    %get3A_89 = vector.load %arg11[%get3A_87, %get3A_88] : memref<1x4xf32, #tpu.memory_space<vmem>>, vector<1x4xf32>
    %add3A_90 = vector.broadcast %get3A_89 : vector<1x4xf32> to vector<104x4xf32>
    %add3A_91 = arith.addf %dot_general3A_86, %add3A_90 : vector<104x4xf32>
    %max3A_92 = arith.constant 0.000000e+00 : f32
    %max3A_93 = vector.broadcast %max3A_92 : f32 to vector<104x4xf32>
    %max3A_94 = arith.maximumf %add3A_91, %max3A_93 : vector<104x4xf32>
    %get3A_95 = arith.constant 0 : index
    %get3A_96 = arith.constant 0 : index
    %get3A_97 = vector.load %arg12[%get3A_95, %get3A_96] : memref<4x1xf32, #tpu.memory_space<vmem>>, vector<4x1xf32>
    %dot_general3A_98 = arith.constant dense<0.000000e+00> : vector<104x1xf32>
    %dot_general3A_99 = tpu.matmul %max3A_94, %get3A_97, %dot_general3A_98 {dimension_numbers = #tpu.dot_dimension_numbers<[1], [0], [0], [1], [0, 0, 1, 1], [], []>, transpose_lhs_hint = false} : vector<104x4xf32>, vector<4x1xf32>, vector<104x1xf32> -> vector<104x1xf32>
    %get3A_100 = arith.constant 0 : index
    %get3A_101 = arith.constant 0 : index
    %get3A_102 = vector.load %arg13[%get3A_100, %get3A_101] : memref<1x1xf32, #tpu.memory_space<vmem>>, vector<1x1xf32>
    %add3A_103 = vector.broadcast %get3A_102 : vector<1x1xf32> to vector<104x1xf32>
    %add3A_104 = arith.addf %dot_general3A_99, %add3A_103 : vector<104x1xf32>
    %slice3A_105 = vector.extract_strided_slice %add3A_104 {offsets = [0, 0], sizes = [100, 1], strides = [1, 1]} : vector<104x1xf32> to vector<100x1xf32>
    %swap3A = arith.constant 0 : index
    %swap3A_106 = arith.constant 0 : index
    %swap3A_107 = vector.load %arg14[%swap3A, %swap3A_106] : memref<100x1xf32, #tpu.memory_space<vmem>>, vector<100x1xf32>
    tpu.vector_store %arg14[%swap3A, %swap3A_106], %slice3A_105 {strides = array<i32>} : memref<100x1xf32, #tpu.memory_space<vmem>>, vector<100x1xf32>,
    return
  }
}

</mosaic_0001>

<sc_bundles>
// kernel: kernel.10.cloned.1.call-start
scs
__scs_entry_jumppad:
0x0: {  	(pc) =	sbr.rel $0x88, $3  }
0x1: {  	(tag) =	ssettag $0x0;
	lr =	simm.s32 $0x1  }
0x2: {  	[smem:$0x3F87] =	sst lr;
	_ =	strace $0xD0000000  }
0x3: {  	_ = 	snop  }
0x4: {  	_ = 	snop  }
0x5: {  	_ = 	snop  }
0x6: {  	_ = 	snop  }
0x7: {  	_ = 	snop  }
__scs_overlays_trampoline_lowered:
0x8: {  	[smem:$0x3F96] =	sst s0  }
0x9: {  	[smem:$0x3F97] =	sst s1  }
0xa: {  	[smem:$0x3F98] =	sst s2  }
0xb: {  	[smem:$0x3F99] =	sst s3  }
0xc: {  	[smem:$0x3F9A] =	sst s4  }
0xd: {  	[smem:$0x3F9B] =	sst s5  }
0xe: {  	[smem:$0x3F9C] =	sst s6  }
0xf: {  	[smem:$0x3F9D] =	sst s7  }
0x10: {  	[smem:$0x3F9E] =	sst s8  }
0x11: {  	[smem:$0x3F9F] =	sst s9;
	s0 =	simm.s32 @!p0 $0x0  }
0x12: {  	s1 =	sld [smem:$0x3F85];
	s0 =	simm.s32 @p0 $0x1  }
0x13: {  	[smem:$0x3FA0] =	sst s0;
	s0 =	simm.s32 @!p1 $0x0  }
0x14: {  	s2 =	sld [smem:$0x3F84];
	s0 =	simm.s32 @p1 $0x1  }
0x15: {  	[smem:$0x3FA1] =	sst s0;
	s0 =	simm.s32 @!p2 $0x0  }
0x16: {  	s3 =	sld [smem:$0x3FDB];
	s0 =	simm.s32 @p2 $0x1  }
0x17: {  	s4 =	simm.s32 $0x1BF5;
	[smem:$0x3FA3] =	sst s0  }
0x18: {  	s0 =	sld [smem:$0x3F86];
	_ =	swait.ge [sflag:s4], $0x0  }
0x19: {  	s7 =	sld [smem:$0x3F87]  }
0x1a: {  	s8 =	sadd.s32 $0xFFFFE003, lr  }
0x1b: {  	s9 =	sadd.s32 $0xFFFFFEF7, lr;
	s5 =	simm.s32 $0xFFFFFFFF;
	p2 =	slt.u32 s8, $0xFFFFF086  }
0x1c: {  	p1 =	slt.u32 s9, $0xF7A;
	s5 =	simm.s32 @!p2 $0x0  }
0x1d: {  	s5 =	simm.s32 @p1 $0x1;
	p0 =	seq.s32 s7, s2  }
0x1e: {  	s7 =	smul.u32 @!p0 $0xF7A, s2;
	p2 =	seq.s32 @!p0 s5, $0x0  }
0x1f: {  	s9 =	smul.u32 $0xF7A, s1;
	s8 =	simm.s32 @!p0 $0x1BF5;
	p2 =	por !p2, p0  }
0x20: {  	[sflag:s8] =	ssyncset.s32 @!p0 $0xFFFFF086;
	s6 =	sadd.s32 @!p0 s3, s7;
	s7 =	simm.s32 @!p0 $0x108  }
0x21: {  	s3 =	sadd.s32 s3, s9;
	s6 =	sadd.s32 @!p0 $0x88, s6;
	s7 =	simm.s32 @p2 $0x1082  }
0x22: {  	[simem:s7], [sflag:s8] =	dma.local @!p0 [hbm:s6], $0xF7A  }
0x23: {  	s9 =	sor.u32 $0xD0000000, s2;
	s6 =	simm.s32 $0x108;
	_ =	swait.ge @!p0 [sflag:s8], $0x0  }
0x24: {  	s3 =	sadd.s32 $0x88, s3;
	s6 =	simm.s32 @!p1 $0x1082;
	[sflag:s4] =	ssyncset.s32 $0xFFFFF086  }
0x25: {  	[simem:s6], [sflag:s4] =	dma.local [hbm:s3], $0xF7A  }
0x26: {  	[smem:$0x3F87] =	sst s1;
	(tag) =	ssettag s2;
	_ =	strace s9  }
0x27: {  	s1 =	sld [smem:$0x3F97]  }
0x28: {  	s2 =	sld [smem:$0x3F98]  }
0x29: {  	s4 =	sld [smem:$0x3F9A]  }
0x2a: {  	p0 =	seq.s32 s5, $0x0;
	s5 =	sld [smem:$0x3F9B]  }
0x2b: {  	s6 =	sld [smem:$0x3F9C]  }
0x2c: {  	s7 =	sld [smem:$0x3F9D]  }
0x2d: {  	s3 =	simm.s32 $0x108;
	s8 =	sld [smem:$0x3F9E]  }
0x2e: {  	s3 =	simm.s32 @!p0 $0x1082;
	s9 =	sld [smem:$0x3F9F]  }
0x2f: {  	lr =	sadd.s32 s0, s3;
	s0 =	sld [smem:$0x3F96]  }
0x30: {  	s3 =	sld [smem:$0x3F99]  }
0x31: {  	[smem:$0x3FA2] =	sst s10  }
0x32: {  	s10 =	sld [smem:$0x3FA0];
	_ =	sdelay $0x3  }
0x33: {  	p0 =	seq.s32 s10, $0x1;
	s10 =	sld [smem:$0x3FA2];
	_ =	sdelay $0x3  }
0x34: {  	[smem:$0x3FA2] =	sst s10  }
0x35: {  	s10 =	sld [smem:$0x3FA1];
	_ =	sdelay $0x3  }
0x36: {  	p1 =	seq.s32 s10, $0x1;
	s10 =	sld [smem:$0x3FA2];
	_ =	sdelay $0x3  }
0x37: {  	[smem:$0x3FA2] =	sst s10  }
0x38: {  	s10 =	sld [smem:$0x3FA3]  }
0x39: {  	_ = 	snop;
	(pc) =	sbr.ind lr, $3  }
0x3a: {  	_ = 	snop  }
0x3b: {  	_ = 	snop  }
0x3c: {  	p2 =	seq.s32 s10, $0x1;
	s10 =	sld [smem:$0x3FA2]  }
0x3d: {  	_ =	shalt  }
0x3e: {  	_ =	shalt  }
0x3f: {  	_ =	shalt  }
0x40: {  	_ =	shalt  }
0x41: {  	_ =	shalt  }
0x42: {  	_ =	shalt  }
0x43: {  	_ =	shalt  }
0x44: {  	_ =	shalt  }
0x45: {  	_ =	shalt  }
0x46: {  	_ =	shalt  }
0x47: {  	_ =	shalt  }
0x48: {  	_ =	shalt  }
0x49: {  	_ =	shalt  }
0x4a: {  	_ =	shalt  }
0x4b: {  	_ =	shalt  }
0x4c: {  	_ =	shalt  }
0x4d: {  	_ =	shalt  }
0x4e: {  	_ =	shalt  }
0x4f: {  	_ =	shalt  }
0x50: {  	_ =	shalt  }
0x51: {  	_ =	shalt  }
0x52: {  	_ =	shalt  }
0x53: {  	_ =	shalt  }
0x54: {  	_ =	shalt  }
0x55: {  	_ =	shalt  }
0x56: {  	_ =	shalt  }
0x57: {  	_ =	shalt  }
0x58: {  	_ =	shalt  }
0x59: {  	_ =	shalt  }
0x5a: {  	_ =	shalt  }
0x5b: {  	_ =	shalt  }
0x5c: {  	_ =	shalt  }
0x5d: {  	_ =	shalt  }
0x5e: {  	_ =	shalt  }
0x5f: {  	_ =	shalt  }
0x60: {  	_ =	shalt  }
0x61: {  	_ =	shalt  }
0x62: {  	_ =	shalt  }
0x63: {  	_ =	shalt  }
0x64: {  	_ =	shalt  }
0x65: {  	_ =	shalt  }
0x66: {  	_ =	shalt  }
0x67: {  	_ =	shalt  }
0x68: {  	_ =	shalt  }
0x69: {  	_ =	shalt  }
0x6a: {  	_ =	shalt  }
0x6b: {  	_ =	shalt  }
0x6c: {  	_ =	shalt  }
0x6d: {  	_ =	shalt  }
0x6e: {  	_ =	shalt  }
0x6f: {  	_ =	shalt  }
0x70: {  	_ =	shalt  }
0x71: {  	_ =	shalt  }
0x72: {  	_ =	shalt  }
0x73: {  	_ =	shalt  }
0x74: {  	_ =	shalt  }
0x75: {  	_ =	shalt  }
0x76: {  	_ =	shalt  }
0x77: {  	_ =	shalt  }
0x78: {  	_ =	shalt  }
0x79: {  	_ =	shalt  }
0x7a: {  	_ =	shalt  }
0x7b: {  	_ =	shalt  }
0x7c: {  	_ =	shalt  }
0x7d: {  	_ =	shalt  }
0x7e: {  	_ =	shalt  }
0x7f: {  	_ =	shalt  }
0x80: {  	_ =	shalt  }
0x81: {  	_ =	shalt  }
0x82: {  	_ =	shalt  }
0x83: {  	_ =	shalt  }
0x84: {  	_ =	shalt  }
0x85: {  	_ =	shalt  }
0x86: {  	_ =	shalt  }
0x87: {  	_ =	shalt  }
.Lfunc_end0:
.L_simem_size_0:
called_computation_lowered:
.L_overlay_start_0:
0x88: {  	s2 =	sld [smem:$0x3FD9]  }
0x89: {  	s3 =	sld [smem:$0x3FFE];
	_ =	sdelay $0x1  }
0x8a: {  	s1 =	srdreg.scid  }
0x8b: {  	s0 =	sand.u32 $0x1, s1  }
0x8c: {  	s17 =	sshll.u32 s0, $0xA;
	s2 =	sadd.s32 s3, s2  }
0x8d: {  	s2 =	sadd.s32 s2, s17  }
0x8e: {  	[smem:$0x3FAE] =	sst s2  }
0x8f: {  	_ = 	snop  }
0x90: {  	s2 =	sld [smem:$0x3FC9];
	(tm) =	ssettm $0x1  }
0x91: {  	s18 =	sld [smem:$0x3FFB];
	_ =	sdelay $0x3  }
0x92: {  	_ =	strace s18  }
0x93: {  	s3 =	sld [smem:$0x3FFC];
	_ =	sdelay $0x3  }
0x94: {  	_ =	strace s3  }
0x95: {  	s3 =	sld [smem:$0x3FFD];
	_ =	sdelay $0x3  }
0x96: {  	_ =	strace s3  }
0x97: {  	_ =	strace $0x8FFFFFFF  }
0x98: {  	s19 =	sld [smem:$0x3FDB];
	_ =	sdelay $0x1  }
0x99: {  	s4 =	simm.s32 $_scs_section_size  }
0x9a: {  	s5 =	simm.s32 $_size__tile_overlayer_lowered;
	s6 =	simm.s32 $_tile_overlayer_lowered  }
0x9b: {  	s22 =	simm.s32 $0x1BFF;
	s21 =	sshll.u32 s6, $0x1;
	s3 =	sadd.s32 s4, s19  }
0x9c: {  	s7 =	simm.s32 $0x0;
	s20 =	sshll.u32 s5, $0x1;
	s5 =	sadd.s32 s21, s3  }
0x9d: {  	[timem:s7], [sflag:s22] =	dma.local [hbm:s5], s20  }
0x9e: {  	_ =	swait.ge [sflag:s22], s20  }
0x9f: {  	s4 =	ssub.s32 $0x0, s20;
	[sflag:s22] =	ssyncset.done $0x0  }
0xa0: {  	[sflag:s22] =	ssyncadd.s32 s4;
	_ =	sdelay $0x1  }
0xa1: {  	s23 =	simm.s32 $0x1B8B  }
0xa2: {  	_ =	swait.ge [sflag:s23], $0x1  }
0xa3: {  	[sflag:s23] =	ssyncset.done $0x0  }
0xa4: {  	s25 =	simm.s32 $0x1B8E;
	s24 =	sld [smem:$0x3FFE];
	[sflag:s23] =	ssyncadd.s32 $0xFFFFFFFF  }
0xa5: {  	s26 =	simm.s32 $execute0_lowered;
	[smem:$0x3FD2] =	sst s25  }
0xa6: {  	s5 =	sshll.u32 s26, $0x1;
	_ =	strace $0x80000046;
	[dreg:$0x1] =	wrdreg $0xFFFFFFFF  }
0xa7: {  	s28 =	simm.s32 $_size_execute0_lowered;
	s3 =	sadd.s32 s3, s5;
	[dreg:$0x0] =	wrdreg $0x0  }
0xa8: {  	s5 =	sshll.u32 s28, $0x1;
	[dreg:$0x2] =	wrdreg s3  }
0xa9: {  	[dreg:$0x3] =	wrdreg s5  }
0xaa: {  	[dreg:$0x4] =	wrdreg $0xC0  }
0xab: {  	_ =	task [dreg:s7], $0x5FFFF  }
0xac: {  	[dreg:$0x1] =	wrdreg $0xFFFFFFFF  }
0xad: {  	[dreg:$0x0] =	wrdreg $0x60  }
0xae: {  	[dreg:$0x2] =	wrdreg s24  }
0xaf: {  	[dreg:$0x3] =	wrdreg s2  }
0xb0: {  	[dreg:$0x4] =	wrdreg $0x9  }
0xb1: {  	_ =	task.clear_ibuf [dreg:s7], $0x5FFFF;
	_ =	strace $0x90000046  }
0xb2: {  	s29 =	simm.s32 $0x9;
	_ =	strace $0x80000048  }
0xb3: {  	_ =	swait.ge [sflag:s29], $0x1  }
0xb4: {  	[sflag:s29] =	ssyncadd.s32 $0xFFFFFFFF  }
0xb5: {  	_ =	strace $0x90000048  }
0xb6: {  	_ =	sfence  }
0xb7: {  	s30 =	sld [smem:$0x0];
	_ =	sdelay $0x2  }
0xb8: {  	s31 =	sshll.u32 s1, $0xD;
	s1 =	sshrl.u32 s1, $0x2  }
0xb9: {  	s3 =	sand.u32 $0x4000, s31;
	s1 =	sadd.s32 s1, s30  }
0xba: {  	s0 =	sor.u32 s3, s0;
	s1 =	sshll.u32 s1, $0x11  }
0xbb: {  	s0 =	sor.u32 s1, s0  }
0xbc: {  	s0 =	sadd.s32 $0x8F2B, s0  }
0xbd: {  	[sflag:s0] =	ssyncadd.remote.s32 $0x1  }
0xbe: {  	_ =	sfence.sel $0xFFFF  }
0xbf: {  	[dreg:$0x0] =	wrdreg $0xFFFFFFFF;
	(pc) =	sbr.abs _section_cstart, $3  }
0xc0: {  	[dreg:$0x1] =	wrdreg $0xFFFFFFFF  }
0xc1: {  	_ =	task.clear_ibuf [dreg:s7], $0x2FFFF;
	_ =	strace $0x9FFFFFFF  }
0xc2: {  	(tm) =	ssettm $0x7FFFFFFF  }
0xc3: {  	_ =	shalt  }
tec
execute0_lowered:
.L_overlay_start_1:
0x0: {  	(tag) =	ssettag $0x1  }
0x1: {  	s3 =	rddreg [dreg:$0x0]  }
0x2: {  	s1 =	rddreg [dreg:$0x1]  }
0x3: {  	s0 =	rddreg [dreg:$0x2];
	s2 =	simm.s32 $0x0;
	s4 =	srdreg.scid  }
0x4: {  	s17 =	stileid.u32;
	s15 =	simm.s32 $0x1;
	s16 =	simm.s32 $0x2  }
0x5: {  	[smem:$0x7FF] =	sst s2;
	s8 =	sand.u32 $0x1, s4;
	s10 =	sadd.s32 $0x5200, s3  }
0x6: {  	s9 =	sadd.s32 $0xF200, s3;
	s5 =	sshll.u32 s17, $0x1;
	s12 =	sshll.u32 s17, $0x5  }
0x7: {  	s14 =	sshll.u32 s17, $0x8;
	s30 =	sshll.u32 s17, $0xC;
	p0 =	sne.s32 s17, $0x0  }
0x8: {  	s17 =	simm.s32 $0x0;
	_ =	strace $0x80000047;
	s4 =	ssub.s32 $0x2, s8  }
0x9: {  	s25 =	sor.u32 s8, s5;
	s11 =	sshll.u32 s8, $0x7;
	s12 =	sadd.s32 s12, s10  }
0xa: {  	s13 =	sshll.u32 s8, $0x4;
	s31 =	sshll.u32 s8, $0xB;
	s24 =	sshrl.u32 s4, $0x1  }
0xb: {  	s26 =	sshll.u32 s25, $0x4;
	s5 =	sshll.u32 s25, $0xB;
	s6 =	sor.u32 $0x27000, s11  }
0xc: {  	s12 =	sadd.s32 s13, s12;
	s11 =	sor.u32 s11, s14;
	s13 =	simm.s32 $0x100  }
0xd: {  	s14 =	simm.s32 $0x4100;
	s7 =	ssub.s32 s4, s24;
	s3 =	sadd.s32 s10, s26  }
0xe: {  	s28 =	sadd.s32 s5, s9;
	s29 =	sshrl.u32 s6, $0x3;
	s6 =	sshll.u32 s6, $0x4  }
0xf: {  	s11 =	sor.u32 $0x1000, s11;
	s8 =	sadd.s32 $0x400, s12;
	s12 =	simm.s32 $0x80  }
0x10: {  	s4 =	sadd.s32 $0x260000, s28;
	s5 =	sadd.s32 s10, s29;
	s6 =	sadd.s32 s9, s6  }
0x11: {  	s7 =	smax.u32 s7, $0x1;
	s9 =	sadd.s32 s30, s9;
	s11 =	sshrl.u32 s11, $0x3  }
0x12: {  	s9 =	sadd.s32 s31, s9;
	s10 =	sadd.s32 s11, s10;
	s11 =	simm.s32 $0x3  }
.LBB2_1:
0x13: {  	[tilespmem:s2], [sflag:$0x3] =	stream.linear.gather [hbm4b:s3+s2], $0x80, $0x38;
	[tilespmem:$0x8100] =	vst v63  }
0x14: {  	_ =	swait.ge [sflag:s11], $0x80  }
0x15: {  	[sflag:s11] =	ssyncset.done $0x0  }
0x16: {  	[sflag:s11] =	ssyncadd.s32 $0xFFFFFF80  }
0x17: {  	[tilespmem:s13], [sflag:$0x1] =	stream.indirect.gather [hbm4b:s1+s12], $0x80, s2, s12, $0xb8;
	[tilespmem:$0x8100] =	vst v63  }
0x18: {  	s18 =	sadd.s32 $0x0, s10  }
0x19: {  	[tilespmem:s12], [sflag:$0x3] =	stream.linear.gather [hbm4b:s18+s2], $0x80, $0x38;
	[tilespmem:$0x8100] =	vst v63  }
0x1a: {  	_ =	swait.ge [sflag:s11], $0x80  }
0x1b: {  	[sflag:s11] =	ssyncset.done $0x0  }
0x1c: {  	[sflag:s11] =	ssyncadd.s32 $0xFFFFFF80  }
0x1d: {  	[tilespmem:s14], [sflag:$0x2] =	stream.indirect.gather [hbm4b:s1+s12], $0x80, s12, s12, $0xb8;
	[tilespmem:$0x8100] =	vst v63  }
0x1e: {  	_ =	swait.ge [sflag:s15], $0x4000  }
0x1f: {  	[sflag:s15] =	ssyncset.done $0x0  }
0x20: {  	[sflag:s15] =	ssyncadd.s32 $0xFFFFC000  }
0x21: {  	[hbm4b:s9+s2] =	stream.linear.scatter [tilespmem:s13], [sflag:$0x3], $0x4000, $0x38;
	[tilespmem:$0x8100] =	vst v63  }
0x22: {  	_ =	swait.ge [sflag:s11], $0x4000  }
0x23: {  	[sflag:s11] =	ssyncset.done $0x0  }
0x24: {  	s30 =	sadd.s32 $0x0, s8;
	[sflag:s11] =	ssyncadd.s32 $0xFFFFC000  }
0x25: {  	[tilespmem:s2], [sflag:$0x3] =	stream.linear.gather [hbm4b:s30+s2], $0x80, $0x38;
	[tilespmem:$0x8100] =	vst v63  }
0x26: {  	_ =	swait.ge [sflag:s11], $0x80  }
0x27: {  	[sflag:s11] =	ssyncset.done $0x0  }
0x28: {  	[sflag:s11] =	ssyncadd.s32 $0xFFFFFF80  }
0x29: {  	[tilespmem:s13], [sflag:$0x1] =	stream.indirect.gather [hbm4b:s1+s12], $0x80, s2, s12, $0xb8;
	[tilespmem:$0x8100] =	vst v63  }
0x2a: {  	_ =	swait.ge [sflag:s16], $0x4000  }
0x2b: {  	[sflag:s16] =	ssyncset.done $0x0  }
0x2c: {  	s31 =	sadd.s32 $0x10000, s9;
	[sflag:s16] =	ssyncadd.s32 $0xFFFFC000  }
0x2d: {  	[hbm4b:s31+s2] =	stream.linear.scatter [tilespmem:s14], [sflag:$0x3], $0x4000, $0x38;
	[tilespmem:$0x8100] =	vst v63  }
0x2e: {  	s19 =	simm.s32 $0x400;
	_ =	swait.ge [sflag:s11], $0x4000  }
0x2f: {  	s20 =	simm.s32 $0x800;
	s18 =	sadd.s32 $0x20000, s9;
	[sflag:s11] =	ssyncset.done $0x0  }
.LBB2_2:
0x30: {  	s21 =	sadd.s32 s19, s10  }
0x31: {  	[sflag:s11] =	ssyncadd.s32 $0xFFFFC000;
	s22 =	smov.u32 s20;
	s23 =	sadd.s32 $0x400, s20  }
0x32: {  	[tilespmem:s12], [sflag:$0x3] =	stream.linear.gather [hbm4b:s21+s2], $0x80, $0x38;
	[tilespmem:$0x8100] =	vst v63  }
0x33: {  	p1 =	sne.s32 s20, $0x4800;
	_ =	swait.ge [sflag:s11], $0x80  }
0x34: {  	[sflag:s11] =	ssyncset.done $0x0  }
0x35: {  	[sflag:s11] =	ssyncadd.s32 $0xFFFFFF80  }
0x36: {  	[tilespmem:s14], [sflag:$0x2] =	stream.indirect.gather [hbm4b:s1+s12], $0x80, s12, s12, $0xb8;
	[tilespmem:$0x8100] =	vst v63  }
0x37: {  	_ =	swait.ge [sflag:s15], $0x4000  }
0x38: {  	[sflag:s15] =	ssyncset.done $0x0  }
0x39: {  	[sflag:s15] =	ssyncadd.s32 $0xFFFFC000  }
0x3a: {  	[hbm4b:s18+s2] =	stream.linear.scatter [tilespmem:s13], [sflag:$0x3], $0x4000, $0x38;
	[tilespmem:$0x8100] =	vst v63  }
0x3b: {  	_ =	swait.ge [sflag:s11], $0x4000  }
0x3c: {  	[sflag:s11] =	ssyncset.done $0x0  }
0x3d: {  	s20 =	sadd.s32 s19, s8;
	s19 =	smov.u32 s22;
	[sflag:s11] =	ssyncadd.s32 $0xFFFFC000  }
0x3e: {  	[tilespmem:s2], [sflag:$0x3] =	stream.linear.gather [hbm4b:s20+s2], $0x80, $0x38;
	[tilespmem:$0x8100] =	vst v63  }
0x3f: {  	_ =	swait.ge [sflag:s11], $0x80  }
0x40: {  	[sflag:s11] =	ssyncset.done $0x0  }
0x41: {  	[sflag:s11] =	ssyncadd.s32 $0xFFFFFF80  }
0x42: {  	[tilespmem:s13], [sflag:$0x1] =	stream.indirect.gather [hbm4b:s1+s12], $0x80, s2, s12, $0xb8;
	[tilespmem:$0x8100] =	vst v63  }
0x43: {  	_ =	swait.ge [sflag:s16], $0x4000  }
.Ltmp0:
0x44: {  	[sflag:s16] =	ssyncset.done $0x0;
	(pc) =	sbr.rel @p1 .LBB2_2-.Ltmp0, $4  }
0x45: {  	s20 =	sadd.s32 $0x10000, s18;
	[sflag:s16] =	ssyncadd.s32 $0xFFFFC000  }
0x46: {  	[hbm4b:s20+s2] =	stream.linear.scatter [tilespmem:s14], [sflag:$0x3], $0x4000, $0x38;
	[tilespmem:$0x8100] =	vst v63  }
0x47: {  	_ =	swait.ge [sflag:s11], $0x4000  }
0x48: {  	s18 =	sadd.s32 $0x20000, s18;
	s20 =	smov.u32 s23;
	[sflag:s11] =	ssyncset.done $0x0  }
0x49: {  	s20 =	sadd.s32 s19, s10;
	[sflag:s11] =	ssyncadd.s32 $0xFFFFC000  }
0x4a: {  	[tilespmem:s12], [sflag:$0x3] =	stream.linear.gather [hbm4b:s20+s2], $0x80, $0x38;
	[tilespmem:$0x8100] =	vst v63  }
0x4b: {  	_ =	swait.ge [sflag:s11], $0x80  }
0x4c: {  	[sflag:s11] =	ssyncset.done $0x0  }
0x4d: {  	[sflag:s11] =	ssyncadd.s32 $0xFFFFFF80  }
0x4e: {  	[tilespmem:s14], [sflag:$0x2] =	stream.indirect.gather [hbm4b:s1+s12], $0x80, s12, s12, $0xb8;
	[tilespmem:$0x8100] =	vst v63  }
0x4f: {  	_ =	swait.ge [sflag:s15], $0x4000  }
0x50: {  	[sflag:s15] =	ssyncset.done $0x0  }
0x51: {  	[sflag:s15] =	ssyncadd.s32 $0xFFFFC000  }
0x52: {  	[hbm4b:s18+s2] =	stream.linear.scatter [tilespmem:s13], [sflag:$0x3], $0x4000, $0x38;
	[tilespmem:$0x8100] =	vst v63  }
0x53: {  	_ =	swait.ge [sflag:s11], $0x4000  }
0x54: {  	[sflag:s11] =	ssyncset.done $0x0  }
0x55: {  	s30 =	sadd.s32 s19, s8;
	[sflag:s11] =	ssyncadd.s32 $0xFFFFC000  }
0x56: {  	[tilespmem:s2], [sflag:$0x3] =	stream.linear.gather [hbm4b:s30+s2], $0x80, $0x38;
	[tilespmem:$0x8100] =	vst v63  }
0x57: {  	_ =	swait.ge [sflag:s11], $0x80  }
0x58: {  	[sflag:s11] =	ssyncset.done $0x0  }
0x59: {  	[sflag:s11] =	ssyncadd.s32 $0xFFFFFF80  }
0x5a: {  	[tilespmem:s13], [sflag:$0x1] =	stream.indirect.gather [hbm4b:s1+s12], $0x80, s2, s12, $0xb8;
	[tilespmem:$0x8100] =	vst v63  }
0x5b: {  	_ =	swait.ge [sflag:s16], $0x4000  }
0x5c: {  	[sflag:s16] =	ssyncset.done $0x0  }
0x5d: {  	s31 =	sadd.s32 $0x10000, s18;
	[sflag:s16] =	ssyncadd.s32 $0xFFFFC000  }
0x5e: {  	[hbm4b:s31+s2] =	stream.linear.scatter [tilespmem:s14], [sflag:$0x3], $0x4000, $0x38;
	[tilespmem:$0x8100] =	vst v63  }
0x5f: {  	_ =	swait.ge [sflag:s11], $0x4000  }
0x60: {  	[sflag:s11] =	ssyncset.done $0x0  }
0x61: {  	[sflag:s11] =	ssyncadd.s32 $0xFFFFC000  }
0x62: {  	_ =	swait.ge [sflag:s15], $0x4000  }
0x63: {  	[sflag:s15] =	ssyncset.done $0x0  }
0x64: {  	[sflag:s15] =	ssyncadd.s32 $0xFFFFC000  }
0x65: {  	[hbm4b:s4+s2] =	stream.linear.scatter [tilespmem:s13], [sflag:$0x3], $0x4000, $0x38;
	[tilespmem:$0x8100] =	vst v63  }
0x66: {  	_ =	swait.ge [sflag:s11], $0x4000  }
0x67: {  	[sflag:s11] =	ssyncset.done $0x0  }
0x68: {  	s19 =	simm.s32 @!p0 $0x3;
	s18 =	simm.s32 @!p0 $0x0;
	[sflag:s11] =	ssyncadd.s32 $0xFFFFC000  }
0x69: {  	[tilespmem:s18], [sflag:$0x3] =	stream.linear.gather @!p0 [hbm4b:s5+s18], $0x80, $0x38;
	[tilespmem:$0x8100] =	vst v63  }
0x6a: {  	_ =	swait.ge @!p0 [sflag:s19], $0x80  }
0x6b: {  	[sflag:s19] =	ssyncset.done @!p0 $0x0  }
0x6c: {  	s21 =	simm.s32 @!p0 $0x100;
	s20 =	simm.s32 @!p0 $0x80;
	[sflag:s19] =	ssyncadd.s32 @!p0 $0xFFFFFF80  }
0x6d: {  	[tilespmem:s21], [sflag:$0x1] =	stream.indirect.gather @!p0 [hbm4b:s1+s20], $0x80, s18, s20, $0xb8;
	[tilespmem:$0x8100] =	vst v63  }
0x6e: {  	s20 =	simm.s32 @!p0 $0x1  }
0x6f: {  	s17 =	sadd.s32 $0x1, s17;
	_ =	swait.ge @!p0 [sflag:s20], $0x4000  }
0x70: {  	p1 =	sne.s32 s17, s7;
	[sflag:s20] =	ssyncset.done @!p0 $0x0  }
.Ltmp1:
0x71: {  	[sflag:s20] =	ssyncadd.s32 @!p0 $0xFFFFC000;
	(pc) =	sbr.rel @p1 .LBB2_1-.Ltmp1, $4  }
0x72: {  	[hbm4b:s6+s18] =	stream.linear.scatter @!p0 [tilespmem:s21], [sflag:$0x3], $0x4000, $0x38;
	[tilespmem:$0x8100] =	vst v63  }
0x73: {  	_ =	swait.ge @!p0 [sflag:s19], $0x4000  }
0x74: {  	[sflag:s19] =	ssyncset.done @!p0 $0x0  }
0x75: {  	[sflag:s19] =	ssyncadd.s32 @!p0 $0xFFFFC000  }
0x76: {  	_ =	sfence.sel $0x180000  }
0x77: {  	[bflag:$0x0] =	sbarrier.arrive $0xFFFF  }
0x78: {  	_ =	strace $0x90000047  }
0x79: {  	s0 =	sadd.s32 @!p0 $0x100000, s0;
	[bflag:$0x2] =	sbarrier.arrive $0xFFFF  }
0x7a: {  	[sflag:s0] =	ssyncadd.tile.s32 @!p0 $0x1;
	_ =	shalt  }
.Lfunc_end2:
_tile_overlayer_lowered:
.L_overlay_start_2:
0x7b: {  	(tag) =	ssettag $0x2  }
0x7c: {  	s0 =	rddreg [dreg:$0x0];
	s2 =	stileid.u32  }
0x7d: {  	s1 =	rddreg [dreg:$0x1];
	p0 =	sne.s32 s2, $0x0  }
0x7e: {  	s3 =	rddreg [dreg:$0x2];
	[bflag:$0x3] =	sbarrier.arrive $0xFFFF;
	s2 =	simm.s32 @!p0 $0x1C03  }
0x7f: {  	[timem:s3], [sflag:s2] =	dma.local @!p0 [hbm:s0], s1  }
0x80: {  	s0 =	simm.s32 @!p0 $0x3  }
0x81: {  	_ =	swait.ge @!p0 [sflag:s0], s1  }
0x82: {  	s1 =	ssub.s32 @!p0 $0x0, s1;
	[sflag:s0] =	ssyncset.done @!p0 $0x0  }
0x83: {  	[sflag:s0] =	ssyncadd.s32 @!p0 s1  }
0x84: {  	[bflag:$0x3] =	sbarrier.arrive $0xFFFF  }
0x85: {  	_ =	shalt  }

// kernel: kernel.13.cloned.1.call-start
scs
__scs_entry_jumppad:
0x0: {  	(pc) =	sbr.rel $0x88, $3  }
0x1: {  	(tag) =	ssettag $0x0;
	lr =	simm.s32 $0x1  }
0x2: {  	[smem:$0x3F87] =	sst lr;
	_ =	strace $0xD0000000  }
0x3: {  	_ = 	snop  }
0x4: {  	_ = 	snop  }
0x5: {  	_ = 	snop  }
0x6: {  	_ = 	snop  }
0x7: {  	_ = 	snop  }
__scs_overlays_trampoline_lowered:
0x8: {  	[smem:$0x3F96] =	sst s0  }
0x9: {  	[smem:$0x3F97] =	sst s1  }
0xa: {  	[smem:$0x3F98] =	sst s2  }
0xb: {  	[smem:$0x3F99] =	sst s3  }
0xc: {  	[smem:$0x3F9A] =	sst s4  }
0xd: {  	[smem:$0x3F9B] =	sst s5  }
0xe: {  	[smem:$0x3F9C] =	sst s6  }
0xf: {  	[smem:$0x3F9D] =	sst s7  }
0x10: {  	[smem:$0x3F9E] =	sst s8  }
0x11: {  	[smem:$0x3F9F] =	sst s9;
	s0 =	simm.s32 @!p0 $0x0  }
0x12: {  	s1 =	sld [smem:$0x3F85];
	s0 =	simm.s32 @p0 $0x1  }
0x13: {  	[smem:$0x3FA0] =	sst s0;
	s0 =	simm.s32 @!p1 $0x0  }
0x14: {  	s2 =	sld [smem:$0x3F84];
	s0 =	simm.s32 @p1 $0x1  }
0x15: {  	[smem:$0x3FA1] =	sst s0;
	s0 =	simm.s32 @!p2 $0x0  }
0x16: {  	s3 =	sld [smem:$0x3FDB];
	s0 =	simm.s32 @p2 $0x1  }
0x17: {  	s4 =	simm.s32 $0x1BF5;
	[smem:$0x3FA3] =	sst s0  }
0x18: {  	s0 =	sld [smem:$0x3F86];
	_ =	swait.ge [sflag:s4], $0x0  }
0x19: {  	s7 =	sld [smem:$0x3F87]  }
0x1a: {  	s8 =	sadd.s32 $0xFFFFE003, lr  }
0x1b: {  	s9 =	sadd.s32 $0xFFFFFEF7, lr;
	s5 =	simm.s32 $0xFFFFFFFF;
	p2 =	slt.u32 s8, $0xFFFFF086  }
0x1c: {  	p1 =	slt.u32 s9, $0xF7A;
	s5 =	simm.s32 @!p2 $0x0  }
0x1d: {  	s5 =	simm.s32 @p1 $0x1;
	p0 =	seq.s32 s7, s2  }
0x1e: {  	s7 =	smul.u32 @!p0 $0xF7A, s2;
	p2 =	seq.s32 @!p0 s5, $0x0  }
0x1f: {  	s9 =	smul.u32 $0xF7A, s1;
	s8 =	simm.s32 @!p0 $0x1BF5;
	p2 =	por !p2, p0  }
0x20: {  	[sflag:s8] =	ssyncset.s32 @!p0 $0xFFFFF086;
	s6 =	sadd.s32 @!p0 s3, s7;
	s7 =	simm.s32 @!p0 $0x108  }
0x21: {  	s3 =	sadd.s32 s3, s9;
	s6 =	sadd.s32 @!p0 $0x88, s6;
	s7 =	simm.s32 @p2 $0x1082  }
0x22: {  	[simem:s7], [sflag:s8] =	dma.local @!p0 [hbm:s6], $0xF7A  }
0x23: {  	s9 =	sor.u32 $0xD0000000, s2;
	s6 =	simm.s32 $0x108;
	_ =	swait.ge @!p0 [sflag:s8], $0x0  }
0x24: {  	s3 =	sadd.s32 $0x88, s3;
	s6 =	simm.s32 @!p1 $0x1082;
	[sflag:s4] =	ssyncset.s32 $0xFFFFF086  }
0x25: {  	[simem:s6], [sflag:s4] =	dma.local [hbm:s3], $0xF7A  }
0x26: {  	[smem:$0x3F87] =	sst s1;
	(tag) =	ssettag s2;
	_ =	strace s9  }
0x27: {  	s1 =	sld [smem:$0x3F97]  }
0x28: {  	s2 =	sld [smem:$0x3F98]  }
0x29: {  	s4 =	sld [smem:$0x3F9A]  }
0x2a: {  	p0 =	seq.s32 s5, $0x0;
	s5 =	sld [smem:$0x3F9B]  }
0x2b: {  	s6 =	sld [smem:$0x3F9C]  }
0x2c: {  	s7 =	sld [smem:$0x3F9D]  }
0x2d: {  	s3 =	simm.s32 $0x108;
	s8 =	sld [smem:$0x3F9E]  }
0x2e: {  	s3 =	simm.s32 @!p0 $0x1082;
	s9 =	sld [smem:$0x3F9F]  }
0x2f: {  	lr =	sadd.s32 s0, s3;
	s0 =	sld [smem:$0x3F96]  }
0x30: {  	s3 =	sld [smem:$0x3F99]  }
0x31: {  	[smem:$0x3FA2] =	sst s10  }
0x32: {  	s10 =	sld [smem:$0x3FA0];
	_ =	sdelay $0x3  }
0x33: {  	p0 =	seq.s32 s10, $0x1;
	s10 =	sld [smem:$0x3FA2];
	_ =	sdelay $0x3  }
0x34: {  	[smem:$0x3FA2] =	sst s10  }
0x35: {  	s10 =	sld [smem:$0x3FA1];
	_ =	sdelay $0x3  }
0x36: {  	p1 =	seq.s32 s10, $0x1;
	s10 =	sld [smem:$0x3FA2];
	_ =	sdelay $0x3  }
0x37: {  	[smem:$0x3FA2] =	sst s10  }
0x38: {  	s10 =	sld [smem:$0x3FA3]  }
0x39: {  	_ = 	snop;
	(pc) =	sbr.ind lr, $3  }
0x3a: {  	_ = 	snop  }
0x3b: {  	_ = 	snop  }
0x3c: {  	p2 =	seq.s32 s10, $0x1;
	s10 =	sld [smem:$0x3FA2]  }
0x3d: {  	_ =	shalt  }
0x3e: {  	_ =	shalt  }
0x3f: {  	_ =	shalt  }
0x40: {  	_ =	shalt  }
0x41: {  	_ =	shalt  }
0x42: {  	_ =	shalt  }
0x43: {  	_ =	shalt  }
0x44: {  	_ =	shalt  }
0x45: {  	_ =	shalt  }
0x46: {  	_ =	shalt  }
0x47: {  	_ =	shalt  }
0x48: {  	_ =	shalt  }
0x49: {  	_ =	shalt  }
0x4a: {  	_ =	shalt  }
0x4b: {  	_ =	shalt  }
0x4c: {  	_ =	shalt  }
0x4d: {  	_ =	shalt  }
0x4e: {  	_ =	shalt  }
0x4f: {  	_ =	shalt  }
0x50: {  	_ =	shalt  }
0x51: {  	_ =	shalt  }
0x52: {  	_ =	shalt  }
0x53: {  	_ =	shalt  }
0x54: {  	_ =	shalt  }
0x55: {  	_ =	shalt  }
0x56: {  	_ =	shalt  }
0x57: {  	_ =	shalt  }
0x58: {  	_ =	shalt  }
0x59: {  	_ =	shalt  }
0x5a: {  	_ =	shalt  }
0x5b: {  	_ =	shalt  }
0x5c: {  	_ =	shalt  }
0x5d: {  	_ =	shalt  }
0x5e: {  	_ =	shalt  }
0x5f: {  	_ =	shalt  }
0x60: {  	_ =	shalt  }
0x61: {  	_ =	shalt  }
0x62: {  	_ =	shalt  }
0x63: {  	_ =	shalt  }
0x64: {  	_ =	shalt  }
0x65: {  	_ =	shalt  }
0x66: {  	_ =	shalt  }
0x67: {  	_ =	shalt  }
0x68: {  	_ =	shalt  }
0x69: {  	_ =	shalt  }
0x6a: {  	_ =	shalt  }
0x6b: {  	_ =	shalt  }
0x6c: {  	_ =	shalt  }
0x6d: {  	_ =	shalt  }
0x6e: {  	_ =	shalt  }
0x6f: {  	_ =	shalt  }
0x70: {  	_ =	shalt  }
0x71: {  	_ =	shalt  }
0x72: {  	_ =	shalt  }
0x73: {  	_ =	shalt  }
0x74: {  	_ =	shalt  }
0x75: {  	_ =	shalt  }
0x76: {  	_ =	shalt  }
0x77: {  	_ =	shalt  }
0x78: {  	_ =	shalt  }
0x79: {  	_ =	shalt  }
0x7a: {  	_ =	shalt  }
0x7b: {  	_ =	shalt  }
0x7c: {  	_ =	shalt  }
0x7d: {  	_ =	shalt  }
0x7e: {  	_ =	shalt  }
0x7f: {  	_ =	shalt  }
0x80: {  	_ =	shalt  }
0x81: {  	_ =	shalt  }
0x82: {  	_ =	shalt  }
0x83: {  	_ =	shalt  }
0x84: {  	_ =	shalt  }
0x85: {  	_ =	shalt  }
0x86: {  	_ =	shalt  }
0x87: {  	_ =	shalt  }
.Lfunc_end0:
.L_simem_size_0:
called_computation.1_lowered:
.L_overlay_start_0:
0x88: {  	s2 =	sld [smem:$0x3FD9]  }
0x89: {  	s3 =	sld [smem:$0x3FFE];
	_ =	sdelay $0x1  }
0x8a: {  	s1 =	srdreg.scid  }
0x8b: {  	s0 =	sand.u32 $0x1, s1  }
0x8c: {  	s16 =	sshll.u32 s0, $0xA;
	s2 =	sadd.s32 s3, s2  }
0x8d: {  	s2 =	sadd.s32 s2, s16  }
0x8e: {  	[smem:$0x3FAE] =	sst s2  }
0x8f: {  	_ = 	snop  }
0x90: {  	(tm) =	ssettm $0x1  }
0x91: {  	s17 =	sld [smem:$0x3FFB];
	_ =	sdelay $0x3  }
0x92: {  	_ =	strace s17  }
0x93: {  	s2 =	sld [smem:$0x3FFC];
	_ =	sdelay $0x3  }
0x94: {  	_ =	strace s2  }
0x95: {  	s2 =	sld [smem:$0x3FFD];
	_ =	sdelay $0x3  }
0x96: {  	_ =	strace s2  }
0x97: {  	_ =	strace $0x8FFFFFFF  }
0x98: {  	s18 =	sld [smem:$0x3FDB];
	_ =	sdelay $0x1  }
0x99: {  	s19 =	simm.s32 $_scs_section_size  }
0x9a: {  	s4 =	simm.s32 $_size__tile_overlayer_lowered;
	s5 =	simm.s32 $_tile_overlayer_lowered  }
0x9b: {  	s22 =	simm.s32 $0x1BFF;
	s21 =	sshll.u32 s5, $0x1;
	s2 =	sadd.s32 s19, s18  }
0x9c: {  	s6 =	simm.s32 $0x0;
	s20 =	sshll.u32 s4, $0x1;
	s4 =	sadd.s32 s21, s2  }
0x9d: {  	[timem:s6], [sflag:s22] =	dma.local [hbm:s4], s20  }
0x9e: {  	_ =	swait.ge [sflag:s22], s20  }
0x9f: {  	s3 =	ssub.s32 $0x0, s20;
	[sflag:s22] =	ssyncset.done $0x0  }
0xa0: {  	[sflag:s22] =	ssyncadd.s32 s3;
	_ =	sdelay $0x1  }
0xa1: {  	s23 =	simm.s32 $0x1B8B  }
0xa2: {  	_ =	swait.ge [sflag:s23], $0x1  }
0xa3: {  	[sflag:s23] =	ssyncset.done $0x0  }
0xa4: {  	s25 =	simm.s32 $0x1B8E;
	s24 =	sld [smem:$0x3FFE];
	[sflag:s23] =	ssyncadd.s32 $0xFFFFFFFF  }
0xa5: {  	s26 =	simm.s32 $execute0_lowered;
	[smem:$0x3FD2] =	sst s25  }
0xa6: {  	s4 =	sshll.u32 s26, $0x1;
	_ =	strace $0x80000049;
	[dreg:$0x1] =	wrdreg $0xFFFFFFFF  }
0xa7: {  	s28 =	simm.s32 $_size_execute0_lowered;
	s2 =	sadd.s32 s2, s4;
	[dreg:$0x0] =	wrdreg $0x0  }
0xa8: {  	s4 =	sshll.u32 s28, $0x1;
	[dreg:$0x2] =	wrdreg s2  }
0xa9: {  	[dreg:$0x3] =	wrdreg s4  }
0xaa: {  	[dreg:$0x4] =	wrdreg $0xC0  }
0xab: {  	_ =	task [dreg:s6], $0x5FFFF  }
0xac: {  	[dreg:$0x1] =	wrdreg $0xFFFFFFFF  }
0xad: {  	[dreg:$0x0] =	wrdreg $0x60  }
0xae: {  	[dreg:$0x2] =	wrdreg s24  }
0xaf: {  	[dreg:$0x3] =	wrdreg $0x125000  }
0xb0: {  	[dreg:$0x4] =	wrdreg $0x9  }
0xb1: {  	_ =	task.clear_ibuf [dreg:s6], $0x5FFFF;
	_ =	strace $0x90000049  }
0xb2: {  	s29 =	simm.s32 $0x9;
	_ =	strace $0x8000004B  }
0xb3: {  	_ =	swait.ge [sflag:s29], $0x1  }
0xb4: {  	[sflag:s29] =	ssyncadd.s32 $0xFFFFFFFF  }
0xb5: {  	_ =	strace $0x9000004B  }
0xb6: {  	_ =	sfence  }
0xb7: {  	s30 =	sld [smem:$0x0];
	_ =	sdelay $0x2  }
0xb8: {  	s31 =	sshll.u32 s1, $0xD;
	s1 =	sshrl.u32 s1, $0x2  }
0xb9: {  	s3 =	sand.u32 $0x4000, s31;
	s1 =	sadd.s32 s1, s30  }
0xba: {  	s0 =	sor.u32 s3, s0;
	s1 =	sshll.u32 s1, $0x11  }
0xbb: {  	s0 =	sor.u32 s1, s0  }
0xbc: {  	s0 =	sadd.s32 $0x8F2B, s0  }
0xbd: {  	[sflag:s0] =	ssyncadd.remote.s32 $0x1  }
0xbe: {  	_ =	sfence.sel $0xFFFF  }
0xbf: {  	[dreg:$0x0] =	wrdreg $0xFFFFFFFF;
	(pc) =	sbr.abs _section_cstart, $3  }
0xc0: {  	[dreg:$0x1] =	wrdreg $0xFFFFFFFF  }
0xc1: {  	_ =	task.clear_ibuf [dreg:s6], $0x2FFFF;
	_ =	strace $0x9FFFFFFF  }
0xc2: {  	(tm) =	ssettm $0x7FFFFFFF  }
0xc3: {  	_ =	shalt  }
tec
execute0_lowered:
.L_overlay_start_1:
0x0: {  	(tag) =	ssettag $0x1  }
0x1: {  	s4 =	rddreg [dreg:$0x0]  }
0x2: {  	s2 =	rddreg [dreg:$0x1]  }
0x3: {  	s0 =	rddreg [dreg:$0x2];
	s3 =	simm.s32 $0x0;
	s5 =	srdreg.scid  }
0x4: {  	s1 =	stileid.u32;
	s14 =	simm.s32 $0x100;
	s15 =	simm.s32 $0x80  }
0x5: {  	s16 =	simm.s32 $0x4100;
	s17 =	simm.s32 $0x1;
	s19 =	simm.s32 $0x0  }
0x6: {  	[smem:$0x7FF] =	sst s3;
	s5 =	sand.u32 $0x1, s5;
	s6 =	smul.u32 $0x1480, s1  }
0x7: {  	s8 =	sadd.s32 $0xA200, s4;
	s9 =	sadd.s32 $0x4F1200, s4;
	s11 =	smul.u32 $0x29000, s1  }
0x8: {  	s28 =	sshll.u32 s1, $0x4;
	s29 =	sshll.u32 s1, $0x7;
	s30 =	sshll.u32 s1, $0xB  }
0x9: {  	p0 =	sgt.u32 s1, $0x1;
	_ =	strace $0x8000004A;
	s7 =	smul.u32 $0x14800, s5  }
0xa: {  	s10 =	ssub.s32 $0x2, s5;
	s18 =	smul.u32 $0x1400, s5;
	s5 =	sadd.s32 s8, s28  }
0xb: {  	s25 =	sshrl.u32 s10, $0x1;
	s26 =	sshrl.u32 s11, $0x2;
	s11 =	sadd.s32 $0x100, s5  }
0xc: {  	s6 =	sadd.s32 s6, s7;
	s10 =	ssub.s32 s10, s25;
	v0 =	vmov s18;
	s18 =	simm.s32 $0x2  }
0xd: {  	s12 =	sadd.s32 s6, s4;
	s4 =	sadd.s32 s26, s2;
	s6 =	sor.u32 $0x27000, s29  }
0xe: {  	s10 =	smax.u32 s10, $0x1;
	s31 =	sshrl.u32 s6, $0x3;
	s13 =	sshll.u32 s6, $0x4  }
0xf: {  	s6 =	sadd.s32 s9, s30;
	s7 =	sadd.s32 s8, s31;
	s8 =	sadd.s32 s9, s13  }
0x10: {  	v1 =	vimm.f32 $0.0e+00;
	s9 =	sadd.s32 $0xF200, s12;
	s12 =	simm.s32 $0x8100;
	s13 =	simm.s32 $0x3  }
.LBB2_1:
0x11: {  	s20 =	simm.s32 $0x0;
	s21 =	simm.s32 $0x200  }
.LBB2_2:
0x12: {  	p1 =	sne.s32 s21, $0x28E00;
	[tilespmem:s20+$0x8170] =	vst v1  }
0x13: {  	[tilespmem:s20+$0x8100] =	vst v1  }
0x14: {  	[tilespmem:s20+$0x8110] =	vst v1  }
.Ltmp0:
0x15: {  	[tilespmem:s20+$0x8120] =	vst v1;
	(pc) =	sbr.rel @p1 .LBB2_2-.Ltmp0, $4  }
0x16: {  	[tilespmem:s20+$0x8130] =	vst v1  }
0x17: {  	[tilespmem:s20+$0x8140] =	vst v1  }
0x18: {  	[tilespmem:s20+$0x8150] =	vst v1  }
0x19: {  	[tilespmem:s20+$0x8160] =	vst v1;
	s20 =	sshra.s32 s21, $0x2;
	s21 =	sadd.s32 $0x200, s21  }
0x1a: {  	[tilespmem:s20+$0x8170] =	vst v1  }
0x1b: {  	[tilespmem:s20+$0x8100] =	vst v1  }
0x1c: {  	[tilespmem:s20+$0x8110] =	vst v1  }
0x1d: {  	[tilespmem:s20+$0x8120] =	vst v1  }
0x1e: {  	[tilespmem:s20+$0x8130] =	vst v1  }
0x1f: {  	[tilespmem:s20+$0x8140] =	vst v1  }
0x20: {  	[tilespmem:s20+$0x8150] =	vst v1  }
0x21: {  	[tilespmem:s20+$0x8160] =	vst v1  }
0x22: {  	[spmem:s4] =	stream.linear.scatter [tilespmem:s12], [sflag:$0x3], $0xA400, $0x38;
	[tilespmem:$0x1C900] =	vst v63  }
0x23: {  	_ =	swait.ge [sflag:s13], $0xA400  }
0x24: {  	[sflag:s13] =	ssyncset.done $0x0  }
0x25: {  	[sflag:s13] =	ssyncadd.s32 $0xFFFF5C00  }
0x26: {  	s20 =	simm.s32 $0x0;
	[bflag:$0x0] =	sbarrier.arrive $0xFFFF  }
0x27: {  	[tilespmem:s20], [sflag:$0x3] =	stream.linear.gather [hbm4b:s5+s20], $0x80, $0x38;
	[tilespmem:$0x1C900] =	vst v63  }
0x28: {  	_ =	swait.ge [sflag:s13], $0x80  }
0x29: {  	[sflag:s13] =	ssyncset.done $0x0  }
0x2a: {  	[sflag:s13] =	ssyncadd.s32 $0xFFFFFF80  }
0x2b: {  	[tilespmem:s14], [sflag:$0x1] =	stream.linear.gather [hbm4b:s6+s20], $0x4000, $0x38;
	[tilespmem:$0x1C900] =	vst v63  }
0x2c: {  	v2 =	vld [tilespmem:$0x0]  }
0x2d: {  	v3 =	vld [tilespmem:$0x10]  }
0x2e: {  	v4 =	vld [tilespmem:$0x20]  }
0x2f: {  	v5 =	vld [tilespmem:$0x30]  }
0x30: {  	v6 =	vld [tilespmem:$0x40]  }
0x31: {  	v7 =	vld [tilespmem:$0x50];
	v2 =	vsub.s32 v2, v0  }
0x32: {  	v8 =	vld [tilespmem:$0x60];
	v3 =	vsub.s32 v3, v0;
	v2 =	vmin.u32 v2, $0x1400  }
0x33: {  	[tilespmem:$0x0] =	vst v2;
	v2 =	vmin.u32 v3, $0x1400;
	v3 =	vsub.s32 v4, v0;
	v4 =	vld [tilespmem:$0x70]  }
0x34: {  	[tilespmem:$0x10] =	vst v2;
	v2 =	vmin.u32 v3, $0x1400;
	v3 =	vsub.s32 v5, v0  }
0x35: {  	[tilespmem:$0x20] =	vst v2;
	v2 =	vmin.u32 v3, $0x1400;
	v3 =	vsub.s32 v6, v0  }
0x36: {  	[tilespmem:$0x30] =	vst v2;
	v2 =	vmin.u32 v3, $0x1400;
	v3 =	vsub.s32 v7, v0  }
0x37: {  	[tilespmem:$0x40] =	vst v2;
	v2 =	vmin.u32 v3, $0x1400;
	v3 =	vsub.s32 v8, v0  }
0x38: {  	[tilespmem:$0x50] =	vst v2;
	v2 =	vmin.u32 v3, $0x1400;
	v3 =	vsub.s32 v4, v0  }
0x39: {  	[tilespmem:$0x60] =	vst v2;
	v2 =	vmin.u32 v3, $0x1400  }
0x3a: {  	[tilespmem:$0x70] =	vst v2  }
0x3b: {  	[tilespmem:s15], [sflag:$0x3] =	stream.linear.gather [hbm4b:s11+s3], $0x80, $0x38;
	[tilespmem:$0x1C900] =	vst v63  }
0x3c: {  	_ =	swait.ge [sflag:s13], $0x80  }
0x3d: {  	s21 =	sadd.s32 $0x0, s6;
	[sflag:s13] =	ssyncset.done $0x0  }
0x3e: {  	s21 =	sadd.s32 $0x8000, s21;
	[sflag:s13] =	ssyncadd.s32 $0xFFFFFF80  }
0x3f: {  	[tilespmem:s16], [sflag:$0x2] =	stream.linear.gather [hbm4b:s21+s3], $0x4000, $0x38;
	[tilespmem:$0x1C900] =	vst v63  }
0x40: {  	v4 =	vld [tilespmem:$0x90]  }
0x41: {  	v3 =	vld [tilespmem:$0xA0]  }
0x42: {  	s22 =	simm.s32 $0x10000;
	s23 =	smov.u32 s11;
	s21 =	smov.u32 s11;
	v2 =	vld [tilespmem:$0xB0]  }
.LBB2_4:
0x43: {  	v5 =	vld [tilespmem:$0xC0];
	s23 =	sadd.s32 $0x200, s23;
	s24 =	smov.u32 s22;
	s22 =	sadd.s32 $0x10000, s22  }
0x44: {  	p1 =	sne.s32 s22, $0x270000;
	v6 =	vld [tilespmem:$0xD0]  }
0x45: {  	v4 =	vsub.s32 v4, v0;
	v7 =	vld [tilespmem:$0xE0]  }
0x46: {  	v4 =	vmin.u32 v4, $0x1400;
	v3 =	vsub.s32 v3, v0;
	v8 =	vld [tilespmem:$0xF0]  }
0x47: {  	v9 =	vld [tilespmem:$0x80];
	[tilespmem:$0x90] =	vst v4;
	v3 =	vmin.u32 v3, $0x1400;
	v2 =	vsub.s32 v2, v0  }
0x48: {  	[tilespmem:$0xA0] =	vst v3;
	v2 =	vmin.u32 v2, $0x1400;
	v3 =	vsub.s32 v5, v0  }
0x49: {  	[tilespmem:$0xB0] =	vst v2;
	v2 =	vmin.u32 v3, $0x1400;
	v3 =	vsub.s32 v6, v0  }
0x4a: {  	[tilespmem:$0xC0] =	vst v2;
	v2 =	vmin.u32 v3, $0x1400;
	v3 =	vsub.s32 v7, v0  }
0x4b: {  	[tilespmem:$0xD0] =	vst v2;
	v2 =	vmin.u32 v3, $0x1400;
	v3 =	vsub.s32 v8, v0  }
0x4c: {  	v4 =	vsub.s32 v9, v0;
	[tilespmem:$0xE0] =	vst v2;
	v2 =	vmin.u32 v3, $0x1400  }
0x4d: {  	v3 =	vmin.u32 v4, $0x1400;
	[tilespmem:$0xF0] =	vst v2  }
0x4e: {  	[tilespmem:$0x80] =	vst v3  }
0x4f: {  	_ =	swait.ge [sflag:s17], $0x4000  }
0x50: {  	[sflag:s17] =	ssyncset.done $0x0  }
0x51: {  	[sflag:s17] =	ssyncadd.s32 $0xFFFFC000  }
0x52: {  	[spmem:s2] =	stream.indirect.scatter.add.f32 [tilespmem:s14], [sflag:$0x3], $0x80, s3, s15, $0xb8;
	[tilespmem:$0x1C900] =	vst v63  }
0x53: {  	_ =	swait.ge [sflag:s13], $0x4000  }
0x54: {  	p2 =	seq.s32 s20, $0x260000;
	[sflag:s13] =	ssyncset.done $0x0  }
0x55: {  	s21 =	sadd.s32 @!p2 $0x100, s21;
	s25 =	simm.s32 @!p2 $0x0;
	[sflag:s13] =	ssyncadd.s32 $0xFFFFC000  }
0x56: {  	[tilespmem:s25], [sflag:$0x3] =	stream.linear.gather @!p2 [hbm4b:s21+s25], $0x80, $0x38;
	[tilespmem:$0x1C900] =	vst v63  }
0x57: {  	s26 =	simm.s32 @!p2 $0x3;
	s21 =	sadd.s32 @!p2 s20, s6;
	s20 =	smov.u32 s24  }
0x58: {  	s24 =	sadd.s32 @!p2 $0x10000, s21;
	s21 =	smov.u32 s23;
	_ =	swait.ge @!p2 [sflag:s26], $0x80  }
0x59: {  	[sflag:s26] =	ssyncset.done @!p2 $0x0  }
0x5a: {  	[sflag:s26] =	ssyncadd.s32 @!p2 $0xFFFFFF80;
	s26 =	simm.s32 @!p2 $0x100  }
0x5b: {  	[tilespmem:s26], [sflag:$0x1] =	stream.linear.gather @!p2 [hbm4b:s24+s25], $0x4000, $0x38;
	[tilespmem:$0x1C900] =	vst v63  }
0x5c: {  	v2 =	vld @!p2 [tilespmem:$0x70]  }
0x5d: {  	v3 =	vld @!p2 [tilespmem:$0x10]  }
0x5e: {  	v4 =	vld @!p2 [tilespmem:$0x50]  }
0x5f: {  	v5 =	vld @!p2 [tilespmem:$0x30]  }
0x60: {  	v6 =	vld @!p2 [tilespmem:$0x20]  }
0x61: {  	v7 =	vld @!p2 [tilespmem:$0x60];
	v2 =	vsub.s32 @!p2 v2, v0  }
0x62: {  	v3 =	vsub.s32 @!p2 v3, v0;
	v8 =	vld @!p2 [tilespmem:$0x40];
	v2 =	vmin.u32 @!p2 v2, $0x1400  }
0x63: {  	v9 =	vld @!p2 [tilespmem:$0x0];
	v3 =	vmin.u32 @!p2 v3, $0x1400;
	v4 =	vsub.s32 @!p2 v4, v0;
	[tilespmem:$0x70] =	vst @!p2 v2  }
0x64: {  	[tilespmem:$0x10] =	vst @!p2 v3;
	v2 =	vsub.s32 @!p2 v5, v0;
	v3 =	vmin.u32 @!p2 v4, $0x1400  }
0x65: {  	v4 =	vsub.s32 @!p2 v6, v0;
	v2 =	vmin.u32 @!p2 v2, $0x1400;
	[tilespmem:$0x50] =	vst @!p2 v3  }
0x66: {  	v3 =	vmin.u32 @!p2 v4, $0x1400;
	[tilespmem:$0x30] =	vst @!p2 v2;
	v2 =	vsub.s32 @!p2 v7, v0  }
0x67: {  	[tilespmem:$0x20] =	vst @!p2 v3;
	v3 =	vsub.s32 @!p2 v8, v0;
	v2 =	vmin.u32 @!p2 v2, $0x1400  }
0x68: {  	v4 =	vsub.s32 @!p2 v9, v0;
	v3 =	vmin.u32 @!p2 v3, $0x1400;
	[tilespmem:$0x60] =	vst @!p2 v2  }
0x69: {  	v2 =	vmin.u32 @!p2 v4, $0x1400;
	[tilespmem:$0x40] =	vst @!p2 v3  }
0x6a: {  	[tilespmem:$0x0] =	vst @!p2 v2  }
0x6b: {  	_ =	swait.ge [sflag:s18], $0x4000  }
0x6c: {  	[sflag:s18] =	ssyncset.done $0x0  }
0x6d: {  	[sflag:s18] =	ssyncadd.s32 $0xFFFFC000  }
0x6e: {  	[spmem:s2] =	stream.indirect.scatter.add.f32 [tilespmem:s16], [sflag:$0x3], $0x80, s15, s15, $0xb8;
	[tilespmem:$0x1C900] =	vst v63  }
0x6f: {  	_ =	swait.ge [sflag:s13], $0x4000  }
0x70: {  	[sflag:s13] =	ssyncset.done $0x0  }
0x71: {  	[sflag:s13] =	ssyncadd.s32 $0xFFFFC000  }
0x72: {  	[tilespmem:s15], [sflag:$0x3] =	stream.linear.gather [hbm4b:s23+s3], $0x80, $0x38;
	[tilespmem:$0x1C900] =	vst v63  }
0x73: {  	s24 =	sadd.s32 s20, s6;
	_ =	swait.ge [sflag:s13], $0x80  }
0x74: {  	s24 =	sadd.s32 $0x8000, s24;
	[sflag:s13] =	ssyncset.done $0x0  }
.Ltmp1:
0x75: {  	[sflag:s13] =	ssyncadd.s32 $0xFFFFFF80;
	(pc) =	sbr.rel @p1 .LBB2_4-.Ltmp1, $4  }
0x76: {  	[tilespmem:s16], [sflag:$0x2] =	stream.linear.gather [hbm4b:s24+s3], $0x4000, $0x38;
	[tilespmem:$0x1C900] =	vst v63  }
0x77: {  	v4 =	vld [tilespmem:$0x90]  }
0x78: {  	v3 =	vld [tilespmem:$0xA0]  }
0x79: {  	v2 =	vld [tilespmem:$0xB0]  }
0x7a: {  	v5 =	vld [tilespmem:$0xC0]  }
0x7b: {  	v6 =	vld [tilespmem:$0xD0]  }
0x7c: {  	v7 =	vld [tilespmem:$0xE0];
	v4 =	vsub.s32 v4, v0  }
0x7d: {  	v8 =	vld [tilespmem:$0xF0];
	v4 =	vmin.u32 v4, $0x1400;
	v3 =	vsub.s32 v3, v0  }
0x7e: {  	v9 =	vld [tilespmem:$0x80];
	[tilespmem:$0x90] =	vst v4;
	v3 =	vmin.u32 v3, $0x1400;
	v2 =	vsub.s32 v2, v0  }
0x7f: {  	[tilespmem:$0xA0] =	vst v3;
	v2 =	vmin.u32 v2, $0x1400;
	v3 =	vsub.s32 v5, v0  }
0x80: {  	[tilespmem:$0xB0] =	vst v2;
	v2 =	vmin.u32 v3, $0x1400;
	v3 =	vsub.s32 v6, v0  }
0x81: {  	[tilespmem:$0xC0] =	vst v2;
	v2 =	vmin.u32 v3, $0x1400;
	v3 =	vsub.s32 v7, v0  }
0x82: {  	[tilespmem:$0xD0] =	vst v2;
	v2 =	vmin.u32 v3, $0x1400;
	v3 =	vsub.s32 v8, v0  }
0x83: {  	v63 =	vsub.s32 v9, v0;
	[tilespmem:$0xE0] =	vst v2;
	v2 =	vmin.u32 v3, $0x1400  }
0x84: {  	v3 =	vmin.u32 v63, $0x1400;
	[tilespmem:$0xF0] =	vst v2  }
0x85: {  	[tilespmem:$0x80] =	vst v3  }
0x86: {  	_ =	swait.ge [sflag:s17], $0x4000  }
0x87: {  	[sflag:s17] =	ssyncset.done $0x0  }
0x88: {  	[sflag:s17] =	ssyncadd.s32 $0xFFFFC000  }
0x89: {  	[spmem:s2] =	stream.indirect.scatter.add.f32 [tilespmem:s14], [sflag:$0x3], $0x80, s3, s15, $0xb8;
	[tilespmem:$0x1C900] =	vst v63  }
0x8a: {  	_ =	swait.ge [sflag:s13], $0x4000  }
0x8b: {  	p1 =	seq.s32 s20, $0x260000;
	[sflag:s13] =	ssyncset.done $0x0  }
0x8c: {  	s21 =	sadd.s32 @!p1 $0x100, s21;
	s22 =	simm.s32 @!p1 $0x0;
	[sflag:s13] =	ssyncadd.s32 $0xFFFFC000  }
0x8d: {  	[tilespmem:s22], [sflag:$0x3] =	stream.linear.gather @!p1 [hbm4b:s21+s22], $0x80, $0x38;
	[tilespmem:$0x1C900] =	vst v63  }
0x8e: {  	s21 =	simm.s32 @!p1 $0x3  }
0x8f: {  	_ =	swait.ge @!p1 [sflag:s21], $0x80  }
0x90: {  	s20 =	sadd.s32 @!p1 s20, s6;
	[sflag:s21] =	ssyncset.done @!p1 $0x0  }
0x91: {  	s20 =	sadd.s32 @!p1 $0x10000, s20;
	[sflag:s21] =	ssyncadd.s32 @!p1 $0xFFFFFF80;
	s21 =	simm.s32 @!p1 $0x100  }
0x92: {  	[tilespmem:s21], [sflag:$0x1] =	stream.linear.gather @!p1 [hbm4b:s20+s22], $0x4000, $0x38;
	[tilespmem:$0x1C900] =	vst v63  }
0x93: {  	v2 =	vld @!p1 [tilespmem:$0x70]  }
0x94: {  	v3 =	vld @!p1 [tilespmem:$0x10]  }
0x95: {  	v4 =	vld @!p1 [tilespmem:$0x50]  }
0x96: {  	v5 =	vld @!p1 [tilespmem:$0x30]  }
0x97: {  	v6 =	vld @!p1 [tilespmem:$0x20]  }
0x98: {  	v7 =	vld @!p1 [tilespmem:$0x60];
	v2 =	vsub.s32 @!p1 v2, v0  }
0x99: {  	v8 =	vld @!p1 [tilespmem:$0x40];
	v3 =	vsub.s32 @!p1 v3, v0;
	v2 =	vmin.u32 @!p1 v2, $0x1400  }
0x9a: {  	v9 =	vld @!p1 [tilespmem:$0x0];
	v4 =	vsub.s32 @!p1 v4, v0;
	v3 =	vmin.u32 @!p1 v3, $0x1400;
	[tilespmem:$0x70] =	vst @!p1 v2  }
0x9b: {  	[tilespmem:$0x10] =	vst @!p1 v3;
	v2 =	vsub.s32 @!p1 v5, v0;
	v3 =	vmin.u32 @!p1 v4, $0x1400  }
0x9c: {  	v4 =	vsub.s32 @!p1 v6, v0;
	v2 =	vmin.u32 @!p1 v2, $0x1400;
	[tilespmem:$0x50] =	vst @!p1 v3  }
0x9d: {  	v3 =	vmin.u32 @!p1 v4, $0x1400;
	[tilespmem:$0x30] =	vst @!p1 v2;
	v2 =	vsub.s32 @!p1 v7, v0  }
0x9e: {  	[tilespmem:$0x20] =	vst @!p1 v3;
	v3 =	vsub.s32 @!p1 v8, v0;
	v2 =	vmin.u32 @!p1 v2, $0x1400  }
0x9f: {  	v4 =	vsub.s32 @!p1 v9, v0;
	v3 =	vmin.u32 @!p1 v3, $0x1400;
	[tilespmem:$0x60] =	vst @!p1 v2  }
0xa0: {  	v2 =	vmin.u32 @!p1 v4, $0x1400;
	[tilespmem:$0x40] =	vst @!p1 v3  }
0xa1: {  	[tilespmem:$0x0] =	vst @!p1 v2  }
0xa2: {  	_ =	swait.ge [sflag:s18], $0x4000  }
0xa3: {  	[sflag:s18] =	ssyncset.done $0x0  }
0xa4: {  	[sflag:s18] =	ssyncadd.s32 $0xFFFFC000  }
0xa5: {  	[spmem:s2] =	stream.indirect.scatter.add.f32 [tilespmem:s16], [sflag:$0x3], $0x80, s15, s15, $0xb8;
	[tilespmem:$0x1C900] =	vst v63  }
0xa6: {  	_ =	swait.ge [sflag:s13], $0x4000  }
0xa7: {  	[sflag:s13] =	ssyncset.done $0x0  }
0xa8: {  	s20 =	simm.s32 @!p0 $0x0;
	s21 =	simm.s32 @!p0 $0x3;
	[sflag:s13] =	ssyncadd.s32 $0xFFFFC000  }
0xa9: {  	[tilespmem:s20], [sflag:$0x3] =	stream.linear.gather @!p0 [hbm4b:s7+s20], $0x80, $0x38;
	[tilespmem:$0x1C900] =	vst v63  }
0xaa: {  	_ =	swait.ge @!p0 [sflag:s21], $0x80  }
0xab: {  	[sflag:s21] =	ssyncset.done @!p0 $0x0  }
0xac: {  	s22 =	simm.s32 @!p0 $0x100;
	[sflag:s21] =	ssyncadd.s32 @!p0 $0xFFFFFF80  }
0xad: {  	[tilespmem:s22], [sflag:$0x1] =	stream.linear.gather @!p0 [hbm4b:s8+s20], $0x4000, $0x38;
	[tilespmem:$0x1C900] =	vst v63  }
0xae: {  	v2 =	vld @!p0 [tilespmem:$0x0]  }
0xaf: {  	v3 =	vld @!p0 [tilespmem:$0x10]  }
0xb0: {  	v4 =	vld @!p0 [tilespmem:$0x20]  }
0xb1: {  	v5 =	vld @!p0 [tilespmem:$0x30]  }
0xb2: {  	v6 =	vld @!p0 [tilespmem:$0x40]  }
0xb3: {  	v7 =	vld @!p0 [tilespmem:$0x50];
	v2 =	vsub.s32 @!p0 v2, v0  }
0xb4: {  	v8 =	vld @!p0 [tilespmem:$0x60];
	v3 =	vsub.s32 @!p0 v3, v0;
	v2 =	vmin.u32 @!p0 v2, $0x1400  }
0xb5: {  	[tilespmem:$0x0] =	vst @!p0 v2;
	v2 =	vmin.u32 @!p0 v3, $0x1400;
	v3 =	vsub.s32 @!p0 v4, v0;
	v4 =	vld @!p0 [tilespmem:$0x70]  }
0xb6: {  	[tilespmem:$0x10] =	vst @!p0 v2;
	v2 =	vmin.u32 @!p0 v3, $0x1400;
	v3 =	vsub.s32 @!p0 v5, v0  }
0xb7: {  	[tilespmem:$0x20] =	vst @!p0 v2;
	v2 =	vmin.u32 @!p0 v3, $0x1400;
	v3 =	vsub.s32 @!p0 v6, v0  }
0xb8: {  	[tilespmem:$0x30] =	vst @!p0 v2;
	v2 =	vmin.u32 @!p0 v3, $0x1400;
	v3 =	vsub.s32 @!p0 v7, v0  }
0xb9: {  	[tilespmem:$0x40] =	vst @!p0 v2;
	v2 =	vmin.u32 @!p0 v3, $0x1400;
	v3 =	vsub.s32 @!p0 v8, v0  }
0xba: {  	[tilespmem:$0x50] =	vst @!p0 v2;
	v2 =	vmin.u32 @!p0 v3, $0x1400;
	v3 =	vsub.s32 @!p0 v4, v0  }
0xbb: {  	[tilespmem:$0x60] =	vst @!p0 v2;
	v2 =	vmin.u32 @!p0 v3, $0x1400  }
0xbc: {  	s23 =	simm.s32 @!p0 $0x1;
	[tilespmem:$0x70] =	vst @!p0 v2  }
0xbd: {  	_ =	swait.ge @!p0 [sflag:s23], $0x4000  }
0xbe: {  	[sflag:s23] =	ssyncset.done @!p0 $0x0  }
0xbf: {  	[sflag:s23] =	ssyncadd.s32 @!p0 $0xFFFFC000;
	s23 =	simm.s32 @!p0 $0x80  }
0xc0: {  	[spmem:s2] =	stream.indirect.scatter.add.f32 @!p0 [tilespmem:s22], [sflag:$0x3], $0x80, s20, s23, $0xb8;
	[tilespmem:$0x1C900] =	vst v63  }
0xc1: {  	_ =	swait.ge @!p0 [sflag:s21], $0x4000  }
0xc2: {  	[sflag:s21] =	ssyncset.done @!p0 $0x0  }
0xc3: {  	[sflag:s21] =	ssyncadd.s32 @!p0 $0xFFFFC000  }
0xc4: {  	[bflag:$0x0] =	sbarrier.arrive $0xFFFF  }
0xc5: {  	[tilespmem:s12], [sflag:$0x3] =	stream.linear.gather [spmem:s4], $0xA400, $0x38;
	[tilespmem:$0x1C900] =	vst v63  }
0xc6: {  	s19 =	sadd.s32 $0x1, s19;
	_ =	swait.ge [sflag:s13], $0xA400  }
0xc7: {  	p1 =	sne.s32 s19, s10;
	[sflag:s13] =	ssyncset.done $0x0  }
.Ltmp2:
0xc8: {  	[sflag:s13] =	ssyncadd.s32 $0xFFFF5C00;
	(pc) =	sbr.rel @p1 .LBB2_1-.Ltmp2, $4  }
0xc9: {  	[hbm4b:s9+s3] =	stream.linear.scatter [tilespmem:s12], [sflag:$0x3], $0xA400, $0x38;
	[tilespmem:$0x1C900] =	vst v63  }
0xca: {  	_ =	swait.ge [sflag:s13], $0xA400  }
0xcb: {  	[sflag:s13] =	ssyncset.done $0x0  }
0xcc: {  	[sflag:s13] =	ssyncadd.s32 $0xFFFF5C00  }
0xcd: {  	_ =	sfence.sel $0x180000  }
0xce: {  	[bflag:$0x0] =	sbarrier.arrive $0xFFFF  }
0xcf: {  	p0 =	sne.s32 s1, $0x0;
	_ =	strace $0x9000004A  }
0xd0: {  	s0 =	sadd.s32 @!p0 $0x100000, s0;
	[bflag:$0x2] =	sbarrier.arrive $0xFFFF  }
0xd1: {  	[sflag:s0] =	ssyncadd.tile.s32 @!p0 $0x1;
	_ =	shalt  }
.Lfunc_end2:
_tile_overlayer_lowered:
.L_overlay_start_2:
0xd2: {  	(tag) =	ssettag $0x2  }
0xd3: {  	s0 =	rddreg [dreg:$0x0];
	s2 =	stileid.u32  }
0xd4: {  	s1 =	rddreg [dreg:$0x1];
	p0 =	sne.s32 s2, $0x0  }
0xd5: {  	s3 =	rddreg [dreg:$0x2];
	[bflag:$0x3] =	sbarrier.arrive $0xFFFF;
	s2 =	simm.s32 @!p0 $0x1C03  }
0xd6: {  	[timem:s3], [sflag:s2] =	dma.local @!p0 [hbm:s0], s1  }
0xd7: {  	s0 =	simm.s32 @!p0 $0x3  }
0xd8: {  	_ =	swait.ge @!p0 [sflag:s0], s1  }
0xd9: {  	s1 =	ssub.s32 @!p0 $0x0, s1;
	[sflag:s0] =	ssyncset.done @!p0 $0x0  }
0xda: {  	[sflag:s0] =	ssyncadd.s32 @!p0 s1  }
0xdb: {  	[bflag:$0x3] =	sbarrier.arrive $0xFFFF  }
0xdc: {  	_ =	shalt  }

// kernel: kernel.16.cloned.1.call-start
scs
__scs_entry_jumppad:
0x0: {  	(pc) =	sbr.rel $0x88, $3  }
0x1: {  	(tag) =	ssettag $0x0;
	lr =	simm.s32 $0x1  }
0x2: {  	[smem:$0x3F87] =	sst lr;
	_ =	strace $0xD0000000  }
0x3: {  	_ = 	snop  }
0x4: {  	_ = 	snop  }
0x5: {  	_ = 	snop  }
0x6: {  	_ = 	snop  }
0x7: {  	_ = 	snop  }
__scs_overlays_trampoline_lowered:
0x8: {  	[smem:$0x3F96] =	sst s0  }
0x9: {  	[smem:$0x3F97] =	sst s1  }
0xa: {  	[smem:$0x3F98] =	sst s2  }
0xb: {  	[smem:$0x3F99] =	sst s3  }
0xc: {  	[smem:$0x3F9A] =	sst s4  }
0xd: {  	[smem:$0x3F9B] =	sst s5  }
0xe: {  	[smem:$0x3F9C] =	sst s6  }
0xf: {  	[smem:$0x3F9D] =	sst s7  }
0x10: {  	[smem:$0x3F9E] =	sst s8  }
0x11: {  	[smem:$0x3F9F] =	sst s9;
	s0 =	simm.s32 @!p0 $0x0  }
0x12: {  	s1 =	sld [smem:$0x3F85];
	s0 =	simm.s32 @p0 $0x1  }
0x13: {  	[smem:$0x3FA0] =	sst s0;
	s0 =	simm.s32 @!p1 $0x0  }
0x14: {  	s2 =	sld [smem:$0x3F84];
	s0 =	simm.s32 @p1 $0x1  }
0x15: {  	[smem:$0x3FA1] =	sst s0;
	s0 =	simm.s32 @!p2 $0x0  }
0x16: {  	s3 =	sld [smem:$0x3FDB];
	s0 =	simm.s32 @p2 $0x1  }
0x17: {  	s4 =	simm.s32 $0x1BF5;
	[smem:$0x3FA3] =	sst s0  }
0x18: {  	s0 =	sld [smem:$0x3F86];
	_ =	swait.ge [sflag:s4], $0x0  }
0x19: {  	s7 =	sld [smem:$0x3F87]  }
0x1a: {  	s8 =	sadd.s32 $0xFFFFE003, lr  }
0x1b: {  	s9 =	sadd.s32 $0xFFFFFEF7, lr;
	s5 =	simm.s32 $0xFFFFFFFF;
	p2 =	slt.u32 s8, $0xFFFFF086  }
0x1c: {  	p1 =	slt.u32 s9, $0xF7A;
	s5 =	simm.s32 @!p2 $0x0  }
0x1d: {  	s5 =	simm.s32 @p1 $0x1;
	p0 =	seq.s32 s7, s2  }
0x1e: {  	s7 =	smul.u32 @!p0 $0xF7A, s2;
	p2 =	seq.s32 @!p0 s5, $0x0  }
0x1f: {  	s9 =	smul.u32 $0xF7A, s1;
	s8 =	simm.s32 @!p0 $0x1BF5;
	p2 =	por !p2, p0  }
0x20: {  	[sflag:s8] =	ssyncset.s32 @!p0 $0xFFFFF086;
	s6 =	sadd.s32 @!p0 s3, s7;
	s7 =	simm.s32 @!p0 $0x108  }
0x21: {  	s3 =	sadd.s32 s3, s9;
	s6 =	sadd.s32 @!p0 $0x88, s6;
	s7 =	simm.s32 @p2 $0x1082  }
0x22: {  	[simem:s7], [sflag:s8] =	dma.local @!p0 [hbm:s6], $0xF7A  }
0x23: {  	s9 =	sor.u32 $0xD0000000, s2;
	s6 =	simm.s32 $0x108;
	_ =	swait.ge @!p0 [sflag:s8], $0x0  }
0x24: {  	s3 =	sadd.s32 $0x88, s3;
	s6 =	simm.s32 @!p1 $0x1082;
	[sflag:s4] =	ssyncset.s32 $0xFFFFF086  }
0x25: {  	[simem:s6], [sflag:s4] =	dma.local [hbm:s3], $0xF7A  }
0x26: {  	[smem:$0x3F87] =	sst s1;
	(tag) =	ssettag s2;
	_ =	strace s9  }
0x27: {  	s1 =	sld [smem:$0x3F97]  }
0x28: {  	s2 =	sld [smem:$0x3F98]  }
0x29: {  	s4 =	sld [smem:$0x3F9A]  }
0x2a: {  	p0 =	seq.s32 s5, $0x0;
	s5 =	sld [smem:$0x3F9B]  }
0x2b: {  	s6 =	sld [smem:$0x3F9C]  }
0x2c: {  	s7 =	sld [smem:$0x3F9D]  }
0x2d: {  	s3 =	simm.s32 $0x108;
	s8 =	sld [smem:$0x3F9E]  }
0x2e: {  	s3 =	simm.s32 @!p0 $0x1082;
	s9 =	sld [smem:$0x3F9F]  }
0x2f: {  	lr =	sadd.s32 s0, s3;
	s0 =	sld [smem:$0x3F96]  }
0x30: {  	s3 =	sld [smem:$0x3F99]  }
0x31: {  	[smem:$0x3FA2] =	sst s10  }
0x32: {  	s10 =	sld [smem:$0x3FA0];
	_ =	sdelay $0x3  }
0x33: {  	p0 =	seq.s32 s10, $0x1;
	s10 =	sld [smem:$0x3FA2];
	_ =	sdelay $0x3  }
0x34: {  	[smem:$0x3FA2] =	sst s10  }
0x35: {  	s10 =	sld [smem:$0x3FA1];
	_ =	sdelay $0x3  }
0x36: {  	p1 =	seq.s32 s10, $0x1;
	s10 =	sld [smem:$0x3FA2];
	_ =	sdelay $0x3  }
0x37: {  	[smem:$0x3FA2] =	sst s10  }
0x38: {  	s10 =	sld [smem:$0x3FA3]  }
0x39: {  	_ = 	snop;
	(pc) =	sbr.ind lr, $3  }
0x3a: {  	_ = 	snop  }
0x3b: {  	_ = 	snop  }
0x3c: {  	p2 =	seq.s32 s10, $0x1;
	s10 =	sld [smem:$0x3FA2]  }
0x3d: {  	_ =	shalt  }
0x3e: {  	_ =	shalt  }
0x3f: {  	_ =	shalt  }
0x40: {  	_ =	shalt  }
0x41: {  	_ =	shalt  }
0x42: {  	_ =	shalt  }
0x43: {  	_ =	shalt  }
0x44: {  	_ =	shalt  }
0x45: {  	_ =	shalt  }
0x46: {  	_ =	shalt  }
0x47: {  	_ =	shalt  }
0x48: {  	_ =	shalt  }
0x49: {  	_ =	shalt  }
0x4a: {  	_ =	shalt  }
0x4b: {  	_ =	shalt  }
0x4c: {  	_ =	shalt  }
0x4d: {  	_ =	shalt  }
0x4e: {  	_ =	shalt  }
0x4f: {  	_ =	shalt  }
0x50: {  	_ =	shalt  }
0x51: {  	_ =	shalt  }
0x52: {  	_ =	shalt  }
0x53: {  	_ =	shalt  }
0x54: {  	_ =	shalt  }
0x55: {  	_ =	shalt  }
0x56: {  	_ =	shalt  }
0x57: {  	_ =	shalt  }
0x58: {  	_ =	shalt  }
0x59: {  	_ =	shalt  }
0x5a: {  	_ =	shalt  }
0x5b: {  	_ =	shalt  }
0x5c: {  	_ =	shalt  }
0x5d: {  	_ =	shalt  }
0x5e: {  	_ =	shalt  }
0x5f: {  	_ =	shalt  }
0x60: {  	_ =	shalt  }
0x61: {  	_ =	shalt  }
0x62: {  	_ =	shalt  }
0x63: {  	_ =	shalt  }
0x64: {  	_ =	shalt  }
0x65: {  	_ =	shalt  }
0x66: {  	_ =	shalt  }
0x67: {  	_ =	shalt  }
0x68: {  	_ =	shalt  }
0x69: {  	_ =	shalt  }
0x6a: {  	_ =	shalt  }
0x6b: {  	_ =	shalt  }
0x6c: {  	_ =	shalt  }
0x6d: {  	_ =	shalt  }
0x6e: {  	_ =	shalt  }
0x6f: {  	_ =	shalt  }
0x70: {  	_ =	shalt  }
0x71: {  	_ =	shalt  }
0x72: {  	_ =	shalt  }
0x73: {  	_ =	shalt  }
0x74: {  	_ =	shalt  }
0x75: {  	_ =	shalt  }
0x76: {  	_ =	shalt  }
0x77: {  	_ =	shalt  }
0x78: {  	_ =	shalt  }
0x79: {  	_ =	shalt  }
0x7a: {  	_ =	shalt  }
0x7b: {  	_ =	shalt  }
0x7c: {  	_ =	shalt  }
0x7d: {  	_ =	shalt  }
0x7e: {  	_ =	shalt  }
0x7f: {  	_ =	shalt  }
0x80: {  	_ =	shalt  }
0x81: {  	_ =	shalt  }
0x82: {  	_ =	shalt  }
0x83: {  	_ =	shalt  }
0x84: {  	_ =	shalt  }
0x85: {  	_ =	shalt  }
0x86: {  	_ =	shalt  }
0x87: {  	_ =	shalt  }
.Lfunc_end0:
.L_simem_size_0:
called_computation.2_lowered:
.L_overlay_start_0:
0x88: {  	s2 =	sld [smem:$0x3FD9]  }
0x89: {  	s3 =	sld [smem:$0x3FFE];
	_ =	sdelay $0x1  }
0x8a: {  	s1 =	srdreg.scid  }
0x8b: {  	s0 =	sand.u32 $0x1, s1  }
0x8c: {  	s16 =	sshll.u32 s0, $0xA;
	s2 =	sadd.s32 s3, s2  }
0x8d: {  	s2 =	sadd.s32 s2, s16  }
0x8e: {  	[smem:$0x3FAE] =	sst s2  }
0x8f: {  	_ = 	snop  }
0x90: {  	(tm) =	ssettm $0x1  }
0x91: {  	s17 =	sld [smem:$0x3FFB];
	_ =	sdelay $0x3  }
0x92: {  	_ =	strace s17  }
0x93: {  	s2 =	sld [smem:$0x3FFC];
	_ =	sdelay $0x3  }
0x94: {  	_ =	strace s2  }
0x95: {  	s2 =	sld [smem:$0x3FFD];
	_ =	sdelay $0x3  }
0x96: {  	_ =	strace s2  }
0x97: {  	_ =	strace $0x8FFFFFFF  }
0x98: {  	s18 =	sld [smem:$0x3FDB];
	_ =	sdelay $0x1  }
0x99: {  	s19 =	simm.s32 $_scs_section_size  }
0x9a: {  	s4 =	simm.s32 $_size__tile_overlayer_lowered;
	s5 =	simm.s32 $_tile_overlayer_lowered  }
0x9b: {  	s22 =	simm.s32 $0x1BFF;
	s21 =	sshll.u32 s5, $0x1;
	s2 =	sadd.s32 s19, s18  }
0x9c: {  	s6 =	simm.s32 $0x0;
	s20 =	sshll.u32 s4, $0x1;
	s4 =	sadd.s32 s21, s2  }
0x9d: {  	[timem:s6], [sflag:s22] =	dma.local [hbm:s4], s20  }
0x9e: {  	_ =	swait.ge [sflag:s22], s20  }
0x9f: {  	s3 =	ssub.s32 $0x0, s20;
	[sflag:s22] =	ssyncset.done $0x0  }
0xa0: {  	[sflag:s22] =	ssyncadd.s32 s3;
	_ =	sdelay $0x1  }
0xa1: {  	s23 =	simm.s32 $0x1B8B  }
0xa2: {  	_ =	swait.ge [sflag:s23], $0x1  }
0xa3: {  	[sflag:s23] =	ssyncset.done $0x0  }
0xa4: {  	s25 =	simm.s32 $0x1B8E;
	s24 =	sld [smem:$0x3FFE];
	[sflag:s23] =	ssyncadd.s32 $0xFFFFFFFF  }
0xa5: {  	s26 =	simm.s32 $execute0_lowered;
	[smem:$0x3FD2] =	sst s25  }
0xa6: {  	s4 =	sshll.u32 s26, $0x1;
	_ =	strace $0x8000004C;
	[dreg:$0x1] =	wrdreg $0xFFFFFFFF  }
0xa7: {  	s28 =	simm.s32 $_size_execute0_lowered;
	s2 =	sadd.s32 s2, s4;
	[dreg:$0x0] =	wrdreg $0x0  }
0xa8: {  	s4 =	sshll.u32 s28, $0x1;
	[dreg:$0x2] =	wrdreg s2  }
0xa9: {  	[dreg:$0x3] =	wrdreg s4  }
0xaa: {  	[dreg:$0x4] =	wrdreg $0xC0  }
0xab: {  	_ =	task [dreg:s6], $0x5FFFF  }
0xac: {  	[dreg:$0x1] =	wrdreg $0xFFFFFFFF  }
0xad: {  	[dreg:$0x0] =	wrdreg $0x60  }
0xae: {  	[dreg:$0x2] =	wrdreg s24  }
0xaf: {  	[dreg:$0x3] =	wrdreg $0x9  }
0xb0: {  	_ =	task.clear_ibuf [dreg:s6], $0x4FFFF;
	_ =	strace $0x9000004C  }
0xb1: {  	s29 =	simm.s32 $0x9;
	_ =	strace $0x8000004E  }
0xb2: {  	_ =	swait.ge [sflag:s29], $0x1  }
0xb3: {  	[sflag:s29] =	ssyncadd.s32 $0xFFFFFFFF  }
0xb4: {  	_ =	strace $0x9000004E  }
0xb5: {  	_ =	sfence  }
0xb6: {  	s30 =	sld [smem:$0x0];
	_ =	sdelay $0x2  }
0xb7: {  	s31 =	sshll.u32 s1, $0xD;
	s1 =	sshrl.u32 s1, $0x2  }
0xb8: {  	s3 =	sand.u32 $0x4000, s31;
	s1 =	sadd.s32 s1, s30  }
0xb9: {  	s0 =	sor.u32 s3, s0;
	s1 =	sshll.u32 s1, $0x11  }
0xba: {  	s0 =	sor.u32 s1, s0  }
0xbb: {  	s0 =	sadd.s32 $0x8F2B, s0  }
0xbc: {  	[sflag:s0] =	ssyncadd.remote.s32 $0x1  }
0xbd: {  	_ =	sfence.sel $0xFFFF  }
0xbe: {  	[dreg:$0x0] =	wrdreg $0xFFFFFFFF;
	(pc) =	sbr.abs _section_cstart, $3  }
0xbf: {  	[dreg:$0x1] =	wrdreg $0xFFFFFFFF  }
0xc0: {  	_ =	task.clear_ibuf [dreg:s6], $0x2FFFF;
	_ =	strace $0x9FFFFFFF  }
0xc1: {  	(tm) =	ssettm $0x7FFFFFFF  }
tec
execute0_lowered:
.L_overlay_start_1:
0x0: {  	(tag) =	ssettag $0x1  }
0x1: {  	s3 =	rddreg [dreg:$0x0]  }
0x2: {  	s0 =	rddreg [dreg:$0x1]  }
0x3: {  	s1 =	simm.s32 $0x0;
	s2 =	srdreg.scid;
	s17 =	stileid.u32  }
0x4: {  	s15 =	simm.s32 $0x1;
	s16 =	simm.s32 $0x2;
	[smem:$0x7FF] =	sst s1  }
0x5: {  	s10 =	sadd.s32 $0x5200, s3;
	s8 =	sand.u32 $0x1, s2;
	s2 =	sadd.s32 $0xF200, s3  }
0x6: {  	s9 =	sadd.s32 $0x4F1200, s3;
	s5 =	sshll.u32 s17, $0x1;
	s12 =	sshll.u32 s17, $0x5  }
0x7: {  	s14 =	sshll.u32 s17, $0x8;
	s30 =	sshll.u32 s17, $0xC;
	p0 =	sne.s32 s17, $0x0  }
0x8: {  	s17 =	simm.s32 $0x0;
	_ =	strace $0x8000004D;
	s4 =	ssub.s32 $0x2, s8  }
0x9: {  	s25 =	sor.u32 s8, s5;
	s11 =	sshll.u32 s8, $0x7;
	s12 =	sadd.s32 s12, s10  }
0xa: {  	s13 =	sshll.u32 s8, $0x4;
	s31 =	sshll.u32 s8, $0xB;
	s24 =	sshrl.u32 s4, $0x1  }
0xb: {  	s26 =	sshll.u32 s25, $0x4;
	s5 =	sshll.u32 s25, $0xB;
	s6 =	sor.u32 $0x27000, s11  }
0xc: {  	s12 =	sadd.s32 s13, s12;
	s11 =	sor.u32 s11, s14;
	s13 =	simm.s32 $0x100  }
0xd: {  	s14 =	simm.s32 $0x4100;
	s7 =	ssub.s32 s4, s24;
	s3 =	sadd.s32 s10, s26  }
0xe: {  	s28 =	sadd.s32 s5, s9;
	s29 =	sshrl.u32 s6, $0x3;
	s6 =	sshll.u32 s6, $0x4  }
0xf: {  	s11 =	sor.u32 $0x1000, s11;
	s8 =	sadd.s32 $0x400, s12;
	s12 =	simm.s32 $0x80  }
0x10: {  	s4 =	sadd.s32 $0x260000, s28;
	s5 =	sadd.s32 s10, s29;
	s6 =	sadd.s32 s9, s6  }
0x11: {  	s7 =	smax.u32 s7, $0x1;
	s9 =	sadd.s32 s30, s9;
	s11 =	sshrl.u32 s11, $0x3  }
0x12: {  	s9 =	sadd.s32 s31, s9;
	s10 =	sadd.s32 s11, s10;
	s11 =	simm.s32 $0x3  }
.LBB2_1:
0x13: {  	[tilespmem:s1], [sflag:$0x3] =	stream.linear.gather [hbm4b:s3+s1], $0x80, $0x38;
	[tilespmem:$0x8100] =	vst v63  }
0x14: {  	_ =	swait.ge [sflag:s11], $0x80  }
0x15: {  	[sflag:s11] =	ssyncset.done $0x0  }
0x16: {  	[sflag:s11] =	ssyncadd.s32 $0xFFFFFF80  }
0x17: {  	[tilespmem:s13], [sflag:$0x1] =	stream.indirect.gather [hbm4b:s2+s12], $0x80, s1, s12, $0xb8;
	[tilespmem:$0x8100] =	vst v63  }
0x18: {  	s18 =	sadd.s32 $0x0, s10  }
0x19: {  	[tilespmem:s12], [sflag:$0x3] =	stream.linear.gather [hbm4b:s18+s1], $0x80, $0x38;
	[tilespmem:$0x8100] =	vst v63  }
0x1a: {  	_ =	swait.ge [sflag:s11], $0x80  }
0x1b: {  	[sflag:s11] =	ssyncset.done $0x0  }
0x1c: {  	[sflag:s11] =	ssyncadd.s32 $0xFFFFFF80  }
0x1d: {  	[tilespmem:s14], [sflag:$0x2] =	stream.indirect.gather [hbm4b:s2+s12], $0x80, s12, s12, $0xb8;
	[tilespmem:$0x8100] =	vst v63  }
0x1e: {  	_ =	swait.ge [sflag:s15], $0x4000  }
0x1f: {  	[sflag:s15] =	ssyncset.done $0x0  }
0x20: {  	[sflag:s15] =	ssyncadd.s32 $0xFFFFC000  }
0x21: {  	[hbm4b:s9+s1] =	stream.linear.scatter [tilespmem:s13], [sflag:$0x3], $0x4000, $0x38;
	[tilespmem:$0x8100] =	vst v63  }
0x22: {  	_ =	swait.ge [sflag:s11], $0x4000  }
0x23: {  	[sflag:s11] =	ssyncset.done $0x0  }
0x24: {  	s30 =	sadd.s32 $0x0, s8;
	[sflag:s11] =	ssyncadd.s32 $0xFFFFC000  }
0x25: {  	[tilespmem:s1], [sflag:$0x3] =	stream.linear.gather [hbm4b:s30+s1], $0x80, $0x38;
	[tilespmem:$0x8100] =	vst v63  }
0x26: {  	_ =	swait.ge [sflag:s11], $0x80  }
0x27: {  	[sflag:s11] =	ssyncset.done $0x0  }
0x28: {  	[sflag:s11] =	ssyncadd.s32 $0xFFFFFF80  }
0x29: {  	[tilespmem:s13], [sflag:$0x1] =	stream.indirect.gather [hbm4b:s2+s12], $0x80, s1, s12, $0xb8;
	[tilespmem:$0x8100] =	vst v63  }
0x2a: {  	_ =	swait.ge [sflag:s16], $0x4000  }
0x2b: {  	[sflag:s16] =	ssyncset.done $0x0  }
0x2c: {  	s31 =	sadd.s32 $0x10000, s9;
	[sflag:s16] =	ssyncadd.s32 $0xFFFFC000  }
0x2d: {  	[hbm4b:s31+s1] =	stream.linear.scatter [tilespmem:s14], [sflag:$0x3], $0x4000, $0x38;
	[tilespmem:$0x8100] =	vst v63  }
0x2e: {  	s19 =	simm.s32 $0x400;
	_ =	swait.ge [sflag:s11], $0x4000  }
0x2f: {  	s20 =	simm.s32 $0x800;
	s18 =	sadd.s32 $0x20000, s9;
	[sflag:s11] =	ssyncset.done $0x0  }
.LBB2_2:
0x30: {  	s21 =	sadd.s32 s19, s10  }
0x31: {  	[sflag:s11] =	ssyncadd.s32 $0xFFFFC000;
	s22 =	smov.u32 s20;
	s23 =	sadd.s32 $0x400, s20  }
0x32: {  	[tilespmem:s12], [sflag:$0x3] =	stream.linear.gather [hbm4b:s21+s1], $0x80, $0x38;
	[tilespmem:$0x8100] =	vst v63  }
0x33: {  	p1 =	sne.s32 s20, $0x4800;
	_ =	swait.ge [sflag:s11], $0x80  }
0x34: {  	[sflag:s11] =	ssyncset.done $0x0  }
0x35: {  	[sflag:s11] =	ssyncadd.s32 $0xFFFFFF80  }
0x36: {  	[tilespmem:s14], [sflag:$0x2] =	stream.indirect.gather [hbm4b:s2+s12], $0x80, s12, s12, $0xb8;
	[tilespmem:$0x8100] =	vst v63  }
0x37: {  	_ =	swait.ge [sflag:s15], $0x4000  }
0x38: {  	[sflag:s15] =	ssyncset.done $0x0  }
0x39: {  	[sflag:s15] =	ssyncadd.s32 $0xFFFFC000  }
0x3a: {  	[hbm4b:s18+s1] =	stream.linear.scatter [tilespmem:s13], [sflag:$0x3], $0x4000, $0x38;
	[tilespmem:$0x8100] =	vst v63  }
0x3b: {  	_ =	swait.ge [sflag:s11], $0x4000  }
0x3c: {  	[sflag:s11] =	ssyncset.done $0x0  }
0x3d: {  	s20 =	sadd.s32 s19, s8;
	s19 =	smov.u32 s22;
	[sflag:s11] =	ssyncadd.s32 $0xFFFFC000  }
0x3e: {  	[tilespmem:s1], [sflag:$0x3] =	stream.linear.gather [hbm4b:s20+s1], $0x80, $0x38;
	[tilespmem:$0x8100] =	vst v63  }
0x3f: {  	_ =	swait.ge [sflag:s11], $0x80  }
0x40: {  	[sflag:s11] =	ssyncset.done $0x0  }
0x41: {  	[sflag:s11] =	ssyncadd.s32 $0xFFFFFF80  }
0x42: {  	[tilespmem:s13], [sflag:$0x1] =	stream.indirect.gather [hbm4b:s2+s12], $0x80, s1, s12, $0xb8;
	[tilespmem:$0x8100] =	vst v63  }
0x43: {  	_ =	swait.ge [sflag:s16], $0x4000  }
.Ltmp0:
0x44: {  	[sflag:s16] =	ssyncset.done $0x0;
	(pc) =	sbr.rel @p1 .LBB2_2-.Ltmp0, $4  }
0x45: {  	s20 =	sadd.s32 $0x10000, s18;
	[sflag:s16] =	ssyncadd.s32 $0xFFFFC000  }
0x46: {  	[hbm4b:s20+s1] =	stream.linear.scatter [tilespmem:s14], [sflag:$0x3], $0x4000, $0x38;
	[tilespmem:$0x8100] =	vst v63  }
0x47: {  	_ =	swait.ge [sflag:s11], $0x4000  }
0x48: {  	s18 =	sadd.s32 $0x20000, s18;
	s20 =	smov.u32 s23;
	[sflag:s11] =	ssyncset.done $0x0  }
0x49: {  	s20 =	sadd.s32 s19, s10;
	[sflag:s11] =	ssyncadd.s32 $0xFFFFC000  }
0x4a: {  	[tilespmem:s12], [sflag:$0x3] =	stream.linear.gather [hbm4b:s20+s1], $0x80, $0x38;
	[tilespmem:$0x8100] =	vst v63  }
0x4b: {  	_ =	swait.ge [sflag:s11], $0x80  }
0x4c: {  	[sflag:s11] =	ssyncset.done $0x0  }
0x4d: {  	[sflag:s11] =	ssyncadd.s32 $0xFFFFFF80  }
0x4e: {  	[tilespmem:s14], [sflag:$0x2] =	stream.indirect.gather [hbm4b:s2+s12], $0x80, s12, s12, $0xb8;
	[tilespmem:$0x8100] =	vst v63  }
0x4f: {  	_ =	swait.ge [sflag:s15], $0x4000  }
0x50: {  	[sflag:s15] =	ssyncset.done $0x0  }
0x51: {  	[sflag:s15] =	ssyncadd.s32 $0xFFFFC000  }
0x52: {  	[hbm4b:s18+s1] =	stream.linear.scatter [tilespmem:s13], [sflag:$0x3], $0x4000, $0x38;
	[tilespmem:$0x8100] =	vst v63  }
0x53: {  	_ =	swait.ge [sflag:s11], $0x4000  }
0x54: {  	[sflag:s11] =	ssyncset.done $0x0  }
0x55: {  	s30 =	sadd.s32 s19, s8;
	[sflag:s11] =	ssyncadd.s32 $0xFFFFC000  }
0x56: {  	[tilespmem:s1], [sflag:$0x3] =	stream.linear.gather [hbm4b:s30+s1], $0x80, $0x38;
	[tilespmem:$0x8100] =	vst v63  }
0x57: {  	_ =	swait.ge [sflag:s11], $0x80  }
0x58: {  	[sflag:s11] =	ssyncset.done $0x0  }
0x59: {  	[sflag:s11] =	ssyncadd.s32 $0xFFFFFF80  }
0x5a: {  	[tilespmem:s13], [sflag:$0x1] =	stream.indirect.gather [hbm4b:s2+s12], $0x80, s1, s12, $0xb8;
	[tilespmem:$0x8100] =	vst v63  }
0x5b: {  	_ =	swait.ge [sflag:s16], $0x4000  }
0x5c: {  	[sflag:s16] =	ssyncset.done $0x0  }
0x5d: {  	s31 =	sadd.s32 $0x10000, s18;
	[sflag:s16] =	ssyncadd.s32 $0xFFFFC000  }
0x5e: {  	[hbm4b:s31+s1] =	stream.linear.scatter [tilespmem:s14], [sflag:$0x3], $0x4000, $0x38;
	[tilespmem:$0x8100] =	vst v63  }
0x5f: {  	_ =	swait.ge [sflag:s11], $0x4000  }
0x60: {  	[sflag:s11] =	ssyncset.done $0x0  }
0x61: {  	[sflag:s11] =	ssyncadd.s32 $0xFFFFC000  }
0x62: {  	_ =	swait.ge [sflag:s15], $0x4000  }
0x63: {  	[sflag:s15] =	ssyncset.done $0x0  }
0x64: {  	[sflag:s15] =	ssyncadd.s32 $0xFFFFC000  }
0x65: {  	[hbm4b:s4+s1] =	stream.linear.scatter [tilespmem:s13], [sflag:$0x3], $0x4000, $0x38;
	[tilespmem:$0x8100] =	vst v63  }
0x66: {  	_ =	swait.ge [sflag:s11], $0x4000  }
0x67: {  	[sflag:s11] =	ssyncset.done $0x0  }
0x68: {  	s19 =	simm.s32 @!p0 $0x3;
	s18 =	simm.s32 @!p0 $0x0;
	[sflag:s11] =	ssyncadd.s32 $0xFFFFC000  }
0x69: {  	[tilespmem:s18], [sflag:$0x3] =	stream.linear.gather @!p0 [hbm4b:s5+s18], $0x80, $0x38;
	[tilespmem:$0x8100] =	vst v63  }
0x6a: {  	_ =	swait.ge @!p0 [sflag:s19], $0x80  }
0x6b: {  	[sflag:s19] =	ssyncset.done @!p0 $0x0  }
0x6c: {  	s21 =	simm.s32 @!p0 $0x100;
	s20 =	simm.s32 @!p0 $0x80;
	[sflag:s19] =	ssyncadd.s32 @!p0 $0xFFFFFF80  }
0x6d: {  	[tilespmem:s21], [sflag:$0x1] =	stream.indirect.gather @!p0 [hbm4b:s2+s20], $0x80, s18, s20, $0xb8;
	[tilespmem:$0x8100] =	vst v63  }
0x6e: {  	s20 =	simm.s32 @!p0 $0x1  }
0x6f: {  	s17 =	sadd.s32 $0x1, s17;
	_ =	swait.ge @!p0 [sflag:s20], $0x4000  }
0x70: {  	p1 =	sne.s32 s17, s7;
	[sflag:s20] =	ssyncset.done @!p0 $0x0  }
.Ltmp1:
0x71: {  	[sflag:s20] =	ssyncadd.s32 @!p0 $0xFFFFC000;
	(pc) =	sbr.rel @p1 .LBB2_1-.Ltmp1, $4  }
0x72: {  	[hbm4b:s6+s18] =	stream.linear.scatter @!p0 [tilespmem:s21], [sflag:$0x3], $0x4000, $0x38;
	[tilespmem:$0x8100] =	vst v63  }
0x73: {  	_ =	swait.ge @!p0 [sflag:s19], $0x4000  }
0x74: {  	[sflag:s19] =	ssyncset.done @!p0 $0x0  }
0x75: {  	[sflag:s19] =	ssyncadd.s32 @!p0 $0xFFFFC000  }
0x76: {  	_ =	sfence.sel $0x180000  }
0x77: {  	[bflag:$0x0] =	sbarrier.arrive $0xFFFF  }
0x78: {  	_ =	strace $0x9000004D  }
0x79: {  	s0 =	sadd.s32 @!p0 $0x100000, s0;
	[bflag:$0x2] =	sbarrier.arrive $0xFFFF  }
0x7a: {  	[sflag:s0] =	ssyncadd.tile.s32 @!p0 $0x1;
	_ =	shalt  }
.Lfunc_end2:
_tile_overlayer_lowered:
.L_overlay_start_2:
0x7b: {  	(tag) =	ssettag $0x2  }
0x7c: {  	s0 =	rddreg [dreg:$0x0];
	s2 =	stileid.u32  }
0x7d: {  	s1 =	rddreg [dreg:$0x1];
	p0 =	sne.s32 s2, $0x0  }
0x7e: {  	s3 =	rddreg [dreg:$0x2];
	[bflag:$0x3] =	sbarrier.arrive $0xFFFF;
	s2 =	simm.s32 @!p0 $0x1C03  }
0x7f: {  	[timem:s3], [sflag:s2] =	dma.local @!p0 [hbm:s0], s1  }
0x80: {  	s0 =	simm.s32 @!p0 $0x3  }
0x81: {  	_ =	swait.ge @!p0 [sflag:s0], s1  }
0x82: {  	s1 =	ssub.s32 @!p0 $0x0, s1;
	[sflag:s0] =	ssyncset.done @!p0 $0x0  }
0x83: {  	[sflag:s0] =	ssyncadd.s32 @!p0 s1  }
0x84: {  	[bflag:$0x3] =	sbarrier.arrive $0xFFFF  }
0x85: {  	_ =	shalt  }

// kernel: kernel.19.cloned.1.call-start
scs
__scs_entry_jumppad:
0x0: {  	(pc) =	sbr.rel $0x88, $3  }
0x1: {  	(tag) =	ssettag $0x0;
	lr =	simm.s32 $0x1  }
0x2: {  	[smem:$0x3F87] =	sst lr;
	_ =	strace $0xD0000000  }
0x3: {  	_ = 	snop  }
0x4: {  	_ = 	snop  }
0x5: {  	_ = 	snop  }
0x6: {  	_ = 	snop  }
0x7: {  	_ = 	snop  }
__scs_overlays_trampoline_lowered:
0x8: {  	[smem:$0x3F96] =	sst s0  }
0x9: {  	[smem:$0x3F97] =	sst s1  }
0xa: {  	[smem:$0x3F98] =	sst s2  }
0xb: {  	[smem:$0x3F99] =	sst s3  }
0xc: {  	[smem:$0x3F9A] =	sst s4  }
0xd: {  	[smem:$0x3F9B] =	sst s5  }
0xe: {  	[smem:$0x3F9C] =	sst s6  }
0xf: {  	[smem:$0x3F9D] =	sst s7  }
0x10: {  	[smem:$0x3F9E] =	sst s8  }
0x11: {  	[smem:$0x3F9F] =	sst s9;
	s0 =	simm.s32 @!p0 $0x0  }
0x12: {  	s1 =	sld [smem:$0x3F85];
	s0 =	simm.s32 @p0 $0x1  }
0x13: {  	[smem:$0x3FA0] =	sst s0;
	s0 =	simm.s32 @!p1 $0x0  }
0x14: {  	s2 =	sld [smem:$0x3F84];
	s0 =	simm.s32 @p1 $0x1  }
0x15: {  	[smem:$0x3FA1] =	sst s0;
	s0 =	simm.s32 @!p2 $0x0  }
0x16: {  	s3 =	sld [smem:$0x3FDB];
	s0 =	simm.s32 @p2 $0x1  }
0x17: {  	s4 =	simm.s32 $0x1BF5;
	[smem:$0x3FA3] =	sst s0  }
0x18: {  	s0 =	sld [smem:$0x3F86];
	_ =	swait.ge [sflag:s4], $0x0  }
0x19: {  	s7 =	sld [smem:$0x3F87]  }
0x1a: {  	s8 =	sadd.s32 $0xFFFFE003, lr  }
0x1b: {  	s9 =	sadd.s32 $0xFFFFFEF7, lr;
	s5 =	simm.s32 $0xFFFFFFFF;
	p2 =	slt.u32 s8, $0xFFFFF086  }
0x1c: {  	p1 =	slt.u32 s9, $0xF7A;
	s5 =	simm.s32 @!p2 $0x0  }
0x1d: {  	s5 =	simm.s32 @p1 $0x1;
	p0 =	seq.s32 s7, s2  }
0x1e: {  	s7 =	smul.u32 @!p0 $0xF7A, s2;
	p2 =	seq.s32 @!p0 s5, $0x0  }
0x1f: {  	s9 =	smul.u32 $0xF7A, s1;
	s8 =	simm.s32 @!p0 $0x1BF5;
	p2 =	por !p2, p0  }
0x20: {  	[sflag:s8] =	ssyncset.s32 @!p0 $0xFFFFF086;
	s6 =	sadd.s32 @!p0 s3, s7;
	s7 =	simm.s32 @!p0 $0x108  }
0x21: {  	s3 =	sadd.s32 s3, s9;
	s6 =	sadd.s32 @!p0 $0x88, s6;
	s7 =	simm.s32 @p2 $0x1082  }
0x22: {  	[simem:s7], [sflag:s8] =	dma.local @!p0 [hbm:s6], $0xF7A  }
0x23: {  	s9 =	sor.u32 $0xD0000000, s2;
	s6 =	simm.s32 $0x108;
	_ =	swait.ge @!p0 [sflag:s8], $0x0  }
0x24: {  	s3 =	sadd.s32 $0x88, s3;
	s6 =	simm.s32 @!p1 $0x1082;
	[sflag:s4] =	ssyncset.s32 $0xFFFFF086  }
0x25: {  	[simem:s6], [sflag:s4] =	dma.local [hbm:s3], $0xF7A  }
0x26: {  	[smem:$0x3F87] =	sst s1;
	(tag) =	ssettag s2;
	_ =	strace s9  }
0x27: {  	s1 =	sld [smem:$0x3F97]  }
0x28: {  	s2 =	sld [smem:$0x3F98]  }
0x29: {  	s4 =	sld [smem:$0x3F9A]  }
0x2a: {  	p0 =	seq.s32 s5, $0x0;
	s5 =	sld [smem:$0x3F9B]  }
0x2b: {  	s6 =	sld [smem:$0x3F9C]  }
0x2c: {  	s7 =	sld [smem:$0x3F9D]  }
0x2d: {  	s3 =	simm.s32 $0x108;
	s8 =	sld [smem:$0x3F9E]  }
0x2e: {  	s3 =	simm.s32 @!p0 $0x1082;
	s9 =	sld [smem:$0x3F9F]  }
0x2f: {  	lr =	sadd.s32 s0, s3;
	s0 =	sld [smem:$0x3F96]  }
0x30: {  	s3 =	sld [smem:$0x3F99]  }
0x31: {  	[smem:$0x3FA2] =	sst s10  }
0x32: {  	s10 =	sld [smem:$0x3FA0];
	_ =	sdelay $0x3  }
0x33: {  	p0 =	seq.s32 s10, $0x1;
	s10 =	sld [smem:$0x3FA2];
	_ =	sdelay $0x3  }
0x34: {  	[smem:$0x3FA2] =	sst s10  }
0x35: {  	s10 =	sld [smem:$0x3FA1];
	_ =	sdelay $0x3  }
0x36: {  	p1 =	seq.s32 s10, $0x1;
	s10 =	sld [smem:$0x3FA2];
	_ =	sdelay $0x3  }
0x37: {  	[smem:$0x3FA2] =	sst s10  }
0x38: {  	s10 =	sld [smem:$0x3FA3]  }
0x39: {  	_ = 	snop;
	(pc) =	sbr.ind lr, $3  }
0x3a: {  	_ = 	snop  }
0x3b: {  	_ = 	snop  }
0x3c: {  	p2 =	seq.s32 s10, $0x1;
	s10 =	sld [smem:$0x3FA2]  }
0x3d: {  	_ =	shalt  }
0x3e: {  	_ =	shalt  }
0x3f: {  	_ =	shalt  }
0x40: {  	_ =	shalt  }
0x41: {  	_ =	shalt  }
0x42: {  	_ =	shalt  }
0x43: {  	_ =	shalt  }
0x44: {  	_ =	shalt  }
0x45: {  	_ =	shalt  }
0x46: {  	_ =	shalt  }
0x47: {  	_ =	shalt  }
0x48: {  	_ =	shalt  }
0x49: {  	_ =	shalt  }
0x4a: {  	_ =	shalt  }
0x4b: {  	_ =	shalt  }
0x4c: {  	_ =	shalt  }
0x4d: {  	_ =	shalt  }
0x4e: {  	_ =	shalt  }
0x4f: {  	_ =	shalt  }
0x50: {  	_ =	shalt  }
0x51: {  	_ =	shalt  }
0x52: {  	_ =	shalt  }
0x53: {  	_ =	shalt  }
0x54: {  	_ =	shalt  }
0x55: {  	_ =	shalt  }
0x56: {  	_ =	shalt  }
0x57: {  	_ =	shalt  }
0x58: {  	_ =	shalt  }
0x59: {  	_ =	shalt  }
0x5a: {  	_ =	shalt  }
0x5b: {  	_ =	shalt  }
0x5c: {  	_ =	shalt  }
0x5d: {  	_ =	shalt  }
0x5e: {  	_ =	shalt  }
0x5f: {  	_ =	shalt  }
0x60: {  	_ =	shalt  }
0x61: {  	_ =	shalt  }
0x62: {  	_ =	shalt  }
0x63: {  	_ =	shalt  }
0x64: {  	_ =	shalt  }
0x65: {  	_ =	shalt  }
0x66: {  	_ =	shalt  }
0x67: {  	_ =	shalt  }
0x68: {  	_ =	shalt  }
0x69: {  	_ =	shalt  }
0x6a: {  	_ =	shalt  }
0x6b: {  	_ =	shalt  }
0x6c: {  	_ =	shalt  }
0x6d: {  	_ =	shalt  }
0x6e: {  	_ =	shalt  }
0x6f: {  	_ =	shalt  }
0x70: {  	_ =	shalt  }
0x71: {  	_ =	shalt  }
0x72: {  	_ =	shalt  }
0x73: {  	_ =	shalt  }
0x74: {  	_ =	shalt  }
0x75: {  	_ =	shalt  }
0x76: {  	_ =	shalt  }
0x77: {  	_ =	shalt  }
0x78: {  	_ =	shalt  }
0x79: {  	_ =	shalt  }
0x7a: {  	_ =	shalt  }
0x7b: {  	_ =	shalt  }
0x7c: {  	_ =	shalt  }
0x7d: {  	_ =	shalt  }
0x7e: {  	_ =	shalt  }
0x7f: {  	_ =	shalt  }
0x80: {  	_ =	shalt  }
0x81: {  	_ =	shalt  }
0x82: {  	_ =	shalt  }
0x83: {  	_ =	shalt  }
0x84: {  	_ =	shalt  }
0x85: {  	_ =	shalt  }
0x86: {  	_ =	shalt  }
0x87: {  	_ =	shalt  }
.Lfunc_end0:
.L_simem_size_0:
called_computation.3_lowered:
.L_overlay_start_0:
0x88: {  	s2 =	sld [smem:$0x3FD9]  }
0x89: {  	s3 =	sld [smem:$0x3FFE];
	_ =	sdelay $0x1  }
0x8a: {  	s1 =	srdreg.scid  }
0x8b: {  	s0 =	sand.u32 $0x1, s1  }
0x8c: {  	s16 =	sshll.u32 s0, $0xA;
	s2 =	sadd.s32 s3, s2  }
0x8d: {  	s2 =	sadd.s32 s2, s16  }
0x8e: {  	[smem:$0x3FAE] =	sst s2  }
0x8f: {  	_ = 	snop  }
0x90: {  	(tm) =	ssettm $0x1  }
0x91: {  	s17 =	sld [smem:$0x3FFB];
	_ =	sdelay $0x3  }
0x92: {  	_ =	strace s17  }
0x93: {  	s2 =	sld [smem:$0x3FFC];
	_ =	sdelay $0x3  }
0x94: {  	_ =	strace s2  }
0x95: {  	s2 =	sld [smem:$0x3FFD];
	_ =	sdelay $0x3  }
0x96: {  	_ =	strace s2  }
0x97: {  	_ =	strace $0x8FFFFFFF  }
0x98: {  	s18 =	sld [smem:$0x3FDB];
	_ =	sdelay $0x1  }
0x99: {  	s19 =	simm.s32 $_scs_section_size  }
0x9a: {  	s4 =	simm.s32 $_size__tile_overlayer_lowered;
	s5 =	simm.s32 $_tile_overlayer_lowered  }
0x9b: {  	s22 =	simm.s32 $0x1BFF;
	s21 =	sshll.u32 s5, $0x1;
	s2 =	sadd.s32 s19, s18  }
0x9c: {  	s6 =	simm.s32 $0x0;
	s20 =	sshll.u32 s4, $0x1;
	s4 =	sadd.s32 s21, s2  }
0x9d: {  	[timem:s6], [sflag:s22] =	dma.local [hbm:s4], s20  }
0x9e: {  	_ =	swait.ge [sflag:s22], s20  }
0x9f: {  	s3 =	ssub.s32 $0x0, s20;
	[sflag:s22] =	ssyncset.done $0x0  }
0xa0: {  	[sflag:s22] =	ssyncadd.s32 s3;
	_ =	sdelay $0x1  }
0xa1: {  	s23 =	simm.s32 $0x1B8B  }
0xa2: {  	_ =	swait.ge [sflag:s23], $0x1  }
0xa3: {  	[sflag:s23] =	ssyncset.done $0x0  }
0xa4: {  	s25 =	simm.s32 $0x1B8E;
	s24 =	sld [smem:$0x3FFE];
	[sflag:s23] =	ssyncadd.s32 $0xFFFFFFFF  }
0xa5: {  	s26 =	simm.s32 $execute0_lowered;
	[smem:$0x3FD2] =	sst s25  }
0xa6: {  	s4 =	sshll.u32 s26, $0x1;
	_ =	strace $0x8000004F;
	[dreg:$0x1] =	wrdreg $0xFFFFFFFF  }
0xa7: {  	s28 =	simm.s32 $_size_execute0_lowered;
	s2 =	sadd.s32 s2, s4;
	[dreg:$0x0] =	wrdreg $0x0  }
0xa8: {  	s4 =	sshll.u32 s28, $0x1;
	[dreg:$0x2] =	wrdreg s2  }
0xa9: {  	[dreg:$0x3] =	wrdreg s4  }
0xaa: {  	[dreg:$0x4] =	wrdreg $0xC0  }
0xab: {  	_ =	task [dreg:s6], $0x5FFFF  }
0xac: {  	[dreg:$0x1] =	wrdreg $0xFFFFFFFF  }
0xad: {  	[dreg:$0x0] =	wrdreg $0x60  }
0xae: {  	[dreg:$0x2] =	wrdreg s24  }
0xaf: {  	[dreg:$0x3] =	wrdreg $0x125000  }
0xb0: {  	[dreg:$0x4] =	wrdreg $0x9  }
0xb1: {  	_ =	task.clear_ibuf [dreg:s6], $0x5FFFF;
	_ =	strace $0x9000004F  }
0xb2: {  	s29 =	simm.s32 $0x9;
	_ =	strace $0x80000051  }
0xb3: {  	_ =	swait.ge [sflag:s29], $0x1  }
0xb4: {  	[sflag:s29] =	ssyncadd.s32 $0xFFFFFFFF  }
0xb5: {  	_ =	strace $0x90000051  }
0xb6: {  	_ =	sfence  }
0xb7: {  	s30 =	sld [smem:$0x0];
	_ =	sdelay $0x2  }
0xb8: {  	s31 =	sshll.u32 s1, $0xD;
	s1 =	sshrl.u32 s1, $0x2  }
0xb9: {  	s3 =	sand.u32 $0x4000, s31;
	s1 =	sadd.s32 s1, s30  }
0xba: {  	s0 =	sor.u32 s3, s0;
	s1 =	sshll.u32 s1, $0x11  }
0xbb: {  	s0 =	sor.u32 s1, s0  }
0xbc: {  	s0 =	sadd.s32 $0x8F2B, s0  }
0xbd: {  	[sflag:s0] =	ssyncadd.remote.s32 $0x1  }
0xbe: {  	_ =	sfence.sel $0xFFFF  }
0xbf: {  	[dreg:$0x0] =	wrdreg $0xFFFFFFFF;
	(pc) =	sbr.abs _section_cstart, $3  }
0xc0: {  	[dreg:$0x1] =	wrdreg $0xFFFFFFFF  }
0xc1: {  	_ =	task.clear_ibuf [dreg:s6], $0x2FFFF;
	_ =	strace $0x9FFFFFFF  }
0xc2: {  	(tm) =	ssettm $0x7FFFFFFF  }
0xc3: {  	_ =	shalt  }
tec
execute0_lowered:
.L_overlay_start_1:
0x0: {  	(tag) =	ssettag $0x1  }
0x1: {  	s4 =	rddreg [dreg:$0x0]  }
0x2: {  	s2 =	rddreg [dreg:$0x1]  }
0x3: {  	s0 =	rddreg [dreg:$0x2];
	s3 =	simm.s32 $0x0;
	s5 =	srdreg.scid  }
0x4: {  	s1 =	stileid.u32;
	s14 =	simm.s32 $0x100;
	s15 =	simm.s32 $0x80  }
0x5: {  	s16 =	simm.s32 $0x4100;
	s17 =	simm.s32 $0x1;
	s19 =	simm.s32 $0x0  }
0x6: {  	[smem:$0x7FF] =	sst s3;
	s5 =	sand.u32 $0x1, s5;
	s6 =	smul.u32 $0x1480, s1  }
0x7: {  	s8 =	sadd.s32 $0xA200, s4;
	s9 =	sadd.s32 $0x762200, s4;
	s11 =	smul.u32 $0x29000, s1  }
0x8: {  	s28 =	sshll.u32 s1, $0x4;
	s29 =	sshll.u32 s1, $0x7;
	s30 =	sshll.u32 s1, $0xB  }
0x9: {  	p0 =	sgt.u32 s1, $0x1;
	_ =	strace $0x80000050;
	s7 =	smul.u32 $0x14800, s5  }
0xa: {  	s10 =	ssub.s32 $0x2, s5;
	s18 =	smul.u32 $0x1400, s5;
	s5 =	sadd.s32 s8, s28  }
0xb: {  	s25 =	sshrl.u32 s10, $0x1;
	s26 =	sshrl.u32 s11, $0x2;
	s11 =	sadd.s32 $0x100, s5  }
0xc: {  	s6 =	sadd.s32 s6, s7;
	s10 =	ssub.s32 s10, s25;
	v0 =	vmov s18;
	s18 =	simm.s32 $0x2  }
0xd: {  	s12 =	sadd.s32 s6, s4;
	s4 =	sadd.s32 s26, s2;
	s6 =	sor.u32 $0x27000, s29  }
0xe: {  	s10 =	smax.u32 s10, $0x1;
	s31 =	sshrl.u32 s6, $0x3;
	s13 =	sshll.u32 s6, $0x4  }
0xf: {  	s6 =	sadd.s32 s9, s30;
	s7 =	sadd.s32 s8, s31;
	s8 =	sadd.s32 s9, s13  }
0x10: {  	v1 =	vimm.f32 $0.0e+00;
	s9 =	sadd.s32 $0x5D600, s12;
	s12 =	simm.s32 $0x8100;
	s13 =	simm.s32 $0x3  }
.LBB2_1:
0x11: {  	s20 =	simm.s32 $0x0;
	s21 =	simm.s32 $0x200  }
.LBB2_2:
0x12: {  	p1 =	sne.s32 s21, $0x28E00;
	[tilespmem:s20+$0x8170] =	vst v1  }
0x13: {  	[tilespmem:s20+$0x8100] =	vst v1  }
0x14: {  	[tilespmem:s20+$0x8110] =	vst v1  }
.Ltmp0:
0x15: {  	[tilespmem:s20+$0x8120] =	vst v1;
	(pc) =	sbr.rel @p1 .LBB2_2-.Ltmp0, $4  }
0x16: {  	[tilespmem:s20+$0x8130] =	vst v1  }
0x17: {  	[tilespmem:s20+$0x8140] =	vst v1  }
0x18: {  	[tilespmem:s20+$0x8150] =	vst v1  }
0x19: {  	[tilespmem:s20+$0x8160] =	vst v1;
	s20 =	sshra.s32 s21, $0x2;
	s21 =	sadd.s32 $0x200, s21  }
0x1a: {  	[tilespmem:s20+$0x8170] =	vst v1  }
0x1b: {  	[tilespmem:s20+$0x8100] =	vst v1  }
0x1c: {  	[tilespmem:s20+$0x8110] =	vst v1  }
0x1d: {  	[tilespmem:s20+$0x8120] =	vst v1  }
0x1e: {  	[tilespmem:s20+$0x8130] =	vst v1  }
0x1f: {  	[tilespmem:s20+$0x8140] =	vst v1  }
0x20: {  	[tilespmem:s20+$0x8150] =	vst v1  }
0x21: {  	[tilespmem:s20+$0x8160] =	vst v1  }
0x22: {  	[spmem:s4] =	stream.linear.scatter [tilespmem:s12], [sflag:$0x3], $0xA400, $0x38;
	[tilespmem:$0x1C900] =	vst v63  }
0x23: {  	_ =	swait.ge [sflag:s13], $0xA400  }
0x24: {  	[sflag:s13] =	ssyncset.done $0x0  }
0x25: {  	[sflag:s13] =	ssyncadd.s32 $0xFFFF5C00  }
0x26: {  	s20 =	simm.s32 $0x0;
	[bflag:$0x0] =	sbarrier.arrive $0xFFFF  }
0x27: {  	[tilespmem:s20], [sflag:$0x3] =	stream.linear.gather [hbm4b:s5+s20], $0x80, $0x38;
	[tilespmem:$0x1C900] =	vst v63  }
0x28: {  	_ =	swait.ge [sflag:s13], $0x80  }
0x29: {  	[sflag:s13] =	ssyncset.done $0x0  }
0x2a: {  	[sflag:s13] =	ssyncadd.s32 $0xFFFFFF80  }
0x2b: {  	[tilespmem:s14], [sflag:$0x1] =	stream.linear.gather [hbm4b:s6+s20], $0x4000, $0x38;
	[tilespmem:$0x1C900] =	vst v63  }
0x2c: {  	v2 =	vld [tilespmem:$0x0]  }
0x2d: {  	v3 =	vld [tilespmem:$0x10]  }
0x2e: {  	v4 =	vld [tilespmem:$0x20]  }
0x2f: {  	v5 =	vld [tilespmem:$0x30]  }
0x30: {  	v6 =	vld [tilespmem:$0x40]  }
0x31: {  	v7 =	vld [tilespmem:$0x50];
	v2 =	vsub.s32 v2, v0  }
0x32: {  	v8 =	vld [tilespmem:$0x60];
	v3 =	vsub.s32 v3, v0;
	v2 =	vmin.u32 v2, $0x1400  }
0x33: {  	[tilespmem:$0x0] =	vst v2;
	v2 =	vmin.u32 v3, $0x1400;
	v3 =	vsub.s32 v4, v0;
	v4 =	vld [tilespmem:$0x70]  }
0x34: {  	[tilespmem:$0x10] =	vst v2;
	v2 =	vmin.u32 v3, $0x1400;
	v3 =	vsub.s32 v5, v0  }
0x35: {  	[tilespmem:$0x20] =	vst v2;
	v2 =	vmin.u32 v3, $0x1400;
	v3 =	vsub.s32 v6, v0  }
0x36: {  	[tilespmem:$0x30] =	vst v2;
	v2 =	vmin.u32 v3, $0x1400;
	v3 =	vsub.s32 v7, v0  }
0x37: {  	[tilespmem:$0x40] =	vst v2;
	v2 =	vmin.u32 v3, $0x1400;
	v3 =	vsub.s32 v8, v0  }
0x38: {  	[tilespmem:$0x50] =	vst v2;
	v2 =	vmin.u32 v3, $0x1400;
	v3 =	vsub.s32 v4, v0  }
0x39: {  	[tilespmem:$0x60] =	vst v2;
	v2 =	vmin.u32 v3, $0x1400  }
0x3a: {  	[tilespmem:$0x70] =	vst v2  }
0x3b: {  	[tilespmem:s15], [sflag:$0x3] =	stream.linear.gather [hbm4b:s11+s3], $0x80, $0x38;
	[tilespmem:$0x1C900] =	vst v63  }
0x3c: {  	_ =	swait.ge [sflag:s13], $0x80  }
0x3d: {  	s21 =	sadd.s32 $0x0, s6;
	[sflag:s13] =	ssyncset.done $0x0  }
0x3e: {  	s21 =	sadd.s32 $0x8000, s21;
	[sflag:s13] =	ssyncadd.s32 $0xFFFFFF80  }
0x3f: {  	[tilespmem:s16], [sflag:$0x2] =	stream.linear.gather [hbm4b:s21+s3], $0x4000, $0x38;
	[tilespmem:$0x1C900] =	vst v63  }
0x40: {  	v4 =	vld [tilespmem:$0x90]  }
0x41: {  	v3 =	vld [tilespmem:$0xA0]  }
0x42: {  	s22 =	simm.s32 $0x10000;
	s23 =	smov.u32 s11;
	s21 =	smov.u32 s11;
	v2 =	vld [tilespmem:$0xB0]  }
.LBB2_4:
0x43: {  	v5 =	vld [tilespmem:$0xC0];
	s23 =	sadd.s32 $0x200, s23;
	s24 =	smov.u32 s22;
	s22 =	sadd.s32 $0x10000, s22  }
0x44: {  	p1 =	sne.s32 s22, $0x270000;
	v6 =	vld [tilespmem:$0xD0]  }
0x45: {  	v4 =	vsub.s32 v4, v0;
	v7 =	vld [tilespmem:$0xE0]  }
0x46: {  	v4 =	vmin.u32 v4, $0x1400;
	v3 =	vsub.s32 v3, v0;
	v8 =	vld [tilespmem:$0xF0]  }
0x47: {  	v9 =	vld [tilespmem:$0x80];
	[tilespmem:$0x90] =	vst v4;
	v3 =	vmin.u32 v3, $0x1400;
	v2 =	vsub.s32 v2, v0  }
0x48: {  	[tilespmem:$0xA0] =	vst v3;
	v2 =	vmin.u32 v2, $0x1400;
	v3 =	vsub.s32 v5, v0  }
0x49: {  	[tilespmem:$0xB0] =	vst v2;
	v2 =	vmin.u32 v3, $0x1400;
	v3 =	vsub.s32 v6, v0  }
0x4a: {  	[tilespmem:$0xC0] =	vst v2;
	v2 =	vmin.u32 v3, $0x1400;
	v3 =	vsub.s32 v7, v0  }
0x4b: {  	[tilespmem:$0xD0] =	vst v2;
	v2 =	vmin.u32 v3, $0x1400;
	v3 =	vsub.s32 v8, v0  }
0x4c: {  	v4 =	vsub.s32 v9, v0;
	[tilespmem:$0xE0] =	vst v2;
	v2 =	vmin.u32 v3, $0x1400  }
0x4d: {  	v3 =	vmin.u32 v4, $0x1400;
	[tilespmem:$0xF0] =	vst v2  }
0x4e: {  	[tilespmem:$0x80] =	vst v3  }
0x4f: {  	_ =	swait.ge [sflag:s17], $0x4000  }
0x50: {  	[sflag:s17] =	ssyncset.done $0x0  }
0x51: {  	[sflag:s17] =	ssyncadd.s32 $0xFFFFC000  }
0x52: {  	[spmem:s2] =	stream.indirect.scatter.add.f32 [tilespmem:s14], [sflag:$0x3], $0x80, s3, s15, $0xb8;
	[tilespmem:$0x1C900] =	vst v63  }
0x53: {  	_ =	swait.ge [sflag:s13], $0x4000  }
0x54: {  	p2 =	seq.s32 s20, $0x260000;
	[sflag:s13] =	ssyncset.done $0x0  }
0x55: {  	s21 =	sadd.s32 @!p2 $0x100, s21;
	s25 =	simm.s32 @!p2 $0x0;
	[sflag:s13] =	ssyncadd.s32 $0xFFFFC000  }
0x56: {  	[tilespmem:s25], [sflag:$0x3] =	stream.linear.gather @!p2 [hbm4b:s21+s25], $0x80, $0x38;
	[tilespmem:$0x1C900] =	vst v63  }
0x57: {  	s26 =	simm.s32 @!p2 $0x3;
	s21 =	sadd.s32 @!p2 s20, s6;
	s20 =	smov.u32 s24  }
0x58: {  	s24 =	sadd.s32 @!p2 $0x10000, s21;
	s21 =	smov.u32 s23;
	_ =	swait.ge @!p2 [sflag:s26], $0x80  }
0x59: {  	[sflag:s26] =	ssyncset.done @!p2 $0x0  }
0x5a: {  	[sflag:s26] =	ssyncadd.s32 @!p2 $0xFFFFFF80;
	s26 =	simm.s32 @!p2 $0x100  }
0x5b: {  	[tilespmem:s26], [sflag:$0x1] =	stream.linear.gather @!p2 [hbm4b:s24+s25], $0x4000, $0x38;
	[tilespmem:$0x1C900] =	vst v63  }
0x5c: {  	v2 =	vld @!p2 [tilespmem:$0x70]  }
0x5d: {  	v3 =	vld @!p2 [tilespmem:$0x10]  }
0x5e: {  	v4 =	vld @!p2 [tilespmem:$0x50]  }
0x5f: {  	v5 =	vld @!p2 [tilespmem:$0x30]  }
0x60: {  	v6 =	vld @!p2 [tilespmem:$0x20]  }
0x61: {  	v7 =	vld @!p2 [tilespmem:$0x60];
	v2 =	vsub.s32 @!p2 v2, v0  }
0x62: {  	v3 =	vsub.s32 @!p2 v3, v0;
	v8 =	vld @!p2 [tilespmem:$0x40];
	v2 =	vmin.u32 @!p2 v2, $0x1400  }
0x63: {  	v9 =	vld @!p2 [tilespmem:$0x0];
	v3 =	vmin.u32 @!p2 v3, $0x1400;
	v4 =	vsub.s32 @!p2 v4, v0;
	[tilespmem:$0x70] =	vst @!p2 v2  }
0x64: {  	[tilespmem:$0x10] =	vst @!p2 v3;
	v2 =	vsub.s32 @!p2 v5, v0;
	v3 =	vmin.u32 @!p2 v4, $0x1400  }
0x65: {  	v4 =	vsub.s32 @!p2 v6, v0;
	v2 =	vmin.u32 @!p2 v2, $0x1400;
	[tilespmem:$0x50] =	vst @!p2 v3  }
0x66: {  	v3 =	vmin.u32 @!p2 v4, $0x1400;
	[tilespmem:$0x30] =	vst @!p2 v2;
	v2 =	vsub.s32 @!p2 v7, v0  }
0x67: {  	[tilespmem:$0x20] =	vst @!p2 v3;
	v3 =	vsub.s32 @!p2 v8, v0;
	v2 =	vmin.u32 @!p2 v2, $0x1400  }
0x68: {  	v4 =	vsub.s32 @!p2 v9, v0;
	v3 =	vmin.u32 @!p2 v3, $0x1400;
	[tilespmem:$0x60] =	vst @!p2 v2  }
0x69: {  	v2 =	vmin.u32 @!p2 v4, $0x1400;
	[tilespmem:$0x40] =	vst @!p2 v3  }
0x6a: {  	[tilespmem:$0x0] =	vst @!p2 v2  }
0x6b: {  	_ =	swait.ge [sflag:s18], $0x4000  }
0x6c: {  	[sflag:s18] =	ssyncset.done $0x0  }
0x6d: {  	[sflag:s18] =	ssyncadd.s32 $0xFFFFC000  }
0x6e: {  	[spmem:s2] =	stream.indirect.scatter.add.f32 [tilespmem:s16], [sflag:$0x3], $0x80, s15, s15, $0xb8;
	[tilespmem:$0x1C900] =	vst v63  }
0x6f: {  	_ =	swait.ge [sflag:s13], $0x4000  }
0x70: {  	[sflag:s13] =	ssyncset.done $0x0  }
0x71: {  	[sflag:s13] =	ssyncadd.s32 $0xFFFFC000  }
0x72: {  	[tilespmem:s15], [sflag:$0x3] =	stream.linear.gather [hbm4b:s23+s3], $0x80, $0x38;
	[tilespmem:$0x1C900] =	vst v63  }
0x73: {  	s24 =	sadd.s32 s20, s6;
	_ =	swait.ge [sflag:s13], $0x80  }
0x74: {  	s24 =	sadd.s32 $0x8000, s24;
	[sflag:s13] =	ssyncset.done $0x0  }
.Ltmp1:
0x75: {  	[sflag:s13] =	ssyncadd.s32 $0xFFFFFF80;
	(pc) =	sbr.rel @p1 .LBB2_4-.Ltmp1, $4  }
0x76: {  	[tilespmem:s16], [sflag:$0x2] =	stream.linear.gather [hbm4b:s24+s3], $0x4000, $0x38;
	[tilespmem:$0x1C900] =	vst v63  }
0x77: {  	v4 =	vld [tilespmem:$0x90]  }
0x78: {  	v3 =	vld [tilespmem:$0xA0]  }
0x79: {  	v2 =	vld [tilespmem:$0xB0]  }
0x7a: {  	v5 =	vld [tilespmem:$0xC0]  }
0x7b: {  	v6 =	vld [tilespmem:$0xD0]  }
0x7c: {  	v7 =	vld [tilespmem:$0xE0];
	v4 =	vsub.s32 v4, v0  }
0x7d: {  	v8 =	vld [tilespmem:$0xF0];
	v4 =	vmin.u32 v4, $0x1400;
	v3 =	vsub.s32 v3, v0  }
0x7e: {  	v9 =	vld [tilespmem:$0x80];
	[tilespmem:$0x90] =	vst v4;
	v3 =	vmin.u32 v3, $0x1400;
	v2 =	vsub.s32 v2, v0  }
0x7f: {  	[tilespmem:$0xA0] =	vst v3;
	v2 =	vmin.u32 v2, $0x1400;
	v3 =	vsub.s32 v5, v0  }
0x80: {  	[tilespmem:$0xB0] =	vst v2;
	v2 =	vmin.u32 v3, $0x1400;
	v3 =	vsub.s32 v6, v0  }
0x81: {  	[tilespmem:$0xC0] =	vst v2;
	v2 =	vmin.u32 v3, $0x1400;
	v3 =	vsub.s32 v7, v0  }
0x82: {  	[tilespmem:$0xD0] =	vst v2;
	v2 =	vmin.u32 v3, $0x1400;
	v3 =	vsub.s32 v8, v0  }
0x83: {  	v63 =	vsub.s32 v9, v0;
	[tilespmem:$0xE0] =	vst v2;
	v2 =	vmin.u32 v3, $0x1400  }
0x84: {  	v3 =	vmin.u32 v63, $0x1400;
	[tilespmem:$0xF0] =	vst v2  }
0x85: {  	[tilespmem:$0x80] =	vst v3  }
0x86: {  	_ =	swait.ge [sflag:s17], $0x4000  }
0x87: {  	[sflag:s17] =	ssyncset.done $0x0  }
0x88: {  	[sflag:s17] =	ssyncadd.s32 $0xFFFFC000  }
0x89: {  	[spmem:s2] =	stream.indirect.scatter.add.f32 [tilespmem:s14], [sflag:$0x3], $0x80, s3, s15, $0xb8;
	[tilespmem:$0x1C900] =	vst v63  }
0x8a: {  	_ =	swait.ge [sflag:s13], $0x4000  }
0x8b: {  	p1 =	seq.s32 s20, $0x260000;
	[sflag:s13] =	ssyncset.done $0x0  }
0x8c: {  	s21 =	sadd.s32 @!p1 $0x100, s21;
	s22 =	simm.s32 @!p1 $0x0;
	[sflag:s13] =	ssyncadd.s32 $0xFFFFC000  }
0x8d: {  	[tilespmem:s22], [sflag:$0x3] =	stream.linear.gather @!p1 [hbm4b:s21+s22], $0x80, $0x38;
	[tilespmem:$0x1C900] =	vst v63  }
0x8e: {  	s21 =	simm.s32 @!p1 $0x3  }
0x8f: {  	_ =	swait.ge @!p1 [sflag:s21], $0x80  }
0x90: {  	s20 =	sadd.s32 @!p1 s20, s6;
	[sflag:s21] =	ssyncset.done @!p1 $0x0  }
0x91: {  	s20 =	sadd.s32 @!p1 $0x10000, s20;
	[sflag:s21] =	ssyncadd.s32 @!p1 $0xFFFFFF80;
	s21 =	simm.s32 @!p1 $0x100  }
0x92: {  	[tilespmem:s21], [sflag:$0x1] =	stream.linear.gather @!p1 [hbm4b:s20+s22], $0x4000, $0x38;
	[tilespmem:$0x1C900] =	vst v63  }
0x93: {  	v2 =	vld @!p1 [tilespmem:$0x70]  }
0x94: {  	v3 =	vld @!p1 [tilespmem:$0x10]  }
0x95: {  	v4 =	vld @!p1 [tilespmem:$0x50]  }
0x96: {  	v5 =	vld @!p1 [tilespmem:$0x30]  }
0x97: {  	v6 =	vld @!p1 [tilespmem:$0x20]  }
0x98: {  	v7 =	vld @!p1 [tilespmem:$0x60];
	v2 =	vsub.s32 @!p1 v2, v0  }
0x99: {  	v8 =	vld @!p1 [tilespmem:$0x40];
	v3 =	vsub.s32 @!p1 v3, v0;
	v2 =	vmin.u32 @!p1 v2, $0x1400  }
0x9a: {  	v9 =	vld @!p1 [tilespmem:$0x0];
	v4 =	vsub.s32 @!p1 v4, v0;
	v3 =	vmin.u32 @!p1 v3, $0x1400;
	[tilespmem:$0x70] =	vst @!p1 v2  }
0x9b: {  	[tilespmem:$0x10] =	vst @!p1 v3;
	v2 =	vsub.s32 @!p1 v5, v0;
	v3 =	vmin.u32 @!p1 v4, $0x1400  }
0x9c: {  	v4 =	vsub.s32 @!p1 v6, v0;
	v2 =	vmin.u32 @!p1 v2, $0x1400;
	[tilespmem:$0x50] =	vst @!p1 v3  }
0x9d: {  	v3 =	vmin.u32 @!p1 v4, $0x1400;
	[tilespmem:$0x30] =	vst @!p1 v2;
	v2 =	vsub.s32 @!p1 v7, v0  }
0x9e: {  	[tilespmem:$0x20] =	vst @!p1 v3;
	v3 =	vsub.s32 @!p1 v8, v0;
	v2 =	vmin.u32 @!p1 v2, $0x1400  }
0x9f: {  	v4 =	vsub.s32 @!p1 v9, v0;
	v3 =	vmin.u32 @!p1 v3, $0x1400;
	[tilespmem:$0x60] =	vst @!p1 v2  }
0xa0: {  	v2 =	vmin.u32 @!p1 v4, $0x1400;
	[tilespmem:$0x40] =	vst @!p1 v3  }
0xa1: {  	[tilespmem:$0x0] =	vst @!p1 v2  }
0xa2: {  	_ =	swait.ge [sflag:s18], $0x4000  }
0xa3: {  	[sflag:s18] =	ssyncset.done $0x0  }
0xa4: {  	[sflag:s18] =	ssyncadd.s32 $0xFFFFC000  }
0xa5: {  	[spmem:s2] =	stream.indirect.scatter.add.f32 [tilespmem:s16], [sflag:$0x3], $0x80, s15, s15, $0xb8;
	[tilespmem:$0x1C900] =	vst v63  }
0xa6: {  	_ =	swait.ge [sflag:s13], $0x4000  }
0xa7: {  	[sflag:s13] =	ssyncset.done $0x0  }
0xa8: {  	s20 =	simm.s32 @!p0 $0x0;
	s21 =	simm.s32 @!p0 $0x3;
	[sflag:s13] =	ssyncadd.s32 $0xFFFFC000  }
0xa9: {  	[tilespmem:s20], [sflag:$0x3] =	stream.linear.gather @!p0 [hbm4b:s7+s20], $0x80, $0x38;
	[tilespmem:$0x1C900] =	vst v63  }
0xaa: {  	_ =	swait.ge @!p0 [sflag:s21], $0x80  }
0xab: {  	[sflag:s21] =	ssyncset.done @!p0 $0x0  }
0xac: {  	s22 =	simm.s32 @!p0 $0x100;
	[sflag:s21] =	ssyncadd.s32 @!p0 $0xFFFFFF80  }
0xad: {  	[tilespmem:s22], [sflag:$0x1] =	stream.linear.gather @!p0 [hbm4b:s8+s20], $0x4000, $0x38;
	[tilespmem:$0x1C900] =	vst v63  }
0xae: {  	v2 =	vld @!p0 [tilespmem:$0x0]  }
0xaf: {  	v3 =	vld @!p0 [tilespmem:$0x10]  }
0xb0: {  	v4 =	vld @!p0 [tilespmem:$0x20]  }
0xb1: {  	v5 =	vld @!p0 [tilespmem:$0x30]  }
0xb2: {  	v6 =	vld @!p0 [tilespmem:$0x40]  }
0xb3: {  	v7 =	vld @!p0 [tilespmem:$0x50];
	v2 =	vsub.s32 @!p0 v2, v0  }
0xb4: {  	v8 =	vld @!p0 [tilespmem:$0x60];
	v3 =	vsub.s32 @!p0 v3, v0;
	v2 =	vmin.u32 @!p0 v2, $0x1400  }
0xb5: {  	[tilespmem:$0x0] =	vst @!p0 v2;
	v2 =	vmin.u32 @!p0 v3, $0x1400;
	v3 =	vsub.s32 @!p0 v4, v0;
	v4 =	vld @!p0 [tilespmem:$0x70]  }
0xb6: {  	[tilespmem:$0x10] =	vst @!p0 v2;
	v2 =	vmin.u32 @!p0 v3, $0x1400;
	v3 =	vsub.s32 @!p0 v5, v0  }
0xb7: {  	[tilespmem:$0x20] =	vst @!p0 v2;
	v2 =	vmin.u32 @!p0 v3, $0x1400;
	v3 =	vsub.s32 @!p0 v6, v0  }
0xb8: {  	[tilespmem:$0x30] =	vst @!p0 v2;
	v2 =	vmin.u32 @!p0 v3, $0x1400;
	v3 =	vsub.s32 @!p0 v7, v0  }
0xb9: {  	[tilespmem:$0x40] =	vst @!p0 v2;
	v2 =	vmin.u32 @!p0 v3, $0x1400;
	v3 =	vsub.s32 @!p0 v8, v0  }
0xba: {  	[tilespmem:$0x50] =	vst @!p0 v2;
	v2 =	vmin.u32 @!p0 v3, $0x1400;
	v3 =	vsub.s32 @!p0 v4, v0  }
0xbb: {  	[tilespmem:$0x60] =	vst @!p0 v2;
	v2 =	vmin.u32 @!p0 v3, $0x1400  }
0xbc: {  	s23 =	simm.s32 @!p0 $0x1;
	[tilespmem:$0x70] =	vst @!p0 v2  }
0xbd: {  	_ =	swait.ge @!p0 [sflag:s23], $0x4000  }
0xbe: {  	[sflag:s23] =	ssyncset.done @!p0 $0x0  }
0xbf: {  	[sflag:s23] =	ssyncadd.s32 @!p0 $0xFFFFC000;
	s23 =	simm.s32 @!p0 $0x80  }
0xc0: {  	[spmem:s2] =	stream.indirect.scatter.add.f32 @!p0 [tilespmem:s22], [sflag:$0x3], $0x80, s20, s23, $0xb8;
	[tilespmem:$0x1C900] =	vst v63  }
0xc1: {  	_ =	swait.ge @!p0 [sflag:s21], $0x4000  }
0xc2: {  	[sflag:s21] =	ssyncset.done @!p0 $0x0  }
0xc3: {  	[sflag:s21] =	ssyncadd.s32 @!p0 $0xFFFFC000  }
0xc4: {  	[bflag:$0x0] =	sbarrier.arrive $0xFFFF  }
0xc5: {  	[tilespmem:s12], [sflag:$0x3] =	stream.linear.gather [spmem:s4], $0xA400, $0x38;
	[tilespmem:$0x1C900] =	vst v63  }
0xc6: {  	s19 =	sadd.s32 $0x1, s19;
	_ =	swait.ge [sflag:s13], $0xA400  }
0xc7: {  	p1 =	sne.s32 s19, s10;
	[sflag:s13] =	ssyncset.done $0x0  }
.Ltmp2:
0xc8: {  	[sflag:s13] =	ssyncadd.s32 $0xFFFF5C00;
	(pc) =	sbr.rel @p1 .LBB2_1-.Ltmp2, $4  }
0xc9: {  	[hbm4b:s9+s3] =	stream.linear.scatter [tilespmem:s12], [sflag:$0x3], $0xA400, $0x38;
	[tilespmem:$0x1C900] =	vst v63  }
0xca: {  	_ =	swait.ge [sflag:s13], $0xA400  }
0xcb: {  	[sflag:s13] =	ssyncset.done $0x0  }
0xcc: {  	[sflag:s13] =	ssyncadd.s32 $0xFFFF5C00  }
0xcd: {  	_ =	sfence.sel $0x180000  }
0xce: {  	[bflag:$0x0] =	sbarrier.arrive $0xFFFF  }
0xcf: {  	p0 =	sne.s32 s1, $0x0;
	_ =	strace $0x90000050  }
0xd0: {  	s0 =	sadd.s32 @!p0 $0x100000, s0;
	[bflag:$0x2] =	sbarrier.arrive $0xFFFF  }
0xd1: {  	[sflag:s0] =	ssyncadd.tile.s32 @!p0 $0x1;
	_ =	shalt  }
.Lfunc_end2:
_tile_overlayer_lowered:
.L_overlay_start_2:
0xd2: {  	(tag) =	ssettag $0x2  }
0xd3: {  	s0 =	rddreg [dreg:$0x0];
	s2 =	stileid.u32  }
0xd4: {  	s1 =	rddreg [dreg:$0x1];
	p0 =	sne.s32 s2, $0x0  }
0xd5: {  	s3 =	rddreg [dreg:$0x2];
	[bflag:$0x3] =	sbarrier.arrive $0xFFFF;
	s2 =	simm.s32 @!p0 $0x1C03  }
0xd6: {  	[timem:s3], [sflag:s2] =	dma.local @!p0 [hbm:s0], s1  }
0xd7: {  	s0 =	simm.s32 @!p0 $0x3  }
0xd8: {  	_ =	swait.ge @!p0 [sflag:s0], s1  }
0xd9: {  	s1 =	ssub.s32 @!p0 $0x0, s1;
	[sflag:s0] =	ssyncset.done @!p0 $0x0  }
0xda: {  	[sflag:s0] =	ssyncadd.s32 @!p0 s1  }
0xdb: {  	[bflag:$0x3] =	sbarrier.arrive $0xFFFF  }
0xdc: {  	_ =	shalt  }

</sc_bundles>
